<compile_context>
chip_gen: v7x
topology: tpu7x:2x2x1
jax: 0.10.2.dev20260603
libtpu: 0.0.44.dev20260713+nightly
codegen_flags: <defaults>
</compile_context>

<pallas_src>
import functools

import jax
import jax.numpy as jnp
from jax import lax
from jax.experimental import pallas as pl
from jax.experimental.pallas import tpu as pltpu
from jax.experimental.pallas import tpu_sc as plsc

NC = 2
NS = 16
NW = NC * NS
L = 16
S = 5
C = 4
H = 512
W = 1024
HW = H * W
RPT = H // NW
PPT = RPT * W
VECS = PPT // L
CV = W // L
H_SC = H // 2
RPT1 = H_SC // NW
VECS1 = RPT1 * CV
RPT2 = H_SC // NW
VECS2 = RPT2 * CV
NROW = 4 + 4 * C + C
PBLK = 32 * L


def _mesh():
    return plsc.VectorSubcoreMesh(
        core_axis_name="c", subcore_axis_name="s", num_cores=NC, num_subcores=NS
    )


def _wid():
    return lax.axis_index("s") * NC + lax.axis_index("c")


def _vsqrt(x):
    xi = lax.bitcast_convert_type(x, jnp.int32)
    yi = jnp.int32(0x5F3759DF) - (xi >> 1)
    r = lax.bitcast_convert_type(yi, jnp.float32)
    x2 = 0.5 * x
    r = r * (1.5 - x2 * r * r)
    r = r * (1.5 - x2 * r * r)
    return jnp.where(x > 0.0, x * r, 0.0)


def _hsum(v):
    idx = lax.iota(jnp.int32, L)
    for sh in (8, 4, 2, 1):
        v = v + v.at[idx ^ sh].get(mode="promise_in_bounds")
    return v


def _vec(i):
    return i >> 6, pl.multiple_of((i & (CV - 1)) << 4, L)


def _pass1_body(pred_hbm, lab_hbm, dv_hbm, dd_hbm, out_hbm,
                lab_v, pred_v, part_v, sem):
    del dv_hbm, dd_hbm
    wid = _wid()
    r0 = wid * RPT1
    cps = [pltpu.async_copy(lab_hbm.at[pl.ds(r0, RPT1), :], lab_v, sem)]
    for c in range(C):
        cps.append(
            pltpu.async_copy(pred_hbm.at[c, pl.ds(r0, RPT1), :], pred_v.at[c], sem)
        )
    for cp in cps:
        cp.wait()

    zero = jnp.zeros((L,), jnp.float32)

    def body(i, acc):
        cnt, sums, tot = acc
        r, cc = _vec(i)
        lab16 = lab_v[r, pl.ds(cc, L)]
        p = [pred_v[c, r, pl.ds(cc, L)] for c in range(C)]
        cnt = list(cnt)
        sums = [list(row) for row in sums]
        tot = list(tot)
        for s in range(S - 1):
            m = lab16 == s
            cnt[s] = cnt[s] + jnp.where(m, 1.0, 0.0)
            for c in range(C):
                sums[s][c] = sums[s][c] + jnp.where(m, p[c], 0.0)
        for c in range(C):
            tot[c] = tot[c] + p[c]
        return (
            tuple(cnt),
            tuple(tuple(row) for row in sums),
            tuple(tot),
        )

    cnt0 = tuple(zero for _ in range(S - 1))
    sums0 = tuple(tuple(zero for _ in range(C)) for _ in range(S - 1))
    tot0 = tuple(zero for _ in range(C))
    cnt, sums, tot = plsc.parallel_loop(
        0, VECS1, carry=(cnt0, sums0, tot0), unroll=4
    )(body)

    for s in range(S - 1):
        part_v[pl.ds(s * L, L)] = cnt[s]
        for c in range(C):
            part_v[pl.ds((4 + s * C + c) * L, L)] = sums[s][c]
    for c in range(C):
        part_v[pl.ds((4 + 4 * C + c) * L, L)] = tot[c]
    pltpu.sync_copy(part_v, out_hbm.at[pl.ds(wid * PBLK, PBLK)])


def _pass2_body(pred_hbm, lab_hbm, p1_hbm, dv_hbm, dd_hbm, out_hbm,
                lab_v, pred_v, p1_v, dv_v, dd_v, outv, sem):
    wid = _wid()
    r0 = wid * RPT2
    cps = [pltpu.async_copy(lab_hbm.at[pl.ds(r0, RPT2), :], lab_v, sem)]
    for c in range(C):
        cps.append(
            pltpu.async_copy(pred_hbm.at[c, pl.ds(r0, RPT2), :], pred_v.at[c], sem)
        )
    cps.append(pltpu.async_copy(p1_hbm, p1_v, sem))
    cps.append(pltpu.async_copy(dv_hbm, dv_v, sem))
    cps.append(pltpu.async_copy(dd_hbm, dd_v, sem))
    for cp in cps:
        cp.wait()
    dv = dv_v[...]
    dd = dd_v[...]

    def comb(t, acc):
        return tuple(
            acc[j] + p1_v[pl.ds(t * PBLK + j * L, L)] for j in range(NROW)
        )

    tot = lax.fori_loop(
        1, NW + 1, comb, tuple(p1_v[pl.ds(j * L, L)] for j in range(NROW))
    )

    one = jnp.ones((L,), jnp.float32)
    zero = jnp.zeros((L,), jnp.float32)

    cnt = [_hsum(tot[s]) for s in range(S - 1)]
    cnt4 = jnp.full((L,), float(HW), jnp.float32)
    for s in range(S - 1):
        cnt4 = cnt4 - cnt[s]
    cnt.append(cnt4)
    present = [cnt[s] > 0.0 for s in range(S)]
    cnt_safe = [jnp.where(present[s], cnt[s], one) for s in range(S)]
    kvec = zero
    for s in range(S):
        kvec = kvec + jnp.where(present[s], one, zero)
    sums = [[_hsum(tot[4 + s * C + c]) for c in range(C)] for s in range(S - 1)]
    last = []
    for c in range(C):
        sc = _hsum(tot[4 + 4 * C + c])
        for s in range(S - 1):
            sc = sc - sums[s][c]
        last.append(sc)
    sums.append(last)
    mu = [
        [sums[s][c] / cnt_safe[s] for c in range(C)]
        for s in range(S)
    ]

    def body(i, acc):
        seg, totd = acc
        r, cc = _vec(i)
        lab16 = lab_v[r, pl.ds(cc, L)]
        p = [pred_v[c, r, pl.ds(cc, L)] for c in range(C)]
        masks = [lab16 == s for s in range(S - 1)]
        sq = zero
        for c in range(C):
            mc = mu[S - 1][c]
            for s in range(S - 2, -1, -1):
                mc = jnp.where(masks[s], mu[s][c], mc)
            dis = mc - p[c]
            sq = sq + dis * dis
        nrm = _vsqrt(sq)
        h = jnp.maximum(nrm - dv, 0.0)
        d = h * h
        seg = tuple(
            seg[s] + jnp.where(masks[s], d, zero) for s in range(S - 1)
        )
        return seg, totd + d

    seg, totd = plsc.parallel_loop(
        0, VECS2, carry=(tuple(zero for _ in range(S - 1)), zero), unroll=4
    )(body)
    seg = list(seg)
    seg4 = totd
    for s in range(S - 1):
        seg4 = seg4 - seg[s]
    seg.append(seg4)

    part = zero
    for s in range(S):
        part = part + jnp.where(
            present[s], seg[s] / (cnt_safe[s] * kvec), zero
        )

    acc = zero
    for a in range(S):
        for b in range(a + 1, S):
            sq2 = zero
            for c in range(C):
                df = mu[a][c] - mu[b][c]
                sq2 = sq2 + df * df
            dist = _vsqrt(sq2)
            hg = jnp.maximum(dd - dist, 0.0)
            pm = jnp.where(present[a], one, zero) * jnp.where(
                present[b], one, zero
            )
            acc = acc + 2.0 * pm * hg * hg
    l_dist = acc / (kvec * (kvec - one))
    part = part + l_dist * (1.0 / (NW * L))

    outv[...] = part
    pltpu.sync_copy(outv, out_hbm.at[pl.ds(wid * L, L)])


TC_ROWS = H - H_SC
TC_STEPS = 4
TC_BLK = TC_ROWS // TC_STEPS


def _tc_body(tot_ref, dv_ref, pred_ref, lab_ref, out_ref):
    tot = [tot_ref[0, j] for j in range(NROW)]
    cnt = [tot[s] for s in range(S - 1)]
    cnt.append(float(HW) - tot[0] - tot[1] - tot[2] - tot[3])
    present = [cnt[s] > 0.0 for s in range(S)]
    cnt_safe = [jnp.where(present[s], cnt[s], 1.0) for s in range(S)]
    k = jnp.float32(0.0)
    for s in range(S):
        k = k + jnp.where(present[s], 1.0, 0.0)
    mu = []
    for s in range(S - 1):
        mu.append([tot[4 + s * C + c] / cnt_safe[s] for c in range(C)])
    lastc = []
    for c in range(C):
        v = tot[4 + 4 * C + c]
        for s in range(S - 1):
            v = v - tot[4 + s * C + c]
        lastc.append(v / cnt_safe[S - 1])
    mu.append(lastc)

    lab = lab_ref[...]
    sq = jnp.zeros(lab.shape, jnp.float32)
    for c in range(C):
        mc = jnp.full(lab.shape, mu[S - 1][c], jnp.float32)
        for s in range(S - 2, -1, -1):
            mc = jnp.where(lab == s, mu[s][c], mc)
        dis = mc - pred_ref[c]
        sq = sq + dis * dis
    nrm = jnp.where(sq > 0.0, jnp.sqrt(jnp.where(sq > 0.0, sq, 1.0)), 0.0)
    h = jnp.maximum(nrm - dv_ref[0, 0], 0.0)
    d = h * h
    part = jnp.float32(0.0)
    for s in range(S):
        segs = jnp.sum(jnp.where(lab == s, d, 0.0))
        part = part + jnp.where(present[s], segs / (cnt_safe[s] * k), 0.0)
    i = pl.program_id(0)
    row_ids = lax.broadcasted_iota(jnp.int32, (8, 128), 0)
    val = jnp.where(row_ids == i, part, 0.0)

    @pl.when(i == 0)
    def _():
        out_ref[...] = val

    @pl.when(i > 0)
    def _():
        out_ref[...] = out_ref[...] + val


def _tc1_body(pred_ref, lab_ref, out_ref):
    lab = lab_ref[...]
    vals = []
    for s in range(S - 1):
        vals.append(jnp.sum(jnp.where(lab == s, 1.0, 0.0)))
    for s in range(S - 1):
        m = lab == s
        for c in range(C):
            vals.append(jnp.sum(jnp.where(m, pred_ref[c], 0.0)))
    for c in range(C):
        vals.append(jnp.sum(pred_ref[c]))
    i = pl.program_id(0)
    row_ids = lax.broadcasted_iota(jnp.int32, (8, 128), 0)
    col_ids = lax.broadcasted_iota(jnp.int32, (8, 128), 1)
    blk = jnp.zeros((8, 128), jnp.float32)
    for j, v in enumerate(vals):
        blk = jnp.where((row_ids == 0) & (col_ids == j), v, blk)

    @pl.when(i == 0)
    def _():
        out_ref[...] = blk

    @pl.when(i > 0)
    def _():
        out_ref[...] = out_ref[...] + blk


@functools.lru_cache(maxsize=1)
def _build_tc1():
    return pl.pallas_call(
        _tc1_body,
        grid=(TC_STEPS,),
        in_specs=[
            pl.BlockSpec(
                (C, TC_BLK, W), lambda i: (0, (H_SC // TC_BLK) + i, 0)
            ),
            pl.BlockSpec((TC_BLK, W), lambda i: ((H_SC // TC_BLK) + i, 0)),
        ],
        out_specs=pl.BlockSpec((8, 128), lambda i: (0, 0)),
        out_shape=jax.ShapeDtypeStruct((8, 128), jnp.float32),
    )


@functools.lru_cache(maxsize=1)
def _build_tc():
    return pl.pallas_call(
        _tc_body,
        grid=(TC_STEPS,),
        in_specs=[
            pl.BlockSpec((1, 128), lambda i: (0, 0)),
            pl.BlockSpec((1, 128), lambda i: (0, 0)),
            pl.BlockSpec(
                (C, TC_BLK, W), lambda i: (0, (H_SC // TC_BLK) + i, 0)
            ),
            pl.BlockSpec((TC_BLK, W), lambda i: ((H_SC // TC_BLK) + i, 0)),
        ],
        out_specs=pl.BlockSpec((8, 128), lambda i: (0, 0)),
        out_shape=jax.ShapeDtypeStruct((8, 128), jnp.float32),
    )


@functools.lru_cache(maxsize=1)
def _build():
    mesh = _mesh()
    params = pltpu.CompilerParams(use_tc_tiling_on_sc=True)
    p1 = pl.kernel(
        _pass1_body,
        out_type=jax.ShapeDtypeStruct((NW * PBLK,), jnp.float32),
        mesh=mesh,
        compiler_params=params,
        scratch_types=[
            pltpu.VMEM((RPT1, W), jnp.int32),
            pltpu.VMEM((C, RPT1, W), jnp.float32),
            pltpu.VMEM((PBLK,), jnp.float32),
            pltpu.SemaphoreType.DMA,
        ],
    )
    p2 = pl.kernel(
        _pass2_body,
        out_type=jax.ShapeDtypeStruct((NW * L,), jnp.float32),
        mesh=mesh,
        compiler_params=params,
        scratch_types=[
            pltpu.VMEM((RPT2, W), jnp.int32),
            pltpu.VMEM((C, RPT2, W), jnp.float32),
            pltpu.VMEM(((NW + 1) * PBLK,), jnp.float32),
            pltpu.VMEM((L,), jnp.float32),
            pltpu.VMEM((L,), jnp.float32),
            pltpu.VMEM((L,), jnp.float32),
            pltpu.SemaphoreType.DMA,
        ],
    )
    return p1, p2


def kernel(prediction, correct_label, delta_v, delta_d):
    pass1, pass2 = _build()
    tc_pass2 = _build_tc()
    pred = prediction.reshape(C, H, W)
    lab = correct_label.reshape(H, W).astype(jnp.int32)
    dv = jnp.full((L,), delta_v, jnp.float32)
    dd = jnp.full((L,), delta_d, jnp.float32)
    p1_sc = pass1(pred, lab, dv, dd)
    tc1 = _build_tc1()(pred, lab)
    tc1_blk = (
        jnp.zeros((PBLK,), jnp.float32)
        .at[jnp.arange(NROW) * L]
        .set(tc1[0, :NROW])
    )
    p1 = jnp.concatenate([p1_sc, tc1_blk])
    tot = jnp.sum(p1.reshape(NW + 1, 32, L), axis=(0, 2))
    tot_pad = jnp.pad(tot, (0, 128 - 32)).reshape(1, 128)
    dv_pad = jnp.full((1, 128), delta_v, jnp.float32)
    parts = pass2(pred, lab, p1, dv, dd)
    tc_parts = tc_pass2(tot_pad, dv_pad, pred, lab)
    return jnp.sum(parts) + jnp.sum(tc_parts[:, 0])

# --- scband reference (transcript-rebuilt; emitter-appended) ---
"""Pipeline reference for scband-cluster-loss-helper-88785563943727 (READ-ONLY COPY).

The authoritative reference and input builder live on the scoring server;
editing this copy changes nothing except your own understanding.
"""

import jax, jax.numpy as jnp
import numpy as np


def setup_inputs(seed: int = 0) -> dict:
    key = jax.random.key(seed)
    k1, k2 = jax.random.split(key)
    prediction = jax.random.normal(k1, (1, 4, 512, 1024), dtype=jnp.float32)
    correct_label = jax.random.randint(k2, (1, 512, 1024), 0, 5).astype(jnp.int64)
    return {
        "prediction": prediction,
        "correct_label": correct_label,
        "delta_v": jnp.float32(1.0),
        "delta_d": jnp.float32(3.0),
    }


def _forward(prediction, correct_label, delta_v, delta_d):
    N, C, H, W = prediction.shape
    HW = H * W
    pred = prediction.reshape(N, C, HW)  # [1, C, HW]
    lab = correct_label.reshape(-1)      # [HW] (N == 1)
    S = 5
    ones = jnp.ones((HW,), dtype=pred.dtype)
    cnt = jax.ops.segment_sum(ones, lab, num_segments=S)          # [S]
    present = cnt > 0
    K = jnp.sum(present.astype(pred.dtype))
    cnt_safe = jnp.where(present, cnt, 1.0)
    sums = jax.ops.segment_sum(pred[0].T, lab, num_segments=S)    # [S, C]
    muc0 = (sums / cnt_safe[:, None]).T                           # [C, S]
    muc = muc0[None]                                              # [1, C, S]
    # variance term: gather per-pixel cluster mean, hinge on distance
    dis = muc[:, :, lab] - pred                                   # [1, C, HW]
    sq = jnp.sum(dis * dis, axis=1)                               # [1, HW]
    safe = jnp.where(sq > 0.0, sq, 1.0)
    nrm = jnp.where(sq > 0.0, jnp.sqrt(safe), 0.0)
    d = jnp.maximum(nrm - delta_v, 0.0) ** 2                      # [1, HW]
    seg = jax.ops.segment_sum(d[0], lab, num_segments=S) / cnt_safe  # [S]
    seg = jnp.where(present, seg, 0.0)
    L_var = jnp.sum(seg) / K
    # distance term: pairwise hinge between cluster means (A != B)
    diff = muc[:, :, :, None] - muc[:, :, None, :]                # [1, C, S, S]
    sq2 = jnp.sum(diff * diff, axis=1)                            # [1, S, S]
    safe2 = jnp.where(sq2 > 0.0, sq2, 1.0)
    dist = jnp.where(sq2 > 0.0, jnp.sqrt(safe2), 0.0)
    hinge = jnp.maximum(delta_d - dist, 0.0) ** 2
    pmask = (present[:, None] & present[None, :]).astype(pred.dtype)
    mask = (pmask * (1.0 - jnp.eye(S, dtype=pred.dtype)))[None]
    L_dist = jnp.sum(mask * hinge) / (K * (K - 1))
    return L_var + L_dist


def reference(prediction, correct_label, delta_v, delta_d):
    return _forward(prediction, correct_label, delta_v, delta_d)

if __name__ == "__main__":
    import jax
    _d = setup_inputs()
    print(jax.jit(kernel)(*tuple(_d.values())))

</pallas_src>

<mosaic_0001>
#map = affine_map<(d0, d1) -> (0, 0, 0)>
#map1 = affine_map<(d0, d1) -> (0, 0)>
#map2 = affine_map<(d0, d1) -> (0)>
module attributes {stable_mosaic.version = 14 : i64} {
  func.func @_pass2_body(%arg0: i32, %arg1: i32, %arg2: memref<4x512x1024xf32, #tpu.memory_space<hbm>>, %arg3: memref<512x1024xi32, #tpu.memory_space<hbm>>, %arg4: memref<16896xf32, #tpu.memory_space<hbm>>, %arg5: memref<16xf32, #tpu.memory_space<hbm>>, %arg6: memref<16xf32, #tpu.memory_space<hbm>>, %arg7: memref<512xf32, #tpu.memory_space<hbm>>, %arg8: memref<8x1024xi32, #tpu.memory_space<vmem>>, %arg9: memref<4x8x1024xf32, #tpu.memory_space<vmem>>, %arg10: memref<16896xf32, #tpu.memory_space<vmem>>, %arg11: memref<16xf32, #tpu.memory_space<vmem>>, %arg12: memref<16xf32, #tpu.memory_space<vmem>>, %arg13: memref<16xf32, #tpu.memory_space<vmem>>, %arg14: memref<!tpu.dma_semaphore, #tpu.memory_space<semaphore_mem>>) attributes {dimension_semantics = [#tpu.dimension_semantics<core_parallel>, #tpu.dimension_semantics<subcore_parallel>], iteration_bounds = array<i64: 2, 16>, scalar_prefetch = 0 : i64, scratch_operands = 7 : i64, tpu.core_type = #tpu.core_type<sc_vector_subcore>, window_params = [{transform_indices = #map}, {transform_indices = #map1}, {transform_indices = #map2}, {transform_indices = #map2}, {transform_indices = #map2}, {transform_indices = #map2}]} {
    %mul3A = arith.constant 2 : i32
    %mul3A_0 = arith.muli %arg1, %mul3A : i32
    %add3A = arith.addi %mul3A_0, %arg0 : i32
    %mul3A_1 = arith.constant 8 : i32
    %mul3A_2 = arith.muli %add3A, %mul3A_1 : i32
    %dma_start3A = arith.constant 0 : i32
    %dma_start3A_3 = tpu.memref_slice %arg3[%mul3A_2, %dma_start3A] : memref<512x1024xi32, #tpu.memory_space<hbm>> -> memref<8x1024xi32, #tpu.memory_space<hbm>>
    %dma_start3A_4 = arith.constant 0 : i32
    %dma_start3A_5 = tpu.memref_slice %arg3[%mul3A_2, %dma_start3A_4] : memref<512x1024xi32, #tpu.memory_space<hbm>> -> memref<8x1024xi32, #tpu.memory_space<hbm>>
    tpu.enqueue_dma source(%dma_start3A_5 : memref<8x1024xi32, #tpu.memory_space<hbm>>) target(%arg8 : memref<8x1024xi32, #tpu.memory_space<vmem>>) target_semaphore(%arg14 : memref<!tpu.dma_semaphore, #tpu.memory_space<semaphore_mem>>)
    %dma_start3A_6 = arith.constant 0 : i32
    %dma_start3A_7 = arith.constant 0 : i32
    %dma_start3A_8 = arith.constant 0 : i32
    %dma_start3A_9 = arith.constant 0 : i32
    %dma_start3A_10 = tpu.memref_slice %arg9[%dma_start3A_7, %dma_start3A_8, %dma_start3A_9] : memref<4x8x1024xf32, #tpu.memory_space<vmem>> -> memref<1x8x1024xf32, #tpu.memory_space<vmem>>
    %dma_start3A_11 = tpu.memref_squeeze %dma_start3A_10 : memref<1x8x1024xf32, #tpu.memory_space<vmem>> -> memref<8x1024xf32, #tpu.memory_space<vmem>>
    %dma_start3A_12 = arith.constant 0 : i32
    %dma_start3A_13 = tpu.memref_slice %arg2[%dma_start3A_6, %mul3A_2, %dma_start3A_12] : memref<4x512x1024xf32, #tpu.memory_space<hbm>> -> memref<1x8x1024xf32, #tpu.memory_space<hbm>>
    %dma_start3A_14 = tpu.memref_squeeze %dma_start3A_13 : memref<1x8x1024xf32, #tpu.memory_space<hbm>> -> memref<8x1024xf32, #tpu.memory_space<hbm>>
    %dma_start3A_15 = arith.constant 0 : i32
    %dma_start3A_16 = arith.constant 0 : i32
    %dma_start3A_17 = tpu.memref_slice %arg9[%dma_start3A_7, %dma_start3A_15, %dma_start3A_16] : memref<4x8x1024xf32, #tpu.memory_space<vmem>> -> memref<1x8x1024xf32, #tpu.memory_space<vmem>>
    %dma_start3A_18 = tpu.memref_squeeze %dma_start3A_17 : memref<1x8x1024xf32, #tpu.memory_space<vmem>> -> memref<8x1024xf32, #tpu.memory_space<vmem>>
    %dma_start3A_19 = arith.constant 0 : i32
    %dma_start3A_20 = tpu.memref_slice %arg2[%dma_start3A_6, %mul3A_2, %dma_start3A_19] : memref<4x512x1024xf32, #tpu.memory_space<hbm>> -> memref<1x8x1024xf32, #tpu.memory_space<hbm>>
    %dma_start3A_21 = tpu.memref_squeeze %dma_start3A_20 : memref<1x8x1024xf32, #tpu.memory_space<hbm>> -> memref<8x1024xf32, #tpu.memory_space<hbm>>
    tpu.enqueue_dma source(%dma_start3A_21 : memref<8x1024xf32, #tpu.memory_space<hbm>>) target(%dma_start3A_18 : memref<8x1024xf32, #tpu.memory_space<vmem>>) target_semaphore(%arg14 : memref<!tpu.dma_semaphore, #tpu.memory_space<semaphore_mem>>)
    %dma_start3A_22 = arith.constant 1 : i32
    %dma_start3A_23 = arith.constant 1 : i32
    %dma_start3A_24 = arith.constant 0 : i32
    %dma_start3A_25 = arith.constant 0 : i32
    %dma_start3A_26 = tpu.memref_slice %arg9[%dma_start3A_23, %dma_start3A_24, %dma_start3A_25] : memref<4x8x1024xf32, #tpu.memory_space<vmem>> -> memref<1x8x1024xf32, #tpu.memory_space<vmem>>
    %dma_start3A_27 = tpu.memref_squeeze %dma_start3A_26 : memref<1x8x1024xf32, #tpu.memory_space<vmem>> -> memref<8x1024xf32, #tpu.memory_space<vmem>>
    %dma_start3A_28 = arith.constant 0 : i32
    %dma_start3A_29 = tpu.memref_slice %arg2[%dma_start3A_22, %mul3A_2, %dma_start3A_28] : memref<4x512x1024xf32, #tpu.memory_space<hbm>> -> memref<1x8x1024xf32, #tpu.memory_space<hbm>>
    %dma_start3A_30 = tpu.memref_squeeze %dma_start3A_29 : memref<1x8x1024xf32, #tpu.memory_space<hbm>> -> memref<8x1024xf32, #tpu.memory_space<hbm>>
    %dma_start3A_31 = arith.constant 0 : i32
    %dma_start3A_32 = arith.constant 0 : i32
    %dma_start3A_33 = tpu.memref_slice %arg9[%dma_start3A_23, %dma_start3A_31, %dma_start3A_32] : memref<4x8x1024xf32, #tpu.memory_space<vmem>> -> memref<1x8x1024xf32, #tpu.memory_space<vmem>>
    %dma_start3A_34 = tpu.memref_squeeze %dma_start3A_33 : memref<1x8x1024xf32, #tpu.memory_space<vmem>> -> memref<8x1024xf32, #tpu.memory_space<vmem>>
    %dma_start3A_35 = arith.constant 0 : i32
    %dma_start3A_36 = tpu.memref_slice %arg2[%dma_start3A_22, %mul3A_2, %dma_start3A_35] : memref<4x512x1024xf32, #tpu.memory_space<hbm>> -> memref<1x8x1024xf32, #tpu.memory_space<hbm>>
    %dma_start3A_37 = tpu.memref_squeeze %dma_start3A_36 : memref<1x8x1024xf32, #tpu.memory_space<hbm>> -> memref<8x1024xf32, #tpu.memory_space<hbm>>
    tpu.enqueue_dma source(%dma_start3A_37 : memref<8x1024xf32, #tpu.memory_space<hbm>>) target(%dma_start3A_34 : memref<8x1024xf32, #tpu.memory_space<vmem>>) target_semaphore(%arg14 : memref<!tpu.dma_semaphore, #tpu.memory_space<semaphore_mem>>)
    %dma_start3A_38 = arith.constant 2 : i32
    %dma_start3A_39 = arith.constant 2 : i32
    %dma_start3A_40 = arith.constant 0 : i32
    %dma_start3A_41 = arith.constant 0 : i32
    %dma_start3A_42 = tpu.memref_slice %arg9[%dma_start3A_39, %dma_start3A_40, %dma_start3A_41] : memref<4x8x1024xf32, #tpu.memory_space<vmem>> -> memref<1x8x1024xf32, #tpu.memory_space<vmem>>
    %dma_start3A_43 = tpu.memref_squeeze %dma_start3A_42 : memref<1x8x1024xf32, #tpu.memory_space<vmem>> -> memref<8x1024xf32, #tpu.memory_space<vmem>>
    %dma_start3A_44 = arith.constant 0 : i32
    %dma_start3A_45 = tpu.memref_slice %arg2[%dma_start3A_38, %mul3A_2, %dma_start3A_44] : memref<4x512x1024xf32, #tpu.memory_space<hbm>> -> memref<1x8x1024xf32, #tpu.memory_space<hbm>>
    %dma_start3A_46 = tpu.memref_squeeze %dma_start3A_45 : memref<1x8x1024xf32, #tpu.memory_space<hbm>> -> memref<8x1024xf32, #tpu.memory_space<hbm>>
    %dma_start3A_47 = arith.constant 0 : i32
    %dma_start3A_48 = arith.constant 0 : i32
    %dma_start3A_49 = tpu.memref_slice %arg9[%dma_start3A_39, %dma_start3A_47, %dma_start3A_48] : memref<4x8x1024xf32, #tpu.memory_space<vmem>> -> memref<1x8x1024xf32, #tpu.memory_space<vmem>>
    %dma_start3A_50 = tpu.memref_squeeze %dma_start3A_49 : memref<1x8x1024xf32, #tpu.memory_space<vmem>> -> memref<8x1024xf32, #tpu.memory_space<vmem>>
    %dma_start3A_51 = arith.constant 0 : i32
    %dma_start3A_52 = tpu.memref_slice %arg2[%dma_start3A_38, %mul3A_2, %dma_start3A_51] : memref<4x512x1024xf32, #tpu.memory_space<hbm>> -> memref<1x8x1024xf32, #tpu.memory_space<hbm>>
    %dma_start3A_53 = tpu.memref_squeeze %dma_start3A_52 : memref<1x8x1024xf32, #tpu.memory_space<hbm>> -> memref<8x1024xf32, #tpu.memory_space<hbm>>
    tpu.enqueue_dma source(%dma_start3A_53 : memref<8x1024xf32, #tpu.memory_space<hbm>>) target(%dma_start3A_50 : memref<8x1024xf32, #tpu.memory_space<vmem>>) target_semaphore(%arg14 : memref<!tpu.dma_semaphore, #tpu.memory_space<semaphore_mem>>)
    %dma_start3A_54 = arith.constant 3 : i32
    %dma_start3A_55 = arith.constant 3 : i32
    %dma_start3A_56 = arith.constant 0 : i32
    %dma_start3A_57 = arith.constant 0 : i32
    %dma_start3A_58 = tpu.memref_slice %arg9[%dma_start3A_55, %dma_start3A_56, %dma_start3A_57] : memref<4x8x1024xf32, #tpu.memory_space<vmem>> -> memref<1x8x1024xf32, #tpu.memory_space<vmem>>
    %dma_start3A_59 = tpu.memref_squeeze %dma_start3A_58 : memref<1x8x1024xf32, #tpu.memory_space<vmem>> -> memref<8x1024xf32, #tpu.memory_space<vmem>>
    %dma_start3A_60 = arith.constant 0 : i32
    %dma_start3A_61 = tpu.memref_slice %arg2[%dma_start3A_54, %mul3A_2, %dma_start3A_60] : memref<4x512x1024xf32, #tpu.memory_space<hbm>> -> memref<1x8x1024xf32, #tpu.memory_space<hbm>>
    %dma_start3A_62 = tpu.memref_squeeze %dma_start3A_61 : memref<1x8x1024xf32, #tpu.memory_space<hbm>> -> memref<8x1024xf32, #tpu.memory_space<hbm>>
    %dma_start3A_63 = arith.constant 0 : i32
    %dma_start3A_64 = arith.constant 0 : i32
    %dma_start3A_65 = tpu.memref_slice %arg9[%dma_start3A_55, %dma_start3A_63, %dma_start3A_64] : memref<4x8x1024xf32, #tpu.memory_space<vmem>> -> memref<1x8x1024xf32, #tpu.memory_space<vmem>>
    %dma_start3A_66 = tpu.memref_squeeze %dma_start3A_65 : memref<1x8x1024xf32, #tpu.memory_space<vmem>> -> memref<8x1024xf32, #tpu.memory_space<vmem>>
    %dma_start3A_67 = arith.constant 0 : i32
    %dma_start3A_68 = tpu.memref_slice %arg2[%dma_start3A_54, %mul3A_2, %dma_start3A_67] : memref<4x512x1024xf32, #tpu.memory_space<hbm>> -> memref<1x8x1024xf32, #tpu.memory_space<hbm>>
    %dma_start3A_69 = tpu.memref_squeeze %dma_start3A_68 : memref<1x8x1024xf32, #tpu.memory_space<hbm>> -> memref<8x1024xf32, #tpu.memory_space<hbm>>
    tpu.enqueue_dma source(%dma_start3A_69 : memref<8x1024xf32, #tpu.memory_space<hbm>>) target(%dma_start3A_66 : memref<8x1024xf32, #tpu.memory_space<vmem>>) target_semaphore(%arg14 : memref<!tpu.dma_semaphore, #tpu.memory_space<semaphore_mem>>)
    tpu.enqueue_dma source(%arg4 : memref<16896xf32, #tpu.memory_space<hbm>>) target(%arg10 : memref<16896xf32, #tpu.memory_space<vmem>>) target_semaphore(%arg14 : memref<!tpu.dma_semaphore, #tpu.memory_space<semaphore_mem>>)
    tpu.enqueue_dma source(%arg5 : memref<16xf32, #tpu.memory_space<hbm>>) target(%arg11 : memref<16xf32, #tpu.memory_space<vmem>>) target_semaphore(%arg14 : memref<!tpu.dma_semaphore, #tpu.memory_space<semaphore_mem>>)
    tpu.enqueue_dma source(%arg6 : memref<16xf32, #tpu.memory_space<hbm>>) target(%arg12 : memref<16xf32, #tpu.memory_space<vmem>>) target_semaphore(%arg14 : memref<!tpu.dma_semaphore, #tpu.memory_space<semaphore_mem>>)
    %dma_wait3A = arith.constant 0 : i32
    %dma_wait3A_70 = tpu.memref_slice %arg3[%mul3A_2, %dma_wait3A] : memref<512x1024xi32, #tpu.memory_space<hbm>> -> memref<8x1024xi32, #tpu.memory_space<hbm>>
    %dma_wait3A_71 = arith.constant 0 : i32
    %dma_wait3A_72 = tpu.memref_slice %arg3[%mul3A_2, %dma_wait3A_71] : memref<512x1024xi32, #tpu.memory_space<hbm>> -> memref<8x1024xi32, #tpu.memory_space<hbm>>
    tpu.wait_dma2 semaphore(%arg14 : memref<!tpu.dma_semaphore, #tpu.memory_space<semaphore_mem>>) src(%dma_wait3A_72 : memref<8x1024xi32, #tpu.memory_space<hbm>>) dst(%arg8 : memref<8x1024xi32, #tpu.memory_space<vmem>>)
    %dma_wait3A_73 = arith.constant 0 : i32
    %dma_wait3A_74 = arith.constant 0 : i32
    %dma_wait3A_75 = arith.constant 0 : i32
    %dma_wait3A_76 = arith.constant 0 : i32
    %dma_wait3A_77 = tpu.memref_slice %arg9[%dma_wait3A_74, %dma_wait3A_75, %dma_wait3A_76] : memref<4x8x1024xf32, #tpu.memory_space<vmem>> -> memref<1x8x1024xf32, #tpu.memory_space<vmem>>
    %dma_wait3A_78 = tpu.memref_squeeze %dma_wait3A_77 : memref<1x8x1024xf32, #tpu.memory_space<vmem>> -> memref<8x1024xf32, #tpu.memory_space<vmem>>
    %dma_wait3A_79 = arith.constant 0 : i32
    %dma_wait3A_80 = tpu.memref_slice %arg2[%dma_wait3A_73, %mul3A_2, %dma_wait3A_79] : memref<4x512x1024xf32, #tpu.memory_space<hbm>> -> memref<1x8x1024xf32, #tpu.memory_space<hbm>>
    %dma_wait3A_81 = tpu.memref_squeeze %dma_wait3A_80 : memref<1x8x1024xf32, #tpu.memory_space<hbm>> -> memref<8x1024xf32, #tpu.memory_space<hbm>>
    %dma_wait3A_82 = arith.constant 0 : i32
    %dma_wait3A_83 = arith.constant 0 : i32
    %dma_wait3A_84 = tpu.memref_slice %arg9[%dma_wait3A_74, %dma_wait3A_82, %dma_wait3A_83] : memref<4x8x1024xf32, #tpu.memory_space<vmem>> -> memref<1x8x1024xf32, #tpu.memory_space<vmem>>
    %dma_wait3A_85 = tpu.memref_squeeze %dma_wait3A_84 : memref<1x8x1024xf32, #tpu.memory_space<vmem>> -> memref<8x1024xf32, #tpu.memory_space<vmem>>
    %dma_wait3A_86 = arith.constant 0 : i32
    %dma_wait3A_87 = tpu.memref_slice %arg2[%dma_wait3A_73, %mul3A_2, %dma_wait3A_86] : memref<4x512x1024xf32, #tpu.memory_space<hbm>> -> memref<1x8x1024xf32, #tpu.memory_space<hbm>>
    %dma_wait3A_88 = tpu.memref_squeeze %dma_wait3A_87 : memref<1x8x1024xf32, #tpu.memory_space<hbm>> -> memref<8x1024xf32, #tpu.memory_space<hbm>>
    tpu.wait_dma2 semaphore(%arg14 : memref<!tpu.dma_semaphore, #tpu.memory_space<semaphore_mem>>) src(%dma_wait3A_88 : memref<8x1024xf32, #tpu.memory_space<hbm>>) dst(%dma_wait3A_85 : memref<8x1024xf32, #tpu.memory_space<vmem>>)
    %dma_wait3A_89 = arith.constant 1 : i32
    %dma_wait3A_90 = arith.constant 1 : i32
    %dma_wait3A_91 = arith.constant 0 : i32
    %dma_wait3A_92 = arith.constant 0 : i32
    %dma_wait3A_93 = tpu.memref_slice %arg9[%dma_wait3A_90, %dma_wait3A_91, %dma_wait3A_92] : memref<4x8x1024xf32, #tpu.memory_space<vmem>> -> memref<1x8x1024xf32, #tpu.memory_space<vmem>>
    %dma_wait3A_94 = tpu.memref_squeeze %dma_wait3A_93 : memref<1x8x1024xf32, #tpu.memory_space<vmem>> -> memref<8x1024xf32, #tpu.memory_space<vmem>>
    %dma_wait3A_95 = arith.constant 0 : i32
    %dma_wait3A_96 = tpu.memref_slice %arg2[%dma_wait3A_89, %mul3A_2, %dma_wait3A_95] : memref<4x512x1024xf32, #tpu.memory_space<hbm>> -> memref<1x8x1024xf32, #tpu.memory_space<hbm>>
    %dma_wait3A_97 = tpu.memref_squeeze %dma_wait3A_96 : memref<1x8x1024xf32, #tpu.memory_space<hbm>> -> memref<8x1024xf32, #tpu.memory_space<hbm>>
    %dma_wait3A_98 = arith.constant 0 : i32
    %dma_wait3A_99 = arith.constant 0 : i32
    %dma_wait3A_100 = tpu.memref_slice %arg9[%dma_wait3A_90, %dma_wait3A_98, %dma_wait3A_99] : memref<4x8x1024xf32, #tpu.memory_space<vmem>> -> memref<1x8x1024xf32, #tpu.memory_space<vmem>>
    %dma_wait3A_101 = tpu.memref_squeeze %dma_wait3A_100 : memref<1x8x1024xf32, #tpu.memory_space<vmem>> -> memref<8x1024xf32, #tpu.memory_space<vmem>>
    %dma_wait3A_102 = arith.constant 0 : i32
    %dma_wait3A_103 = tpu.memref_slice %arg2[%dma_wait3A_89, %mul3A_2, %dma_wait3A_102] : memref<4x512x1024xf32, #tpu.memory_space<hbm>> -> memref<1x8x1024xf32, #tpu.memory_space<hbm>>
    %dma_wait3A_104 = tpu.memref_squeeze %dma_wait3A_103 : memref<1x8x1024xf32, #tpu.memory_space<hbm>> -> memref<8x1024xf32, #tpu.memory_space<hbm>>
    tpu.wait_dma2 semaphore(%arg14 : memref<!tpu.dma_semaphore, #tpu.memory_space<semaphore_mem>>) src(%dma_wait3A_104 : memref<8x1024xf32, #tpu.memory_space<hbm>>) dst(%dma_wait3A_101 : memref<8x1024xf32, #tpu.memory_space<vmem>>)
    %dma_wait3A_105 = arith.constant 2 : i32
    %dma_wait3A_106 = arith.constant 2 : i32
    %dma_wait3A_107 = arith.constant 0 : i32
    %dma_wait3A_108 = arith.constant 0 : i32
    %dma_wait3A_109 = tpu.memref_slice %arg9[%dma_wait3A_106, %dma_wait3A_107, %dma_wait3A_108] : memref<4x8x1024xf32, #tpu.memory_space<vmem>> -> memref<1x8x1024xf32, #tpu.memory_space<vmem>>
    %dma_wait3A_110 = tpu.memref_squeeze %dma_wait3A_109 : memref<1x8x1024xf32, #tpu.memory_space<vmem>> -> memref<8x1024xf32, #tpu.memory_space<vmem>>
    %dma_wait3A_111 = arith.constant 0 : i32
    %dma_wait3A_112 = tpu.memref_slice %arg2[%dma_wait3A_105, %mul3A_2, %dma_wait3A_111] : memref<4x512x1024xf32, #tpu.memory_space<hbm>> -> memref<1x8x1024xf32, #tpu.memory_space<hbm>>
    %dma_wait3A_113 = tpu.memref_squeeze %dma_wait3A_112 : memref<1x8x1024xf32, #tpu.memory_space<hbm>> -> memref<8x1024xf32, #tpu.memory_space<hbm>>
    %dma_wait3A_114 = arith.constant 0 : i32
    %dma_wait3A_115 = arith.constant 0 : i32
    %dma_wait3A_116 = tpu.memref_slice %arg9[%dma_wait3A_106, %dma_wait3A_114, %dma_wait3A_115] : memref<4x8x1024xf32, #tpu.memory_space<vmem>> -> memref<1x8x1024xf32, #tpu.memory_space<vmem>>
    %dma_wait3A_117 = tpu.memref_squeeze %dma_wait3A_116 : memref<1x8x1024xf32, #tpu.memory_space<vmem>> -> memref<8x1024xf32, #tpu.memory_space<vmem>>
    %dma_wait3A_118 = arith.constant 0 : i32
    %dma_wait3A_119 = tpu.memref_slice %arg2[%dma_wait3A_105, %mul3A_2, %dma_wait3A_118] : memref<4x512x1024xf32, #tpu.memory_space<hbm>> -> memref<1x8x1024xf32, #tpu.memory_space<hbm>>
    %dma_wait3A_120 = tpu.memref_squeeze %dma_wait3A_119 : memref<1x8x1024xf32, #tpu.memory_space<hbm>> -> memref<8x1024xf32, #tpu.memory_space<hbm>>
    tpu.wait_dma2 semaphore(%arg14 : memref<!tpu.dma_semaphore, #tpu.memory_space<semaphore_mem>>) src(%dma_wait3A_120 : memref<8x1024xf32, #tpu.memory_space<hbm>>) dst(%dma_wait3A_117 : memref<8x1024xf32, #tpu.memory_space<vmem>>)
    %dma_wait3A_121 = arith.constant 3 : i32
    %dma_wait3A_122 = arith.constant 3 : i32
    %dma_wait3A_123 = arith.constant 0 : i32
    %dma_wait3A_124 = arith.constant 0 : i32
    %dma_wait3A_125 = tpu.memref_slice %arg9[%dma_wait3A_122, %dma_wait3A_123, %dma_wait3A_124] : memref<4x8x1024xf32, #tpu.memory_space<vmem>> -> memref<1x8x1024xf32, #tpu.memory_space<vmem>>
    %dma_wait3A_126 = tpu.memref_squeeze %dma_wait3A_125 : memref<1x8x1024xf32, #tpu.memory_space<vmem>> -> memref<8x1024xf32, #tpu.memory_space<vmem>>
    %dma_wait3A_127 = arith.constant 0 : i32
    %dma_wait3A_128 = tpu.memref_slice %arg2[%dma_wait3A_121, %mul3A_2, %dma_wait3A_127] : memref<4x512x1024xf32, #tpu.memory_space<hbm>> -> memref<1x8x1024xf32, #tpu.memory_space<hbm>>
    %dma_wait3A_129 = tpu.memref_squeeze %dma_wait3A_128 : memref<1x8x1024xf32, #tpu.memory_space<hbm>> -> memref<8x1024xf32, #tpu.memory_space<hbm>>
    %dma_wait3A_130 = arith.constant 0 : i32
    %dma_wait3A_131 = arith.constant 0 : i32
    %dma_wait3A_132 = tpu.memref_slice %arg9[%dma_wait3A_122, %dma_wait3A_130, %dma_wait3A_131] : memref<4x8x1024xf32, #tpu.memory_space<vmem>> -> memref<1x8x1024xf32, #tpu.memory_space<vmem>>
    %dma_wait3A_133 = tpu.memref_squeeze %dma_wait3A_132 : memref<1x8x1024xf32, #tpu.memory_space<vmem>> -> memref<8x1024xf32, #tpu.memory_space<vmem>>
    %dma_wait3A_134 = arith.constant 0 : i32
    %dma_wait3A_135 = tpu.memref_slice %arg2[%dma_wait3A_121, %mul3A_2, %dma_wait3A_134] : memref<4x512x1024xf32, #tpu.memory_space<hbm>> -> memref<1x8x1024xf32, #tpu.memory_space<hbm>>
    %dma_wait3A_136 = tpu.memref_squeeze %dma_wait3A_135 : memref<1x8x1024xf32, #tpu.memory_space<hbm>> -> memref<8x1024xf32, #tpu.memory_space<hbm>>
    tpu.wait_dma2 semaphore(%arg14 : memref<!tpu.dma_semaphore, #tpu.memory_space<semaphore_mem>>) src(%dma_wait3A_136 : memref<8x1024xf32, #tpu.memory_space<hbm>>) dst(%dma_wait3A_133 : memref<8x1024xf32, #tpu.memory_space<vmem>>)
    tpu.wait_dma2 semaphore(%arg14 : memref<!tpu.dma_semaphore, #tpu.memory_space<semaphore_mem>>) src(%arg4 : memref<16896xf32, #tpu.memory_space<hbm>>) dst(%arg10 : memref<16896xf32, #tpu.memory_space<vmem>>)
    tpu.wait_dma2 semaphore(%arg14 : memref<!tpu.dma_semaphore, #tpu.memory_space<semaphore_mem>>) src(%arg5 : memref<16xf32, #tpu.memory_space<hbm>>) dst(%arg11 : memref<16xf32, #tpu.memory_space<vmem>>)
    tpu.wait_dma2 semaphore(%arg14 : memref<!tpu.dma_semaphore, #tpu.memory_space<semaphore_mem>>) src(%arg6 : memref<16xf32, #tpu.memory_space<hbm>>) dst(%arg12 : memref<16xf32, #tpu.memory_space<vmem>>)
    %get3A = arith.constant 0 : index
    %get3A_137 = tpu.vector_load %arg11[%get3A] {strides = array<i32>} : memref<16xf32, #tpu.memory_space<vmem>>, vector<16xf32>,
    %get3A_138 = vector.shape_cast %get3A_137 : vector<16xf32> to vector<16xf32>
    %get3A_139 = arith.constant 0 : index
    %get3A_140 = tpu.vector_load %arg12[%get3A_139] {strides = array<i32>} : memref<16xf32, #tpu.memory_space<vmem>>, vector<16xf32>,
    %get3A_141 = vector.shape_cast %get3A_140 : vector<16xf32> to vector<16xf32>
    %get3A_142 = arith.constant 0 : index
    %get3A_143 = tpu.vector_load %arg10[%get3A_142] {strides = array<i32>} : memref<16896xf32, #tpu.memory_space<vmem>>, vector<16xf32>,
    %get3A_144 = vector.shape_cast %get3A_143 : vector<16xf32> to vector<16xf32>
    %get3A_145 = arith.constant 16 : index
    %get3A_146 = tpu.vector_load %arg10[%get3A_145] {strides = array<i32>} : memref<16896xf32, #tpu.memory_space<vmem>>, vector<16xf32>,
    %get3A_147 = vector.shape_cast %get3A_146 : vector<16xf32> to vector<16xf32>
    %get3A_148 = arith.constant 32 : index
    %get3A_149 = tpu.vector_load %arg10[%get3A_148] {strides = array<i32>} : memref<16896xf32, #tpu.memory_space<vmem>>, vector<16xf32>,
    %get3A_150 = vector.shape_cast %get3A_149 : vector<16xf32> to vector<16xf32>
    %get3A_151 = arith.constant 48 : index
    %get3A_152 = tpu.vector_load %arg10[%get3A_151] {strides = array<i32>} : memref<16896xf32, #tpu.memory_space<vmem>>, vector<16xf32>,
    %get3A_153 = vector.shape_cast %get3A_152 : vector<16xf32> to vector<16xf32>
    %get3A_154 = arith.constant 64 : index
    %get3A_155 = tpu.vector_load %arg10[%get3A_154] {strides = array<i32>} : memref<16896xf32, #tpu.memory_space<vmem>>, vector<16xf32>,
    %get3A_156 = vector.shape_cast %get3A_155 : vector<16xf32> to vector<16xf32>
    %get3A_157 = arith.constant 80 : index
    %get3A_158 = tpu.vector_load %arg10[%get3A_157] {strides = array<i32>} : memref<16896xf32, #tpu.memory_space<vmem>>, vector<16xf32>,
    %get3A_159 = vector.shape_cast %get3A_158 : vector<16xf32> to vector<16xf32>
    %get3A_160 = arith.constant 96 : index
    %get3A_161 = tpu.vector_load %arg10[%get3A_160] {strides = array<i32>} : memref<16896xf32, #tpu.memory_space<vmem>>, vector<16xf32>,
    %get3A_162 = vector.shape_cast %get3A_161 : vector<16xf32> to vector<16xf32>
    %get3A_163 = arith.constant 112 : index
    %get3A_164 = tpu.vector_load %arg10[%get3A_163] {strides = array<i32>} : memref<16896xf32, #tpu.memory_space<vmem>>, vector<16xf32>,
    %get3A_165 = vector.shape_cast %get3A_164 : vector<16xf32> to vector<16xf32>
    %get3A_166 = arith.constant 128 : index
    %get3A_167 = tpu.vector_load %arg10[%get3A_166] {strides = array<i32>} : memref<16896xf32, #tpu.memory_space<vmem>>, vector<16xf32>,
    %get3A_168 = vector.shape_cast %get3A_167 : vector<16xf32> to vector<16xf32>
    %get3A_169 = arith.constant 144 : index
    %get3A_170 = tpu.vector_load %arg10[%get3A_169] {strides = array<i32>} : memref<16896xf32, #tpu.memory_space<vmem>>, vector<16xf32>,
    %get3A_171 = vector.shape_cast %get3A_170 : vector<16xf32> to vector<16xf32>
    %get3A_172 = arith.constant 160 : index
    %get3A_173 = tpu.vector_load %arg10[%get3A_172] {strides = array<i32>} : memref<16896xf32, #tpu.memory_space<vmem>>, vector<16xf32>,
    %get3A_174 = vector.shape_cast %get3A_173 : vector<16xf32> to vector<16xf32>
    %get3A_175 = arith.constant 176 : index
    %get3A_176 = tpu.vector_load %arg10[%get3A_175] {strides = array<i32>} : memref<16896xf32, #tpu.memory_space<vmem>>, vector<16xf32>,
    %get3A_177 = vector.shape_cast %get3A_176 : vector<16xf32> to vector<16xf32>
    %get3A_178 = arith.constant 192 : index
    %get3A_179 = tpu.vector_load %arg10[%get3A_178] {strides = array<i32>} : memref<16896xf32, #tpu.memory_space<vmem>>, vector<16xf32>,
    %get3A_180 = vector.shape_cast %get3A_179 : vector<16xf32> to vector<16xf32>
    %get3A_181 = arith.constant 208 : index
    %get3A_182 = tpu.vector_load %arg10[%get3A_181] {strides = array<i32>} : memref<16896xf32, #tpu.memory_space<vmem>>, vector<16xf32>,
    %get3A_183 = vector.shape_cast %get3A_182 : vector<16xf32> to vector<16xf32>
    %get3A_184 = arith.constant 224 : index
    %get3A_185 = tpu.vector_load %arg10[%get3A_184] {strides = array<i32>} : memref<16896xf32, #tpu.memory_space<vmem>>, vector<16xf32>,
    %get3A_186 = vector.shape_cast %get3A_185 : vector<16xf32> to vector<16xf32>
    %get3A_187 = arith.constant 240 : index
    %get3A_188 = tpu.vector_load %arg10[%get3A_187] {strides = array<i32>} : memref<16896xf32, #tpu.memory_space<vmem>>, vector<16xf32>,
    %get3A_189 = vector.shape_cast %get3A_188 : vector<16xf32> to vector<16xf32>
    %get3A_190 = arith.constant 256 : index
    %get3A_191 = tpu.vector_load %arg10[%get3A_190] {strides = array<i32>} : memref<16896xf32, #tpu.memory_space<vmem>>, vector<16xf32>,
    %get3A_192 = vector.shape_cast %get3A_191 : vector<16xf32> to vector<16xf32>
    %get3A_193 = arith.constant 272 : index
    %get3A_194 = tpu.vector_load %arg10[%get3A_193] {strides = array<i32>} : memref<16896xf32, #tpu.memory_space<vmem>>, vector<16xf32>,
    %get3A_195 = vector.shape_cast %get3A_194 : vector<16xf32> to vector<16xf32>
    %get3A_196 = arith.constant 288 : index
    %get3A_197 = tpu.vector_load %arg10[%get3A_196] {strides = array<i32>} : memref<16896xf32, #tpu.memory_space<vmem>>, vector<16xf32>,
    %get3A_198 = vector.shape_cast %get3A_197 : vector<16xf32> to vector<16xf32>
    %get3A_199 = arith.constant 304 : index
    %get3A_200 = tpu.vector_load %arg10[%get3A_199] {strides = array<i32>} : memref<16896xf32, #tpu.memory_space<vmem>>, vector<16xf32>,
    %get3A_201 = vector.shape_cast %get3A_200 : vector<16xf32> to vector<16xf32>
    %get3A_202 = arith.constant 320 : index
    %get3A_203 = tpu.vector_load %arg10[%get3A_202] {strides = array<i32>} : memref<16896xf32, #tpu.memory_space<vmem>>, vector<16xf32>,
    %get3A_204 = vector.shape_cast %get3A_203 : vector<16xf32> to vector<16xf32>
    %get3A_205 = arith.constant 336 : index
    %get3A_206 = tpu.vector_load %arg10[%get3A_205] {strides = array<i32>} : memref<16896xf32, #tpu.memory_space<vmem>>, vector<16xf32>,
    %get3A_207 = vector.shape_cast %get3A_206 : vector<16xf32> to vector<16xf32>
    %get3A_208 = arith.constant 352 : index
    %get3A_209 = tpu.vector_load %arg10[%get3A_208] {strides = array<i32>} : memref<16896xf32, #tpu.memory_space<vmem>>, vector<16xf32>,
    %get3A_210 = vector.shape_cast %get3A_209 : vector<16xf32> to vector<16xf32>
    %get3A_211 = arith.constant 368 : index
    %get3A_212 = tpu.vector_load %arg10[%get3A_211] {strides = array<i32>} : memref<16896xf32, #tpu.memory_space<vmem>>, vector<16xf32>,
    %get3A_213 = vector.shape_cast %get3A_212 : vector<16xf32> to vector<16xf32>
    %scan3A = arith.constant 1 : i32
    %scan3A_214 = arith.constant 32 : i32
    %scan3A_215 = arith.addi %scan3A, %scan3A_214 : i32
    %scan3A_216 = arith.constant 1 : i32
    %scan3A_217:24 = scf.for %scan3A_2239 = %scan3A to %scan3A_215 step %scan3A_216 iter_args(%scan3A_2240 = %get3A_144, %scan3A_2241 = %get3A_147, %scan3A_2242 = %get3A_150, %scan3A_2243 = %get3A_153, %scan3A_2244 = %get3A_156, %scan3A_2245 = %get3A_159, %scan3A_2246 = %get3A_162, %scan3A_2247 = %get3A_165, %scan3A_2248 = %get3A_168, %scan3A_2249 = %get3A_171, %scan3A_2250 = %get3A_174, %scan3A_2251 = %get3A_177, %scan3A_2252 = %get3A_180, %scan3A_2253 = %get3A_183, %scan3A_2254 = %get3A_186, %scan3A_2255 = %get3A_189, %scan3A_2256 = %get3A_192, %scan3A_2257 = %get3A_195, %scan3A_2258 = %get3A_198, %scan3A_2259 = %get3A_201, %scan3A_2260 = %get3A_204, %scan3A_2261 = %get3A_207, %scan3A_2262 = %get3A_210, %scan3A_2263 = %get3A_213) -> (vector<16xf32>, vector<16xf32>, vector<16xf32>, vector<16xf32>, vector<16xf32>, vector<16xf32>, vector<16xf32>, vector<16xf32>, vector<16xf32>, vector<16xf32>, vector<16xf32>, vector<16xf32>, vector<16xf32>, vector<16xf32>, vector<16xf32>, vector<16xf32>, vector<16xf32>, vector<16xf32>, vector<16xf32>, vector<16xf32>, vector<16xf32>, vector<16xf32>, vector<16xf32>, vector<16xf32>)  : i32 {
      %mul3A_2264 = arith.constant 512 : i32
      %mul3A_2265 = arith.muli %scan3A_2239, %mul3A_2264 : i32
      %add3A_2266 = arith.constant 0 : i32
      %add3A_2267 = arith.addi %mul3A_2265, %add3A_2266 : i32
      %get3A_2268 = arith.index_cast %add3A_2267 : i32 to index
      %get3A_2269 = tpu.vector_load %arg10[%get3A_2268] {strides = array<i32>} : memref<16896xf32, #tpu.memory_space<vmem>>, vector<16xf32>,
      %get3A_2270 = vector.shape_cast %get3A_2269 : vector<16xf32> to vector<16xf32>
      %add3A_2271 = arith.addf %scan3A_2240, %get3A_2270 : vector<16xf32>
      %mul3A_2272 = arith.constant 512 : i32
      %mul3A_2273 = arith.muli %scan3A_2239, %mul3A_2272 : i32
      %add3A_2274 = arith.constant 16 : i32
      %add3A_2275 = arith.addi %mul3A_2273, %add3A_2274 : i32
      %get3A_2276 = arith.index_cast %add3A_2275 : i32 to index
      %get3A_2277 = tpu.vector_load %arg10[%get3A_2276] {strides = array<i32>} : memref<16896xf32, #tpu.memory_space<vmem>>, vector<16xf32>,
      %get3A_2278 = vector.shape_cast %get3A_2277 : vector<16xf32> to vector<16xf32>
      %add3A_2279 = arith.addf %scan3A_2241, %get3A_2278 : vector<16xf32>
      %mul3A_2280 = arith.constant 512 : i32
      %mul3A_2281 = arith.muli %scan3A_2239, %mul3A_2280 : i32
      %add3A_2282 = arith.constant 32 : i32
      %add3A_2283 = arith.addi %mul3A_2281, %add3A_2282 : i32
      %get3A_2284 = arith.index_cast %add3A_2283 : i32 to index
      %get3A_2285 = tpu.vector_load %arg10[%get3A_2284] {strides = array<i32>} : memref<16896xf32, #tpu.memory_space<vmem>>, vector<16xf32>,
      %get3A_2286 = vector.shape_cast %get3A_2285 : vector<16xf32> to vector<16xf32>
      %add3A_2287 = arith.addf %scan3A_2242, %get3A_2286 : vector<16xf32>
      %mul3A_2288 = arith.constant 512 : i32
      %mul3A_2289 = arith.muli %scan3A_2239, %mul3A_2288 : i32
      %add3A_2290 = arith.constant 48 : i32
      %add3A_2291 = arith.addi %mul3A_2289, %add3A_2290 : i32
      %get3A_2292 = arith.index_cast %add3A_2291 : i32 to index
      %get3A_2293 = tpu.vector_load %arg10[%get3A_2292] {strides = array<i32>} : memref<16896xf32, #tpu.memory_space<vmem>>, vector<16xf32>,
      %get3A_2294 = vector.shape_cast %get3A_2293 : vector<16xf32> to vector<16xf32>
      %add3A_2295 = arith.addf %scan3A_2243, %get3A_2294 : vector<16xf32>
      %mul3A_2296 = arith.constant 512 : i32
      %mul3A_2297 = arith.muli %scan3A_2239, %mul3A_2296 : i32
      %add3A_2298 = arith.constant 64 : i32
      %add3A_2299 = arith.addi %mul3A_2297, %add3A_2298 : i32
      %get3A_2300 = arith.index_cast %add3A_2299 : i32 to index
      %get3A_2301 = tpu.vector_load %arg10[%get3A_2300] {strides = array<i32>} : memref<16896xf32, #tpu.memory_space<vmem>>, vector<16xf32>,
      %get3A_2302 = vector.shape_cast %get3A_2301 : vector<16xf32> to vector<16xf32>
      %add3A_2303 = arith.addf %scan3A_2244, %get3A_2302 : vector<16xf32>
      %mul3A_2304 = arith.constant 512 : i32
      %mul3A_2305 = arith.muli %scan3A_2239, %mul3A_2304 : i32
      %add3A_2306 = arith.constant 80 : i32
      %add3A_2307 = arith.addi %mul3A_2305, %add3A_2306 : i32
      %get3A_2308 = arith.index_cast %add3A_2307 : i32 to index
      %get3A_2309 = tpu.vector_load %arg10[%get3A_2308] {strides = array<i32>} : memref<16896xf32, #tpu.memory_space<vmem>>, vector<16xf32>,
      %get3A_2310 = vector.shape_cast %get3A_2309 : vector<16xf32> to vector<16xf32>
      %add3A_2311 = arith.addf %scan3A_2245, %get3A_2310 : vector<16xf32>
      %mul3A_2312 = arith.constant 512 : i32
      %mul3A_2313 = arith.muli %scan3A_2239, %mul3A_2312 : i32
      %add3A_2314 = arith.constant 96 : i32
      %add3A_2315 = arith.addi %mul3A_2313, %add3A_2314 : i32
      %get3A_2316 = arith.index_cast %add3A_2315 : i32 to index
      %get3A_2317 = tpu.vector_load %arg10[%get3A_2316] {strides = array<i32>} : memref<16896xf32, #tpu.memory_space<vmem>>, vector<16xf32>,
      %get3A_2318 = vector.shape_cast %get3A_2317 : vector<16xf32> to vector<16xf32>
      %add3A_2319 = arith.addf %scan3A_2246, %get3A_2318 : vector<16xf32>
      %mul3A_2320 = arith.constant 512 : i32
      %mul3A_2321 = arith.muli %scan3A_2239, %mul3A_2320 : i32
      %add3A_2322 = arith.constant 112 : i32
      %add3A_2323 = arith.addi %mul3A_2321, %add3A_2322 : i32
      %get3A_2324 = arith.index_cast %add3A_2323 : i32 to index
      %get3A_2325 = tpu.vector_load %arg10[%get3A_2324] {strides = array<i32>} : memref<16896xf32, #tpu.memory_space<vmem>>, vector<16xf32>,
      %get3A_2326 = vector.shape_cast %get3A_2325 : vector<16xf32> to vector<16xf32>
      %add3A_2327 = arith.addf %scan3A_2247, %get3A_2326 : vector<16xf32>
      %mul3A_2328 = arith.constant 512 : i32
      %mul3A_2329 = arith.muli %scan3A_2239, %mul3A_2328 : i32
      %add3A_2330 = arith.constant 128 : i32
      %add3A_2331 = arith.addi %mul3A_2329, %add3A_2330 : i32
      %get3A_2332 = arith.index_cast %add3A_2331 : i32 to index
      %get3A_2333 = tpu.vector_load %arg10[%get3A_2332] {strides = array<i32>} : memref<16896xf32, #tpu.memory_space<vmem>>, vector<16xf32>,
      %get3A_2334 = vector.shape_cast %get3A_2333 : vector<16xf32> to vector<16xf32>
      %add3A_2335 = arith.addf %scan3A_2248, %get3A_2334 : vector<16xf32>
      %mul3A_2336 = arith.constant 512 : i32
      %mul3A_2337 = arith.muli %scan3A_2239, %mul3A_2336 : i32
      %add3A_2338 = arith.constant 144 : i32
      %add3A_2339 = arith.addi %mul3A_2337, %add3A_2338 : i32
      %get3A_2340 = arith.index_cast %add3A_2339 : i32 to index
      %get3A_2341 = tpu.vector_load %arg10[%get3A_2340] {strides = array<i32>} : memref<16896xf32, #tpu.memory_space<vmem>>, vector<16xf32>,
      %get3A_2342 = vector.shape_cast %get3A_2341 : vector<16xf32> to vector<16xf32>
      %add3A_2343 = arith.addf %scan3A_2249, %get3A_2342 : vector<16xf32>
      %mul3A_2344 = arith.constant 512 : i32
      %mul3A_2345 = arith.muli %scan3A_2239, %mul3A_2344 : i32
      %add3A_2346 = arith.constant 160 : i32
      %add3A_2347 = arith.addi %mul3A_2345, %add3A_2346 : i32
      %get3A_2348 = arith.index_cast %add3A_2347 : i32 to index
      %get3A_2349 = tpu.vector_load %arg10[%get3A_2348] {strides = array<i32>} : memref<16896xf32, #tpu.memory_space<vmem>>, vector<16xf32>,
      %get3A_2350 = vector.shape_cast %get3A_2349 : vector<16xf32> to vector<16xf32>
      %add3A_2351 = arith.addf %scan3A_2250, %get3A_2350 : vector<16xf32>
      %mul3A_2352 = arith.constant 512 : i32
      %mul3A_2353 = arith.muli %scan3A_2239, %mul3A_2352 : i32
      %add3A_2354 = arith.constant 176 : i32
      %add3A_2355 = arith.addi %mul3A_2353, %add3A_2354 : i32
      %get3A_2356 = arith.index_cast %add3A_2355 : i32 to index
      %get3A_2357 = tpu.vector_load %arg10[%get3A_2356] {strides = array<i32>} : memref<16896xf32, #tpu.memory_space<vmem>>, vector<16xf32>,
      %get3A_2358 = vector.shape_cast %get3A_2357 : vector<16xf32> to vector<16xf32>
      %add3A_2359 = arith.addf %scan3A_2251, %get3A_2358 : vector<16xf32>
      %mul3A_2360 = arith.constant 512 : i32
      %mul3A_2361 = arith.muli %scan3A_2239, %mul3A_2360 : i32
      %add3A_2362 = arith.constant 192 : i32
      %add3A_2363 = arith.addi %mul3A_2361, %add3A_2362 : i32
      %get3A_2364 = arith.index_cast %add3A_2363 : i32 to index
      %get3A_2365 = tpu.vector_load %arg10[%get3A_2364] {strides = array<i32>} : memref<16896xf32, #tpu.memory_space<vmem>>, vector<16xf32>,
      %get3A_2366 = vector.shape_cast %get3A_2365 : vector<16xf32> to vector<16xf32>
      %add3A_2367 = arith.addf %scan3A_2252, %get3A_2366 : vector<16xf32>
      %mul3A_2368 = arith.constant 512 : i32
      %mul3A_2369 = arith.muli %scan3A_2239, %mul3A_2368 : i32
      %add3A_2370 = arith.constant 208 : i32
      %add3A_2371 = arith.addi %mul3A_2369, %add3A_2370 : i32
      %get3A_2372 = arith.index_cast %add3A_2371 : i32 to index
      %get3A_2373 = tpu.vector_load %arg10[%get3A_2372] {strides = array<i32>} : memref<16896xf32, #tpu.memory_space<vmem>>, vector<16xf32>,
      %get3A_2374 = vector.shape_cast %get3A_2373 : vector<16xf32> to vector<16xf32>
      %add3A_2375 = arith.addf %scan3A_2253, %get3A_2374 : vector<16xf32>
      %mul3A_2376 = arith.constant 512 : i32
      %mul3A_2377 = arith.muli %scan3A_2239, %mul3A_2376 : i32
      %add3A_2378 = arith.constant 224 : i32
      %add3A_2379 = arith.addi %mul3A_2377, %add3A_2378 : i32
      %get3A_2380 = arith.index_cast %add3A_2379 : i32 to index
      %get3A_2381 = tpu.vector_load %arg10[%get3A_2380] {strides = array<i32>} : memref<16896xf32, #tpu.memory_space<vmem>>, vector<16xf32>,
      %get3A_2382 = vector.shape_cast %get3A_2381 : vector<16xf32> to vector<16xf32>
      %add3A_2383 = arith.addf %scan3A_2254, %get3A_2382 : vector<16xf32>
      %mul3A_2384 = arith.constant 512 : i32
      %mul3A_2385 = arith.muli %scan3A_2239, %mul3A_2384 : i32
      %add3A_2386 = arith.constant 240 : i32
      %add3A_2387 = arith.addi %mul3A_2385, %add3A_2386 : i32
      %get3A_2388 = arith.index_cast %add3A_2387 : i32 to index
      %get3A_2389 = tpu.vector_load %arg10[%get3A_2388] {strides = array<i32>} : memref<16896xf32, #tpu.memory_space<vmem>>, vector<16xf32>,
      %get3A_2390 = vector.shape_cast %get3A_2389 : vector<16xf32> to vector<16xf32>
      %add3A_2391 = arith.addf %scan3A_2255, %get3A_2390 : vector<16xf32>
      %mul3A_2392 = arith.constant 512 : i32
      %mul3A_2393 = arith.muli %scan3A_2239, %mul3A_2392 : i32
      %add3A_2394 = arith.constant 256 : i32
      %add3A_2395 = arith.addi %mul3A_2393, %add3A_2394 : i32
      %get3A_2396 = arith.index_cast %add3A_2395 : i32 to index
      %get3A_2397 = tpu.vector_load %arg10[%get3A_2396] {strides = array<i32>} : memref<16896xf32, #tpu.memory_space<vmem>>, vector<16xf32>,
      %get3A_2398 = vector.shape_cast %get3A_2397 : vector<16xf32> to vector<16xf32>
      %add3A_2399 = arith.addf %scan3A_2256, %get3A_2398 : vector<16xf32>
      %mul3A_2400 = arith.constant 512 : i32
      %mul3A_2401 = arith.muli %scan3A_2239, %mul3A_2400 : i32
      %add3A_2402 = arith.constant 272 : i32
      %add3A_2403 = arith.addi %mul3A_2401, %add3A_2402 : i32
      %get3A_2404 = arith.index_cast %add3A_2403 : i32 to index
      %get3A_2405 = tpu.vector_load %arg10[%get3A_2404] {strides = array<i32>} : memref<16896xf32, #tpu.memory_space<vmem>>, vector<16xf32>,
      %get3A_2406 = vector.shape_cast %get3A_2405 : vector<16xf32> to vector<16xf32>
      %add3A_2407 = arith.addf %scan3A_2257, %get3A_2406 : vector<16xf32>
      %mul3A_2408 = arith.constant 512 : i32
      %mul3A_2409 = arith.muli %scan3A_2239, %mul3A_2408 : i32
      %add3A_2410 = arith.constant 288 : i32
      %add3A_2411 = arith.addi %mul3A_2409, %add3A_2410 : i32
      %get3A_2412 = arith.index_cast %add3A_2411 : i32 to index
      %get3A_2413 = tpu.vector_load %arg10[%get3A_2412] {strides = array<i32>} : memref<16896xf32, #tpu.memory_space<vmem>>, vector<16xf32>,
      %get3A_2414 = vector.shape_cast %get3A_2413 : vector<16xf32> to vector<16xf32>
      %add3A_2415 = arith.addf %scan3A_2258, %get3A_2414 : vector<16xf32>
      %mul3A_2416 = arith.constant 512 : i32
      %mul3A_2417 = arith.muli %scan3A_2239, %mul3A_2416 : i32
      %add3A_2418 = arith.constant 304 : i32
      %add3A_2419 = arith.addi %mul3A_2417, %add3A_2418 : i32
      %get3A_2420 = arith.index_cast %add3A_2419 : i32 to index
      %get3A_2421 = tpu.vector_load %arg10[%get3A_2420] {strides = array<i32>} : memref<16896xf32, #tpu.memory_space<vmem>>, vector<16xf32>,
      %get3A_2422 = vector.shape_cast %get3A_2421 : vector<16xf32> to vector<16xf32>
      %add3A_2423 = arith.addf %scan3A_2259, %get3A_2422 : vector<16xf32>
      %mul3A_2424 = arith.constant 512 : i32
      %mul3A_2425 = arith.muli %scan3A_2239, %mul3A_2424 : i32
      %add3A_2426 = arith.constant 320 : i32
      %add3A_2427 = arith.addi %mul3A_2425, %add3A_2426 : i32
      %get3A_2428 = arith.index_cast %add3A_2427 : i32 to index
      %get3A_2429 = tpu.vector_load %arg10[%get3A_2428] {strides = array<i32>} : memref<16896xf32, #tpu.memory_space<vmem>>, vector<16xf32>,
      %get3A_2430 = vector.shape_cast %get3A_2429 : vector<16xf32> to vector<16xf32>
      %add3A_2431 = arith.addf %scan3A_2260, %get3A_2430 : vector<16xf32>
      %mul3A_2432 = arith.constant 512 : i32
      %mul3A_2433 = arith.muli %scan3A_2239, %mul3A_2432 : i32
      %add3A_2434 = arith.constant 336 : i32
      %add3A_2435 = arith.addi %mul3A_2433, %add3A_2434 : i32
      %get3A_2436 = arith.index_cast %add3A_2435 : i32 to index
      %get3A_2437 = tpu.vector_load %arg10[%get3A_2436] {strides = array<i32>} : memref<16896xf32, #tpu.memory_space<vmem>>, vector<16xf32>,
      %get3A_2438 = vector.shape_cast %get3A_2437 : vector<16xf32> to vector<16xf32>
      %add3A_2439 = arith.addf %scan3A_2261, %get3A_2438 : vector<16xf32>
      %mul3A_2440 = arith.constant 512 : i32
      %mul3A_2441 = arith.muli %scan3A_2239, %mul3A_2440 : i32
      %add3A_2442 = arith.constant 352 : i32
      %add3A_2443 = arith.addi %mul3A_2441, %add3A_2442 : i32
      %get3A_2444 = arith.index_cast %add3A_2443 : i32 to index
      %get3A_2445 = tpu.vector_load %arg10[%get3A_2444] {strides = array<i32>} : memref<16896xf32, #tpu.memory_space<vmem>>, vector<16xf32>,
      %get3A_2446 = vector.shape_cast %get3A_2445 : vector<16xf32> to vector<16xf32>
      %add3A_2447 = arith.addf %scan3A_2262, %get3A_2446 : vector<16xf32>
      %mul3A_2448 = arith.constant 512 : i32
      %mul3A_2449 = arith.muli %scan3A_2239, %mul3A_2448 : i32
      %add3A_2450 = arith.constant 368 : i32
      %add3A_2451 = arith.addi %mul3A_2449, %add3A_2450 : i32
      %get3A_2452 = arith.index_cast %add3A_2451 : i32 to index
      %get3A_2453 = tpu.vector_load %arg10[%get3A_2452] {strides = array<i32>} : memref<16896xf32, #tpu.memory_space<vmem>>, vector<16xf32>,
      %get3A_2454 = vector.shape_cast %get3A_2453 : vector<16xf32> to vector<16xf32>
      %add3A_2455 = arith.addf %scan3A_2263, %get3A_2454 : vector<16xf32>
      scf.yield %add3A_2271, %add3A_2279, %add3A_2287, %add3A_2295, %add3A_2303, %add3A_2311, %add3A_2319, %add3A_2327, %add3A_2335, %add3A_2343, %add3A_2351, %add3A_2359, %add3A_2367, %add3A_2375, %add3A_2383, %add3A_2391, %add3A_2399, %add3A_2407, %add3A_2415, %add3A_2423, %add3A_2431, %add3A_2439, %add3A_2447, %add3A_2455 : vector<16xf32>, vector<16xf32>, vector<16xf32>, vector<16xf32>, vector<16xf32>, vector<16xf32>, vector<16xf32>, vector<16xf32>, vector<16xf32>, vector<16xf32>, vector<16xf32>, vector<16xf32>, vector<16xf32>, vector<16xf32>, vector<16xf32>, vector<16xf32>, vector<16xf32>, vector<16xf32>, vector<16xf32>, vector<16xf32>, vector<16xf32>, vector<16xf32>, vector<16xf32>, vector<16xf32>
    }
    %scan3A_218 = arith.constant 32 : i32
    %broadcast_in_dim3A = arith.constant 1.000000e+00 : f32
    %broadcast_in_dim3A_219 = vector.broadcast %broadcast_in_dim3A : f32 to vector<16xf32>
    %broadcast_in_dim3A_220 = arith.constant 0.000000e+00 : f32
    %broadcast_in_dim3A_221 = vector.broadcast %broadcast_in_dim3A_220 : f32 to vector<16xf32>
    %iota3A = tpu.iota {dimensions = array<i32: 0>} : vector<16xi32>
    %xor3A = arith.constant 8 : i32
    %xor3A_222 = vector.broadcast %xor3A : i32 to vector<16xi32>
    %xor3A_223 = arith.xori %iota3A, %xor3A_222 : vector<16xi32>
    %lt3A = arith.constant 0 : i32
    %lt3A_224 = vector.broadcast %lt3A : i32 to vector<16xi32>
    %lt3A_225 = arith.cmpi slt, %xor3A_223, %lt3A_224 : vector<16xi32>
    %add3A_226 = arith.constant 16 : i32
    %add3A_227 = vector.broadcast %add3A_226 : i32 to vector<16xi32>
    %add3A_228 = arith.addi %xor3A_223, %add3A_227 : vector<16xi32>
    %select_n3A = arith.select %lt3A_225, %add3A_228, %xor3A_223 : vector<16xi1>, vector<16xi32>
    %broadcast_in_dim3A_229 = vector.shape_cast %select_n3A : vector<16xi32> to vector<16x1xi32>
    %gather3A = vector.shape_cast %broadcast_in_dim3A_229 : vector<16x1xi32> to vector<16xi32>
    %gather3A_230 = tpu.dynamic_gather %scan3A_217#0[%gather3A] in [0] : vector<16xf32>, vector<16xi32> -> vector<16xf32>
    %add3A_231 = arith.addf %scan3A_217#0, %gather3A_230 : vector<16xf32>
    %xor3A_232 = arith.constant 4 : i32
    %xor3A_233 = vector.broadcast %xor3A_232 : i32 to vector<16xi32>
    %xor3A_234 = arith.xori %iota3A, %xor3A_233 : vector<16xi32>
    %lt3A_235 = arith.constant 0 : i32
    %lt3A_236 = vector.broadcast %lt3A_235 : i32 to vector<16xi32>
    %lt3A_237 = arith.cmpi slt, %xor3A_234, %lt3A_236 : vector<16xi32>
    %add3A_238 = arith.constant 16 : i32
    %add3A_239 = vector.broadcast %add3A_238 : i32 to vector<16xi32>
    %add3A_240 = arith.addi %xor3A_234, %add3A_239 : vector<16xi32>
    %select_n3A_241 = arith.select %lt3A_237, %add3A_240, %xor3A_234 : vector<16xi1>, vector<16xi32>
    %broadcast_in_dim3A_242 = vector.shape_cast %select_n3A_241 : vector<16xi32> to vector<16x1xi32>
    %gather3A_243 = vector.shape_cast %broadcast_in_dim3A_242 : vector<16x1xi32> to vector<16xi32>
    %gather3A_244 = tpu.dynamic_gather %add3A_231[%gather3A_243] in [0] : vector<16xf32>, vector<16xi32> -> vector<16xf32>
    %add3A_245 = arith.addf %add3A_231, %gather3A_244 : vector<16xf32>
    %xor3A_246 = arith.constant 2 : i32
    %xor3A_247 = vector.broadcast %xor3A_246 : i32 to vector<16xi32>
    %xor3A_248 = arith.xori %iota3A, %xor3A_247 : vector<16xi32>
    %lt3A_249 = arith.constant 0 : i32
    %lt3A_250 = vector.broadcast %lt3A_249 : i32 to vector<16xi32>
    %lt3A_251 = arith.cmpi slt, %xor3A_248, %lt3A_250 : vector<16xi32>
    %add3A_252 = arith.constant 16 : i32
    %add3A_253 = vector.broadcast %add3A_252 : i32 to vector<16xi32>
    %add3A_254 = arith.addi %xor3A_248, %add3A_253 : vector<16xi32>
    %select_n3A_255 = arith.select %lt3A_251, %add3A_254, %xor3A_248 : vector<16xi1>, vector<16xi32>
    %broadcast_in_dim3A_256 = vector.shape_cast %select_n3A_255 : vector<16xi32> to vector<16x1xi32>
    %gather3A_257 = vector.shape_cast %broadcast_in_dim3A_256 : vector<16x1xi32> to vector<16xi32>
    %gather3A_258 = tpu.dynamic_gather %add3A_245[%gather3A_257] in [0] : vector<16xf32>, vector<16xi32> -> vector<16xf32>
    %add3A_259 = arith.addf %add3A_245, %gather3A_258 : vector<16xf32>
    %xor3A_260 = arith.constant 1 : i32
    %xor3A_261 = vector.broadcast %xor3A_260 : i32 to vector<16xi32>
    %xor3A_262 = arith.xori %iota3A, %xor3A_261 : vector<16xi32>
    %lt3A_263 = arith.constant 0 : i32
    %lt3A_264 = vector.broadcast %lt3A_263 : i32 to vector<16xi32>
    %lt3A_265 = arith.cmpi slt, %xor3A_262, %lt3A_264 : vector<16xi32>
    %add3A_266 = arith.constant 16 : i32
    %add3A_267 = vector.broadcast %add3A_266 : i32 to vector<16xi32>
    %add3A_268 = arith.addi %xor3A_262, %add3A_267 : vector<16xi32>
    %select_n3A_269 = arith.select %lt3A_265, %add3A_268, %xor3A_262 : vector<16xi1>, vector<16xi32>
    %broadcast_in_dim3A_270 = vector.shape_cast %select_n3A_269 : vector<16xi32> to vector<16x1xi32>
    %gather3A_271 = vector.shape_cast %broadcast_in_dim3A_270 : vector<16x1xi32> to vector<16xi32>
    %gather3A_272 = tpu.dynamic_gather %add3A_259[%gather3A_271] in [0] : vector<16xf32>, vector<16xi32> -> vector<16xf32>
    %add3A_273 = arith.addf %add3A_259, %gather3A_272 : vector<16xf32>
    %iota3A_274 = tpu.iota {dimensions = array<i32: 0>} : vector<16xi32>
    %xor3A_275 = arith.constant 8 : i32
    %xor3A_276 = vector.broadcast %xor3A_275 : i32 to vector<16xi32>
    %xor3A_277 = arith.xori %iota3A_274, %xor3A_276 : vector<16xi32>
    %lt3A_278 = arith.constant 0 : i32
    %lt3A_279 = vector.broadcast %lt3A_278 : i32 to vector<16xi32>
    %lt3A_280 = arith.cmpi slt, %xor3A_277, %lt3A_279 : vector<16xi32>
    %add3A_281 = arith.constant 16 : i32
    %add3A_282 = vector.broadcast %add3A_281 : i32 to vector<16xi32>
    %add3A_283 = arith.addi %xor3A_277, %add3A_282 : vector<16xi32>
    %select_n3A_284 = arith.select %lt3A_280, %add3A_283, %xor3A_277 : vector<16xi1>, vector<16xi32>
    %broadcast_in_dim3A_285 = vector.shape_cast %select_n3A_284 : vector<16xi32> to vector<16x1xi32>
    %gather3A_286 = vector.shape_cast %broadcast_in_dim3A_285 : vector<16x1xi32> to vector<16xi32>
    %gather3A_287 = tpu.dynamic_gather %scan3A_217#1[%gather3A_286] in [0] : vector<16xf32>, vector<16xi32> -> vector<16xf32>
    %add3A_288 = arith.addf %scan3A_217#1, %gather3A_287 : vector<16xf32>
    %xor3A_289 = arith.constant 4 : i32
    %xor3A_290 = vector.broadcast %xor3A_289 : i32 to vector<16xi32>
    %xor3A_291 = arith.xori %iota3A_274, %xor3A_290 : vector<16xi32>
    %lt3A_292 = arith.constant 0 : i32
    %lt3A_293 = vector.broadcast %lt3A_292 : i32 to vector<16xi32>
    %lt3A_294 = arith.cmpi slt, %xor3A_291, %lt3A_293 : vector<16xi32>
    %add3A_295 = arith.constant 16 : i32
    %add3A_296 = vector.broadcast %add3A_295 : i32 to vector<16xi32>
    %add3A_297 = arith.addi %xor3A_291, %add3A_296 : vector<16xi32>
    %select_n3A_298 = arith.select %lt3A_294, %add3A_297, %xor3A_291 : vector<16xi1>, vector<16xi32>
    %broadcast_in_dim3A_299 = vector.shape_cast %select_n3A_298 : vector<16xi32> to vector<16x1xi32>
    %gather3A_300 = vector.shape_cast %broadcast_in_dim3A_299 : vector<16x1xi32> to vector<16xi32>
    %gather3A_301 = tpu.dynamic_gather %add3A_288[%gather3A_300] in [0] : vector<16xf32>, vector<16xi32> -> vector<16xf32>
    %add3A_302 = arith.addf %add3A_288, %gather3A_301 : vector<16xf32>
    %xor3A_303 = arith.constant 2 : i32
    %xor3A_304 = vector.broadcast %xor3A_303 : i32 to vector<16xi32>
    %xor3A_305 = arith.xori %iota3A_274, %xor3A_304 : vector<16xi32>
    %lt3A_306 = arith.constant 0 : i32
    %lt3A_307 = vector.broadcast %lt3A_306 : i32 to vector<16xi32>
    %lt3A_308 = arith.cmpi slt, %xor3A_305, %lt3A_307 : vector<16xi32>
    %add3A_309 = arith.constant 16 : i32
    %add3A_310 = vector.broadcast %add3A_309 : i32 to vector<16xi32>
    %add3A_311 = arith.addi %xor3A_305, %add3A_310 : vector<16xi32>
    %select_n3A_312 = arith.select %lt3A_308, %add3A_311, %xor3A_305 : vector<16xi1>, vector<16xi32>
    %broadcast_in_dim3A_313 = vector.shape_cast %select_n3A_312 : vector<16xi32> to vector<16x1xi32>
    %gather3A_314 = vector.shape_cast %broadcast_in_dim3A_313 : vector<16x1xi32> to vector<16xi32>
    %gather3A_315 = tpu.dynamic_gather %add3A_302[%gather3A_314] in [0] : vector<16xf32>, vector<16xi32> -> vector<16xf32>
    %add3A_316 = arith.addf %add3A_302, %gather3A_315 : vector<16xf32>
    %xor3A_317 = arith.constant 1 : i32
    %xor3A_318 = vector.broadcast %xor3A_317 : i32 to vector<16xi32>
    %xor3A_319 = arith.xori %iota3A_274, %xor3A_318 : vector<16xi32>
    %lt3A_320 = arith.constant 0 : i32
    %lt3A_321 = vector.broadcast %lt3A_320 : i32 to vector<16xi32>
    %lt3A_322 = arith.cmpi slt, %xor3A_319, %lt3A_321 : vector<16xi32>
    %add3A_323 = arith.constant 16 : i32
    %add3A_324 = vector.broadcast %add3A_323 : i32 to vector<16xi32>
    %add3A_325 = arith.addi %xor3A_319, %add3A_324 : vector<16xi32>
    %select_n3A_326 = arith.select %lt3A_322, %add3A_325, %xor3A_319 : vector<16xi1>, vector<16xi32>
    %broadcast_in_dim3A_327 = vector.shape_cast %select_n3A_326 : vector<16xi32> to vector<16x1xi32>
    %gather3A_328 = vector.shape_cast %broadcast_in_dim3A_327 : vector<16x1xi32> to vector<16xi32>
    %gather3A_329 = tpu.dynamic_gather %add3A_316[%gather3A_328] in [0] : vector<16xf32>, vector<16xi32> -> vector<16xf32>
    %add3A_330 = arith.addf %add3A_316, %gather3A_329 : vector<16xf32>
    %iota3A_331 = tpu.iota {dimensions = array<i32: 0>} : vector<16xi32>
    %xor3A_332 = arith.constant 8 : i32
    %xor3A_333 = vector.broadcast %xor3A_332 : i32 to vector<16xi32>
    %xor3A_334 = arith.xori %iota3A_331, %xor3A_333 : vector<16xi32>
    %lt3A_335 = arith.constant 0 : i32
    %lt3A_336 = vector.broadcast %lt3A_335 : i32 to vector<16xi32>
    %lt3A_337 = arith.cmpi slt, %xor3A_334, %lt3A_336 : vector<16xi32>
    %add3A_338 = arith.constant 16 : i32
    %add3A_339 = vector.broadcast %add3A_338 : i32 to vector<16xi32>
    %add3A_340 = arith.addi %xor3A_334, %add3A_339 : vector<16xi32>
    %select_n3A_341 = arith.select %lt3A_337, %add3A_340, %xor3A_334 : vector<16xi1>, vector<16xi32>
    %broadcast_in_dim3A_342 = vector.shape_cast %select_n3A_341 : vector<16xi32> to vector<16x1xi32>
    %gather3A_343 = vector.shape_cast %broadcast_in_dim3A_342 : vector<16x1xi32> to vector<16xi32>
    %gather3A_344 = tpu.dynamic_gather %scan3A_217#2[%gather3A_343] in [0] : vector<16xf32>, vector<16xi32> -> vector<16xf32>
    %add3A_345 = arith.addf %scan3A_217#2, %gather3A_344 : vector<16xf32>
    %xor3A_346 = arith.constant 4 : i32
    %xor3A_347 = vector.broadcast %xor3A_346 : i32 to vector<16xi32>
    %xor3A_348 = arith.xori %iota3A_331, %xor3A_347 : vector<16xi32>
    %lt3A_349 = arith.constant 0 : i32
    %lt3A_350 = vector.broadcast %lt3A_349 : i32 to vector<16xi32>
    %lt3A_351 = arith.cmpi slt, %xor3A_348, %lt3A_350 : vector<16xi32>
    %add3A_352 = arith.constant 16 : i32
    %add3A_353 = vector.broadcast %add3A_352 : i32 to vector<16xi32>
    %add3A_354 = arith.addi %xor3A_348, %add3A_353 : vector<16xi32>
    %select_n3A_355 = arith.select %lt3A_351, %add3A_354, %xor3A_348 : vector<16xi1>, vector<16xi32>
    %broadcast_in_dim3A_356 = vector.shape_cast %select_n3A_355 : vector<16xi32> to vector<16x1xi32>
    %gather3A_357 = vector.shape_cast %broadcast_in_dim3A_356 : vector<16x1xi32> to vector<16xi32>
    %gather3A_358 = tpu.dynamic_gather %add3A_345[%gather3A_357] in [0] : vector<16xf32>, vector<16xi32> -> vector<16xf32>
    %add3A_359 = arith.addf %add3A_345, %gather3A_358 : vector<16xf32>
    %xor3A_360 = arith.constant 2 : i32
    %xor3A_361 = vector.broadcast %xor3A_360 : i32 to vector<16xi32>
    %xor3A_362 = arith.xori %iota3A_331, %xor3A_361 : vector<16xi32>
    %lt3A_363 = arith.constant 0 : i32
    %lt3A_364 = vector.broadcast %lt3A_363 : i32 to vector<16xi32>
    %lt3A_365 = arith.cmpi slt, %xor3A_362, %lt3A_364 : vector<16xi32>
    %add3A_366 = arith.constant 16 : i32
    %add3A_367 = vector.broadcast %add3A_366 : i32 to vector<16xi32>
    %add3A_368 = arith.addi %xor3A_362, %add3A_367 : vector<16xi32>
    %select_n3A_369 = arith.select %lt3A_365, %add3A_368, %xor3A_362 : vector<16xi1>, vector<16xi32>
    %broadcast_in_dim3A_370 = vector.shape_cast %select_n3A_369 : vector<16xi32> to vector<16x1xi32>
    %gather3A_371 = vector.shape_cast %broadcast_in_dim3A_370 : vector<16x1xi32> to vector<16xi32>
    %gather3A_372 = tpu.dynamic_gather %add3A_359[%gather3A_371] in [0] : vector<16xf32>, vector<16xi32> -> vector<16xf32>
    %add3A_373 = arith.addf %add3A_359, %gather3A_372 : vector<16xf32>
    %xor3A_374 = arith.constant 1 : i32
    %xor3A_375 = vector.broadcast %xor3A_374 : i32 to vector<16xi32>
    %xor3A_376 = arith.xori %iota3A_331, %xor3A_375 : vector<16xi32>
    %lt3A_377 = arith.constant 0 : i32
    %lt3A_378 = vector.broadcast %lt3A_377 : i32 to vector<16xi32>
    %lt3A_379 = arith.cmpi slt, %xor3A_376, %lt3A_378 : vector<16xi32>
    %add3A_380 = arith.constant 16 : i32
    %add3A_381 = vector.broadcast %add3A_380 : i32 to vector<16xi32>
    %add3A_382 = arith.addi %xor3A_376, %add3A_381 : vector<16xi32>
    %select_n3A_383 = arith.select %lt3A_379, %add3A_382, %xor3A_376 : vector<16xi1>, vector<16xi32>
    %broadcast_in_dim3A_384 = vector.shape_cast %select_n3A_383 : vector<16xi32> to vector<16x1xi32>
    %gather3A_385 = vector.shape_cast %broadcast_in_dim3A_384 : vector<16x1xi32> to vector<16xi32>
    %gather3A_386 = tpu.dynamic_gather %add3A_373[%gather3A_385] in [0] : vector<16xf32>, vector<16xi32> -> vector<16xf32>
    %add3A_387 = arith.addf %add3A_373, %gather3A_386 : vector<16xf32>
    %iota3A_388 = tpu.iota {dimensions = array<i32: 0>} : vector<16xi32>
    %xor3A_389 = arith.constant 8 : i32
    %xor3A_390 = vector.broadcast %xor3A_389 : i32 to vector<16xi32>
    %xor3A_391 = arith.xori %iota3A_388, %xor3A_390 : vector<16xi32>
    %lt3A_392 = arith.constant 0 : i32
    %lt3A_393 = vector.broadcast %lt3A_392 : i32 to vector<16xi32>
    %lt3A_394 = arith.cmpi slt, %xor3A_391, %lt3A_393 : vector<16xi32>
    %add3A_395 = arith.constant 16 : i32
    %add3A_396 = vector.broadcast %add3A_395 : i32 to vector<16xi32>
    %add3A_397 = arith.addi %xor3A_391, %add3A_396 : vector<16xi32>
    %select_n3A_398 = arith.select %lt3A_394, %add3A_397, %xor3A_391 : vector<16xi1>, vector<16xi32>
    %broadcast_in_dim3A_399 = vector.shape_cast %select_n3A_398 : vector<16xi32> to vector<16x1xi32>
    %gather3A_400 = vector.shape_cast %broadcast_in_dim3A_399 : vector<16x1xi32> to vector<16xi32>
    %gather3A_401 = tpu.dynamic_gather %scan3A_217#3[%gather3A_400] in [0] : vector<16xf32>, vector<16xi32> -> vector<16xf32>
    %add3A_402 = arith.addf %scan3A_217#3, %gather3A_401 : vector<16xf32>
    %xor3A_403 = arith.constant 4 : i32
    %xor3A_404 = vector.broadcast %xor3A_403 : i32 to vector<16xi32>
    %xor3A_405 = arith.xori %iota3A_388, %xor3A_404 : vector<16xi32>
    %lt3A_406 = arith.constant 0 : i32
    %lt3A_407 = vector.broadcast %lt3A_406 : i32 to vector<16xi32>
    %lt3A_408 = arith.cmpi slt, %xor3A_405, %lt3A_407 : vector<16xi32>
    %add3A_409 = arith.constant 16 : i32
    %add3A_410 = vector.broadcast %add3A_409 : i32 to vector<16xi32>
    %add3A_411 = arith.addi %xor3A_405, %add3A_410 : vector<16xi32>
    %select_n3A_412 = arith.select %lt3A_408, %add3A_411, %xor3A_405 : vector<16xi1>, vector<16xi32>
    %broadcast_in_dim3A_413 = vector.shape_cast %select_n3A_412 : vector<16xi32> to vector<16x1xi32>
    %gather3A_414 = vector.shape_cast %broadcast_in_dim3A_413 : vector<16x1xi32> to vector<16xi32>
    %gather3A_415 = tpu.dynamic_gather %add3A_402[%gather3A_414] in [0] : vector<16xf32>, vector<16xi32> -> vector<16xf32>
    %add3A_416 = arith.addf %add3A_402, %gather3A_415 : vector<16xf32>
    %xor3A_417 = arith.constant 2 : i32
    %xor3A_418 = vector.broadcast %xor3A_417 : i32 to vector<16xi32>
    %xor3A_419 = arith.xori %iota3A_388, %xor3A_418 : vector<16xi32>
    %lt3A_420 = arith.constant 0 : i32
    %lt3A_421 = vector.broadcast %lt3A_420 : i32 to vector<16xi32>
    %lt3A_422 = arith.cmpi slt, %xor3A_419, %lt3A_421 : vector<16xi32>
    %add3A_423 = arith.constant 16 : i32
    %add3A_424 = vector.broadcast %add3A_423 : i32 to vector<16xi32>
    %add3A_425 = arith.addi %xor3A_419, %add3A_424 : vector<16xi32>
    %select_n3A_426 = arith.select %lt3A_422, %add3A_425, %xor3A_419 : vector<16xi1>, vector<16xi32>
    %broadcast_in_dim3A_427 = vector.shape_cast %select_n3A_426 : vector<16xi32> to vector<16x1xi32>
    %gather3A_428 = vector.shape_cast %broadcast_in_dim3A_427 : vector<16x1xi32> to vector<16xi32>
    %gather3A_429 = tpu.dynamic_gather %add3A_416[%gather3A_428] in [0] : vector<16xf32>, vector<16xi32> -> vector<16xf32>
    %add3A_430 = arith.addf %add3A_416, %gather3A_429 : vector<16xf32>
    %xor3A_431 = arith.constant 1 : i32
    %xor3A_432 = vector.broadcast %xor3A_431 : i32 to vector<16xi32>
    %xor3A_433 = arith.xori %iota3A_388, %xor3A_432 : vector<16xi32>
    %lt3A_434 = arith.constant 0 : i32
    %lt3A_435 = vector.broadcast %lt3A_434 : i32 to vector<16xi32>
    %lt3A_436 = arith.cmpi slt, %xor3A_433, %lt3A_435 : vector<16xi32>
    %add3A_437 = arith.constant 16 : i32
    %add3A_438 = vector.broadcast %add3A_437 : i32 to vector<16xi32>
    %add3A_439 = arith.addi %xor3A_433, %add3A_438 : vector<16xi32>
    %select_n3A_440 = arith.select %lt3A_436, %add3A_439, %xor3A_433 : vector<16xi1>, vector<16xi32>
    %broadcast_in_dim3A_441 = vector.shape_cast %select_n3A_440 : vector<16xi32> to vector<16x1xi32>
    %gather3A_442 = vector.shape_cast %broadcast_in_dim3A_441 : vector<16x1xi32> to vector<16xi32>
    %gather3A_443 = tpu.dynamic_gather %add3A_430[%gather3A_442] in [0] : vector<16xf32>, vector<16xi32> -> vector<16xf32>
    %add3A_444 = arith.addf %add3A_430, %gather3A_443 : vector<16xf32>
    %broadcast_in_dim3A_445 = arith.constant 5.242880e+05 : f32
    %broadcast_in_dim3A_446 = vector.broadcast %broadcast_in_dim3A_445 : f32 to vector<16xf32>
    %sub3A = arith.subf %broadcast_in_dim3A_446, %add3A_273 : vector<16xf32>
    %sub3A_447 = arith.subf %sub3A, %add3A_330 : vector<16xf32>
    %sub3A_448 = arith.subf %sub3A_447, %add3A_387 : vector<16xf32>
    %sub3A_449 = arith.subf %sub3A_448, %add3A_444 : vector<16xf32>
    %gt3A = arith.constant 0.000000e+00 : f32
    %gt3A_450 = vector.broadcast %gt3A : f32 to vector<16xf32>
    %gt3A_451 = arith.cmpf ogt, %add3A_273, %gt3A_450 : vector<16xf32>
    %gt3A_452 = arith.constant 0.000000e+00 : f32
    %gt3A_453 = vector.broadcast %gt3A_452 : f32 to vector<16xf32>
    %gt3A_454 = arith.cmpf ogt, %add3A_330, %gt3A_453 : vector<16xf32>
    %gt3A_455 = arith.constant 0.000000e+00 : f32
    %gt3A_456 = vector.broadcast %gt3A_455 : f32 to vector<16xf32>
    %gt3A_457 = arith.cmpf ogt, %add3A_387, %gt3A_456 : vector<16xf32>
    %gt3A_458 = arith.constant 0.000000e+00 : f32
    %gt3A_459 = vector.broadcast %gt3A_458 : f32 to vector<16xf32>
    %gt3A_460 = arith.cmpf ogt, %add3A_444, %gt3A_459 : vector<16xf32>
    %gt3A_461 = arith.constant 0.000000e+00 : f32
    %gt3A_462 = vector.broadcast %gt3A_461 : f32 to vector<16xf32>
    %gt3A_463 = arith.cmpf ogt, %sub3A_449, %gt3A_462 : vector<16xf32>
    %select_n3A_464 = arith.select %gt3A_451, %add3A_273, %broadcast_in_dim3A_219 : vector<16xi1>, vector<16xf32>
    %select_n3A_465 = arith.select %gt3A_454, %add3A_330, %broadcast_in_dim3A_219 : vector<16xi1>, vector<16xf32>
    %select_n3A_466 = arith.select %gt3A_457, %add3A_387, %broadcast_in_dim3A_219 : vector<16xi1>, vector<16xf32>
    %select_n3A_467 = arith.select %gt3A_460, %add3A_444, %broadcast_in_dim3A_219 : vector<16xi1>, vector<16xf32>
    %select_n3A_468 = arith.select %gt3A_463, %sub3A_449, %broadcast_in_dim3A_219 : vector<16xi1>, vector<16xf32>
    %select_n3A_469 = arith.select %gt3A_451, %broadcast_in_dim3A_219, %broadcast_in_dim3A_221 : vector<16xi1>, vector<16xf32>
    %add3A_470 = arith.addf %broadcast_in_dim3A_221, %select_n3A_469 : vector<16xf32>
    %select_n3A_471 = arith.select %gt3A_454, %broadcast_in_dim3A_219, %broadcast_in_dim3A_221 : vector<16xi1>, vector<16xf32>
    %add3A_472 = arith.addf %add3A_470, %select_n3A_471 : vector<16xf32>
    %select_n3A_473 = arith.select %gt3A_457, %broadcast_in_dim3A_219, %broadcast_in_dim3A_221 : vector<16xi1>, vector<16xf32>
    %add3A_474 = arith.addf %add3A_472, %select_n3A_473 : vector<16xf32>
    %select_n3A_475 = arith.select %gt3A_460, %broadcast_in_dim3A_219, %broadcast_in_dim3A_221 : vector<16xi1>, vector<16xf32>
    %add3A_476 = arith.addf %add3A_474, %select_n3A_475 : vector<16xf32>
    %select_n3A_477 = arith.select %gt3A_463, %broadcast_in_dim3A_219, %broadcast_in_dim3A_221 : vector<16xi1>, vector<16xf32>
    %add3A_478 = arith.addf %add3A_476, %select_n3A_477 : vector<16xf32>
    %iota3A_479 = tpu.iota {dimensions = array<i32: 0>} : vector<16xi32>
    %xor3A_480 = arith.constant 8 : i32
    %xor3A_481 = vector.broadcast %xor3A_480 : i32 to vector<16xi32>
    %xor3A_482 = arith.xori %iota3A_479, %xor3A_481 : vector<16xi32>
    %lt3A_483 = arith.constant 0 : i32
    %lt3A_484 = vector.broadcast %lt3A_483 : i32 to vector<16xi32>
    %lt3A_485 = arith.cmpi slt, %xor3A_482, %lt3A_484 : vector<16xi32>
    %add3A_486 = arith.constant 16 : i32
    %add3A_487 = vector.broadcast %add3A_486 : i32 to vector<16xi32>
    %add3A_488 = arith.addi %xor3A_482, %add3A_487 : vector<16xi32>
    %select_n3A_489 = arith.select %lt3A_485, %add3A_488, %xor3A_482 : vector<16xi1>, vector<16xi32>
    %broadcast_in_dim3A_490 = vector.shape_cast %select_n3A_489 : vector<16xi32> to vector<16x1xi32>
    %gather3A_491 = vector.shape_cast %broadcast_in_dim3A_490 : vector<16x1xi32> to vector<16xi32>
    %gather3A_492 = tpu.dynamic_gather %scan3A_217#4[%gather3A_491] in [0] : vector<16xf32>, vector<16xi32> -> vector<16xf32>
    %add3A_493 = arith.addf %scan3A_217#4, %gather3A_492 : vector<16xf32>
    %xor3A_494 = arith.constant 4 : i32
    %xor3A_495 = vector.broadcast %xor3A_494 : i32 to vector<16xi32>
    %xor3A_496 = arith.xori %iota3A_479, %xor3A_495 : vector<16xi32>
    %lt3A_497 = arith.constant 0 : i32
    %lt3A_498 = vector.broadcast %lt3A_497 : i32 to vector<16xi32>
    %lt3A_499 = arith.cmpi slt, %xor3A_496, %lt3A_498 : vector<16xi32>
    %add3A_500 = arith.constant 16 : i32
    %add3A_501 = vector.broadcast %add3A_500 : i32 to vector<16xi32>
    %add3A_502 = arith.addi %xor3A_496, %add3A_501 : vector<16xi32>
    %select_n3A_503 = arith.select %lt3A_499, %add3A_502, %xor3A_496 : vector<16xi1>, vector<16xi32>
    %broadcast_in_dim3A_504 = vector.shape_cast %select_n3A_503 : vector<16xi32> to vector<16x1xi32>
    %gather3A_505 = vector.shape_cast %broadcast_in_dim3A_504 : vector<16x1xi32> to vector<16xi32>
    %gather3A_506 = tpu.dynamic_gather %add3A_493[%gather3A_505] in [0] : vector<16xf32>, vector<16xi32> -> vector<16xf32>
    %add3A_507 = arith.addf %add3A_493, %gather3A_506 : vector<16xf32>
    %xor3A_508 = arith.constant 2 : i32
    %xor3A_509 = vector.broadcast %xor3A_508 : i32 to vector<16xi32>
    %xor3A_510 = arith.xori %iota3A_479, %xor3A_509 : vector<16xi32>
    %lt3A_511 = arith.constant 0 : i32
    %lt3A_512 = vector.broadcast %lt3A_511 : i32 to vector<16xi32>
    %lt3A_513 = arith.cmpi slt, %xor3A_510, %lt3A_512 : vector<16xi32>
    %add3A_514 = arith.constant 16 : i32
    %add3A_515 = vector.broadcast %add3A_514 : i32 to vector<16xi32>
    %add3A_516 = arith.addi %xor3A_510, %add3A_515 : vector<16xi32>
    %select_n3A_517 = arith.select %lt3A_513, %add3A_516, %xor3A_510 : vector<16xi1>, vector<16xi32>
    %broadcast_in_dim3A_518 = vector.shape_cast %select_n3A_517 : vector<16xi32> to vector<16x1xi32>
    %gather3A_519 = vector.shape_cast %broadcast_in_dim3A_518 : vector<16x1xi32> to vector<16xi32>
    %gather3A_520 = tpu.dynamic_gather %add3A_507[%gather3A_519] in [0] : vector<16xf32>, vector<16xi32> -> vector<16xf32>
    %add3A_521 = arith.addf %add3A_507, %gather3A_520 : vector<16xf32>
    %xor3A_522 = arith.constant 1 : i32
    %xor3A_523 = vector.broadcast %xor3A_522 : i32 to vector<16xi32>
    %xor3A_524 = arith.xori %iota3A_479, %xor3A_523 : vector<16xi32>
    %lt3A_525 = arith.constant 0 : i32
    %lt3A_526 = vector.broadcast %lt3A_525 : i32 to vector<16xi32>
    %lt3A_527 = arith.cmpi slt, %xor3A_524, %lt3A_526 : vector<16xi32>
    %add3A_528 = arith.constant 16 : i32
    %add3A_529 = vector.broadcast %add3A_528 : i32 to vector<16xi32>
    %add3A_530 = arith.addi %xor3A_524, %add3A_529 : vector<16xi32>
    %select_n3A_531 = arith.select %lt3A_527, %add3A_530, %xor3A_524 : vector<16xi1>, vector<16xi32>
    %broadcast_in_dim3A_532 = vector.shape_cast %select_n3A_531 : vector<16xi32> to vector<16x1xi32>
    %gather3A_533 = vector.shape_cast %broadcast_in_dim3A_532 : vector<16x1xi32> to vector<16xi32>
    %gather3A_534 = tpu.dynamic_gather %add3A_521[%gather3A_533] in [0] : vector<16xf32>, vector<16xi32> -> vector<16xf32>
    %add3A_535 = arith.addf %add3A_521, %gather3A_534 : vector<16xf32>
    %iota3A_536 = tpu.iota {dimensions = array<i32: 0>} : vector<16xi32>
    %xor3A_537 = arith.constant 8 : i32
    %xor3A_538 = vector.broadcast %xor3A_537 : i32 to vector<16xi32>
    %xor3A_539 = arith.xori %iota3A_536, %xor3A_538 : vector<16xi32>
    %lt3A_540 = arith.constant 0 : i32
    %lt3A_541 = vector.broadcast %lt3A_540 : i32 to vector<16xi32>
    %lt3A_542 = arith.cmpi slt, %xor3A_539, %lt3A_541 : vector<16xi32>
    %add3A_543 = arith.constant 16 : i32
    %add3A_544 = vector.broadcast %add3A_543 : i32 to vector<16xi32>
    %add3A_545 = arith.addi %xor3A_539, %add3A_544 : vector<16xi32>
    %select_n3A_546 = arith.select %lt3A_542, %add3A_545, %xor3A_539 : vector<16xi1>, vector<16xi32>
    %broadcast_in_dim3A_547 = vector.shape_cast %select_n3A_546 : vector<16xi32> to vector<16x1xi32>
    %gather3A_548 = vector.shape_cast %broadcast_in_dim3A_547 : vector<16x1xi32> to vector<16xi32>
    %gather3A_549 = tpu.dynamic_gather %scan3A_217#5[%gather3A_548] in [0] : vector<16xf32>, vector<16xi32> -> vector<16xf32>
    %add3A_550 = arith.addf %scan3A_217#5, %gather3A_549 : vector<16xf32>
    %xor3A_551 = arith.constant 4 : i32
    %xor3A_552 = vector.broadcast %xor3A_551 : i32 to vector<16xi32>
    %xor3A_553 = arith.xori %iota3A_536, %xor3A_552 : vector<16xi32>
    %lt3A_554 = arith.constant 0 : i32
    %lt3A_555 = vector.broadcast %lt3A_554 : i32 to vector<16xi32>
    %lt3A_556 = arith.cmpi slt, %xor3A_553, %lt3A_555 : vector<16xi32>
    %add3A_557 = arith.constant 16 : i32
    %add3A_558 = vector.broadcast %add3A_557 : i32 to vector<16xi32>
    %add3A_559 = arith.addi %xor3A_553, %add3A_558 : vector<16xi32>
    %select_n3A_560 = arith.select %lt3A_556, %add3A_559, %xor3A_553 : vector<16xi1>, vector<16xi32>
    %broadcast_in_dim3A_561 = vector.shape_cast %select_n3A_560 : vector<16xi32> to vector<16x1xi32>
    %gather3A_562 = vector.shape_cast %broadcast_in_dim3A_561 : vector<16x1xi32> to vector<16xi32>
    %gather3A_563 = tpu.dynamic_gather %add3A_550[%gather3A_562] in [0] : vector<16xf32>, vector<16xi32> -> vector<16xf32>
    %add3A_564 = arith.addf %add3A_550, %gather3A_563 : vector<16xf32>
    %xor3A_565 = arith.constant 2 : i32
    %xor3A_566 = vector.broadcast %xor3A_565 : i32 to vector<16xi32>
    %xor3A_567 = arith.xori %iota3A_536, %xor3A_566 : vector<16xi32>
    %lt3A_568 = arith.constant 0 : i32
    %lt3A_569 = vector.broadcast %lt3A_568 : i32 to vector<16xi32>
    %lt3A_570 = arith.cmpi slt, %xor3A_567, %lt3A_569 : vector<16xi32>
    %add3A_571 = arith.constant 16 : i32
    %add3A_572 = vector.broadcast %add3A_571 : i32 to vector<16xi32>
    %add3A_573 = arith.addi %xor3A_567, %add3A_572 : vector<16xi32>
    %select_n3A_574 = arith.select %lt3A_570, %add3A_573, %xor3A_567 : vector<16xi1>, vector<16xi32>
    %broadcast_in_dim3A_575 = vector.shape_cast %select_n3A_574 : vector<16xi32> to vector<16x1xi32>
    %gather3A_576 = vector.shape_cast %broadcast_in_dim3A_575 : vector<16x1xi32> to vector<16xi32>
    %gather3A_577 = tpu.dynamic_gather %add3A_564[%gather3A_576] in [0] : vector<16xf32>, vector<16xi32> -> vector<16xf32>
    %add3A_578 = arith.addf %add3A_564, %gather3A_577 : vector<16xf32>
    %xor3A_579 = arith.constant 1 : i32
    %xor3A_580 = vector.broadcast %xor3A_579 : i32 to vector<16xi32>
    %xor3A_581 = arith.xori %iota3A_536, %xor3A_580 : vector<16xi32>
    %lt3A_582 = arith.constant 0 : i32
    %lt3A_583 = vector.broadcast %lt3A_582 : i32 to vector<16xi32>
    %lt3A_584 = arith.cmpi slt, %xor3A_581, %lt3A_583 : vector<16xi32>
    %add3A_585 = arith.constant 16 : i32
    %add3A_586 = vector.broadcast %add3A_585 : i32 to vector<16xi32>
    %add3A_587 = arith.addi %xor3A_581, %add3A_586 : vector<16xi32>
    %select_n3A_588 = arith.select %lt3A_584, %add3A_587, %xor3A_581 : vector<16xi1>, vector<16xi32>
    %broadcast_in_dim3A_589 = vector.shape_cast %select_n3A_588 : vector<16xi32> to vector<16x1xi32>
    %gather3A_590 = vector.shape_cast %broadcast_in_dim3A_589 : vector<16x1xi32> to vector<16xi32>
    %gather3A_591 = tpu.dynamic_gather %add3A_578[%gather3A_590] in [0] : vector<16xf32>, vector<16xi32> -> vector<16xf32>
    %add3A_592 = arith.addf %add3A_578, %gather3A_591 : vector<16xf32>
    %iota3A_593 = tpu.iota {dimensions = array<i32: 0>} : vector<16xi32>
    %xor3A_594 = arith.constant 8 : i32
    %xor3A_595 = vector.broadcast %xor3A_594 : i32 to vector<16xi32>
    %xor3A_596 = arith.xori %iota3A_593, %xor3A_595 : vector<16xi32>
    %lt3A_597 = arith.constant 0 : i32
    %lt3A_598 = vector.broadcast %lt3A_597 : i32 to vector<16xi32>
    %lt3A_599 = arith.cmpi slt, %xor3A_596, %lt3A_598 : vector<16xi32>
    %add3A_600 = arith.constant 16 : i32
    %add3A_601 = vector.broadcast %add3A_600 : i32 to vector<16xi32>
    %add3A_602 = arith.addi %xor3A_596, %add3A_601 : vector<16xi32>
    %select_n3A_603 = arith.select %lt3A_599, %add3A_602, %xor3A_596 : vector<16xi1>, vector<16xi32>
    %broadcast_in_dim3A_604 = vector.shape_cast %select_n3A_603 : vector<16xi32> to vector<16x1xi32>
    %gather3A_605 = vector.shape_cast %broadcast_in_dim3A_604 : vector<16x1xi32> to vector<16xi32>
    %gather3A_606 = tpu.dynamic_gather %scan3A_217#6[%gather3A_605] in [0] : vector<16xf32>, vector<16xi32> -> vector<16xf32>
    %add3A_607 = arith.addf %scan3A_217#6, %gather3A_606 : vector<16xf32>
    %xor3A_608 = arith.constant 4 : i32
    %xor3A_609 = vector.broadcast %xor3A_608 : i32 to vector<16xi32>
    %xor3A_610 = arith.xori %iota3A_593, %xor3A_609 : vector<16xi32>
    %lt3A_611 = arith.constant 0 : i32
    %lt3A_612 = vector.broadcast %lt3A_611 : i32 to vector<16xi32>
    %lt3A_613 = arith.cmpi slt, %xor3A_610, %lt3A_612 : vector<16xi32>
    %add3A_614 = arith.constant 16 : i32
    %add3A_615 = vector.broadcast %add3A_614 : i32 to vector<16xi32>
    %add3A_616 = arith.addi %xor3A_610, %add3A_615 : vector<16xi32>
    %select_n3A_617 = arith.select %lt3A_613, %add3A_616, %xor3A_610 : vector<16xi1>, vector<16xi32>
    %broadcast_in_dim3A_618 = vector.shape_cast %select_n3A_617 : vector<16xi32> to vector<16x1xi32>
    %gather3A_619 = vector.shape_cast %broadcast_in_dim3A_618 : vector<16x1xi32> to vector<16xi32>
    %gather3A_620 = tpu.dynamic_gather %add3A_607[%gather3A_619] in [0] : vector<16xf32>, vector<16xi32> -> vector<16xf32>
    %add3A_621 = arith.addf %add3A_607, %gather3A_620 : vector<16xf32>
    %xor3A_622 = arith.constant 2 : i32
    %xor3A_623 = vector.broadcast %xor3A_622 : i32 to vector<16xi32>
    %xor3A_624 = arith.xori %iota3A_593, %xor3A_623 : vector<16xi32>
    %lt3A_625 = arith.constant 0 : i32
    %lt3A_626 = vector.broadcast %lt3A_625 : i32 to vector<16xi32>
    %lt3A_627 = arith.cmpi slt, %xor3A_624, %lt3A_626 : vector<16xi32>
    %add3A_628 = arith.constant 16 : i32
    %add3A_629 = vector.broadcast %add3A_628 : i32 to vector<16xi32>
    %add3A_630 = arith.addi %xor3A_624, %add3A_629 : vector<16xi32>
    %select_n3A_631 = arith.select %lt3A_627, %add3A_630, %xor3A_624 : vector<16xi1>, vector<16xi32>
    %broadcast_in_dim3A_632 = vector.shape_cast %select_n3A_631 : vector<16xi32> to vector<16x1xi32>
    %gather3A_633 = vector.shape_cast %broadcast_in_dim3A_632 : vector<16x1xi32> to vector<16xi32>
    %gather3A_634 = tpu.dynamic_gather %add3A_621[%gather3A_633] in [0] : vector<16xf32>, vector<16xi32> -> vector<16xf32>
    %add3A_635 = arith.addf %add3A_621, %gather3A_634 : vector<16xf32>
    %xor3A_636 = arith.constant 1 : i32
    %xor3A_637 = vector.broadcast %xor3A_636 : i32 to vector<16xi32>
    %xor3A_638 = arith.xori %iota3A_593, %xor3A_637 : vector<16xi32>
    %lt3A_639 = arith.constant 0 : i32
    %lt3A_640 = vector.broadcast %lt3A_639 : i32 to vector<16xi32>
    %lt3A_641 = arith.cmpi slt, %xor3A_638, %lt3A_640 : vector<16xi32>
    %add3A_642 = arith.constant 16 : i32
    %add3A_643 = vector.broadcast %add3A_642 : i32 to vector<16xi32>
    %add3A_644 = arith.addi %xor3A_638, %add3A_643 : vector<16xi32>
    %select_n3A_645 = arith.select %lt3A_641, %add3A_644, %xor3A_638 : vector<16xi1>, vector<16xi32>
    %broadcast_in_dim3A_646 = vector.shape_cast %select_n3A_645 : vector<16xi32> to vector<16x1xi32>
    %gather3A_647 = vector.shape_cast %broadcast_in_dim3A_646 : vector<16x1xi32> to vector<16xi32>
    %gather3A_648 = tpu.dynamic_gather %add3A_635[%gather3A_647] in [0] : vector<16xf32>, vector<16xi32> -> vector<16xf32>
    %add3A_649 = arith.addf %add3A_635, %gather3A_648 : vector<16xf32>
    %iota3A_650 = tpu.iota {dimensions = array<i32: 0>} : vector<16xi32>
    %xor3A_651 = arith.constant 8 : i32
    %xor3A_652 = vector.broadcast %xor3A_651 : i32 to vector<16xi32>
    %xor3A_653 = arith.xori %iota3A_650, %xor3A_652 : vector<16xi32>
    %lt3A_654 = arith.constant 0 : i32
    %lt3A_655 = vector.broadcast %lt3A_654 : i32 to vector<16xi32>
    %lt3A_656 = arith.cmpi slt, %xor3A_653, %lt3A_655 : vector<16xi32>
    %add3A_657 = arith.constant 16 : i32
    %add3A_658 = vector.broadcast %add3A_657 : i32 to vector<16xi32>
    %add3A_659 = arith.addi %xor3A_653, %add3A_658 : vector<16xi32>
    %select_n3A_660 = arith.select %lt3A_656, %add3A_659, %xor3A_653 : vector<16xi1>, vector<16xi32>
    %broadcast_in_dim3A_661 = vector.shape_cast %select_n3A_660 : vector<16xi32> to vector<16x1xi32>
    %gather3A_662 = vector.shape_cast %broadcast_in_dim3A_661 : vector<16x1xi32> to vector<16xi32>
    %gather3A_663 = tpu.dynamic_gather %scan3A_217#7[%gather3A_662] in [0] : vector<16xf32>, vector<16xi32> -> vector<16xf32>
    %add3A_664 = arith.addf %scan3A_217#7, %gather3A_663 : vector<16xf32>
    %xor3A_665 = arith.constant 4 : i32
    %xor3A_666 = vector.broadcast %xor3A_665 : i32 to vector<16xi32>
    %xor3A_667 = arith.xori %iota3A_650, %xor3A_666 : vector<16xi32>
    %lt3A_668 = arith.constant 0 : i32
    %lt3A_669 = vector.broadcast %lt3A_668 : i32 to vector<16xi32>
    %lt3A_670 = arith.cmpi slt, %xor3A_667, %lt3A_669 : vector<16xi32>
    %add3A_671 = arith.constant 16 : i32
    %add3A_672 = vector.broadcast %add3A_671 : i32 to vector<16xi32>
    %add3A_673 = arith.addi %xor3A_667, %add3A_672 : vector<16xi32>
    %select_n3A_674 = arith.select %lt3A_670, %add3A_673, %xor3A_667 : vector<16xi1>, vector<16xi32>
    %broadcast_in_dim3A_675 = vector.shape_cast %select_n3A_674 : vector<16xi32> to vector<16x1xi32>
    %gather3A_676 = vector.shape_cast %broadcast_in_dim3A_675 : vector<16x1xi32> to vector<16xi32>
    %gather3A_677 = tpu.dynamic_gather %add3A_664[%gather3A_676] in [0] : vector<16xf32>, vector<16xi32> -> vector<16xf32>
    %add3A_678 = arith.addf %add3A_664, %gather3A_677 : vector<16xf32>
    %xor3A_679 = arith.constant 2 : i32
    %xor3A_680 = vector.broadcast %xor3A_679 : i32 to vector<16xi32>
    %xor3A_681 = arith.xori %iota3A_650, %xor3A_680 : vector<16xi32>
    %lt3A_682 = arith.constant 0 : i32
    %lt3A_683 = vector.broadcast %lt3A_682 : i32 to vector<16xi32>
    %lt3A_684 = arith.cmpi slt, %xor3A_681, %lt3A_683 : vector<16xi32>
    %add3A_685 = arith.constant 16 : i32
    %add3A_686 = vector.broadcast %add3A_685 : i32 to vector<16xi32>
    %add3A_687 = arith.addi %xor3A_681, %add3A_686 : vector<16xi32>
    %select_n3A_688 = arith.select %lt3A_684, %add3A_687, %xor3A_681 : vector<16xi1>, vector<16xi32>
    %broadcast_in_dim3A_689 = vector.shape_cast %select_n3A_688 : vector<16xi32> to vector<16x1xi32>
    %gather3A_690 = vector.shape_cast %broadcast_in_dim3A_689 : vector<16x1xi32> to vector<16xi32>
    %gather3A_691 = tpu.dynamic_gather %add3A_678[%gather3A_690] in [0] : vector<16xf32>, vector<16xi32> -> vector<16xf32>
    %add3A_692 = arith.addf %add3A_678, %gather3A_691 : vector<16xf32>
    %xor3A_693 = arith.constant 1 : i32
    %xor3A_694 = vector.broadcast %xor3A_693 : i32 to vector<16xi32>
    %xor3A_695 = arith.xori %iota3A_650, %xor3A_694 : vector<16xi32>
    %lt3A_696 = arith.constant 0 : i32
    %lt3A_697 = vector.broadcast %lt3A_696 : i32 to vector<16xi32>
    %lt3A_698 = arith.cmpi slt, %xor3A_695, %lt3A_697 : vector<16xi32>
    %add3A_699 = arith.constant 16 : i32
    %add3A_700 = vector.broadcast %add3A_699 : i32 to vector<16xi32>
    %add3A_701 = arith.addi %xor3A_695, %add3A_700 : vector<16xi32>
    %select_n3A_702 = arith.select %lt3A_698, %add3A_701, %xor3A_695 : vector<16xi1>, vector<16xi32>
    %broadcast_in_dim3A_703 = vector.shape_cast %select_n3A_702 : vector<16xi32> to vector<16x1xi32>
    %gather3A_704 = vector.shape_cast %broadcast_in_dim3A_703 : vector<16x1xi32> to vector<16xi32>
    %gather3A_705 = tpu.dynamic_gather %add3A_692[%gather3A_704] in [0] : vector<16xf32>, vector<16xi32> -> vector<16xf32>
    %add3A_706 = arith.addf %add3A_692, %gather3A_705 : vector<16xf32>
    %iota3A_707 = tpu.iota {dimensions = array<i32: 0>} : vector<16xi32>
    %xor3A_708 = arith.constant 8 : i32
    %xor3A_709 = vector.broadcast %xor3A_708 : i32 to vector<16xi32>
    %xor3A_710 = arith.xori %iota3A_707, %xor3A_709 : vector<16xi32>
    %lt3A_711 = arith.constant 0 : i32
    %lt3A_712 = vector.broadcast %lt3A_711 : i32 to vector<16xi32>
    %lt3A_713 = arith.cmpi slt, %xor3A_710, %lt3A_712 : vector<16xi32>
    %add3A_714 = arith.constant 16 : i32
    %add3A_715 = vector.broadcast %add3A_714 : i32 to vector<16xi32>
    %add3A_716 = arith.addi %xor3A_710, %add3A_715 : vector<16xi32>
    %select_n3A_717 = arith.select %lt3A_713, %add3A_716, %xor3A_710 : vector<16xi1>, vector<16xi32>
    %broadcast_in_dim3A_718 = vector.shape_cast %select_n3A_717 : vector<16xi32> to vector<16x1xi32>
    %gather3A_719 = vector.shape_cast %broadcast_in_dim3A_718 : vector<16x1xi32> to vector<16xi32>
    %gather3A_720 = tpu.dynamic_gather %scan3A_217#8[%gather3A_719] in [0] : vector<16xf32>, vector<16xi32> -> vector<16xf32>
    %add3A_721 = arith.addf %scan3A_217#8, %gather3A_720 : vector<16xf32>
    %xor3A_722 = arith.constant 4 : i32
    %xor3A_723 = vector.broadcast %xor3A_722 : i32 to vector<16xi32>
    %xor3A_724 = arith.xori %iota3A_707, %xor3A_723 : vector<16xi32>
    %lt3A_725 = arith.constant 0 : i32
    %lt3A_726 = vector.broadcast %lt3A_725 : i32 to vector<16xi32>
    %lt3A_727 = arith.cmpi slt, %xor3A_724, %lt3A_726 : vector<16xi32>
    %add3A_728 = arith.constant 16 : i32
    %add3A_729 = vector.broadcast %add3A_728 : i32 to vector<16xi32>
    %add3A_730 = arith.addi %xor3A_724, %add3A_729 : vector<16xi32>
    %select_n3A_731 = arith.select %lt3A_727, %add3A_730, %xor3A_724 : vector<16xi1>, vector<16xi32>
    %broadcast_in_dim3A_732 = vector.shape_cast %select_n3A_731 : vector<16xi32> to vector<16x1xi32>
    %gather3A_733 = vector.shape_cast %broadcast_in_dim3A_732 : vector<16x1xi32> to vector<16xi32>
    %gather3A_734 = tpu.dynamic_gather %add3A_721[%gather3A_733] in [0] : vector<16xf32>, vector<16xi32> -> vector<16xf32>
    %add3A_735 = arith.addf %add3A_721, %gather3A_734 : vector<16xf32>
    %xor3A_736 = arith.constant 2 : i32
    %xor3A_737 = vector.broadcast %xor3A_736 : i32 to vector<16xi32>
    %xor3A_738 = arith.xori %iota3A_707, %xor3A_737 : vector<16xi32>
    %lt3A_739 = arith.constant 0 : i32
    %lt3A_740 = vector.broadcast %lt3A_739 : i32 to vector<16xi32>
    %lt3A_741 = arith.cmpi slt, %xor3A_738, %lt3A_740 : vector<16xi32>
    %add3A_742 = arith.constant 16 : i32
    %add3A_743 = vector.broadcast %add3A_742 : i32 to vector<16xi32>
    %add3A_744 = arith.addi %xor3A_738, %add3A_743 : vector<16xi32>
    %select_n3A_745 = arith.select %lt3A_741, %add3A_744, %xor3A_738 : vector<16xi1>, vector<16xi32>
    %broadcast_in_dim3A_746 = vector.shape_cast %select_n3A_745 : vector<16xi32> to vector<16x1xi32>
    %gather3A_747 = vector.shape_cast %broadcast_in_dim3A_746 : vector<16x1xi32> to vector<16xi32>
    %gather3A_748 = tpu.dynamic_gather %add3A_735[%gather3A_747] in [0] : vector<16xf32>, vector<16xi32> -> vector<16xf32>
    %add3A_749 = arith.addf %add3A_735, %gather3A_748 : vector<16xf32>
    %xor3A_750 = arith.constant 1 : i32
    %xor3A_751 = vector.broadcast %xor3A_750 : i32 to vector<16xi32>
    %xor3A_752 = arith.xori %iota3A_707, %xor3A_751 : vector<16xi32>
    %lt3A_753 = arith.constant 0 : i32
    %lt3A_754 = vector.broadcast %lt3A_753 : i32 to vector<16xi32>
    %lt3A_755 = arith.cmpi slt, %xor3A_752, %lt3A_754 : vector<16xi32>
    %add3A_756 = arith.constant 16 : i32
    %add3A_757 = vector.broadcast %add3A_756 : i32 to vector<16xi32>
    %add3A_758 = arith.addi %xor3A_752, %add3A_757 : vector<16xi32>
    %select_n3A_759 = arith.select %lt3A_755, %add3A_758, %xor3A_752 : vector<16xi1>, vector<16xi32>
    %broadcast_in_dim3A_760 = vector.shape_cast %select_n3A_759 : vector<16xi32> to vector<16x1xi32>
    %gather3A_761 = vector.shape_cast %broadcast_in_dim3A_760 : vector<16x1xi32> to vector<16xi32>
    %gather3A_762 = tpu.dynamic_gather %add3A_749[%gather3A_761] in [0] : vector<16xf32>, vector<16xi32> -> vector<16xf32>
    %add3A_763 = arith.addf %add3A_749, %gather3A_762 : vector<16xf32>
    %iota3A_764 = tpu.iota {dimensions = array<i32: 0>} : vector<16xi32>
    %xor3A_765 = arith.constant 8 : i32
    %xor3A_766 = vector.broadcast %xor3A_765 : i32 to vector<16xi32>
    %xor3A_767 = arith.xori %iota3A_764, %xor3A_766 : vector<16xi32>
    %lt3A_768 = arith.constant 0 : i32
    %lt3A_769 = vector.broadcast %lt3A_768 : i32 to vector<16xi32>
    %lt3A_770 = arith.cmpi slt, %xor3A_767, %lt3A_769 : vector<16xi32>
    %add3A_771 = arith.constant 16 : i32
    %add3A_772 = vector.broadcast %add3A_771 : i32 to vector<16xi32>
    %add3A_773 = arith.addi %xor3A_767, %add3A_772 : vector<16xi32>
    %select_n3A_774 = arith.select %lt3A_770, %add3A_773, %xor3A_767 : vector<16xi1>, vector<16xi32>
    %broadcast_in_dim3A_775 = vector.shape_cast %select_n3A_774 : vector<16xi32> to vector<16x1xi32>
    %gather3A_776 = vector.shape_cast %broadcast_in_dim3A_775 : vector<16x1xi32> to vector<16xi32>
    %gather3A_777 = tpu.dynamic_gather %scan3A_217#9[%gather3A_776] in [0] : vector<16xf32>, vector<16xi32> -> vector<16xf32>
    %add3A_778 = arith.addf %scan3A_217#9, %gather3A_777 : vector<16xf32>
    %xor3A_779 = arith.constant 4 : i32
    %xor3A_780 = vector.broadcast %xor3A_779 : i32 to vector<16xi32>
    %xor3A_781 = arith.xori %iota3A_764, %xor3A_780 : vector<16xi32>
    %lt3A_782 = arith.constant 0 : i32
    %lt3A_783 = vector.broadcast %lt3A_782 : i32 to vector<16xi32>
    %lt3A_784 = arith.cmpi slt, %xor3A_781, %lt3A_783 : vector<16xi32>
    %add3A_785 = arith.constant 16 : i32
    %add3A_786 = vector.broadcast %add3A_785 : i32 to vector<16xi32>
    %add3A_787 = arith.addi %xor3A_781, %add3A_786 : vector<16xi32>
    %select_n3A_788 = arith.select %lt3A_784, %add3A_787, %xor3A_781 : vector<16xi1>, vector<16xi32>
    %broadcast_in_dim3A_789 = vector.shape_cast %select_n3A_788 : vector<16xi32> to vector<16x1xi32>
    %gather3A_790 = vector.shape_cast %broadcast_in_dim3A_789 : vector<16x1xi32> to vector<16xi32>
    %gather3A_791 = tpu.dynamic_gather %add3A_778[%gather3A_790] in [0] : vector<16xf32>, vector<16xi32> -> vector<16xf32>
    %add3A_792 = arith.addf %add3A_778, %gather3A_791 : vector<16xf32>
    %xor3A_793 = arith.constant 2 : i32
    %xor3A_794 = vector.broadcast %xor3A_793 : i32 to vector<16xi32>
    %xor3A_795 = arith.xori %iota3A_764, %xor3A_794 : vector<16xi32>
    %lt3A_796 = arith.constant 0 : i32
    %lt3A_797 = vector.broadcast %lt3A_796 : i32 to vector<16xi32>
    %lt3A_798 = arith.cmpi slt, %xor3A_795, %lt3A_797 : vector<16xi32>
    %add3A_799 = arith.constant 16 : i32
    %add3A_800 = vector.broadcast %add3A_799 : i32 to vector<16xi32>
    %add3A_801 = arith.addi %xor3A_795, %add3A_800 : vector<16xi32>
    %select_n3A_802 = arith.select %lt3A_798, %add3A_801, %xor3A_795 : vector<16xi1>, vector<16xi32>
    %broadcast_in_dim3A_803 = vector.shape_cast %select_n3A_802 : vector<16xi32> to vector<16x1xi32>
    %gather3A_804 = vector.shape_cast %broadcast_in_dim3A_803 : vector<16x1xi32> to vector<16xi32>
    %gather3A_805 = tpu.dynamic_gather %add3A_792[%gather3A_804] in [0] : vector<16xf32>, vector<16xi32> -> vector<16xf32>
    %add3A_806 = arith.addf %add3A_792, %gather3A_805 : vector<16xf32>
    %xor3A_807 = arith.constant 1 : i32
    %xor3A_808 = vector.broadcast %xor3A_807 : i32 to vector<16xi32>
    %xor3A_809 = arith.xori %iota3A_764, %xor3A_808 : vector<16xi32>
    %lt3A_810 = arith.constant 0 : i32
    %lt3A_811 = vector.broadcast %lt3A_810 : i32 to vector<16xi32>
    %lt3A_812 = arith.cmpi slt, %xor3A_809, %lt3A_811 : vector<16xi32>
    %add3A_813 = arith.constant 16 : i32
    %add3A_814 = vector.broadcast %add3A_813 : i32 to vector<16xi32>
    %add3A_815 = arith.addi %xor3A_809, %add3A_814 : vector<16xi32>
    %select_n3A_816 = arith.select %lt3A_812, %add3A_815, %xor3A_809 : vector<16xi1>, vector<16xi32>
    %broadcast_in_dim3A_817 = vector.shape_cast %select_n3A_816 : vector<16xi32> to vector<16x1xi32>
    %gather3A_818 = vector.shape_cast %broadcast_in_dim3A_817 : vector<16x1xi32> to vector<16xi32>
    %gather3A_819 = tpu.dynamic_gather %add3A_806[%gather3A_818] in [0] : vector<16xf32>, vector<16xi32> -> vector<16xf32>
    %add3A_820 = arith.addf %add3A_806, %gather3A_819 : vector<16xf32>
    %iota3A_821 = tpu.iota {dimensions = array<i32: 0>} : vector<16xi32>
    %xor3A_822 = arith.constant 8 : i32
    %xor3A_823 = vector.broadcast %xor3A_822 : i32 to vector<16xi32>
    %xor3A_824 = arith.xori %iota3A_821, %xor3A_823 : vector<16xi32>
    %lt3A_825 = arith.constant 0 : i32
    %lt3A_826 = vector.broadcast %lt3A_825 : i32 to vector<16xi32>
    %lt3A_827 = arith.cmpi slt, %xor3A_824, %lt3A_826 : vector<16xi32>
    %add3A_828 = arith.constant 16 : i32
    %add3A_829 = vector.broadcast %add3A_828 : i32 to vector<16xi32>
    %add3A_830 = arith.addi %xor3A_824, %add3A_829 : vector<16xi32>
    %select_n3A_831 = arith.select %lt3A_827, %add3A_830, %xor3A_824 : vector<16xi1>, vector<16xi32>
    %broadcast_in_dim3A_832 = vector.shape_cast %select_n3A_831 : vector<16xi32> to vector<16x1xi32>
    %gather3A_833 = vector.shape_cast %broadcast_in_dim3A_832 : vector<16x1xi32> to vector<16xi32>
    %gather3A_834 = tpu.dynamic_gather %scan3A_217#10[%gather3A_833] in [0] : vector<16xf32>, vector<16xi32> -> vector<16xf32>
    %add3A_835 = arith.addf %scan3A_217#10, %gather3A_834 : vector<16xf32>
    %xor3A_836 = arith.constant 4 : i32
    %xor3A_837 = vector.broadcast %xor3A_836 : i32 to vector<16xi32>
    %xor3A_838 = arith.xori %iota3A_821, %xor3A_837 : vector<16xi32>
    %lt3A_839 = arith.constant 0 : i32
    %lt3A_840 = vector.broadcast %lt3A_839 : i32 to vector<16xi32>
    %lt3A_841 = arith.cmpi slt, %xor3A_838, %lt3A_840 : vector<16xi32>
    %add3A_842 = arith.constant 16 : i32
    %add3A_843 = vector.broadcast %add3A_842 : i32 to vector<16xi32>
    %add3A_844 = arith.addi %xor3A_838, %add3A_843 : vector<16xi32>
    %select_n3A_845 = arith.select %lt3A_841, %add3A_844, %xor3A_838 : vector<16xi1>, vector<16xi32>
    %broadcast_in_dim3A_846 = vector.shape_cast %select_n3A_845 : vector<16xi32> to vector<16x1xi32>
    %gather3A_847 = vector.shape_cast %broadcast_in_dim3A_846 : vector<16x1xi32> to vector<16xi32>
    %gather3A_848 = tpu.dynamic_gather %add3A_835[%gather3A_847] in [0] : vector<16xf32>, vector<16xi32> -> vector<16xf32>
    %add3A_849 = arith.addf %add3A_835, %gather3A_848 : vector<16xf32>
    %xor3A_850 = arith.constant 2 : i32
    %xor3A_851 = vector.broadcast %xor3A_850 : i32 to vector<16xi32>
    %xor3A_852 = arith.xori %iota3A_821, %xor3A_851 : vector<16xi32>
    %lt3A_853 = arith.constant 0 : i32
    %lt3A_854 = vector.broadcast %lt3A_853 : i32 to vector<16xi32>
    %lt3A_855 = arith.cmpi slt, %xor3A_852, %lt3A_854 : vector<16xi32>
    %add3A_856 = arith.constant 16 : i32
    %add3A_857 = vector.broadcast %add3A_856 : i32 to vector<16xi32>
    %add3A_858 = arith.addi %xor3A_852, %add3A_857 : vector<16xi32>
    %select_n3A_859 = arith.select %lt3A_855, %add3A_858, %xor3A_852 : vector<16xi1>, vector<16xi32>
    %broadcast_in_dim3A_860 = vector.shape_cast %select_n3A_859 : vector<16xi32> to vector<16x1xi32>
    %gather3A_861 = vector.shape_cast %broadcast_in_dim3A_860 : vector<16x1xi32> to vector<16xi32>
    %gather3A_862 = tpu.dynamic_gather %add3A_849[%gather3A_861] in [0] : vector<16xf32>, vector<16xi32> -> vector<16xf32>
    %add3A_863 = arith.addf %add3A_849, %gather3A_862 : vector<16xf32>
    %xor3A_864 = arith.constant 1 : i32
    %xor3A_865 = vector.broadcast %xor3A_864 : i32 to vector<16xi32>
    %xor3A_866 = arith.xori %iota3A_821, %xor3A_865 : vector<16xi32>
    %lt3A_867 = arith.constant 0 : i32
    %lt3A_868 = vector.broadcast %lt3A_867 : i32 to vector<16xi32>
    %lt3A_869 = arith.cmpi slt, %xor3A_866, %lt3A_868 : vector<16xi32>
    %add3A_870 = arith.constant 16 : i32
    %add3A_871 = vector.broadcast %add3A_870 : i32 to vector<16xi32>
    %add3A_872 = arith.addi %xor3A_866, %add3A_871 : vector<16xi32>
    %select_n3A_873 = arith.select %lt3A_869, %add3A_872, %xor3A_866 : vector<16xi1>, vector<16xi32>
    %broadcast_in_dim3A_874 = vector.shape_cast %select_n3A_873 : vector<16xi32> to vector<16x1xi32>
    %gather3A_875 = vector.shape_cast %broadcast_in_dim3A_874 : vector<16x1xi32> to vector<16xi32>
    %gather3A_876 = tpu.dynamic_gather %add3A_863[%gather3A_875] in [0] : vector<16xf32>, vector<16xi32> -> vector<16xf32>
    %add3A_877 = arith.addf %add3A_863, %gather3A_876 : vector<16xf32>
    %iota3A_878 = tpu.iota {dimensions = array<i32: 0>} : vector<16xi32>
    %xor3A_879 = arith.constant 8 : i32
    %xor3A_880 = vector.broadcast %xor3A_879 : i32 to vector<16xi32>
    %xor3A_881 = arith.xori %iota3A_878, %xor3A_880 : vector<16xi32>
    %lt3A_882 = arith.constant 0 : i32
    %lt3A_883 = vector.broadcast %lt3A_882 : i32 to vector<16xi32>
    %lt3A_884 = arith.cmpi slt, %xor3A_881, %lt3A_883 : vector<16xi32>
    %add3A_885 = arith.constant 16 : i32
    %add3A_886 = vector.broadcast %add3A_885 : i32 to vector<16xi32>
    %add3A_887 = arith.addi %xor3A_881, %add3A_886 : vector<16xi32>
    %select_n3A_888 = arith.select %lt3A_884, %add3A_887, %xor3A_881 : vector<16xi1>, vector<16xi32>
    %broadcast_in_dim3A_889 = vector.shape_cast %select_n3A_888 : vector<16xi32> to vector<16x1xi32>
    %gather3A_890 = vector.shape_cast %broadcast_in_dim3A_889 : vector<16x1xi32> to vector<16xi32>
    %gather3A_891 = tpu.dynamic_gather %scan3A_217#11[%gather3A_890] in [0] : vector<16xf32>, vector<16xi32> -> vector<16xf32>
    %add3A_892 = arith.addf %scan3A_217#11, %gather3A_891 : vector<16xf32>
    %xor3A_893 = arith.constant 4 : i32
    %xor3A_894 = vector.broadcast %xor3A_893 : i32 to vector<16xi32>
    %xor3A_895 = arith.xori %iota3A_878, %xor3A_894 : vector<16xi32>
    %lt3A_896 = arith.constant 0 : i32
    %lt3A_897 = vector.broadcast %lt3A_896 : i32 to vector<16xi32>
    %lt3A_898 = arith.cmpi slt, %xor3A_895, %lt3A_897 : vector<16xi32>
    %add3A_899 = arith.constant 16 : i32
    %add3A_900 = vector.broadcast %add3A_899 : i32 to vector<16xi32>
    %add3A_901 = arith.addi %xor3A_895, %add3A_900 : vector<16xi32>
    %select_n3A_902 = arith.select %lt3A_898, %add3A_901, %xor3A_895 : vector<16xi1>, vector<16xi32>
    %broadcast_in_dim3A_903 = vector.shape_cast %select_n3A_902 : vector<16xi32> to vector<16x1xi32>
    %gather3A_904 = vector.shape_cast %broadcast_in_dim3A_903 : vector<16x1xi32> to vector<16xi32>
    %gather3A_905 = tpu.dynamic_gather %add3A_892[%gather3A_904] in [0] : vector<16xf32>, vector<16xi32> -> vector<16xf32>
    %add3A_906 = arith.addf %add3A_892, %gather3A_905 : vector<16xf32>
    %xor3A_907 = arith.constant 2 : i32
    %xor3A_908 = vector.broadcast %xor3A_907 : i32 to vector<16xi32>
    %xor3A_909 = arith.xori %iota3A_878, %xor3A_908 : vector<16xi32>
    %lt3A_910 = arith.constant 0 : i32
    %lt3A_911 = vector.broadcast %lt3A_910 : i32 to vector<16xi32>
    %lt3A_912 = arith.cmpi slt, %xor3A_909, %lt3A_911 : vector<16xi32>
    %add3A_913 = arith.constant 16 : i32
    %add3A_914 = vector.broadcast %add3A_913 : i32 to vector<16xi32>
    %add3A_915 = arith.addi %xor3A_909, %add3A_914 : vector<16xi32>
    %select_n3A_916 = arith.select %lt3A_912, %add3A_915, %xor3A_909 : vector<16xi1>, vector<16xi32>
    %broadcast_in_dim3A_917 = vector.shape_cast %select_n3A_916 : vector<16xi32> to vector<16x1xi32>
    %gather3A_918 = vector.shape_cast %broadcast_in_dim3A_917 : vector<16x1xi32> to vector<16xi32>
    %gather3A_919 = tpu.dynamic_gather %add3A_906[%gather3A_918] in [0] : vector<16xf32>, vector<16xi32> -> vector<16xf32>
    %add3A_920 = arith.addf %add3A_906, %gather3A_919 : vector<16xf32>
    %xor3A_921 = arith.constant 1 : i32
    %xor3A_922 = vector.broadcast %xor3A_921 : i32 to vector<16xi32>
    %xor3A_923 = arith.xori %iota3A_878, %xor3A_922 : vector<16xi32>
    %lt3A_924 = arith.constant 0 : i32
    %lt3A_925 = vector.broadcast %lt3A_924 : i32 to vector<16xi32>
    %lt3A_926 = arith.cmpi slt, %xor3A_923, %lt3A_925 : vector<16xi32>
    %add3A_927 = arith.constant 16 : i32
    %add3A_928 = vector.broadcast %add3A_927 : i32 to vector<16xi32>
    %add3A_929 = arith.addi %xor3A_923, %add3A_928 : vector<16xi32>
    %select_n3A_930 = arith.select %lt3A_926, %add3A_929, %xor3A_923 : vector<16xi1>, vector<16xi32>
    %broadcast_in_dim3A_931 = vector.shape_cast %select_n3A_930 : vector<16xi32> to vector<16x1xi32>
    %gather3A_932 = vector.shape_cast %broadcast_in_dim3A_931 : vector<16x1xi32> to vector<16xi32>
    %gather3A_933 = tpu.dynamic_gather %add3A_920[%gather3A_932] in [0] : vector<16xf32>, vector<16xi32> -> vector<16xf32>
    %add3A_934 = arith.addf %add3A_920, %gather3A_933 : vector<16xf32>
    %iota3A_935 = tpu.iota {dimensions = array<i32: 0>} : vector<16xi32>
    %xor3A_936 = arith.constant 8 : i32
    %xor3A_937 = vector.broadcast %xor3A_936 : i32 to vector<16xi32>
    %xor3A_938 = arith.xori %iota3A_935, %xor3A_937 : vector<16xi32>
    %lt3A_939 = arith.constant 0 : i32
    %lt3A_940 = vector.broadcast %lt3A_939 : i32 to vector<16xi32>
    %lt3A_941 = arith.cmpi slt, %xor3A_938, %lt3A_940 : vector<16xi32>
    %add3A_942 = arith.constant 16 : i32
    %add3A_943 = vector.broadcast %add3A_942 : i32 to vector<16xi32>
    %add3A_944 = arith.addi %xor3A_938, %add3A_943 : vector<16xi32>
    %select_n3A_945 = arith.select %lt3A_941, %add3A_944, %xor3A_938 : vector<16xi1>, vector<16xi32>
    %broadcast_in_dim3A_946 = vector.shape_cast %select_n3A_945 : vector<16xi32> to vector<16x1xi32>
    %gather3A_947 = vector.shape_cast %broadcast_in_dim3A_946 : vector<16x1xi32> to vector<16xi32>
    %gather3A_948 = tpu.dynamic_gather %scan3A_217#12[%gather3A_947] in [0] : vector<16xf32>, vector<16xi32> -> vector<16xf32>
    %add3A_949 = arith.addf %scan3A_217#12, %gather3A_948 : vector<16xf32>
    %xor3A_950 = arith.constant 4 : i32
    %xor3A_951 = vector.broadcast %xor3A_950 : i32 to vector<16xi32>
    %xor3A_952 = arith.xori %iota3A_935, %xor3A_951 : vector<16xi32>
    %lt3A_953 = arith.constant 0 : i32
    %lt3A_954 = vector.broadcast %lt3A_953 : i32 to vector<16xi32>
    %lt3A_955 = arith.cmpi slt, %xor3A_952, %lt3A_954 : vector<16xi32>
    %add3A_956 = arith.constant 16 : i32
    %add3A_957 = vector.broadcast %add3A_956 : i32 to vector<16xi32>
    %add3A_958 = arith.addi %xor3A_952, %add3A_957 : vector<16xi32>
    %select_n3A_959 = arith.select %lt3A_955, %add3A_958, %xor3A_952 : vector<16xi1>, vector<16xi32>
    %broadcast_in_dim3A_960 = vector.shape_cast %select_n3A_959 : vector<16xi32> to vector<16x1xi32>
    %gather3A_961 = vector.shape_cast %broadcast_in_dim3A_960 : vector<16x1xi32> to vector<16xi32>
    %gather3A_962 = tpu.dynamic_gather %add3A_949[%gather3A_961] in [0] : vector<16xf32>, vector<16xi32> -> vector<16xf32>
    %add3A_963 = arith.addf %add3A_949, %gather3A_962 : vector<16xf32>
    %xor3A_964 = arith.constant 2 : i32
    %xor3A_965 = vector.broadcast %xor3A_964 : i32 to vector<16xi32>
    %xor3A_966 = arith.xori %iota3A_935, %xor3A_965 : vector<16xi32>
    %lt3A_967 = arith.constant 0 : i32
    %lt3A_968 = vector.broadcast %lt3A_967 : i32 to vector<16xi32>
    %lt3A_969 = arith.cmpi slt, %xor3A_966, %lt3A_968 : vector<16xi32>
    %add3A_970 = arith.constant 16 : i32
    %add3A_971 = vector.broadcast %add3A_970 : i32 to vector<16xi32>
    %add3A_972 = arith.addi %xor3A_966, %add3A_971 : vector<16xi32>
    %select_n3A_973 = arith.select %lt3A_969, %add3A_972, %xor3A_966 : vector<16xi1>, vector<16xi32>
    %broadcast_in_dim3A_974 = vector.shape_cast %select_n3A_973 : vector<16xi32> to vector<16x1xi32>
    %gather3A_975 = vector.shape_cast %broadcast_in_dim3A_974 : vector<16x1xi32> to vector<16xi32>
    %gather3A_976 = tpu.dynamic_gather %add3A_963[%gather3A_975] in [0] : vector<16xf32>, vector<16xi32> -> vector<16xf32>
    %add3A_977 = arith.addf %add3A_963, %gather3A_976 : vector<16xf32>
    %xor3A_978 = arith.constant 1 : i32
    %xor3A_979 = vector.broadcast %xor3A_978 : i32 to vector<16xi32>
    %xor3A_980 = arith.xori %iota3A_935, %xor3A_979 : vector<16xi32>
    %lt3A_981 = arith.constant 0 : i32
    %lt3A_982 = vector.broadcast %lt3A_981 : i32 to vector<16xi32>
    %lt3A_983 = arith.cmpi slt, %xor3A_980, %lt3A_982 : vector<16xi32>
    %add3A_984 = arith.constant 16 : i32
    %add3A_985 = vector.broadcast %add3A_984 : i32 to vector<16xi32>
    %add3A_986 = arith.addi %xor3A_980, %add3A_985 : vector<16xi32>
    %select_n3A_987 = arith.select %lt3A_983, %add3A_986, %xor3A_980 : vector<16xi1>, vector<16xi32>
    %broadcast_in_dim3A_988 = vector.shape_cast %select_n3A_987 : vector<16xi32> to vector<16x1xi32>
    %gather3A_989 = vector.shape_cast %broadcast_in_dim3A_988 : vector<16x1xi32> to vector<16xi32>
    %gather3A_990 = tpu.dynamic_gather %add3A_977[%gather3A_989] in [0] : vector<16xf32>, vector<16xi32> -> vector<16xf32>
    %add3A_991 = arith.addf %add3A_977, %gather3A_990 : vector<16xf32>
    %iota3A_992 = tpu.iota {dimensions = array<i32: 0>} : vector<16xi32>
    %xor3A_993 = arith.constant 8 : i32
    %xor3A_994 = vector.broadcast %xor3A_993 : i32 to vector<16xi32>
    %xor3A_995 = arith.xori %iota3A_992, %xor3A_994 : vector<16xi32>
    %lt3A_996 = arith.constant 0 : i32
    %lt3A_997 = vector.broadcast %lt3A_996 : i32 to vector<16xi32>
    %lt3A_998 = arith.cmpi slt, %xor3A_995, %lt3A_997 : vector<16xi32>
    %add3A_999 = arith.constant 16 : i32
    %add3A_1000 = vector.broadcast %add3A_999 : i32 to vector<16xi32>
    %add3A_1001 = arith.addi %xor3A_995, %add3A_1000 : vector<16xi32>
    %select_n3A_1002 = arith.select %lt3A_998, %add3A_1001, %xor3A_995 : vector<16xi1>, vector<16xi32>
    %broadcast_in_dim3A_1003 = vector.shape_cast %select_n3A_1002 : vector<16xi32> to vector<16x1xi32>
    %gather3A_1004 = vector.shape_cast %broadcast_in_dim3A_1003 : vector<16x1xi32> to vector<16xi32>
    %gather3A_1005 = tpu.dynamic_gather %scan3A_217#13[%gather3A_1004] in [0] : vector<16xf32>, vector<16xi32> -> vector<16xf32>
    %add3A_1006 = arith.addf %scan3A_217#13, %gather3A_1005 : vector<16xf32>
    %xor3A_1007 = arith.constant 4 : i32
    %xor3A_1008 = vector.broadcast %xor3A_1007 : i32 to vector<16xi32>
    %xor3A_1009 = arith.xori %iota3A_992, %xor3A_1008 : vector<16xi32>
    %lt3A_1010 = arith.constant 0 : i32
    %lt3A_1011 = vector.broadcast %lt3A_1010 : i32 to vector<16xi32>
    %lt3A_1012 = arith.cmpi slt, %xor3A_1009, %lt3A_1011 : vector<16xi32>
    %add3A_1013 = arith.constant 16 : i32
    %add3A_1014 = vector.broadcast %add3A_1013 : i32 to vector<16xi32>
    %add3A_1015 = arith.addi %xor3A_1009, %add3A_1014 : vector<16xi32>
    %select_n3A_1016 = arith.select %lt3A_1012, %add3A_1015, %xor3A_1009 : vector<16xi1>, vector<16xi32>
    %broadcast_in_dim3A_1017 = vector.shape_cast %select_n3A_1016 : vector<16xi32> to vector<16x1xi32>
    %gather3A_1018 = vector.shape_cast %broadcast_in_dim3A_1017 : vector<16x1xi32> to vector<16xi32>
    %gather3A_1019 = tpu.dynamic_gather %add3A_1006[%gather3A_1018] in [0] : vector<16xf32>, vector<16xi32> -> vector<16xf32>
    %add3A_1020 = arith.addf %add3A_1006, %gather3A_1019 : vector<16xf32>
    %xor3A_1021 = arith.constant 2 : i32
    %xor3A_1022 = vector.broadcast %xor3A_1021 : i32 to vector<16xi32>
    %xor3A_1023 = arith.xori %iota3A_992, %xor3A_1022 : vector<16xi32>
    %lt3A_1024 = arith.constant 0 : i32
    %lt3A_1025 = vector.broadcast %lt3A_1024 : i32 to vector<16xi32>
    %lt3A_1026 = arith.cmpi slt, %xor3A_1023, %lt3A_1025 : vector<16xi32>
    %add3A_1027 = arith.constant 16 : i32
    %add3A_1028 = vector.broadcast %add3A_1027 : i32 to vector<16xi32>
    %add3A_1029 = arith.addi %xor3A_1023, %add3A_1028 : vector<16xi32>
    %select_n3A_1030 = arith.select %lt3A_1026, %add3A_1029, %xor3A_1023 : vector<16xi1>, vector<16xi32>
    %broadcast_in_dim3A_1031 = vector.shape_cast %select_n3A_1030 : vector<16xi32> to vector<16x1xi32>
    %gather3A_1032 = vector.shape_cast %broadcast_in_dim3A_1031 : vector<16x1xi32> to vector<16xi32>
    %gather3A_1033 = tpu.dynamic_gather %add3A_1020[%gather3A_1032] in [0] : vector<16xf32>, vector<16xi32> -> vector<16xf32>
    %add3A_1034 = arith.addf %add3A_1020, %gather3A_1033 : vector<16xf32>
    %xor3A_1035 = arith.constant 1 : i32
    %xor3A_1036 = vector.broadcast %xor3A_1035 : i32 to vector<16xi32>
    %xor3A_1037 = arith.xori %iota3A_992, %xor3A_1036 : vector<16xi32>
    %lt3A_1038 = arith.constant 0 : i32
    %lt3A_1039 = vector.broadcast %lt3A_1038 : i32 to vector<16xi32>
    %lt3A_1040 = arith.cmpi slt, %xor3A_1037, %lt3A_1039 : vector<16xi32>
    %add3A_1041 = arith.constant 16 : i32
    %add3A_1042 = vector.broadcast %add3A_1041 : i32 to vector<16xi32>
    %add3A_1043 = arith.addi %xor3A_1037, %add3A_1042 : vector<16xi32>
    %select_n3A_1044 = arith.select %lt3A_1040, %add3A_1043, %xor3A_1037 : vector<16xi1>, vector<16xi32>
    %broadcast_in_dim3A_1045 = vector.shape_cast %select_n3A_1044 : vector<16xi32> to vector<16x1xi32>
    %gather3A_1046 = vector.shape_cast %broadcast_in_dim3A_1045 : vector<16x1xi32> to vector<16xi32>
    %gather3A_1047 = tpu.dynamic_gather %add3A_1034[%gather3A_1046] in [0] : vector<16xf32>, vector<16xi32> -> vector<16xf32>
    %add3A_1048 = arith.addf %add3A_1034, %gather3A_1047 : vector<16xf32>
    %iota3A_1049 = tpu.iota {dimensions = array<i32: 0>} : vector<16xi32>
    %xor3A_1050 = arith.constant 8 : i32
    %xor3A_1051 = vector.broadcast %xor3A_1050 : i32 to vector<16xi32>
    %xor3A_1052 = arith.xori %iota3A_1049, %xor3A_1051 : vector<16xi32>
    %lt3A_1053 = arith.constant 0 : i32
    %lt3A_1054 = vector.broadcast %lt3A_1053 : i32 to vector<16xi32>
    %lt3A_1055 = arith.cmpi slt, %xor3A_1052, %lt3A_1054 : vector<16xi32>
    %add3A_1056 = arith.constant 16 : i32
    %add3A_1057 = vector.broadcast %add3A_1056 : i32 to vector<16xi32>
    %add3A_1058 = arith.addi %xor3A_1052, %add3A_1057 : vector<16xi32>
    %select_n3A_1059 = arith.select %lt3A_1055, %add3A_1058, %xor3A_1052 : vector<16xi1>, vector<16xi32>
    %broadcast_in_dim3A_1060 = vector.shape_cast %select_n3A_1059 : vector<16xi32> to vector<16x1xi32>
    %gather3A_1061 = vector.shape_cast %broadcast_in_dim3A_1060 : vector<16x1xi32> to vector<16xi32>
    %gather3A_1062 = tpu.dynamic_gather %scan3A_217#14[%gather3A_1061] in [0] : vector<16xf32>, vector<16xi32> -> vector<16xf32>
    %add3A_1063 = arith.addf %scan3A_217#14, %gather3A_1062 : vector<16xf32>
    %xor3A_1064 = arith.constant 4 : i32
    %xor3A_1065 = vector.broadcast %xor3A_1064 : i32 to vector<16xi32>
    %xor3A_1066 = arith.xori %iota3A_1049, %xor3A_1065 : vector<16xi32>
    %lt3A_1067 = arith.constant 0 : i32
    %lt3A_1068 = vector.broadcast %lt3A_1067 : i32 to vector<16xi32>
    %lt3A_1069 = arith.cmpi slt, %xor3A_1066, %lt3A_1068 : vector<16xi32>
    %add3A_1070 = arith.constant 16 : i32
    %add3A_1071 = vector.broadcast %add3A_1070 : i32 to vector<16xi32>
    %add3A_1072 = arith.addi %xor3A_1066, %add3A_1071 : vector<16xi32>
    %select_n3A_1073 = arith.select %lt3A_1069, %add3A_1072, %xor3A_1066 : vector<16xi1>, vector<16xi32>
    %broadcast_in_dim3A_1074 = vector.shape_cast %select_n3A_1073 : vector<16xi32> to vector<16x1xi32>
    %gather3A_1075 = vector.shape_cast %broadcast_in_dim3A_1074 : vector<16x1xi32> to vector<16xi32>
    %gather3A_1076 = tpu.dynamic_gather %add3A_1063[%gather3A_1075] in [0] : vector<16xf32>, vector<16xi32> -> vector<16xf32>
    %add3A_1077 = arith.addf %add3A_1063, %gather3A_1076 : vector<16xf32>
    %xor3A_1078 = arith.constant 2 : i32
    %xor3A_1079 = vector.broadcast %xor3A_1078 : i32 to vector<16xi32>
    %xor3A_1080 = arith.xori %iota3A_1049, %xor3A_1079 : vector<16xi32>
    %lt3A_1081 = arith.constant 0 : i32
    %lt3A_1082 = vector.broadcast %lt3A_1081 : i32 to vector<16xi32>
    %lt3A_1083 = arith.cmpi slt, %xor3A_1080, %lt3A_1082 : vector<16xi32>
    %add3A_1084 = arith.constant 16 : i32
    %add3A_1085 = vector.broadcast %add3A_1084 : i32 to vector<16xi32>
    %add3A_1086 = arith.addi %xor3A_1080, %add3A_1085 : vector<16xi32>
    %select_n3A_1087 = arith.select %lt3A_1083, %add3A_1086, %xor3A_1080 : vector<16xi1>, vector<16xi32>
    %broadcast_in_dim3A_1088 = vector.shape_cast %select_n3A_1087 : vector<16xi32> to vector<16x1xi32>
    %gather3A_1089 = vector.shape_cast %broadcast_in_dim3A_1088 : vector<16x1xi32> to vector<16xi32>
    %gather3A_1090 = tpu.dynamic_gather %add3A_1077[%gather3A_1089] in [0] : vector<16xf32>, vector<16xi32> -> vector<16xf32>
    %add3A_1091 = arith.addf %add3A_1077, %gather3A_1090 : vector<16xf32>
    %xor3A_1092 = arith.constant 1 : i32
    %xor3A_1093 = vector.broadcast %xor3A_1092 : i32 to vector<16xi32>
    %xor3A_1094 = arith.xori %iota3A_1049, %xor3A_1093 : vector<16xi32>
    %lt3A_1095 = arith.constant 0 : i32
    %lt3A_1096 = vector.broadcast %lt3A_1095 : i32 to vector<16xi32>
    %lt3A_1097 = arith.cmpi slt, %xor3A_1094, %lt3A_1096 : vector<16xi32>
    %add3A_1098 = arith.constant 16 : i32
    %add3A_1099 = vector.broadcast %add3A_1098 : i32 to vector<16xi32>
    %add3A_1100 = arith.addi %xor3A_1094, %add3A_1099 : vector<16xi32>
    %select_n3A_1101 = arith.select %lt3A_1097, %add3A_1100, %xor3A_1094 : vector<16xi1>, vector<16xi32>
    %broadcast_in_dim3A_1102 = vector.shape_cast %select_n3A_1101 : vector<16xi32> to vector<16x1xi32>
    %gather3A_1103 = vector.shape_cast %broadcast_in_dim3A_1102 : vector<16x1xi32> to vector<16xi32>
    %gather3A_1104 = tpu.dynamic_gather %add3A_1091[%gather3A_1103] in [0] : vector<16xf32>, vector<16xi32> -> vector<16xf32>
    %add3A_1105 = arith.addf %add3A_1091, %gather3A_1104 : vector<16xf32>
    %iota3A_1106 = tpu.iota {dimensions = array<i32: 0>} : vector<16xi32>
    %xor3A_1107 = arith.constant 8 : i32
    %xor3A_1108 = vector.broadcast %xor3A_1107 : i32 to vector<16xi32>
    %xor3A_1109 = arith.xori %iota3A_1106, %xor3A_1108 : vector<16xi32>
    %lt3A_1110 = arith.constant 0 : i32
    %lt3A_1111 = vector.broadcast %lt3A_1110 : i32 to vector<16xi32>
    %lt3A_1112 = arith.cmpi slt, %xor3A_1109, %lt3A_1111 : vector<16xi32>
    %add3A_1113 = arith.constant 16 : i32
    %add3A_1114 = vector.broadcast %add3A_1113 : i32 to vector<16xi32>
    %add3A_1115 = arith.addi %xor3A_1109, %add3A_1114 : vector<16xi32>
    %select_n3A_1116 = arith.select %lt3A_1112, %add3A_1115, %xor3A_1109 : vector<16xi1>, vector<16xi32>
    %broadcast_in_dim3A_1117 = vector.shape_cast %select_n3A_1116 : vector<16xi32> to vector<16x1xi32>
    %gather3A_1118 = vector.shape_cast %broadcast_in_dim3A_1117 : vector<16x1xi32> to vector<16xi32>
    %gather3A_1119 = tpu.dynamic_gather %scan3A_217#15[%gather3A_1118] in [0] : vector<16xf32>, vector<16xi32> -> vector<16xf32>
    %add3A_1120 = arith.addf %scan3A_217#15, %gather3A_1119 : vector<16xf32>
    %xor3A_1121 = arith.constant 4 : i32
    %xor3A_1122 = vector.broadcast %xor3A_1121 : i32 to vector<16xi32>
    %xor3A_1123 = arith.xori %iota3A_1106, %xor3A_1122 : vector<16xi32>
    %lt3A_1124 = arith.constant 0 : i32
    %lt3A_1125 = vector.broadcast %lt3A_1124 : i32 to vector<16xi32>
    %lt3A_1126 = arith.cmpi slt, %xor3A_1123, %lt3A_1125 : vector<16xi32>
    %add3A_1127 = arith.constant 16 : i32
    %add3A_1128 = vector.broadcast %add3A_1127 : i32 to vector<16xi32>
    %add3A_1129 = arith.addi %xor3A_1123, %add3A_1128 : vector<16xi32>
    %select_n3A_1130 = arith.select %lt3A_1126, %add3A_1129, %xor3A_1123 : vector<16xi1>, vector<16xi32>
    %broadcast_in_dim3A_1131 = vector.shape_cast %select_n3A_1130 : vector<16xi32> to vector<16x1xi32>
    %gather3A_1132 = vector.shape_cast %broadcast_in_dim3A_1131 : vector<16x1xi32> to vector<16xi32>
    %gather3A_1133 = tpu.dynamic_gather %add3A_1120[%gather3A_1132] in [0] : vector<16xf32>, vector<16xi32> -> vector<16xf32>
    %add3A_1134 = arith.addf %add3A_1120, %gather3A_1133 : vector<16xf32>
    %xor3A_1135 = arith.constant 2 : i32
    %xor3A_1136 = vector.broadcast %xor3A_1135 : i32 to vector<16xi32>
    %xor3A_1137 = arith.xori %iota3A_1106, %xor3A_1136 : vector<16xi32>
    %lt3A_1138 = arith.constant 0 : i32
    %lt3A_1139 = vector.broadcast %lt3A_1138 : i32 to vector<16xi32>
    %lt3A_1140 = arith.cmpi slt, %xor3A_1137, %lt3A_1139 : vector<16xi32>
    %add3A_1141 = arith.constant 16 : i32
    %add3A_1142 = vector.broadcast %add3A_1141 : i32 to vector<16xi32>
    %add3A_1143 = arith.addi %xor3A_1137, %add3A_1142 : vector<16xi32>
    %select_n3A_1144 = arith.select %lt3A_1140, %add3A_1143, %xor3A_1137 : vector<16xi1>, vector<16xi32>
    %broadcast_in_dim3A_1145 = vector.shape_cast %select_n3A_1144 : vector<16xi32> to vector<16x1xi32>
    %gather3A_1146 = vector.shape_cast %broadcast_in_dim3A_1145 : vector<16x1xi32> to vector<16xi32>
    %gather3A_1147 = tpu.dynamic_gather %add3A_1134[%gather3A_1146] in [0] : vector<16xf32>, vector<16xi32> -> vector<16xf32>
    %add3A_1148 = arith.addf %add3A_1134, %gather3A_1147 : vector<16xf32>
    %xor3A_1149 = arith.constant 1 : i32
    %xor3A_1150 = vector.broadcast %xor3A_1149 : i32 to vector<16xi32>
    %xor3A_1151 = arith.xori %iota3A_1106, %xor3A_1150 : vector<16xi32>
    %lt3A_1152 = arith.constant 0 : i32
    %lt3A_1153 = vector.broadcast %lt3A_1152 : i32 to vector<16xi32>
    %lt3A_1154 = arith.cmpi slt, %xor3A_1151, %lt3A_1153 : vector<16xi32>
    %add3A_1155 = arith.constant 16 : i32
    %add3A_1156 = vector.broadcast %add3A_1155 : i32 to vector<16xi32>
    %add3A_1157 = arith.addi %xor3A_1151, %add3A_1156 : vector<16xi32>
    %select_n3A_1158 = arith.select %lt3A_1154, %add3A_1157, %xor3A_1151 : vector<16xi1>, vector<16xi32>
    %broadcast_in_dim3A_1159 = vector.shape_cast %select_n3A_1158 : vector<16xi32> to vector<16x1xi32>
    %gather3A_1160 = vector.shape_cast %broadcast_in_dim3A_1159 : vector<16x1xi32> to vector<16xi32>
    %gather3A_1161 = tpu.dynamic_gather %add3A_1148[%gather3A_1160] in [0] : vector<16xf32>, vector<16xi32> -> vector<16xf32>
    %add3A_1162 = arith.addf %add3A_1148, %gather3A_1161 : vector<16xf32>
    %iota3A_1163 = tpu.iota {dimensions = array<i32: 0>} : vector<16xi32>
    %xor3A_1164 = arith.constant 8 : i32
    %xor3A_1165 = vector.broadcast %xor3A_1164 : i32 to vector<16xi32>
    %xor3A_1166 = arith.xori %iota3A_1163, %xor3A_1165 : vector<16xi32>
    %lt3A_1167 = arith.constant 0 : i32
    %lt3A_1168 = vector.broadcast %lt3A_1167 : i32 to vector<16xi32>
    %lt3A_1169 = arith.cmpi slt, %xor3A_1166, %lt3A_1168 : vector<16xi32>
    %add3A_1170 = arith.constant 16 : i32
    %add3A_1171 = vector.broadcast %add3A_1170 : i32 to vector<16xi32>
    %add3A_1172 = arith.addi %xor3A_1166, %add3A_1171 : vector<16xi32>
    %select_n3A_1173 = arith.select %lt3A_1169, %add3A_1172, %xor3A_1166 : vector<16xi1>, vector<16xi32>
    %broadcast_in_dim3A_1174 = vector.shape_cast %select_n3A_1173 : vector<16xi32> to vector<16x1xi32>
    %gather3A_1175 = vector.shape_cast %broadcast_in_dim3A_1174 : vector<16x1xi32> to vector<16xi32>
    %gather3A_1176 = tpu.dynamic_gather %scan3A_217#16[%gather3A_1175] in [0] : vector<16xf32>, vector<16xi32> -> vector<16xf32>
    %add3A_1177 = arith.addf %scan3A_217#16, %gather3A_1176 : vector<16xf32>
    %xor3A_1178 = arith.constant 4 : i32
    %xor3A_1179 = vector.broadcast %xor3A_1178 : i32 to vector<16xi32>
    %xor3A_1180 = arith.xori %iota3A_1163, %xor3A_1179 : vector<16xi32>
    %lt3A_1181 = arith.constant 0 : i32
    %lt3A_1182 = vector.broadcast %lt3A_1181 : i32 to vector<16xi32>
    %lt3A_1183 = arith.cmpi slt, %xor3A_1180, %lt3A_1182 : vector<16xi32>
    %add3A_1184 = arith.constant 16 : i32
    %add3A_1185 = vector.broadcast %add3A_1184 : i32 to vector<16xi32>
    %add3A_1186 = arith.addi %xor3A_1180, %add3A_1185 : vector<16xi32>
    %select_n3A_1187 = arith.select %lt3A_1183, %add3A_1186, %xor3A_1180 : vector<16xi1>, vector<16xi32>
    %broadcast_in_dim3A_1188 = vector.shape_cast %select_n3A_1187 : vector<16xi32> to vector<16x1xi32>
    %gather3A_1189 = vector.shape_cast %broadcast_in_dim3A_1188 : vector<16x1xi32> to vector<16xi32>
    %gather3A_1190 = tpu.dynamic_gather %add3A_1177[%gather3A_1189] in [0] : vector<16xf32>, vector<16xi32> -> vector<16xf32>
    %add3A_1191 = arith.addf %add3A_1177, %gather3A_1190 : vector<16xf32>
    %xor3A_1192 = arith.constant 2 : i32
    %xor3A_1193 = vector.broadcast %xor3A_1192 : i32 to vector<16xi32>
    %xor3A_1194 = arith.xori %iota3A_1163, %xor3A_1193 : vector<16xi32>
    %lt3A_1195 = arith.constant 0 : i32
    %lt3A_1196 = vector.broadcast %lt3A_1195 : i32 to vector<16xi32>
    %lt3A_1197 = arith.cmpi slt, %xor3A_1194, %lt3A_1196 : vector<16xi32>
    %add3A_1198 = arith.constant 16 : i32
    %add3A_1199 = vector.broadcast %add3A_1198 : i32 to vector<16xi32>
    %add3A_1200 = arith.addi %xor3A_1194, %add3A_1199 : vector<16xi32>
    %select_n3A_1201 = arith.select %lt3A_1197, %add3A_1200, %xor3A_1194 : vector<16xi1>, vector<16xi32>
    %broadcast_in_dim3A_1202 = vector.shape_cast %select_n3A_1201 : vector<16xi32> to vector<16x1xi32>
    %gather3A_1203 = vector.shape_cast %broadcast_in_dim3A_1202 : vector<16x1xi32> to vector<16xi32>
    %gather3A_1204 = tpu.dynamic_gather %add3A_1191[%gather3A_1203] in [0] : vector<16xf32>, vector<16xi32> -> vector<16xf32>
    %add3A_1205 = arith.addf %add3A_1191, %gather3A_1204 : vector<16xf32>
    %xor3A_1206 = arith.constant 1 : i32
    %xor3A_1207 = vector.broadcast %xor3A_1206 : i32 to vector<16xi32>
    %xor3A_1208 = arith.xori %iota3A_1163, %xor3A_1207 : vector<16xi32>
    %lt3A_1209 = arith.constant 0 : i32
    %lt3A_1210 = vector.broadcast %lt3A_1209 : i32 to vector<16xi32>
    %lt3A_1211 = arith.cmpi slt, %xor3A_1208, %lt3A_1210 : vector<16xi32>
    %add3A_1212 = arith.constant 16 : i32
    %add3A_1213 = vector.broadcast %add3A_1212 : i32 to vector<16xi32>
    %add3A_1214 = arith.addi %xor3A_1208, %add3A_1213 : vector<16xi32>
    %select_n3A_1215 = arith.select %lt3A_1211, %add3A_1214, %xor3A_1208 : vector<16xi1>, vector<16xi32>
    %broadcast_in_dim3A_1216 = vector.shape_cast %select_n3A_1215 : vector<16xi32> to vector<16x1xi32>
    %gather3A_1217 = vector.shape_cast %broadcast_in_dim3A_1216 : vector<16x1xi32> to vector<16xi32>
    %gather3A_1218 = tpu.dynamic_gather %add3A_1205[%gather3A_1217] in [0] : vector<16xf32>, vector<16xi32> -> vector<16xf32>
    %add3A_1219 = arith.addf %add3A_1205, %gather3A_1218 : vector<16xf32>
    %iota3A_1220 = tpu.iota {dimensions = array<i32: 0>} : vector<16xi32>
    %xor3A_1221 = arith.constant 8 : i32
    %xor3A_1222 = vector.broadcast %xor3A_1221 : i32 to vector<16xi32>
    %xor3A_1223 = arith.xori %iota3A_1220, %xor3A_1222 : vector<16xi32>
    %lt3A_1224 = arith.constant 0 : i32
    %lt3A_1225 = vector.broadcast %lt3A_1224 : i32 to vector<16xi32>
    %lt3A_1226 = arith.cmpi slt, %xor3A_1223, %lt3A_1225 : vector<16xi32>
    %add3A_1227 = arith.constant 16 : i32
    %add3A_1228 = vector.broadcast %add3A_1227 : i32 to vector<16xi32>
    %add3A_1229 = arith.addi %xor3A_1223, %add3A_1228 : vector<16xi32>
    %select_n3A_1230 = arith.select %lt3A_1226, %add3A_1229, %xor3A_1223 : vector<16xi1>, vector<16xi32>
    %broadcast_in_dim3A_1231 = vector.shape_cast %select_n3A_1230 : vector<16xi32> to vector<16x1xi32>
    %gather3A_1232 = vector.shape_cast %broadcast_in_dim3A_1231 : vector<16x1xi32> to vector<16xi32>
    %gather3A_1233 = tpu.dynamic_gather %scan3A_217#17[%gather3A_1232] in [0] : vector<16xf32>, vector<16xi32> -> vector<16xf32>
    %add3A_1234 = arith.addf %scan3A_217#17, %gather3A_1233 : vector<16xf32>
    %xor3A_1235 = arith.constant 4 : i32
    %xor3A_1236 = vector.broadcast %xor3A_1235 : i32 to vector<16xi32>
    %xor3A_1237 = arith.xori %iota3A_1220, %xor3A_1236 : vector<16xi32>
    %lt3A_1238 = arith.constant 0 : i32
    %lt3A_1239 = vector.broadcast %lt3A_1238 : i32 to vector<16xi32>
    %lt3A_1240 = arith.cmpi slt, %xor3A_1237, %lt3A_1239 : vector<16xi32>
    %add3A_1241 = arith.constant 16 : i32
    %add3A_1242 = vector.broadcast %add3A_1241 : i32 to vector<16xi32>
    %add3A_1243 = arith.addi %xor3A_1237, %add3A_1242 : vector<16xi32>
    %select_n3A_1244 = arith.select %lt3A_1240, %add3A_1243, %xor3A_1237 : vector<16xi1>, vector<16xi32>
    %broadcast_in_dim3A_1245 = vector.shape_cast %select_n3A_1244 : vector<16xi32> to vector<16x1xi32>
    %gather3A_1246 = vector.shape_cast %broadcast_in_dim3A_1245 : vector<16x1xi32> to vector<16xi32>
    %gather3A_1247 = tpu.dynamic_gather %add3A_1234[%gather3A_1246] in [0] : vector<16xf32>, vector<16xi32> -> vector<16xf32>
    %add3A_1248 = arith.addf %add3A_1234, %gather3A_1247 : vector<16xf32>
    %xor3A_1249 = arith.constant 2 : i32
    %xor3A_1250 = vector.broadcast %xor3A_1249 : i32 to vector<16xi32>
    %xor3A_1251 = arith.xori %iota3A_1220, %xor3A_1250 : vector<16xi32>
    %lt3A_1252 = arith.constant 0 : i32
    %lt3A_1253 = vector.broadcast %lt3A_1252 : i32 to vector<16xi32>
    %lt3A_1254 = arith.cmpi slt, %xor3A_1251, %lt3A_1253 : vector<16xi32>
    %add3A_1255 = arith.constant 16 : i32
    %add3A_1256 = vector.broadcast %add3A_1255 : i32 to vector<16xi32>
    %add3A_1257 = arith.addi %xor3A_1251, %add3A_1256 : vector<16xi32>
    %select_n3A_1258 = arith.select %lt3A_1254, %add3A_1257, %xor3A_1251 : vector<16xi1>, vector<16xi32>
    %broadcast_in_dim3A_1259 = vector.shape_cast %select_n3A_1258 : vector<16xi32> to vector<16x1xi32>
    %gather3A_1260 = vector.shape_cast %broadcast_in_dim3A_1259 : vector<16x1xi32> to vector<16xi32>
    %gather3A_1261 = tpu.dynamic_gather %add3A_1248[%gather3A_1260] in [0] : vector<16xf32>, vector<16xi32> -> vector<16xf32>
    %add3A_1262 = arith.addf %add3A_1248, %gather3A_1261 : vector<16xf32>
    %xor3A_1263 = arith.constant 1 : i32
    %xor3A_1264 = vector.broadcast %xor3A_1263 : i32 to vector<16xi32>
    %xor3A_1265 = arith.xori %iota3A_1220, %xor3A_1264 : vector<16xi32>
    %lt3A_1266 = arith.constant 0 : i32
    %lt3A_1267 = vector.broadcast %lt3A_1266 : i32 to vector<16xi32>
    %lt3A_1268 = arith.cmpi slt, %xor3A_1265, %lt3A_1267 : vector<16xi32>
    %add3A_1269 = arith.constant 16 : i32
    %add3A_1270 = vector.broadcast %add3A_1269 : i32 to vector<16xi32>
    %add3A_1271 = arith.addi %xor3A_1265, %add3A_1270 : vector<16xi32>
    %select_n3A_1272 = arith.select %lt3A_1268, %add3A_1271, %xor3A_1265 : vector<16xi1>, vector<16xi32>
    %broadcast_in_dim3A_1273 = vector.shape_cast %select_n3A_1272 : vector<16xi32> to vector<16x1xi32>
    %gather3A_1274 = vector.shape_cast %broadcast_in_dim3A_1273 : vector<16x1xi32> to vector<16xi32>
    %gather3A_1275 = tpu.dynamic_gather %add3A_1262[%gather3A_1274] in [0] : vector<16xf32>, vector<16xi32> -> vector<16xf32>
    %add3A_1276 = arith.addf %add3A_1262, %gather3A_1275 : vector<16xf32>
    %iota3A_1277 = tpu.iota {dimensions = array<i32: 0>} : vector<16xi32>
    %xor3A_1278 = arith.constant 8 : i32
    %xor3A_1279 = vector.broadcast %xor3A_1278 : i32 to vector<16xi32>
    %xor3A_1280 = arith.xori %iota3A_1277, %xor3A_1279 : vector<16xi32>
    %lt3A_1281 = arith.constant 0 : i32
    %lt3A_1282 = vector.broadcast %lt3A_1281 : i32 to vector<16xi32>
    %lt3A_1283 = arith.cmpi slt, %xor3A_1280, %lt3A_1282 : vector<16xi32>
    %add3A_1284 = arith.constant 16 : i32
    %add3A_1285 = vector.broadcast %add3A_1284 : i32 to vector<16xi32>
    %add3A_1286 = arith.addi %xor3A_1280, %add3A_1285 : vector<16xi32>
    %select_n3A_1287 = arith.select %lt3A_1283, %add3A_1286, %xor3A_1280 : vector<16xi1>, vector<16xi32>
    %broadcast_in_dim3A_1288 = vector.shape_cast %select_n3A_1287 : vector<16xi32> to vector<16x1xi32>
    %gather3A_1289 = vector.shape_cast %broadcast_in_dim3A_1288 : vector<16x1xi32> to vector<16xi32>
    %gather3A_1290 = tpu.dynamic_gather %scan3A_217#18[%gather3A_1289] in [0] : vector<16xf32>, vector<16xi32> -> vector<16xf32>
    %add3A_1291 = arith.addf %scan3A_217#18, %gather3A_1290 : vector<16xf32>
    %xor3A_1292 = arith.constant 4 : i32
    %xor3A_1293 = vector.broadcast %xor3A_1292 : i32 to vector<16xi32>
    %xor3A_1294 = arith.xori %iota3A_1277, %xor3A_1293 : vector<16xi32>
    %lt3A_1295 = arith.constant 0 : i32
    %lt3A_1296 = vector.broadcast %lt3A_1295 : i32 to vector<16xi32>
    %lt3A_1297 = arith.cmpi slt, %xor3A_1294, %lt3A_1296 : vector<16xi32>
    %add3A_1298 = arith.constant 16 : i32
    %add3A_1299 = vector.broadcast %add3A_1298 : i32 to vector<16xi32>
    %add3A_1300 = arith.addi %xor3A_1294, %add3A_1299 : vector<16xi32>
    %select_n3A_1301 = arith.select %lt3A_1297, %add3A_1300, %xor3A_1294 : vector<16xi1>, vector<16xi32>
    %broadcast_in_dim3A_1302 = vector.shape_cast %select_n3A_1301 : vector<16xi32> to vector<16x1xi32>
    %gather3A_1303 = vector.shape_cast %broadcast_in_dim3A_1302 : vector<16x1xi32> to vector<16xi32>
    %gather3A_1304 = tpu.dynamic_gather %add3A_1291[%gather3A_1303] in [0] : vector<16xf32>, vector<16xi32> -> vector<16xf32>
    %add3A_1305 = arith.addf %add3A_1291, %gather3A_1304 : vector<16xf32>
    %xor3A_1306 = arith.constant 2 : i32
    %xor3A_1307 = vector.broadcast %xor3A_1306 : i32 to vector<16xi32>
    %xor3A_1308 = arith.xori %iota3A_1277, %xor3A_1307 : vector<16xi32>
    %lt3A_1309 = arith.constant 0 : i32
    %lt3A_1310 = vector.broadcast %lt3A_1309 : i32 to vector<16xi32>
    %lt3A_1311 = arith.cmpi slt, %xor3A_1308, %lt3A_1310 : vector<16xi32>
    %add3A_1312 = arith.constant 16 : i32
    %add3A_1313 = vector.broadcast %add3A_1312 : i32 to vector<16xi32>
    %add3A_1314 = arith.addi %xor3A_1308, %add3A_1313 : vector<16xi32>
    %select_n3A_1315 = arith.select %lt3A_1311, %add3A_1314, %xor3A_1308 : vector<16xi1>, vector<16xi32>
    %broadcast_in_dim3A_1316 = vector.shape_cast %select_n3A_1315 : vector<16xi32> to vector<16x1xi32>
    %gather3A_1317 = vector.shape_cast %broadcast_in_dim3A_1316 : vector<16x1xi32> to vector<16xi32>
    %gather3A_1318 = tpu.dynamic_gather %add3A_1305[%gather3A_1317] in [0] : vector<16xf32>, vector<16xi32> -> vector<16xf32>
    %add3A_1319 = arith.addf %add3A_1305, %gather3A_1318 : vector<16xf32>
    %xor3A_1320 = arith.constant 1 : i32
    %xor3A_1321 = vector.broadcast %xor3A_1320 : i32 to vector<16xi32>
    %xor3A_1322 = arith.xori %iota3A_1277, %xor3A_1321 : vector<16xi32>
    %lt3A_1323 = arith.constant 0 : i32
    %lt3A_1324 = vector.broadcast %lt3A_1323 : i32 to vector<16xi32>
    %lt3A_1325 = arith.cmpi slt, %xor3A_1322, %lt3A_1324 : vector<16xi32>
    %add3A_1326 = arith.constant 16 : i32
    %add3A_1327 = vector.broadcast %add3A_1326 : i32 to vector<16xi32>
    %add3A_1328 = arith.addi %xor3A_1322, %add3A_1327 : vector<16xi32>
    %select_n3A_1329 = arith.select %lt3A_1325, %add3A_1328, %xor3A_1322 : vector<16xi1>, vector<16xi32>
    %broadcast_in_dim3A_1330 = vector.shape_cast %select_n3A_1329 : vector<16xi32> to vector<16x1xi32>
    %gather3A_1331 = vector.shape_cast %broadcast_in_dim3A_1330 : vector<16x1xi32> to vector<16xi32>
    %gather3A_1332 = tpu.dynamic_gather %add3A_1319[%gather3A_1331] in [0] : vector<16xf32>, vector<16xi32> -> vector<16xf32>
    %add3A_1333 = arith.addf %add3A_1319, %gather3A_1332 : vector<16xf32>
    %iota3A_1334 = tpu.iota {dimensions = array<i32: 0>} : vector<16xi32>
    %xor3A_1335 = arith.constant 8 : i32
    %xor3A_1336 = vector.broadcast %xor3A_1335 : i32 to vector<16xi32>
    %xor3A_1337 = arith.xori %iota3A_1334, %xor3A_1336 : vector<16xi32>
    %lt3A_1338 = arith.constant 0 : i32
    %lt3A_1339 = vector.broadcast %lt3A_1338 : i32 to vector<16xi32>
    %lt3A_1340 = arith.cmpi slt, %xor3A_1337, %lt3A_1339 : vector<16xi32>
    %add3A_1341 = arith.constant 16 : i32
    %add3A_1342 = vector.broadcast %add3A_1341 : i32 to vector<16xi32>
    %add3A_1343 = arith.addi %xor3A_1337, %add3A_1342 : vector<16xi32>
    %select_n3A_1344 = arith.select %lt3A_1340, %add3A_1343, %xor3A_1337 : vector<16xi1>, vector<16xi32>
    %broadcast_in_dim3A_1345 = vector.shape_cast %select_n3A_1344 : vector<16xi32> to vector<16x1xi32>
    %gather3A_1346 = vector.shape_cast %broadcast_in_dim3A_1345 : vector<16x1xi32> to vector<16xi32>
    %gather3A_1347 = tpu.dynamic_gather %scan3A_217#19[%gather3A_1346] in [0] : vector<16xf32>, vector<16xi32> -> vector<16xf32>
    %add3A_1348 = arith.addf %scan3A_217#19, %gather3A_1347 : vector<16xf32>
    %xor3A_1349 = arith.constant 4 : i32
    %xor3A_1350 = vector.broadcast %xor3A_1349 : i32 to vector<16xi32>
    %xor3A_1351 = arith.xori %iota3A_1334, %xor3A_1350 : vector<16xi32>
    %lt3A_1352 = arith.constant 0 : i32
    %lt3A_1353 = vector.broadcast %lt3A_1352 : i32 to vector<16xi32>
    %lt3A_1354 = arith.cmpi slt, %xor3A_1351, %lt3A_1353 : vector<16xi32>
    %add3A_1355 = arith.constant 16 : i32
    %add3A_1356 = vector.broadcast %add3A_1355 : i32 to vector<16xi32>
    %add3A_1357 = arith.addi %xor3A_1351, %add3A_1356 : vector<16xi32>
    %select_n3A_1358 = arith.select %lt3A_1354, %add3A_1357, %xor3A_1351 : vector<16xi1>, vector<16xi32>
    %broadcast_in_dim3A_1359 = vector.shape_cast %select_n3A_1358 : vector<16xi32> to vector<16x1xi32>
    %gather3A_1360 = vector.shape_cast %broadcast_in_dim3A_1359 : vector<16x1xi32> to vector<16xi32>
    %gather3A_1361 = tpu.dynamic_gather %add3A_1348[%gather3A_1360] in [0] : vector<16xf32>, vector<16xi32> -> vector<16xf32>
    %add3A_1362 = arith.addf %add3A_1348, %gather3A_1361 : vector<16xf32>
    %xor3A_1363 = arith.constant 2 : i32
    %xor3A_1364 = vector.broadcast %xor3A_1363 : i32 to vector<16xi32>
    %xor3A_1365 = arith.xori %iota3A_1334, %xor3A_1364 : vector<16xi32>
    %lt3A_1366 = arith.constant 0 : i32
    %lt3A_1367 = vector.broadcast %lt3A_1366 : i32 to vector<16xi32>
    %lt3A_1368 = arith.cmpi slt, %xor3A_1365, %lt3A_1367 : vector<16xi32>
    %add3A_1369 = arith.constant 16 : i32
    %add3A_1370 = vector.broadcast %add3A_1369 : i32 to vector<16xi32>
    %add3A_1371 = arith.addi %xor3A_1365, %add3A_1370 : vector<16xi32>
    %select_n3A_1372 = arith.select %lt3A_1368, %add3A_1371, %xor3A_1365 : vector<16xi1>, vector<16xi32>
    %broadcast_in_dim3A_1373 = vector.shape_cast %select_n3A_1372 : vector<16xi32> to vector<16x1xi32>
    %gather3A_1374 = vector.shape_cast %broadcast_in_dim3A_1373 : vector<16x1xi32> to vector<16xi32>
    %gather3A_1375 = tpu.dynamic_gather %add3A_1362[%gather3A_1374] in [0] : vector<16xf32>, vector<16xi32> -> vector<16xf32>
    %add3A_1376 = arith.addf %add3A_1362, %gather3A_1375 : vector<16xf32>
    %xor3A_1377 = arith.constant 1 : i32
    %xor3A_1378 = vector.broadcast %xor3A_1377 : i32 to vector<16xi32>
    %xor3A_1379 = arith.xori %iota3A_1334, %xor3A_1378 : vector<16xi32>
    %lt3A_1380 = arith.constant 0 : i32
    %lt3A_1381 = vector.broadcast %lt3A_1380 : i32 to vector<16xi32>
    %lt3A_1382 = arith.cmpi slt, %xor3A_1379, %lt3A_1381 : vector<16xi32>
    %add3A_1383 = arith.constant 16 : i32
    %add3A_1384 = vector.broadcast %add3A_1383 : i32 to vector<16xi32>
    %add3A_1385 = arith.addi %xor3A_1379, %add3A_1384 : vector<16xi32>
    %select_n3A_1386 = arith.select %lt3A_1382, %add3A_1385, %xor3A_1379 : vector<16xi1>, vector<16xi32>
    %broadcast_in_dim3A_1387 = vector.shape_cast %select_n3A_1386 : vector<16xi32> to vector<16x1xi32>
    %gather3A_1388 = vector.shape_cast %broadcast_in_dim3A_1387 : vector<16x1xi32> to vector<16xi32>
    %gather3A_1389 = tpu.dynamic_gather %add3A_1376[%gather3A_1388] in [0] : vector<16xf32>, vector<16xi32> -> vector<16xf32>
    %add3A_1390 = arith.addf %add3A_1376, %gather3A_1389 : vector<16xf32>
    %iota3A_1391 = tpu.iota {dimensions = array<i32: 0>} : vector<16xi32>
    %xor3A_1392 = arith.constant 8 : i32
    %xor3A_1393 = vector.broadcast %xor3A_1392 : i32 to vector<16xi32>
    %xor3A_1394 = arith.xori %iota3A_1391, %xor3A_1393 : vector<16xi32>
    %lt3A_1395 = arith.constant 0 : i32
    %lt3A_1396 = vector.broadcast %lt3A_1395 : i32 to vector<16xi32>
    %lt3A_1397 = arith.cmpi slt, %xor3A_1394, %lt3A_1396 : vector<16xi32>
    %add3A_1398 = arith.constant 16 : i32
    %add3A_1399 = vector.broadcast %add3A_1398 : i32 to vector<16xi32>
    %add3A_1400 = arith.addi %xor3A_1394, %add3A_1399 : vector<16xi32>
    %select_n3A_1401 = arith.select %lt3A_1397, %add3A_1400, %xor3A_1394 : vector<16xi1>, vector<16xi32>
    %broadcast_in_dim3A_1402 = vector.shape_cast %select_n3A_1401 : vector<16xi32> to vector<16x1xi32>
    %gather3A_1403 = vector.shape_cast %broadcast_in_dim3A_1402 : vector<16x1xi32> to vector<16xi32>
    %gather3A_1404 = tpu.dynamic_gather %scan3A_217#20[%gather3A_1403] in [0] : vector<16xf32>, vector<16xi32> -> vector<16xf32>
    %add3A_1405 = arith.addf %scan3A_217#20, %gather3A_1404 : vector<16xf32>
    %xor3A_1406 = arith.constant 4 : i32
    %xor3A_1407 = vector.broadcast %xor3A_1406 : i32 to vector<16xi32>
    %xor3A_1408 = arith.xori %iota3A_1391, %xor3A_1407 : vector<16xi32>
    %lt3A_1409 = arith.constant 0 : i32
    %lt3A_1410 = vector.broadcast %lt3A_1409 : i32 to vector<16xi32>
    %lt3A_1411 = arith.cmpi slt, %xor3A_1408, %lt3A_1410 : vector<16xi32>
    %add3A_1412 = arith.constant 16 : i32
    %add3A_1413 = vector.broadcast %add3A_1412 : i32 to vector<16xi32>
    %add3A_1414 = arith.addi %xor3A_1408, %add3A_1413 : vector<16xi32>
    %select_n3A_1415 = arith.select %lt3A_1411, %add3A_1414, %xor3A_1408 : vector<16xi1>, vector<16xi32>
    %broadcast_in_dim3A_1416 = vector.shape_cast %select_n3A_1415 : vector<16xi32> to vector<16x1xi32>
    %gather3A_1417 = vector.shape_cast %broadcast_in_dim3A_1416 : vector<16x1xi32> to vector<16xi32>
    %gather3A_1418 = tpu.dynamic_gather %add3A_1405[%gather3A_1417] in [0] : vector<16xf32>, vector<16xi32> -> vector<16xf32>
    %add3A_1419 = arith.addf %add3A_1405, %gather3A_1418 : vector<16xf32>
    %xor3A_1420 = arith.constant 2 : i32
    %xor3A_1421 = vector.broadcast %xor3A_1420 : i32 to vector<16xi32>
    %xor3A_1422 = arith.xori %iota3A_1391, %xor3A_1421 : vector<16xi32>
    %lt3A_1423 = arith.constant 0 : i32
    %lt3A_1424 = vector.broadcast %lt3A_1423 : i32 to vector<16xi32>
    %lt3A_1425 = arith.cmpi slt, %xor3A_1422, %lt3A_1424 : vector<16xi32>
    %add3A_1426 = arith.constant 16 : i32
    %add3A_1427 = vector.broadcast %add3A_1426 : i32 to vector<16xi32>
    %add3A_1428 = arith.addi %xor3A_1422, %add3A_1427 : vector<16xi32>
    %select_n3A_1429 = arith.select %lt3A_1425, %add3A_1428, %xor3A_1422 : vector<16xi1>, vector<16xi32>
    %broadcast_in_dim3A_1430 = vector.shape_cast %select_n3A_1429 : vector<16xi32> to vector<16x1xi32>
    %gather3A_1431 = vector.shape_cast %broadcast_in_dim3A_1430 : vector<16x1xi32> to vector<16xi32>
    %gather3A_1432 = tpu.dynamic_gather %add3A_1419[%gather3A_1431] in [0] : vector<16xf32>, vector<16xi32> -> vector<16xf32>
    %add3A_1433 = arith.addf %add3A_1419, %gather3A_1432 : vector<16xf32>
    %xor3A_1434 = arith.constant 1 : i32
    %xor3A_1435 = vector.broadcast %xor3A_1434 : i32 to vector<16xi32>
    %xor3A_1436 = arith.xori %iota3A_1391, %xor3A_1435 : vector<16xi32>
    %lt3A_1437 = arith.constant 0 : i32
    %lt3A_1438 = vector.broadcast %lt3A_1437 : i32 to vector<16xi32>
    %lt3A_1439 = arith.cmpi slt, %xor3A_1436, %lt3A_1438 : vector<16xi32>
    %add3A_1440 = arith.constant 16 : i32
    %add3A_1441 = vector.broadcast %add3A_1440 : i32 to vector<16xi32>
    %add3A_1442 = arith.addi %xor3A_1436, %add3A_1441 : vector<16xi32>
    %select_n3A_1443 = arith.select %lt3A_1439, %add3A_1442, %xor3A_1436 : vector<16xi1>, vector<16xi32>
    %broadcast_in_dim3A_1444 = vector.shape_cast %select_n3A_1443 : vector<16xi32> to vector<16x1xi32>
    %gather3A_1445 = vector.shape_cast %broadcast_in_dim3A_1444 : vector<16x1xi32> to vector<16xi32>
    %gather3A_1446 = tpu.dynamic_gather %add3A_1433[%gather3A_1445] in [0] : vector<16xf32>, vector<16xi32> -> vector<16xf32>
    %add3A_1447 = arith.addf %add3A_1433, %gather3A_1446 : vector<16xf32>
    %sub3A_1448 = arith.subf %add3A_1447, %add3A_535 : vector<16xf32>
    %sub3A_1449 = arith.subf %sub3A_1448, %add3A_763 : vector<16xf32>
    %sub3A_1450 = arith.subf %sub3A_1449, %add3A_991 : vector<16xf32>
    %sub3A_1451 = arith.subf %sub3A_1450, %add3A_1219 : vector<16xf32>
    %iota3A_1452 = tpu.iota {dimensions = array<i32: 0>} : vector<16xi32>
    %xor3A_1453 = arith.constant 8 : i32
    %xor3A_1454 = vector.broadcast %xor3A_1453 : i32 to vector<16xi32>
    %xor3A_1455 = arith.xori %iota3A_1452, %xor3A_1454 : vector<16xi32>
    %lt3A_1456 = arith.constant 0 : i32
    %lt3A_1457 = vector.broadcast %lt3A_1456 : i32 to vector<16xi32>
    %lt3A_1458 = arith.cmpi slt, %xor3A_1455, %lt3A_1457 : vector<16xi32>
    %add3A_1459 = arith.constant 16 : i32
    %add3A_1460 = vector.broadcast %add3A_1459 : i32 to vector<16xi32>
    %add3A_1461 = arith.addi %xor3A_1455, %add3A_1460 : vector<16xi32>
    %select_n3A_1462 = arith.select %lt3A_1458, %add3A_1461, %xor3A_1455 : vector<16xi1>, vector<16xi32>
    %broadcast_in_dim3A_1463 = vector.shape_cast %select_n3A_1462 : vector<16xi32> to vector<16x1xi32>
    %gather3A_1464 = vector.shape_cast %broadcast_in_dim3A_1463 : vector<16x1xi32> to vector<16xi32>
    %gather3A_1465 = tpu.dynamic_gather %scan3A_217#21[%gather3A_1464] in [0] : vector<16xf32>, vector<16xi32> -> vector<16xf32>
    %add3A_1466 = arith.addf %scan3A_217#21, %gather3A_1465 : vector<16xf32>
    %xor3A_1467 = arith.constant 4 : i32
    %xor3A_1468 = vector.broadcast %xor3A_1467 : i32 to vector<16xi32>
    %xor3A_1469 = arith.xori %iota3A_1452, %xor3A_1468 : vector<16xi32>
    %lt3A_1470 = arith.constant 0 : i32
    %lt3A_1471 = vector.broadcast %lt3A_1470 : i32 to vector<16xi32>
    %lt3A_1472 = arith.cmpi slt, %xor3A_1469, %lt3A_1471 : vector<16xi32>
    %add3A_1473 = arith.constant 16 : i32
    %add3A_1474 = vector.broadcast %add3A_1473 : i32 to vector<16xi32>
    %add3A_1475 = arith.addi %xor3A_1469, %add3A_1474 : vector<16xi32>
    %select_n3A_1476 = arith.select %lt3A_1472, %add3A_1475, %xor3A_1469 : vector<16xi1>, vector<16xi32>
    %broadcast_in_dim3A_1477 = vector.shape_cast %select_n3A_1476 : vector<16xi32> to vector<16x1xi32>
    %gather3A_1478 = vector.shape_cast %broadcast_in_dim3A_1477 : vector<16x1xi32> to vector<16xi32>
    %gather3A_1479 = tpu.dynamic_gather %add3A_1466[%gather3A_1478] in [0] : vector<16xf32>, vector<16xi32> -> vector<16xf32>
    %add3A_1480 = arith.addf %add3A_1466, %gather3A_1479 : vector<16xf32>
    %xor3A_1481 = arith.constant 2 : i32
    %xor3A_1482 = vector.broadcast %xor3A_1481 : i32 to vector<16xi32>
    %xor3A_1483 = arith.xori %iota3A_1452, %xor3A_1482 : vector<16xi32>
    %lt3A_1484 = arith.constant 0 : i32
    %lt3A_1485 = vector.broadcast %lt3A_1484 : i32 to vector<16xi32>
    %lt3A_1486 = arith.cmpi slt, %xor3A_1483, %lt3A_1485 : vector<16xi32>
    %add3A_1487 = arith.constant 16 : i32
    %add3A_1488 = vector.broadcast %add3A_1487 : i32 to vector<16xi32>
    %add3A_1489 = arith.addi %xor3A_1483, %add3A_1488 : vector<16xi32>
    %select_n3A_1490 = arith.select %lt3A_1486, %add3A_1489, %xor3A_1483 : vector<16xi1>, vector<16xi32>
    %broadcast_in_dim3A_1491 = vector.shape_cast %select_n3A_1490 : vector<16xi32> to vector<16x1xi32>
    %gather3A_1492 = vector.shape_cast %broadcast_in_dim3A_1491 : vector<16x1xi32> to vector<16xi32>
    %gather3A_1493 = tpu.dynamic_gather %add3A_1480[%gather3A_1492] in [0] : vector<16xf32>, vector<16xi32> -> vector<16xf32>
    %add3A_1494 = arith.addf %add3A_1480, %gather3A_1493 : vector<16xf32>
    %xor3A_1495 = arith.constant 1 : i32
    %xor3A_1496 = vector.broadcast %xor3A_1495 : i32 to vector<16xi32>
    %xor3A_1497 = arith.xori %iota3A_1452, %xor3A_1496 : vector<16xi32>
    %lt3A_1498 = arith.constant 0 : i32
    %lt3A_1499 = vector.broadcast %lt3A_1498 : i32 to vector<16xi32>
    %lt3A_1500 = arith.cmpi slt, %xor3A_1497, %lt3A_1499 : vector<16xi32>
    %add3A_1501 = arith.constant 16 : i32
    %add3A_1502 = vector.broadcast %add3A_1501 : i32 to vector<16xi32>
    %add3A_1503 = arith.addi %xor3A_1497, %add3A_1502 : vector<16xi32>
    %select_n3A_1504 = arith.select %lt3A_1500, %add3A_1503, %xor3A_1497 : vector<16xi1>, vector<16xi32>
    %broadcast_in_dim3A_1505 = vector.shape_cast %select_n3A_1504 : vector<16xi32> to vector<16x1xi32>
    %gather3A_1506 = vector.shape_cast %broadcast_in_dim3A_1505 : vector<16x1xi32> to vector<16xi32>
    %gather3A_1507 = tpu.dynamic_gather %add3A_1494[%gather3A_1506] in [0] : vector<16xf32>, vector<16xi32> -> vector<16xf32>
    %add3A_1508 = arith.addf %add3A_1494, %gather3A_1507 : vector<16xf32>
    %sub3A_1509 = arith.subf %add3A_1508, %add3A_592 : vector<16xf32>
    %sub3A_1510 = arith.subf %sub3A_1509, %add3A_820 : vector<16xf32>
    %sub3A_1511 = arith.subf %sub3A_1510, %add3A_1048 : vector<16xf32>
    %sub3A_1512 = arith.subf %sub3A_1511, %add3A_1276 : vector<16xf32>
    %iota3A_1513 = tpu.iota {dimensions = array<i32: 0>} : vector<16xi32>
    %xor3A_1514 = arith.constant 8 : i32
    %xor3A_1515 = vector.broadcast %xor3A_1514 : i32 to vector<16xi32>
    %xor3A_1516 = arith.xori %iota3A_1513, %xor3A_1515 : vector<16xi32>
    %lt3A_1517 = arith.constant 0 : i32
    %lt3A_1518 = vector.broadcast %lt3A_1517 : i32 to vector<16xi32>
    %lt3A_1519 = arith.cmpi slt, %xor3A_1516, %lt3A_1518 : vector<16xi32>
    %add3A_1520 = arith.constant 16 : i32
    %add3A_1521 = vector.broadcast %add3A_1520 : i32 to vector<16xi32>
    %add3A_1522 = arith.addi %xor3A_1516, %add3A_1521 : vector<16xi32>
    %select_n3A_1523 = arith.select %lt3A_1519, %add3A_1522, %xor3A_1516 : vector<16xi1>, vector<16xi32>
    %broadcast_in_dim3A_1524 = vector.shape_cast %select_n3A_1523 : vector<16xi32> to vector<16x1xi32>
    %gather3A_1525 = vector.shape_cast %broadcast_in_dim3A_1524 : vector<16x1xi32> to vector<16xi32>
    %gather3A_1526 = tpu.dynamic_gather %scan3A_217#22[%gather3A_1525] in [0] : vector<16xf32>, vector<16xi32> -> vector<16xf32>
    %add3A_1527 = arith.addf %scan3A_217#22, %gather3A_1526 : vector<16xf32>
    %xor3A_1528 = arith.constant 4 : i32
    %xor3A_1529 = vector.broadcast %xor3A_1528 : i32 to vector<16xi32>
    %xor3A_1530 = arith.xori %iota3A_1513, %xor3A_1529 : vector<16xi32>
    %lt3A_1531 = arith.constant 0 : i32
    %lt3A_1532 = vector.broadcast %lt3A_1531 : i32 to vector<16xi32>
    %lt3A_1533 = arith.cmpi slt, %xor3A_1530, %lt3A_1532 : vector<16xi32>
    %add3A_1534 = arith.constant 16 : i32
    %add3A_1535 = vector.broadcast %add3A_1534 : i32 to vector<16xi32>
    %add3A_1536 = arith.addi %xor3A_1530, %add3A_1535 : vector<16xi32>
    %select_n3A_1537 = arith.select %lt3A_1533, %add3A_1536, %xor3A_1530 : vector<16xi1>, vector<16xi32>
    %broadcast_in_dim3A_1538 = vector.shape_cast %select_n3A_1537 : vector<16xi32> to vector<16x1xi32>
    %gather3A_1539 = vector.shape_cast %broadcast_in_dim3A_1538 : vector<16x1xi32> to vector<16xi32>
    %gather3A_1540 = tpu.dynamic_gather %add3A_1527[%gather3A_1539] in [0] : vector<16xf32>, vector<16xi32> -> vector<16xf32>
    %add3A_1541 = arith.addf %add3A_1527, %gather3A_1540 : vector<16xf32>
    %xor3A_1542 = arith.constant 2 : i32
    %xor3A_1543 = vector.broadcast %xor3A_1542 : i32 to vector<16xi32>
    %xor3A_1544 = arith.xori %iota3A_1513, %xor3A_1543 : vector<16xi32>
    %lt3A_1545 = arith.constant 0 : i32
    %lt3A_1546 = vector.broadcast %lt3A_1545 : i32 to vector<16xi32>
    %lt3A_1547 = arith.cmpi slt, %xor3A_1544, %lt3A_1546 : vector<16xi32>
    %add3A_1548 = arith.constant 16 : i32
    %add3A_1549 = vector.broadcast %add3A_1548 : i32 to vector<16xi32>
    %add3A_1550 = arith.addi %xor3A_1544, %add3A_1549 : vector<16xi32>
    %select_n3A_1551 = arith.select %lt3A_1547, %add3A_1550, %xor3A_1544 : vector<16xi1>, vector<16xi32>
    %broadcast_in_dim3A_1552 = vector.shape_cast %select_n3A_1551 : vector<16xi32> to vector<16x1xi32>
    %gather3A_1553 = vector.shape_cast %broadcast_in_dim3A_1552 : vector<16x1xi32> to vector<16xi32>
    %gather3A_1554 = tpu.dynamic_gather %add3A_1541[%gather3A_1553] in [0] : vector<16xf32>, vector<16xi32> -> vector<16xf32>
    %add3A_1555 = arith.addf %add3A_1541, %gather3A_1554 : vector<16xf32>
    %xor3A_1556 = arith.constant 1 : i32
    %xor3A_1557 = vector.broadcast %xor3A_1556 : i32 to vector<16xi32>
    %xor3A_1558 = arith.xori %iota3A_1513, %xor3A_1557 : vector<16xi32>
    %lt3A_1559 = arith.constant 0 : i32
    %lt3A_1560 = vector.broadcast %lt3A_1559 : i32 to vector<16xi32>
    %lt3A_1561 = arith.cmpi slt, %xor3A_1558, %lt3A_1560 : vector<16xi32>
    %add3A_1562 = arith.constant 16 : i32
    %add3A_1563 = vector.broadcast %add3A_1562 : i32 to vector<16xi32>
    %add3A_1564 = arith.addi %xor3A_1558, %add3A_1563 : vector<16xi32>
    %select_n3A_1565 = arith.select %lt3A_1561, %add3A_1564, %xor3A_1558 : vector<16xi1>, vector<16xi32>
    %broadcast_in_dim3A_1566 = vector.shape_cast %select_n3A_1565 : vector<16xi32> to vector<16x1xi32>
    %gather3A_1567 = vector.shape_cast %broadcast_in_dim3A_1566 : vector<16x1xi32> to vector<16xi32>
    %gather3A_1568 = tpu.dynamic_gather %add3A_1555[%gather3A_1567] in [0] : vector<16xf32>, vector<16xi32> -> vector<16xf32>
    %add3A_1569 = arith.addf %add3A_1555, %gather3A_1568 : vector<16xf32>
    %sub3A_1570 = arith.subf %add3A_1569, %add3A_649 : vector<16xf32>
    %sub3A_1571 = arith.subf %sub3A_1570, %add3A_877 : vector<16xf32>
    %sub3A_1572 = arith.subf %sub3A_1571, %add3A_1105 : vector<16xf32>
    %sub3A_1573 = arith.subf %sub3A_1572, %add3A_1333 : vector<16xf32>
    %iota3A_1574 = tpu.iota {dimensions = array<i32: 0>} : vector<16xi32>
    %xor3A_1575 = arith.constant 8 : i32
    %xor3A_1576 = vector.broadcast %xor3A_1575 : i32 to vector<16xi32>
    %xor3A_1577 = arith.xori %iota3A_1574, %xor3A_1576 : vector<16xi32>
    %lt3A_1578 = arith.constant 0 : i32
    %lt3A_1579 = vector.broadcast %lt3A_1578 : i32 to vector<16xi32>
    %lt3A_1580 = arith.cmpi slt, %xor3A_1577, %lt3A_1579 : vector<16xi32>
    %add3A_1581 = arith.constant 16 : i32
    %add3A_1582 = vector.broadcast %add3A_1581 : i32 to vector<16xi32>
    %add3A_1583 = arith.addi %xor3A_1577, %add3A_1582 : vector<16xi32>
    %select_n3A_1584 = arith.select %lt3A_1580, %add3A_1583, %xor3A_1577 : vector<16xi1>, vector<16xi32>
    %broadcast_in_dim3A_1585 = vector.shape_cast %select_n3A_1584 : vector<16xi32> to vector<16x1xi32>
    %gather3A_1586 = vector.shape_cast %broadcast_in_dim3A_1585 : vector<16x1xi32> to vector<16xi32>
    %gather3A_1587 = tpu.dynamic_gather %scan3A_217#23[%gather3A_1586] in [0] : vector<16xf32>, vector<16xi32> -> vector<16xf32>
    %add3A_1588 = arith.addf %scan3A_217#23, %gather3A_1587 : vector<16xf32>
    %xor3A_1589 = arith.constant 4 : i32
    %xor3A_1590 = vector.broadcast %xor3A_1589 : i32 to vector<16xi32>
    %xor3A_1591 = arith.xori %iota3A_1574, %xor3A_1590 : vector<16xi32>
    %lt3A_1592 = arith.constant 0 : i32
    %lt3A_1593 = vector.broadcast %lt3A_1592 : i32 to vector<16xi32>
    %lt3A_1594 = arith.cmpi slt, %xor3A_1591, %lt3A_1593 : vector<16xi32>
    %add3A_1595 = arith.constant 16 : i32
    %add3A_1596 = vector.broadcast %add3A_1595 : i32 to vector<16xi32>
    %add3A_1597 = arith.addi %xor3A_1591, %add3A_1596 : vector<16xi32>
    %select_n3A_1598 = arith.select %lt3A_1594, %add3A_1597, %xor3A_1591 : vector<16xi1>, vector<16xi32>
    %broadcast_in_dim3A_1599 = vector.shape_cast %select_n3A_1598 : vector<16xi32> to vector<16x1xi32>
    %gather3A_1600 = vector.shape_cast %broadcast_in_dim3A_1599 : vector<16x1xi32> to vector<16xi32>
    %gather3A_1601 = tpu.dynamic_gather %add3A_1588[%gather3A_1600] in [0] : vector<16xf32>, vector<16xi32> -> vector<16xf32>
    %add3A_1602 = arith.addf %add3A_1588, %gather3A_1601 : vector<16xf32>
    %xor3A_1603 = arith.constant 2 : i32
    %xor3A_1604 = vector.broadcast %xor3A_1603 : i32 to vector<16xi32>
    %xor3A_1605 = arith.xori %iota3A_1574, %xor3A_1604 : vector<16xi32>
    %lt3A_1606 = arith.constant 0 : i32
    %lt3A_1607 = vector.broadcast %lt3A_1606 : i32 to vector<16xi32>
    %lt3A_1608 = arith.cmpi slt, %xor3A_1605, %lt3A_1607 : vector<16xi32>
    %add3A_1609 = arith.constant 16 : i32
    %add3A_1610 = vector.broadcast %add3A_1609 : i32 to vector<16xi32>
    %add3A_1611 = arith.addi %xor3A_1605, %add3A_1610 : vector<16xi32>
    %select_n3A_1612 = arith.select %lt3A_1608, %add3A_1611, %xor3A_1605 : vector<16xi1>, vector<16xi32>
    %broadcast_in_dim3A_1613 = vector.shape_cast %select_n3A_1612 : vector<16xi32> to vector<16x1xi32>
    %gather3A_1614 = vector.shape_cast %broadcast_in_dim3A_1613 : vector<16x1xi32> to vector<16xi32>
    %gather3A_1615 = tpu.dynamic_gather %add3A_1602[%gather3A_1614] in [0] : vector<16xf32>, vector<16xi32> -> vector<16xf32>
    %add3A_1616 = arith.addf %add3A_1602, %gather3A_1615 : vector<16xf32>
    %xor3A_1617 = arith.constant 1 : i32
    %xor3A_1618 = vector.broadcast %xor3A_1617 : i32 to vector<16xi32>
    %xor3A_1619 = arith.xori %iota3A_1574, %xor3A_1618 : vector<16xi32>
    %lt3A_1620 = arith.constant 0 : i32
    %lt3A_1621 = vector.broadcast %lt3A_1620 : i32 to vector<16xi32>
    %lt3A_1622 = arith.cmpi slt, %xor3A_1619, %lt3A_1621 : vector<16xi32>
    %add3A_1623 = arith.constant 16 : i32
    %add3A_1624 = vector.broadcast %add3A_1623 : i32 to vector<16xi32>
    %add3A_1625 = arith.addi %xor3A_1619, %add3A_1624 : vector<16xi32>
    %select_n3A_1626 = arith.select %lt3A_1622, %add3A_1625, %xor3A_1619 : vector<16xi1>, vector<16xi32>
    %broadcast_in_dim3A_1627 = vector.shape_cast %select_n3A_1626 : vector<16xi32> to vector<16x1xi32>
    %gather3A_1628 = vector.shape_cast %broadcast_in_dim3A_1627 : vector<16x1xi32> to vector<16xi32>
    %gather3A_1629 = tpu.dynamic_gather %add3A_1616[%gather3A_1628] in [0] : vector<16xf32>, vector<16xi32> -> vector<16xf32>
    %add3A_1630 = arith.addf %add3A_1616, %gather3A_1629 : vector<16xf32>
    %sub3A_1631 = arith.subf %add3A_1630, %add3A_706 : vector<16xf32>
    %sub3A_1632 = arith.subf %sub3A_1631, %add3A_934 : vector<16xf32>
    %sub3A_1633 = arith.subf %sub3A_1632, %add3A_1162 : vector<16xf32>
    %sub3A_1634 = arith.subf %sub3A_1633, %add3A_1390 : vector<16xf32>
    %div3A = arith.divf %add3A_535, %select_n3A_464 : vector<16xf32>
    %div3A_1635 = arith.divf %add3A_592, %select_n3A_464 : vector<16xf32>
    %div3A_1636 = arith.divf %add3A_649, %select_n3A_464 : vector<16xf32>
    %div3A_1637 = arith.divf %add3A_706, %select_n3A_464 : vector<16xf32>
    %div3A_1638 = arith.divf %add3A_763, %select_n3A_465 : vector<16xf32>
    %div3A_1639 = arith.divf %add3A_820, %select_n3A_465 : vector<16xf32>
    %div3A_1640 = arith.divf %add3A_877, %select_n3A_465 : vector<16xf32>
    %div3A_1641 = arith.divf %add3A_934, %select_n3A_465 : vector<16xf32>
    %div3A_1642 = arith.divf %add3A_991, %select_n3A_466 : vector<16xf32>
    %div3A_1643 = arith.divf %add3A_1048, %select_n3A_466 : vector<16xf32>
    %div3A_1644 = arith.divf %add3A_1105, %select_n3A_466 : vector<16xf32>
    %div3A_1645 = arith.divf %add3A_1162, %select_n3A_466 : vector<16xf32>
    %div3A_1646 = arith.divf %add3A_1219, %select_n3A_467 : vector<16xf32>
    %div3A_1647 = arith.divf %add3A_1276, %select_n3A_467 : vector<16xf32>
    %div3A_1648 = arith.divf %add3A_1333, %select_n3A_467 : vector<16xf32>
    %div3A_1649 = arith.divf %add3A_1390, %select_n3A_467 : vector<16xf32>
    %div3A_1650 = arith.divf %sub3A_1451, %select_n3A_468 : vector<16xf32>
    %div3A_1651 = arith.divf %sub3A_1512, %select_n3A_468 : vector<16xf32>
    %div3A_1652 = arith.divf %sub3A_1573, %select_n3A_468 : vector<16xf32>
    %div3A_1653 = arith.divf %sub3A_1634, %select_n3A_468 : vector<16xf32>
    %parallel_loop3A = arith.constant 0 : i32
    %parallel_loop3A_1654 = arith.constant 512 : i32
    %parallel_loop3A_1655 = arith.constant 1 : i32
    %parallel_loop3A_1656:5 = scf.for %parallel_loop3A_2239 = %parallel_loop3A to %parallel_loop3A_1654 step %parallel_loop3A_1655 iter_args(%parallel_loop3A_2240 = %broadcast_in_dim3A_221, %parallel_loop3A_2241 = %broadcast_in_dim3A_221, %parallel_loop3A_2242 = %broadcast_in_dim3A_221, %parallel_loop3A_2243 = %broadcast_in_dim3A_221, %parallel_loop3A_2244 = %broadcast_in_dim3A_221) -> (vector<16xf32>, vector<16xf32>, vector<16xf32>, vector<16xf32>, vector<16xf32>)  : i32 {
      %parallel_loop3A_2245 = arith.constant 6 : i32
      %parallel_loop3A_2246 = arith.shrsi %parallel_loop3A_2239, %parallel_loop3A_2245 : i32
      %parallel_loop3A_2247 = arith.constant 63 : i32
      %parallel_loop3A_2248 = arith.andi %parallel_loop3A_2239, %parallel_loop3A_2247 : i32
      %parallel_loop3A_2249 = arith.constant 4 : i32
      %parallel_loop3A_2250 = arith.shli %parallel_loop3A_2248, %parallel_loop3A_2249 : i32
      %parallel_loop3A_2251 = tpu.assume_multiple %parallel_loop3A_2250, 16 : i32
      %parallel_loop3A_2252 = arith.index_cast %parallel_loop3A_2246 : i32 to index
      %parallel_loop3A_2253 = arith.index_cast %parallel_loop3A_2251 : i32 to index
      %parallel_loop3A_2254 = tpu.vector_load %arg8[%parallel_loop3A_2252, %parallel_loop3A_2253] {strides = array<i32>} : memref<8x1024xi32, #tpu.memory_space<vmem>>, vector<1x16xi32>,
      %parallel_loop3A_2255 = vector.shape_cast %parallel_loop3A_2254 : vector<1x16xi32> to vector<16xi32>
      %parallel_loop3A_2256 = arith.constant 0 : i32
      %parallel_loop3A_2257 = arith.index_cast %parallel_loop3A_2256 : i32 to index
      %parallel_loop3A_2258 = arith.index_cast %parallel_loop3A_2246 : i32 to index
      %parallel_loop3A_2259 = arith.index_cast %parallel_loop3A_2251 : i32 to index
      %parallel_loop3A_2260 = tpu.vector_load %arg9[%parallel_loop3A_2257, %parallel_loop3A_2258, %parallel_loop3A_2259] {strides = array<i32>} : memref<4x8x1024xf32, #tpu.memory_space<vmem>>, vector<1x1x16xf32>,
      %parallel_loop3A_2261 = vector.shape_cast %parallel_loop3A_2260 : vector<1x1x16xf32> to vector<16xf32>
      %parallel_loop3A_2262 = arith.constant 1 : i32
      %parallel_loop3A_2263 = arith.index_cast %parallel_loop3A_2262 : i32 to index
      %parallel_loop3A_2264 = arith.index_cast %parallel_loop3A_2246 : i32 to index
      %parallel_loop3A_2265 = arith.index_cast %parallel_loop3A_2251 : i32 to index
      %parallel_loop3A_2266 = tpu.vector_load %arg9[%parallel_loop3A_2263, %parallel_loop3A_2264, %parallel_loop3A_2265] {strides = array<i32>} : memref<4x8x1024xf32, #tpu.memory_space<vmem>>, vector<1x1x16xf32>,
      %parallel_loop3A_2267 = vector.shape_cast %parallel_loop3A_2266 : vector<1x1x16xf32> to vector<16xf32>
      %parallel_loop3A_2268 = arith.constant 2 : i32
      %parallel_loop3A_2269 = arith.index_cast %parallel_loop3A_2268 : i32 to index
      %parallel_loop3A_2270 = arith.index_cast %parallel_loop3A_2246 : i32 to index
      %parallel_loop3A_2271 = arith.index_cast %parallel_loop3A_2251 : i32 to index
      %parallel_loop3A_2272 = tpu.vector_load %arg9[%parallel_loop3A_2269, %parallel_loop3A_2270, %parallel_loop3A_2271] {strides = array<i32>} : memref<4x8x1024xf32, #tpu.memory_space<vmem>>, vector<1x1x16xf32>,
      %parallel_loop3A_2273 = vector.shape_cast %parallel_loop3A_2272 : vector<1x1x16xf32> to vector<16xf32>
      %parallel_loop3A_2274 = arith.constant 3 : i32
      %parallel_loop3A_2275 = arith.index_cast %parallel_loop3A_2274 : i32 to index
      %parallel_loop3A_2276 = arith.index_cast %parallel_loop3A_2246 : i32 to index
      %parallel_loop3A_2277 = arith.index_cast %parallel_loop3A_2251 : i32 to index
      %parallel_loop3A_2278 = tpu.vector_load %arg9[%parallel_loop3A_2275, %parallel_loop3A_2276, %parallel_loop3A_2277] {strides = array<i32>} : memref<4x8x1024xf32, #tpu.memory_space<vmem>>, vector<1x1x16xf32>,
      %parallel_loop3A_2279 = vector.shape_cast %parallel_loop3A_2278 : vector<1x1x16xf32> to vector<16xf32>
      %parallel_loop3A_2280 = arith.constant 0 : i32
      %parallel_loop3A_2281 = vector.broadcast %parallel_loop3A_2280 : i32 to vector<16xi32>
      %parallel_loop3A_2282 = arith.cmpi eq, %parallel_loop3A_2255, %parallel_loop3A_2281 : vector<16xi32>
      %parallel_loop3A_2283 = arith.constant 1 : i32
      %parallel_loop3A_2284 = vector.broadcast %parallel_loop3A_2283 : i32 to vector<16xi32>
      %parallel_loop3A_2285 = arith.cmpi eq, %parallel_loop3A_2255, %parallel_loop3A_2284 : vector<16xi32>
      %parallel_loop3A_2286 = arith.constant 2 : i32
      %parallel_loop3A_2287 = vector.broadcast %parallel_loop3A_2286 : i32 to vector<16xi32>
      %parallel_loop3A_2288 = arith.cmpi eq, %parallel_loop3A_2255, %parallel_loop3A_2287 : vector<16xi32>
      %parallel_loop3A_2289 = arith.constant 3 : i32
      %parallel_loop3A_2290 = vector.broadcast %parallel_loop3A_2289 : i32 to vector<16xi32>
      %parallel_loop3A_2291 = arith.cmpi eq, %parallel_loop3A_2255, %parallel_loop3A_2290 : vector<16xi32>
      %parallel_loop3A_2292 = arith.select %parallel_loop3A_2291, %div3A_1646, %div3A_1650 : vector<16xi1>, vector<16xf32>
      %parallel_loop3A_2293 = arith.select %parallel_loop3A_2288, %div3A_1642, %parallel_loop3A_2292 : vector<16xi1>, vector<16xf32>
      %parallel_loop3A_2294 = arith.select %parallel_loop3A_2285, %div3A_1638, %parallel_loop3A_2293 : vector<16xi1>, vector<16xf32>
      %parallel_loop3A_2295 = arith.select %parallel_loop3A_2282, %div3A, %parallel_loop3A_2294 : vector<16xi1>, vector<16xf32>
      %parallel_loop3A_2296 = arith.subf %parallel_loop3A_2295, %parallel_loop3A_2261 : vector<16xf32>
      %parallel_loop3A_2297 = arith.mulf %parallel_loop3A_2296, %parallel_loop3A_2296 : vector<16xf32>
      %parallel_loop3A_2298 = arith.addf %broadcast_in_dim3A_221, %parallel_loop3A_2297 : vector<16xf32>
      %parallel_loop3A_2299 = arith.select %parallel_loop3A_2291, %div3A_1647, %div3A_1651 : vector<16xi1>, vector<16xf32>
      %parallel_loop3A_2300 = arith.select %parallel_loop3A_2288, %div3A_1643, %parallel_loop3A_2299 : vector<16xi1>, vector<16xf32>
      %parallel_loop3A_2301 = arith.select %parallel_loop3A_2285, %div3A_1639, %parallel_loop3A_2300 : vector<16xi1>, vector<16xf32>
      %parallel_loop3A_2302 = arith.select %parallel_loop3A_2282, %div3A_1635, %parallel_loop3A_2301 : vector<16xi1>, vector<16xf32>
      %parallel_loop3A_2303 = arith.subf %parallel_loop3A_2302, %parallel_loop3A_2267 : vector<16xf32>
      %parallel_loop3A_2304 = arith.mulf %parallel_loop3A_2303, %parallel_loop3A_2303 : vector<16xf32>
      %parallel_loop3A_2305 = arith.addf %parallel_loop3A_2298, %parallel_loop3A_2304 : vector<16xf32>
      %parallel_loop3A_2306 = arith.select %parallel_loop3A_2291, %div3A_1648, %div3A_1652 : vector<16xi1>, vector<16xf32>
      %parallel_loop3A_2307 = arith.select %parallel_loop3A_2288, %div3A_1644, %parallel_loop3A_2306 : vector<16xi1>, vector<16xf32>
      %parallel_loop3A_2308 = arith.select %parallel_loop3A_2285, %div3A_1640, %parallel_loop3A_2307 : vector<16xi1>, vector<16xf32>
      %parallel_loop3A_2309 = arith.select %parallel_loop3A_2282, %div3A_1636, %parallel_loop3A_2308 : vector<16xi1>, vector<16xf32>
      %parallel_loop3A_2310 = arith.subf %parallel_loop3A_2309, %parallel_loop3A_2273 : vector<16xf32>
      %parallel_loop3A_2311 = arith.mulf %parallel_loop3A_2310, %parallel_loop3A_2310 : vector<16xf32>
      %parallel_loop3A_2312 = arith.addf %parallel_loop3A_2305, %parallel_loop3A_2311 : vector<16xf32>
      %parallel_loop3A_2313 = arith.select %parallel_loop3A_2291, %div3A_1649, %div3A_1653 : vector<16xi1>, vector<16xf32>
      %parallel_loop3A_2314 = arith.select %parallel_loop3A_2288, %div3A_1645, %parallel_loop3A_2313 : vector<16xi1>, vector<16xf32>
      %parallel_loop3A_2315 = arith.select %parallel_loop3A_2285, %div3A_1641, %parallel_loop3A_2314 : vector<16xi1>, vector<16xf32>
      %parallel_loop3A_2316 = arith.select %parallel_loop3A_2282, %div3A_1637, %parallel_loop3A_2315 : vector<16xi1>, vector<16xf32>
      %parallel_loop3A_2317 = arith.subf %parallel_loop3A_2316, %parallel_loop3A_2279 : vector<16xf32>
      %parallel_loop3A_2318 = arith.mulf %parallel_loop3A_2317, %parallel_loop3A_2317 : vector<16xf32>
      %parallel_loop3A_2319 = arith.addf %parallel_loop3A_2312, %parallel_loop3A_2318 : vector<16xf32>
      %parallel_loop3A_2320 = tpu.bitcast %parallel_loop3A_2319 : vector<16xf32> -> vector<16xi32>
      %parallel_loop3A_2321 = arith.constant 1 : i32
      %parallel_loop3A_2322 = vector.broadcast %parallel_loop3A_2321 : i32 to vector<16xi32>
      %parallel_loop3A_2323 = arith.shrsi %parallel_loop3A_2320, %parallel_loop3A_2322 : vector<16xi32>
      %parallel_loop3A_2324 = arith.constant 1597463007 : i32
      %parallel_loop3A_2325 = vector.broadcast %parallel_loop3A_2324 : i32 to vector<16xi32>
      %parallel_loop3A_2326 = arith.subi %parallel_loop3A_2325, %parallel_loop3A_2323 : vector<16xi32>
      %parallel_loop3A_2327 = tpu.bitcast %parallel_loop3A_2326 : vector<16xi32> -> vector<16xf32>
      %parallel_loop3A_2328 = arith.constant 5.000000e-01 : f32
      %parallel_loop3A_2329 = vector.broadcast %parallel_loop3A_2328 : f32 to vector<16xf32>
      %parallel_loop3A_2330 = arith.mulf %parallel_loop3A_2329, %parallel_loop3A_2319 : vector<16xf32>
      %parallel_loop3A_2331 = arith.mulf %parallel_loop3A_2330, %parallel_loop3A_2327 : vector<16xf32>
      %parallel_loop3A_2332 = arith.mulf %parallel_loop3A_2331, %parallel_loop3A_2327 : vector<16xf32>
      %parallel_loop3A_2333 = arith.constant 1.500000e+00 : f32
      %parallel_loop3A_2334 = vector.broadcast %parallel_loop3A_2333 : f32 to vector<16xf32>
      %parallel_loop3A_2335 = arith.subf %parallel_loop3A_2334, %parallel_loop3A_2332 : vector<16xf32>
      %parallel_loop3A_2336 = arith.mulf %parallel_loop3A_2327, %parallel_loop3A_2335 : vector<16xf32>
      %parallel_loop3A_2337 = arith.mulf %parallel_loop3A_2330, %parallel_loop3A_2336 : vector<16xf32>
      %parallel_loop3A_2338 = arith.mulf %parallel_loop3A_2337, %parallel_loop3A_2336 : vector<16xf32>
      %parallel_loop3A_2339 = arith.constant 1.500000e+00 : f32
      %parallel_loop3A_2340 = vector.broadcast %parallel_loop3A_2339 : f32 to vector<16xf32>
      %parallel_loop3A_2341 = arith.subf %parallel_loop3A_2340, %parallel_loop3A_2338 : vector<16xf32>
      %parallel_loop3A_2342 = arith.mulf %parallel_loop3A_2336, %parallel_loop3A_2341 : vector<16xf32>
      %parallel_loop3A_2343 = arith.constant 0.000000e+00 : f32
      %parallel_loop3A_2344 = vector.broadcast %parallel_loop3A_2343 : f32 to vector<16xf32>
      %parallel_loop3A_2345 = arith.cmpf ogt, %parallel_loop3A_2319, %parallel_loop3A_2344 : vector<16xf32>
      %parallel_loop3A_2346 = arith.mulf %parallel_loop3A_2319, %parallel_loop3A_2342 : vector<16xf32>
      %parallel_loop3A_2347 = arith.constant 0.000000e+00 : f32
      %parallel_loop3A_2348 = vector.broadcast %parallel_loop3A_2347 : f32 to vector<16xf32>
      %parallel_loop3A_2349 = arith.select %parallel_loop3A_2345, %parallel_loop3A_2346, %parallel_loop3A_2348 : vector<16xi1>, vector<16xf32>
      %parallel_loop3A_2350 = arith.subf %parallel_loop3A_2349, %get3A_138 : vector<16xf32>
      %parallel_loop3A_2351 = arith.constant 0.000000e+00 : f32
      %parallel_loop3A_2352 = vector.broadcast %parallel_loop3A_2351 : f32 to vector<16xf32>
      %parallel_loop3A_2353 = arith.maximumf %parallel_loop3A_2350, %parallel_loop3A_2352 : vector<16xf32>
      %parallel_loop3A_2354 = arith.mulf %parallel_loop3A_2353, %parallel_loop3A_2353 : vector<16xf32>
      %parallel_loop3A_2355 = arith.select %parallel_loop3A_2282, %parallel_loop3A_2354, %broadcast_in_dim3A_221 : vector<16xi1>, vector<16xf32>
      %parallel_loop3A_2356 = arith.addf %parallel_loop3A_2240, %parallel_loop3A_2355 : vector<16xf32>
      %parallel_loop3A_2357 = arith.select %parallel_loop3A_2285, %parallel_loop3A_2354, %broadcast_in_dim3A_221 : vector<16xi1>, vector<16xf32>
      %parallel_loop3A_2358 = arith.addf %parallel_loop3A_2241, %parallel_loop3A_2357 : vector<16xf32>
      %parallel_loop3A_2359 = arith.select %parallel_loop3A_2288, %parallel_loop3A_2354, %broadcast_in_dim3A_221 : vector<16xi1>, vector<16xf32>
      %parallel_loop3A_2360 = arith.addf %parallel_loop3A_2242, %parallel_loop3A_2359 : vector<16xf32>
      %parallel_loop3A_2361 = arith.select %parallel_loop3A_2291, %parallel_loop3A_2354, %broadcast_in_dim3A_221 : vector<16xi1>, vector<16xf32>
      %parallel_loop3A_2362 = arith.addf %parallel_loop3A_2243, %parallel_loop3A_2361 : vector<16xf32>
      %parallel_loop3A_2363 = arith.addf %parallel_loop3A_2244, %parallel_loop3A_2354 : vector<16xf32>
      scf.yield %parallel_loop3A_2356, %parallel_loop3A_2358, %parallel_loop3A_2360, %parallel_loop3A_2362, %parallel_loop3A_2363 : vector<16xf32>, vector<16xf32>, vector<16xf32>, vector<16xf32>, vector<16xf32>
    } {sc.loop_unroll_factor = 4 : i64, sc.parallel_access}
    %sub3A_1657 = arith.subf %parallel_loop3A_1656#4, %parallel_loop3A_1656#0 : vector<16xf32>
    %sub3A_1658 = arith.subf %sub3A_1657, %parallel_loop3A_1656#1 : vector<16xf32>
    %sub3A_1659 = arith.subf %sub3A_1658, %parallel_loop3A_1656#2 : vector<16xf32>
    %sub3A_1660 = arith.subf %sub3A_1659, %parallel_loop3A_1656#3 : vector<16xf32>
    %mul3A_1661 = arith.mulf %select_n3A_464, %add3A_478 : vector<16xf32>
    %div3A_1662 = arith.divf %parallel_loop3A_1656#0, %mul3A_1661 : vector<16xf32>
    %select_n3A_1663 = arith.select %gt3A_451, %div3A_1662, %broadcast_in_dim3A_221 : vector<16xi1>, vector<16xf32>
    %add3A_1664 = arith.addf %broadcast_in_dim3A_221, %select_n3A_1663 : vector<16xf32>
    %mul3A_1665 = arith.mulf %select_n3A_465, %add3A_478 : vector<16xf32>
    %div3A_1666 = arith.divf %parallel_loop3A_1656#1, %mul3A_1665 : vector<16xf32>
    %select_n3A_1667 = arith.select %gt3A_454, %div3A_1666, %broadcast_in_dim3A_221 : vector<16xi1>, vector<16xf32>
    %add3A_1668 = arith.addf %add3A_1664, %select_n3A_1667 : vector<16xf32>
    %mul3A_1669 = arith.mulf %select_n3A_466, %add3A_478 : vector<16xf32>
    %div3A_1670 = arith.divf %parallel_loop3A_1656#2, %mul3A_1669 : vector<16xf32>
    %select_n3A_1671 = arith.select %gt3A_457, %div3A_1670, %broadcast_in_dim3A_221 : vector<16xi1>, vector<16xf32>
    %add3A_1672 = arith.addf %add3A_1668, %select_n3A_1671 : vector<16xf32>
    %mul3A_1673 = arith.mulf %select_n3A_467, %add3A_478 : vector<16xf32>
    %div3A_1674 = arith.divf %parallel_loop3A_1656#3, %mul3A_1673 : vector<16xf32>
    %select_n3A_1675 = arith.select %gt3A_460, %div3A_1674, %broadcast_in_dim3A_221 : vector<16xi1>, vector<16xf32>
    %add3A_1676 = arith.addf %add3A_1672, %select_n3A_1675 : vector<16xf32>
    %mul3A_1677 = arith.mulf %select_n3A_468, %add3A_478 : vector<16xf32>
    %div3A_1678 = arith.divf %sub3A_1660, %mul3A_1677 : vector<16xf32>
    %select_n3A_1679 = arith.select %gt3A_463, %div3A_1678, %broadcast_in_dim3A_221 : vector<16xi1>, vector<16xf32>
    %add3A_1680 = arith.addf %add3A_1676, %select_n3A_1679 : vector<16xf32>
    %sub3A_1681 = arith.subf %div3A, %div3A_1638 : vector<16xf32>
    %mul3A_1682 = arith.mulf %sub3A_1681, %sub3A_1681 : vector<16xf32>
    %add3A_1683 = arith.addf %broadcast_in_dim3A_221, %mul3A_1682 : vector<16xf32>
    %sub3A_1684 = arith.subf %div3A_1635, %div3A_1639 : vector<16xf32>
    %mul3A_1685 = arith.mulf %sub3A_1684, %sub3A_1684 : vector<16xf32>
    %add3A_1686 = arith.addf %add3A_1683, %mul3A_1685 : vector<16xf32>
    %sub3A_1687 = arith.subf %div3A_1636, %div3A_1640 : vector<16xf32>
    %mul3A_1688 = arith.mulf %sub3A_1687, %sub3A_1687 : vector<16xf32>
    %add3A_1689 = arith.addf %add3A_1686, %mul3A_1688 : vector<16xf32>
    %sub3A_1690 = arith.subf %div3A_1637, %div3A_1641 : vector<16xf32>
    %mul3A_1691 = arith.mulf %sub3A_1690, %sub3A_1690 : vector<16xf32>
    %add3A_1692 = arith.addf %add3A_1689, %mul3A_1691 : vector<16xf32>
    %bitcast_convert_type3A = tpu.bitcast %add3A_1692 : vector<16xf32> -> vector<16xi32>
    %shift_right_arithmetic3A = arith.constant 1 : i32
    %shift_right_arithmetic3A_1693 = vector.broadcast %shift_right_arithmetic3A : i32 to vector<16xi32>
    %shift_right_arithmetic3A_1694 = arith.shrsi %bitcast_convert_type3A, %shift_right_arithmetic3A_1693 : vector<16xi32>
    %sub3A_1695 = arith.constant 1597463007 : i32
    %sub3A_1696 = vector.broadcast %sub3A_1695 : i32 to vector<16xi32>
    %sub3A_1697 = arith.subi %sub3A_1696, %shift_right_arithmetic3A_1694 : vector<16xi32>
    %bitcast_convert_type3A_1698 = tpu.bitcast %sub3A_1697 : vector<16xi32> -> vector<16xf32>
    %mul3A_1699 = arith.constant 5.000000e-01 : f32
    %mul3A_1700 = vector.broadcast %mul3A_1699 : f32 to vector<16xf32>
    %mul3A_1701 = arith.mulf %mul3A_1700, %add3A_1692 : vector<16xf32>
    %mul3A_1702 = arith.mulf %mul3A_1701, %bitcast_convert_type3A_1698 : vector<16xf32>
    %mul3A_1703 = arith.mulf %mul3A_1702, %bitcast_convert_type3A_1698 : vector<16xf32>
    %sub3A_1704 = arith.constant 1.500000e+00 : f32
    %sub3A_1705 = vector.broadcast %sub3A_1704 : f32 to vector<16xf32>
    %sub3A_1706 = arith.subf %sub3A_1705, %mul3A_1703 : vector<16xf32>
    %mul3A_1707 = arith.mulf %bitcast_convert_type3A_1698, %sub3A_1706 : vector<16xf32>
    %mul3A_1708 = arith.mulf %mul3A_1701, %mul3A_1707 : vector<16xf32>
    %mul3A_1709 = arith.mulf %mul3A_1708, %mul3A_1707 : vector<16xf32>
    %sub3A_1710 = arith.constant 1.500000e+00 : f32
    %sub3A_1711 = vector.broadcast %sub3A_1710 : f32 to vector<16xf32>
    %sub3A_1712 = arith.subf %sub3A_1711, %mul3A_1709 : vector<16xf32>
    %mul3A_1713 = arith.mulf %mul3A_1707, %sub3A_1712 : vector<16xf32>
    %gt3A_1714 = arith.constant 0.000000e+00 : f32
    %gt3A_1715 = vector.broadcast %gt3A_1714 : f32 to vector<16xf32>
    %gt3A_1716 = arith.cmpf ogt, %add3A_1692, %gt3A_1715 : vector<16xf32>
    %mul3A_1717 = arith.mulf %add3A_1692, %mul3A_1713 : vector<16xf32>
    %jit3A = arith.constant 0.000000e+00 : f32
    %broadcast_in_dim3A_1718 = vector.broadcast %jit3A : f32 to vector<16xf32>
    %select_n3A_1719 = arith.select %gt3A_1716, %mul3A_1717, %broadcast_in_dim3A_1718 : vector<16xi1>, vector<16xf32>
    %sub3A_1720 = arith.subf %get3A_141, %select_n3A_1719 : vector<16xf32>
    %max3A = arith.constant 0.000000e+00 : f32
    %max3A_1721 = vector.broadcast %max3A : f32 to vector<16xf32>
    %max3A_1722 = arith.maximumf %sub3A_1720, %max3A_1721 : vector<16xf32>
    %select_n3A_1723 = arith.select %gt3A_451, %broadcast_in_dim3A_219, %broadcast_in_dim3A_221 : vector<16xi1>, vector<16xf32>
    %select_n3A_1724 = arith.select %gt3A_454, %broadcast_in_dim3A_219, %broadcast_in_dim3A_221 : vector<16xi1>, vector<16xf32>
    %mul3A_1725 = arith.mulf %select_n3A_1723, %select_n3A_1724 : vector<16xf32>
    %mul3A_1726 = arith.constant 2.000000e+00 : f32
    %mul3A_1727 = vector.broadcast %mul3A_1726 : f32 to vector<16xf32>
    %mul3A_1728 = arith.mulf %mul3A_1727, %mul3A_1725 : vector<16xf32>
    %mul3A_1729 = arith.mulf %mul3A_1728, %max3A_1722 : vector<16xf32>
    %mul3A_1730 = arith.mulf %mul3A_1729, %max3A_1722 : vector<16xf32>
    %add3A_1731 = arith.addf %broadcast_in_dim3A_221, %mul3A_1730 : vector<16xf32>
    %sub3A_1732 = arith.subf %div3A, %div3A_1642 : vector<16xf32>
    %mul3A_1733 = arith.mulf %sub3A_1732, %sub3A_1732 : vector<16xf32>
    %add3A_1734 = arith.addf %broadcast_in_dim3A_221, %mul3A_1733 : vector<16xf32>
    %sub3A_1735 = arith.subf %div3A_1635, %div3A_1643 : vector<16xf32>
    %mul3A_1736 = arith.mulf %sub3A_1735, %sub3A_1735 : vector<16xf32>
    %add3A_1737 = arith.addf %add3A_1734, %mul3A_1736 : vector<16xf32>
    %sub3A_1738 = arith.subf %div3A_1636, %div3A_1644 : vector<16xf32>
    %mul3A_1739 = arith.mulf %sub3A_1738, %sub3A_1738 : vector<16xf32>
    %add3A_1740 = arith.addf %add3A_1737, %mul3A_1739 : vector<16xf32>
    %sub3A_1741 = arith.subf %div3A_1637, %div3A_1645 : vector<16xf32>
    %mul3A_1742 = arith.mulf %sub3A_1741, %sub3A_1741 : vector<16xf32>
    %add3A_1743 = arith.addf %add3A_1740, %mul3A_1742 : vector<16xf32>
    %bitcast_convert_type3A_1744 = tpu.bitcast %add3A_1743 : vector<16xf32> -> vector<16xi32>
    %shift_right_arithmetic3A_1745 = arith.constant 1 : i32
    %shift_right_arithmetic3A_1746 = vector.broadcast %shift_right_arithmetic3A_1745 : i32 to vector<16xi32>
    %shift_right_arithmetic3A_1747 = arith.shrsi %bitcast_convert_type3A_1744, %shift_right_arithmetic3A_1746 : vector<16xi32>
    %sub3A_1748 = arith.constant 1597463007 : i32
    %sub3A_1749 = vector.broadcast %sub3A_1748 : i32 to vector<16xi32>
    %sub3A_1750 = arith.subi %sub3A_1749, %shift_right_arithmetic3A_1747 : vector<16xi32>
    %bitcast_convert_type3A_1751 = tpu.bitcast %sub3A_1750 : vector<16xi32> -> vector<16xf32>
    %mul3A_1752 = arith.constant 5.000000e-01 : f32
    %mul3A_1753 = vector.broadcast %mul3A_1752 : f32 to vector<16xf32>
    %mul3A_1754 = arith.mulf %mul3A_1753, %add3A_1743 : vector<16xf32>
    %mul3A_1755 = arith.mulf %mul3A_1754, %bitcast_convert_type3A_1751 : vector<16xf32>
    %mul3A_1756 = arith.mulf %mul3A_1755, %bitcast_convert_type3A_1751 : vector<16xf32>
    %sub3A_1757 = arith.constant 1.500000e+00 : f32
    %sub3A_1758 = vector.broadcast %sub3A_1757 : f32 to vector<16xf32>
    %sub3A_1759 = arith.subf %sub3A_1758, %mul3A_1756 : vector<16xf32>
    %mul3A_1760 = arith.mulf %bitcast_convert_type3A_1751, %sub3A_1759 : vector<16xf32>
    %mul3A_1761 = arith.mulf %mul3A_1754, %mul3A_1760 : vector<16xf32>
    %mul3A_1762 = arith.mulf %mul3A_1761, %mul3A_1760 : vector<16xf32>
    %sub3A_1763 = arith.constant 1.500000e+00 : f32
    %sub3A_1764 = vector.broadcast %sub3A_1763 : f32 to vector<16xf32>
    %sub3A_1765 = arith.subf %sub3A_1764, %mul3A_1762 : vector<16xf32>
    %mul3A_1766 = arith.mulf %mul3A_1760, %sub3A_1765 : vector<16xf32>
    %gt3A_1767 = arith.constant 0.000000e+00 : f32
    %gt3A_1768 = vector.broadcast %gt3A_1767 : f32 to vector<16xf32>
    %gt3A_1769 = arith.cmpf ogt, %add3A_1743, %gt3A_1768 : vector<16xf32>
    %mul3A_1770 = arith.mulf %add3A_1743, %mul3A_1766 : vector<16xf32>
    %jit3A_1771 = arith.constant 0.000000e+00 : f32
    %broadcast_in_dim3A_1772 = vector.broadcast %jit3A_1771 : f32 to vector<16xf32>
    %select_n3A_1773 = arith.select %gt3A_1769, %mul3A_1770, %broadcast_in_dim3A_1772 : vector<16xi1>, vector<16xf32>
    %sub3A_1774 = arith.subf %get3A_141, %select_n3A_1773 : vector<16xf32>
    %max3A_1775 = arith.constant 0.000000e+00 : f32
    %max3A_1776 = vector.broadcast %max3A_1775 : f32 to vector<16xf32>
    %max3A_1777 = arith.maximumf %sub3A_1774, %max3A_1776 : vector<16xf32>
    %select_n3A_1778 = arith.select %gt3A_451, %broadcast_in_dim3A_219, %broadcast_in_dim3A_221 : vector<16xi1>, vector<16xf32>
    %select_n3A_1779 = arith.select %gt3A_457, %broadcast_in_dim3A_219, %broadcast_in_dim3A_221 : vector<16xi1>, vector<16xf32>
    %mul3A_1780 = arith.mulf %select_n3A_1778, %select_n3A_1779 : vector<16xf32>
    %mul3A_1781 = arith.constant 2.000000e+00 : f32
    %mul3A_1782 = vector.broadcast %mul3A_1781 : f32 to vector<16xf32>
    %mul3A_1783 = arith.mulf %mul3A_1782, %mul3A_1780 : vector<16xf32>
    %mul3A_1784 = arith.mulf %mul3A_1783, %max3A_1777 : vector<16xf32>
    %mul3A_1785 = arith.mulf %mul3A_1784, %max3A_1777 : vector<16xf32>
    %add3A_1786 = arith.addf %add3A_1731, %mul3A_1785 : vector<16xf32>
    %sub3A_1787 = arith.subf %div3A, %div3A_1646 : vector<16xf32>
    %mul3A_1788 = arith.mulf %sub3A_1787, %sub3A_1787 : vector<16xf32>
    %add3A_1789 = arith.addf %broadcast_in_dim3A_221, %mul3A_1788 : vector<16xf32>
    %sub3A_1790 = arith.subf %div3A_1635, %div3A_1647 : vector<16xf32>
    %mul3A_1791 = arith.mulf %sub3A_1790, %sub3A_1790 : vector<16xf32>
    %add3A_1792 = arith.addf %add3A_1789, %mul3A_1791 : vector<16xf32>
    %sub3A_1793 = arith.subf %div3A_1636, %div3A_1648 : vector<16xf32>
    %mul3A_1794 = arith.mulf %sub3A_1793, %sub3A_1793 : vector<16xf32>
    %add3A_1795 = arith.addf %add3A_1792, %mul3A_1794 : vector<16xf32>
    %sub3A_1796 = arith.subf %div3A_1637, %div3A_1649 : vector<16xf32>
    %mul3A_1797 = arith.mulf %sub3A_1796, %sub3A_1796 : vector<16xf32>
    %add3A_1798 = arith.addf %add3A_1795, %mul3A_1797 : vector<16xf32>
    %bitcast_convert_type3A_1799 = tpu.bitcast %add3A_1798 : vector<16xf32> -> vector<16xi32>
    %shift_right_arithmetic3A_1800 = arith.constant 1 : i32
    %shift_right_arithmetic3A_1801 = vector.broadcast %shift_right_arithmetic3A_1800 : i32 to vector<16xi32>
    %shift_right_arithmetic3A_1802 = arith.shrsi %bitcast_convert_type3A_1799, %shift_right_arithmetic3A_1801 : vector<16xi32>
    %sub3A_1803 = arith.constant 1597463007 : i32
    %sub3A_1804 = vector.broadcast %sub3A_1803 : i32 to vector<16xi32>
    %sub3A_1805 = arith.subi %sub3A_1804, %shift_right_arithmetic3A_1802 : vector<16xi32>
    %bitcast_convert_type3A_1806 = tpu.bitcast %sub3A_1805 : vector<16xi32> -> vector<16xf32>
    %mul3A_1807 = arith.constant 5.000000e-01 : f32
    %mul3A_1808 = vector.broadcast %mul3A_1807 : f32 to vector<16xf32>
    %mul3A_1809 = arith.mulf %mul3A_1808, %add3A_1798 : vector<16xf32>
    %mul3A_1810 = arith.mulf %mul3A_1809, %bitcast_convert_type3A_1806 : vector<16xf32>
    %mul3A_1811 = arith.mulf %mul3A_1810, %bitcast_convert_type3A_1806 : vector<16xf32>
    %sub3A_1812 = arith.constant 1.500000e+00 : f32
    %sub3A_1813 = vector.broadcast %sub3A_1812 : f32 to vector<16xf32>
    %sub3A_1814 = arith.subf %sub3A_1813, %mul3A_1811 : vector<16xf32>
    %mul3A_1815 = arith.mulf %bitcast_convert_type3A_1806, %sub3A_1814 : vector<16xf32>
    %mul3A_1816 = arith.mulf %mul3A_1809, %mul3A_1815 : vector<16xf32>
    %mul3A_1817 = arith.mulf %mul3A_1816, %mul3A_1815 : vector<16xf32>
    %sub3A_1818 = arith.constant 1.500000e+00 : f32
    %sub3A_1819 = vector.broadcast %sub3A_1818 : f32 to vector<16xf32>
    %sub3A_1820 = arith.subf %sub3A_1819, %mul3A_1817 : vector<16xf32>
    %mul3A_1821 = arith.mulf %mul3A_1815, %sub3A_1820 : vector<16xf32>
    %gt3A_1822 = arith.constant 0.000000e+00 : f32
    %gt3A_1823 = vector.broadcast %gt3A_1822 : f32 to vector<16xf32>
    %gt3A_1824 = arith.cmpf ogt, %add3A_1798, %gt3A_1823 : vector<16xf32>
    %mul3A_1825 = arith.mulf %add3A_1798, %mul3A_1821 : vector<16xf32>
    %jit3A_1826 = arith.constant 0.000000e+00 : f32
    %broadcast_in_dim3A_1827 = vector.broadcast %jit3A_1826 : f32 to vector<16xf32>
    %select_n3A_1828 = arith.select %gt3A_1824, %mul3A_1825, %broadcast_in_dim3A_1827 : vector<16xi1>, vector<16xf32>
    %sub3A_1829 = arith.subf %get3A_141, %select_n3A_1828 : vector<16xf32>
    %max3A_1830 = arith.constant 0.000000e+00 : f32
    %max3A_1831 = vector.broadcast %max3A_1830 : f32 to vector<16xf32>
    %max3A_1832 = arith.maximumf %sub3A_1829, %max3A_1831 : vector<16xf32>
    %select_n3A_1833 = arith.select %gt3A_451, %broadcast_in_dim3A_219, %broadcast_in_dim3A_221 : vector<16xi1>, vector<16xf32>
    %select_n3A_1834 = arith.select %gt3A_460, %broadcast_in_dim3A_219, %broadcast_in_dim3A_221 : vector<16xi1>, vector<16xf32>
    %mul3A_1835 = arith.mulf %select_n3A_1833, %select_n3A_1834 : vector<16xf32>
    %mul3A_1836 = arith.constant 2.000000e+00 : f32
    %mul3A_1837 = vector.broadcast %mul3A_1836 : f32 to vector<16xf32>
    %mul3A_1838 = arith.mulf %mul3A_1837, %mul3A_1835 : vector<16xf32>
    %mul3A_1839 = arith.mulf %mul3A_1838, %max3A_1832 : vector<16xf32>
    %mul3A_1840 = arith.mulf %mul3A_1839, %max3A_1832 : vector<16xf32>
    %add3A_1841 = arith.addf %add3A_1786, %mul3A_1840 : vector<16xf32>
    %sub3A_1842 = arith.subf %div3A, %div3A_1650 : vector<16xf32>
    %mul3A_1843 = arith.mulf %sub3A_1842, %sub3A_1842 : vector<16xf32>
    %add3A_1844 = arith.addf %broadcast_in_dim3A_221, %mul3A_1843 : vector<16xf32>
    %sub3A_1845 = arith.subf %div3A_1635, %div3A_1651 : vector<16xf32>
    %mul3A_1846 = arith.mulf %sub3A_1845, %sub3A_1845 : vector<16xf32>
    %add3A_1847 = arith.addf %add3A_1844, %mul3A_1846 : vector<16xf32>
    %sub3A_1848 = arith.subf %div3A_1636, %div3A_1652 : vector<16xf32>
    %mul3A_1849 = arith.mulf %sub3A_1848, %sub3A_1848 : vector<16xf32>
    %add3A_1850 = arith.addf %add3A_1847, %mul3A_1849 : vector<16xf32>
    %sub3A_1851 = arith.subf %div3A_1637, %div3A_1653 : vector<16xf32>
    %mul3A_1852 = arith.mulf %sub3A_1851, %sub3A_1851 : vector<16xf32>
    %add3A_1853 = arith.addf %add3A_1850, %mul3A_1852 : vector<16xf32>
    %bitcast_convert_type3A_1854 = tpu.bitcast %add3A_1853 : vector<16xf32> -> vector<16xi32>
    %shift_right_arithmetic3A_1855 = arith.constant 1 : i32
    %shift_right_arithmetic3A_1856 = vector.broadcast %shift_right_arithmetic3A_1855 : i32 to vector<16xi32>
    %shift_right_arithmetic3A_1857 = arith.shrsi %bitcast_convert_type3A_1854, %shift_right_arithmetic3A_1856 : vector<16xi32>
    %sub3A_1858 = arith.constant 1597463007 : i32
    %sub3A_1859 = vector.broadcast %sub3A_1858 : i32 to vector<16xi32>
    %sub3A_1860 = arith.subi %sub3A_1859, %shift_right_arithmetic3A_1857 : vector<16xi32>
    %bitcast_convert_type3A_1861 = tpu.bitcast %sub3A_1860 : vector<16xi32> -> vector<16xf32>
    %mul3A_1862 = arith.constant 5.000000e-01 : f32
    %mul3A_1863 = vector.broadcast %mul3A_1862 : f32 to vector<16xf32>
    %mul3A_1864 = arith.mulf %mul3A_1863, %add3A_1853 : vector<16xf32>
    %mul3A_1865 = arith.mulf %mul3A_1864, %bitcast_convert_type3A_1861 : vector<16xf32>
    %mul3A_1866 = arith.mulf %mul3A_1865, %bitcast_convert_type3A_1861 : vector<16xf32>
    %sub3A_1867 = arith.constant 1.500000e+00 : f32
    %sub3A_1868 = vector.broadcast %sub3A_1867 : f32 to vector<16xf32>
    %sub3A_1869 = arith.subf %sub3A_1868, %mul3A_1866 : vector<16xf32>
    %mul3A_1870 = arith.mulf %bitcast_convert_type3A_1861, %sub3A_1869 : vector<16xf32>
    %mul3A_1871 = arith.mulf %mul3A_1864, %mul3A_1870 : vector<16xf32>
    %mul3A_1872 = arith.mulf %mul3A_1871, %mul3A_1870 : vector<16xf32>
    %sub3A_1873 = arith.constant 1.500000e+00 : f32
    %sub3A_1874 = vector.broadcast %sub3A_1873 : f32 to vector<16xf32>
    %sub3A_1875 = arith.subf %sub3A_1874, %mul3A_1872 : vector<16xf32>
    %mul3A_1876 = arith.mulf %mul3A_1870, %sub3A_1875 : vector<16xf32>
    %gt3A_1877 = arith.constant 0.000000e+00 : f32
    %gt3A_1878 = vector.broadcast %gt3A_1877 : f32 to vector<16xf32>
    %gt3A_1879 = arith.cmpf ogt, %add3A_1853, %gt3A_1878 : vector<16xf32>
    %mul3A_1880 = arith.mulf %add3A_1853, %mul3A_1876 : vector<16xf32>
    %jit3A_1881 = arith.constant 0.000000e+00 : f32
    %broadcast_in_dim3A_1882 = vector.broadcast %jit3A_1881 : f32 to vector<16xf32>
    %select_n3A_1883 = arith.select %gt3A_1879, %mul3A_1880, %broadcast_in_dim3A_1882 : vector<16xi1>, vector<16xf32>
    %sub3A_1884 = arith.subf %get3A_141, %select_n3A_1883 : vector<16xf32>
    %max3A_1885 = arith.constant 0.000000e+00 : f32
    %max3A_1886 = vector.broadcast %max3A_1885 : f32 to vector<16xf32>
    %max3A_1887 = arith.maximumf %sub3A_1884, %max3A_1886 : vector<16xf32>
    %select_n3A_1888 = arith.select %gt3A_451, %broadcast_in_dim3A_219, %broadcast_in_dim3A_221 : vector<16xi1>, vector<16xf32>
    %select_n3A_1889 = arith.select %gt3A_463, %broadcast_in_dim3A_219, %broadcast_in_dim3A_221 : vector<16xi1>, vector<16xf32>
    %mul3A_1890 = arith.mulf %select_n3A_1888, %select_n3A_1889 : vector<16xf32>
    %mul3A_1891 = arith.constant 2.000000e+00 : f32
    %mul3A_1892 = vector.broadcast %mul3A_1891 : f32 to vector<16xf32>
    %mul3A_1893 = arith.mulf %mul3A_1892, %mul3A_1890 : vector<16xf32>
    %mul3A_1894 = arith.mulf %mul3A_1893, %max3A_1887 : vector<16xf32>
    %mul3A_1895 = arith.mulf %mul3A_1894, %max3A_1887 : vector<16xf32>
    %add3A_1896 = arith.addf %add3A_1841, %mul3A_1895 : vector<16xf32>
    %sub3A_1897 = arith.subf %div3A_1638, %div3A_1642 : vector<16xf32>
    %mul3A_1898 = arith.mulf %sub3A_1897, %sub3A_1897 : vector<16xf32>
    %add3A_1899 = arith.addf %broadcast_in_dim3A_221, %mul3A_1898 : vector<16xf32>
    %sub3A_1900 = arith.subf %div3A_1639, %div3A_1643 : vector<16xf32>
    %mul3A_1901 = arith.mulf %sub3A_1900, %sub3A_1900 : vector<16xf32>
    %add3A_1902 = arith.addf %add3A_1899, %mul3A_1901 : vector<16xf32>
    %sub3A_1903 = arith.subf %div3A_1640, %div3A_1644 : vector<16xf32>
    %mul3A_1904 = arith.mulf %sub3A_1903, %sub3A_1903 : vector<16xf32>
    %add3A_1905 = arith.addf %add3A_1902, %mul3A_1904 : vector<16xf32>
    %sub3A_1906 = arith.subf %div3A_1641, %div3A_1645 : vector<16xf32>
    %mul3A_1907 = arith.mulf %sub3A_1906, %sub3A_1906 : vector<16xf32>
    %add3A_1908 = arith.addf %add3A_1905, %mul3A_1907 : vector<16xf32>
    %bitcast_convert_type3A_1909 = tpu.bitcast %add3A_1908 : vector<16xf32> -> vector<16xi32>
    %shift_right_arithmetic3A_1910 = arith.constant 1 : i32
    %shift_right_arithmetic3A_1911 = vector.broadcast %shift_right_arithmetic3A_1910 : i32 to vector<16xi32>
    %shift_right_arithmetic3A_1912 = arith.shrsi %bitcast_convert_type3A_1909, %shift_right_arithmetic3A_1911 : vector<16xi32>
    %sub3A_1913 = arith.constant 1597463007 : i32
    %sub3A_1914 = vector.broadcast %sub3A_1913 : i32 to vector<16xi32>
    %sub3A_1915 = arith.subi %sub3A_1914, %shift_right_arithmetic3A_1912 : vector<16xi32>
    %bitcast_convert_type3A_1916 = tpu.bitcast %sub3A_1915 : vector<16xi32> -> vector<16xf32>
    %mul3A_1917 = arith.constant 5.000000e-01 : f32
    %mul3A_1918 = vector.broadcast %mul3A_1917 : f32 to vector<16xf32>
    %mul3A_1919 = arith.mulf %mul3A_1918, %add3A_1908 : vector<16xf32>
    %mul3A_1920 = arith.mulf %mul3A_1919, %bitcast_convert_type3A_1916 : vector<16xf32>
    %mul3A_1921 = arith.mulf %mul3A_1920, %bitcast_convert_type3A_1916 : vector<16xf32>
    %sub3A_1922 = arith.constant 1.500000e+00 : f32
    %sub3A_1923 = vector.broadcast %sub3A_1922 : f32 to vector<16xf32>
    %sub3A_1924 = arith.subf %sub3A_1923, %mul3A_1921 : vector<16xf32>
    %mul3A_1925 = arith.mulf %bitcast_convert_type3A_1916, %sub3A_1924 : vector<16xf32>
    %mul3A_1926 = arith.mulf %mul3A_1919, %mul3A_1925 : vector<16xf32>
    %mul3A_1927 = arith.mulf %mul3A_1926, %mul3A_1925 : vector<16xf32>
    %sub3A_1928 = arith.constant 1.500000e+00 : f32
    %sub3A_1929 = vector.broadcast %sub3A_1928 : f32 to vector<16xf32>
    %sub3A_1930 = arith.subf %sub3A_1929, %mul3A_1927 : vector<16xf32>
    %mul3A_1931 = arith.mulf %mul3A_1925, %sub3A_1930 : vector<16xf32>
    %gt3A_1932 = arith.constant 0.000000e+00 : f32
    %gt3A_1933 = vector.broadcast %gt3A_1932 : f32 to vector<16xf32>
    %gt3A_1934 = arith.cmpf ogt, %add3A_1908, %gt3A_1933 : vector<16xf32>
    %mul3A_1935 = arith.mulf %add3A_1908, %mul3A_1931 : vector<16xf32>
    %jit3A_1936 = arith.constant 0.000000e+00 : f32
    %broadcast_in_dim3A_1937 = vector.broadcast %jit3A_1936 : f32 to vector<16xf32>
    %select_n3A_1938 = arith.select %gt3A_1934, %mul3A_1935, %broadcast_in_dim3A_1937 : vector<16xi1>, vector<16xf32>
    %sub3A_1939 = arith.subf %get3A_141, %select_n3A_1938 : vector<16xf32>
    %max3A_1940 = arith.constant 0.000000e+00 : f32
    %max3A_1941 = vector.broadcast %max3A_1940 : f32 to vector<16xf32>
    %max3A_1942 = arith.maximumf %sub3A_1939, %max3A_1941 : vector<16xf32>
    %select_n3A_1943 = arith.select %gt3A_454, %broadcast_in_dim3A_219, %broadcast_in_dim3A_221 : vector<16xi1>, vector<16xf32>
    %select_n3A_1944 = arith.select %gt3A_457, %broadcast_in_dim3A_219, %broadcast_in_dim3A_221 : vector<16xi1>, vector<16xf32>
    %mul3A_1945 = arith.mulf %select_n3A_1943, %select_n3A_1944 : vector<16xf32>
    %mul3A_1946 = arith.constant 2.000000e+00 : f32
    %mul3A_1947 = vector.broadcast %mul3A_1946 : f32 to vector<16xf32>
    %mul3A_1948 = arith.mulf %mul3A_1947, %mul3A_1945 : vector<16xf32>
    %mul3A_1949 = arith.mulf %mul3A_1948, %max3A_1942 : vector<16xf32>
    %mul3A_1950 = arith.mulf %mul3A_1949, %max3A_1942 : vector<16xf32>
    %add3A_1951 = arith.addf %add3A_1896, %mul3A_1950 : vector<16xf32>
    %sub3A_1952 = arith.subf %div3A_1638, %div3A_1646 : vector<16xf32>
    %mul3A_1953 = arith.mulf %sub3A_1952, %sub3A_1952 : vector<16xf32>
    %add3A_1954 = arith.addf %broadcast_in_dim3A_221, %mul3A_1953 : vector<16xf32>
    %sub3A_1955 = arith.subf %div3A_1639, %div3A_1647 : vector<16xf32>
    %mul3A_1956 = arith.mulf %sub3A_1955, %sub3A_1955 : vector<16xf32>
    %add3A_1957 = arith.addf %add3A_1954, %mul3A_1956 : vector<16xf32>
    %sub3A_1958 = arith.subf %div3A_1640, %div3A_1648 : vector<16xf32>
    %mul3A_1959 = arith.mulf %sub3A_1958, %sub3A_1958 : vector<16xf32>
    %add3A_1960 = arith.addf %add3A_1957, %mul3A_1959 : vector<16xf32>
    %sub3A_1961 = arith.subf %div3A_1641, %div3A_1649 : vector<16xf32>
    %mul3A_1962 = arith.mulf %sub3A_1961, %sub3A_1961 : vector<16xf32>
    %add3A_1963 = arith.addf %add3A_1960, %mul3A_1962 : vector<16xf32>
    %bitcast_convert_type3A_1964 = tpu.bitcast %add3A_1963 : vector<16xf32> -> vector<16xi32>
    %shift_right_arithmetic3A_1965 = arith.constant 1 : i32
    %shift_right_arithmetic3A_1966 = vector.broadcast %shift_right_arithmetic3A_1965 : i32 to vector<16xi32>
    %shift_right_arithmetic3A_1967 = arith.shrsi %bitcast_convert_type3A_1964, %shift_right_arithmetic3A_1966 : vector<16xi32>
    %sub3A_1968 = arith.constant 1597463007 : i32
    %sub3A_1969 = vector.broadcast %sub3A_1968 : i32 to vector<16xi32>
    %sub3A_1970 = arith.subi %sub3A_1969, %shift_right_arithmetic3A_1967 : vector<16xi32>
    %bitcast_convert_type3A_1971 = tpu.bitcast %sub3A_1970 : vector<16xi32> -> vector<16xf32>
    %mul3A_1972 = arith.constant 5.000000e-01 : f32
    %mul3A_1973 = vector.broadcast %mul3A_1972 : f32 to vector<16xf32>
    %mul3A_1974 = arith.mulf %mul3A_1973, %add3A_1963 : vector<16xf32>
    %mul3A_1975 = arith.mulf %mul3A_1974, %bitcast_convert_type3A_1971 : vector<16xf32>
    %mul3A_1976 = arith.mulf %mul3A_1975, %bitcast_convert_type3A_1971 : vector<16xf32>
    %sub3A_1977 = arith.constant 1.500000e+00 : f32
    %sub3A_1978 = vector.broadcast %sub3A_1977 : f32 to vector<16xf32>
    %sub3A_1979 = arith.subf %sub3A_1978, %mul3A_1976 : vector<16xf32>
    %mul3A_1980 = arith.mulf %bitcast_convert_type3A_1971, %sub3A_1979 : vector<16xf32>
    %mul3A_1981 = arith.mulf %mul3A_1974, %mul3A_1980 : vector<16xf32>
    %mul3A_1982 = arith.mulf %mul3A_1981, %mul3A_1980 : vector<16xf32>
    %sub3A_1983 = arith.constant 1.500000e+00 : f32
    %sub3A_1984 = vector.broadcast %sub3A_1983 : f32 to vector<16xf32>
    %sub3A_1985 = arith.subf %sub3A_1984, %mul3A_1982 : vector<16xf32>
    %mul3A_1986 = arith.mulf %mul3A_1980, %sub3A_1985 : vector<16xf32>
    %gt3A_1987 = arith.constant 0.000000e+00 : f32
    %gt3A_1988 = vector.broadcast %gt3A_1987 : f32 to vector<16xf32>
    %gt3A_1989 = arith.cmpf ogt, %add3A_1963, %gt3A_1988 : vector<16xf32>
    %mul3A_1990 = arith.mulf %add3A_1963, %mul3A_1986 : vector<16xf32>
    %jit3A_1991 = arith.constant 0.000000e+00 : f32
    %broadcast_in_dim3A_1992 = vector.broadcast %jit3A_1991 : f32 to vector<16xf32>
    %select_n3A_1993 = arith.select %gt3A_1989, %mul3A_1990, %broadcast_in_dim3A_1992 : vector<16xi1>, vector<16xf32>
    %sub3A_1994 = arith.subf %get3A_141, %select_n3A_1993 : vector<16xf32>
    %max3A_1995 = arith.constant 0.000000e+00 : f32
    %max3A_1996 = vector.broadcast %max3A_1995 : f32 to vector<16xf32>
    %max3A_1997 = arith.maximumf %sub3A_1994, %max3A_1996 : vector<16xf32>
    %select_n3A_1998 = arith.select %gt3A_454, %broadcast_in_dim3A_219, %broadcast_in_dim3A_221 : vector<16xi1>, vector<16xf32>
    %select_n3A_1999 = arith.select %gt3A_460, %broadcast_in_dim3A_219, %broadcast_in_dim3A_221 : vector<16xi1>, vector<16xf32>
    %mul3A_2000 = arith.mulf %select_n3A_1998, %select_n3A_1999 : vector<16xf32>
    %mul3A_2001 = arith.constant 2.000000e+00 : f32
    %mul3A_2002 = vector.broadcast %mul3A_2001 : f32 to vector<16xf32>
    %mul3A_2003 = arith.mulf %mul3A_2002, %mul3A_2000 : vector<16xf32>
    %mul3A_2004 = arith.mulf %mul3A_2003, %max3A_1997 : vector<16xf32>
    %mul3A_2005 = arith.mulf %mul3A_2004, %max3A_1997 : vector<16xf32>
    %add3A_2006 = arith.addf %add3A_1951, %mul3A_2005 : vector<16xf32>
    %sub3A_2007 = arith.subf %div3A_1638, %div3A_1650 : vector<16xf32>
    %mul3A_2008 = arith.mulf %sub3A_2007, %sub3A_2007 : vector<16xf32>
    %add3A_2009 = arith.addf %broadcast_in_dim3A_221, %mul3A_2008 : vector<16xf32>
    %sub3A_2010 = arith.subf %div3A_1639, %div3A_1651 : vector<16xf32>
    %mul3A_2011 = arith.mulf %sub3A_2010, %sub3A_2010 : vector<16xf32>
    %add3A_2012 = arith.addf %add3A_2009, %mul3A_2011 : vector<16xf32>
    %sub3A_2013 = arith.subf %div3A_1640, %div3A_1652 : vector<16xf32>
    %mul3A_2014 = arith.mulf %sub3A_2013, %sub3A_2013 : vector<16xf32>
    %add3A_2015 = arith.addf %add3A_2012, %mul3A_2014 : vector<16xf32>
    %sub3A_2016 = arith.subf %div3A_1641, %div3A_1653 : vector<16xf32>
    %mul3A_2017 = arith.mulf %sub3A_2016, %sub3A_2016 : vector<16xf32>
    %add3A_2018 = arith.addf %add3A_2015, %mul3A_2017 : vector<16xf32>
    %bitcast_convert_type3A_2019 = tpu.bitcast %add3A_2018 : vector<16xf32> -> vector<16xi32>
    %shift_right_arithmetic3A_2020 = arith.constant 1 : i32
    %shift_right_arithmetic3A_2021 = vector.broadcast %shift_right_arithmetic3A_2020 : i32 to vector<16xi32>
    %shift_right_arithmetic3A_2022 = arith.shrsi %bitcast_convert_type3A_2019, %shift_right_arithmetic3A_2021 : vector<16xi32>
    %sub3A_2023 = arith.constant 1597463007 : i32
    %sub3A_2024 = vector.broadcast %sub3A_2023 : i32 to vector<16xi32>
    %sub3A_2025 = arith.subi %sub3A_2024, %shift_right_arithmetic3A_2022 : vector<16xi32>
    %bitcast_convert_type3A_2026 = tpu.bitcast %sub3A_2025 : vector<16xi32> -> vector<16xf32>
    %mul3A_2027 = arith.constant 5.000000e-01 : f32
    %mul3A_2028 = vector.broadcast %mul3A_2027 : f32 to vector<16xf32>
    %mul3A_2029 = arith.mulf %mul3A_2028, %add3A_2018 : vector<16xf32>
    %mul3A_2030 = arith.mulf %mul3A_2029, %bitcast_convert_type3A_2026 : vector<16xf32>
    %mul3A_2031 = arith.mulf %mul3A_2030, %bitcast_convert_type3A_2026 : vector<16xf32>
    %sub3A_2032 = arith.constant 1.500000e+00 : f32
    %sub3A_2033 = vector.broadcast %sub3A_2032 : f32 to vector<16xf32>
    %sub3A_2034 = arith.subf %sub3A_2033, %mul3A_2031 : vector<16xf32>
    %mul3A_2035 = arith.mulf %bitcast_convert_type3A_2026, %sub3A_2034 : vector<16xf32>
    %mul3A_2036 = arith.mulf %mul3A_2029, %mul3A_2035 : vector<16xf32>
    %mul3A_2037 = arith.mulf %mul3A_2036, %mul3A_2035 : vector<16xf32>
    %sub3A_2038 = arith.constant 1.500000e+00 : f32
    %sub3A_2039 = vector.broadcast %sub3A_2038 : f32 to vector<16xf32>
    %sub3A_2040 = arith.subf %sub3A_2039, %mul3A_2037 : vector<16xf32>
    %mul3A_2041 = arith.mulf %mul3A_2035, %sub3A_2040 : vector<16xf32>
    %gt3A_2042 = arith.constant 0.000000e+00 : f32
    %gt3A_2043 = vector.broadcast %gt3A_2042 : f32 to vector<16xf32>
    %gt3A_2044 = arith.cmpf ogt, %add3A_2018, %gt3A_2043 : vector<16xf32>
    %mul3A_2045 = arith.mulf %add3A_2018, %mul3A_2041 : vector<16xf32>
    %jit3A_2046 = arith.constant 0.000000e+00 : f32
    %broadcast_in_dim3A_2047 = vector.broadcast %jit3A_2046 : f32 to vector<16xf32>
    %select_n3A_2048 = arith.select %gt3A_2044, %mul3A_2045, %broadcast_in_dim3A_2047 : vector<16xi1>, vector<16xf32>
    %sub3A_2049 = arith.subf %get3A_141, %select_n3A_2048 : vector<16xf32>
    %max3A_2050 = arith.constant 0.000000e+00 : f32
    %max3A_2051 = vector.broadcast %max3A_2050 : f32 to vector<16xf32>
    %max3A_2052 = arith.maximumf %sub3A_2049, %max3A_2051 : vector<16xf32>
    %select_n3A_2053 = arith.select %gt3A_454, %broadcast_in_dim3A_219, %broadcast_in_dim3A_221 : vector<16xi1>, vector<16xf32>
    %select_n3A_2054 = arith.select %gt3A_463, %broadcast_in_dim3A_219, %broadcast_in_dim3A_221 : vector<16xi1>, vector<16xf32>
    %mul3A_2055 = arith.mulf %select_n3A_2053, %select_n3A_2054 : vector<16xf32>
    %mul3A_2056 = arith.constant 2.000000e+00 : f32
    %mul3A_2057 = vector.broadcast %mul3A_2056 : f32 to vector<16xf32>
    %mul3A_2058 = arith.mulf %mul3A_2057, %mul3A_2055 : vector<16xf32>
    %mul3A_2059 = arith.mulf %mul3A_2058, %max3A_2052 : vector<16xf32>
    %mul3A_2060 = arith.mulf %mul3A_2059, %max3A_2052 : vector<16xf32>
    %add3A_2061 = arith.addf %add3A_2006, %mul3A_2060 : vector<16xf32>
    %sub3A_2062 = arith.subf %div3A_1642, %div3A_1646 : vector<16xf32>
    %mul3A_2063 = arith.mulf %sub3A_2062, %sub3A_2062 : vector<16xf32>
    %add3A_2064 = arith.addf %broadcast_in_dim3A_221, %mul3A_2063 : vector<16xf32>
    %sub3A_2065 = arith.subf %div3A_1643, %div3A_1647 : vector<16xf32>
    %mul3A_2066 = arith.mulf %sub3A_2065, %sub3A_2065 : vector<16xf32>
    %add3A_2067 = arith.addf %add3A_2064, %mul3A_2066 : vector<16xf32>
    %sub3A_2068 = arith.subf %div3A_1644, %div3A_1648 : vector<16xf32>
    %mul3A_2069 = arith.mulf %sub3A_2068, %sub3A_2068 : vector<16xf32>
    %add3A_2070 = arith.addf %add3A_2067, %mul3A_2069 : vector<16xf32>
    %sub3A_2071 = arith.subf %div3A_1645, %div3A_1649 : vector<16xf32>
    %mul3A_2072 = arith.mulf %sub3A_2071, %sub3A_2071 : vector<16xf32>
    %add3A_2073 = arith.addf %add3A_2070, %mul3A_2072 : vector<16xf32>
    %bitcast_convert_type3A_2074 = tpu.bitcast %add3A_2073 : vector<16xf32> -> vector<16xi32>
    %shift_right_arithmetic3A_2075 = arith.constant 1 : i32
    %shift_right_arithmetic3A_2076 = vector.broadcast %shift_right_arithmetic3A_2075 : i32 to vector<16xi32>
    %shift_right_arithmetic3A_2077 = arith.shrsi %bitcast_convert_type3A_2074, %shift_right_arithmetic3A_2076 : vector<16xi32>
    %sub3A_2078 = arith.constant 1597463007 : i32
    %sub3A_2079 = vector.broadcast %sub3A_2078 : i32 to vector<16xi32>
    %sub3A_2080 = arith.subi %sub3A_2079, %shift_right_arithmetic3A_2077 : vector<16xi32>
    %bitcast_convert_type3A_2081 = tpu.bitcast %sub3A_2080 : vector<16xi32> -> vector<16xf32>
    %mul3A_2082 = arith.constant 5.000000e-01 : f32
    %mul3A_2083 = vector.broadcast %mul3A_2082 : f32 to vector<16xf32>
    %mul3A_2084 = arith.mulf %mul3A_2083, %add3A_2073 : vector<16xf32>
    %mul3A_2085 = arith.mulf %mul3A_2084, %bitcast_convert_type3A_2081 : vector<16xf32>
    %mul3A_2086 = arith.mulf %mul3A_2085, %bitcast_convert_type3A_2081 : vector<16xf32>
    %sub3A_2087 = arith.constant 1.500000e+00 : f32
    %sub3A_2088 = vector.broadcast %sub3A_2087 : f32 to vector<16xf32>
    %sub3A_2089 = arith.subf %sub3A_2088, %mul3A_2086 : vector<16xf32>
    %mul3A_2090 = arith.mulf %bitcast_convert_type3A_2081, %sub3A_2089 : vector<16xf32>
    %mul3A_2091 = arith.mulf %mul3A_2084, %mul3A_2090 : vector<16xf32>
    %mul3A_2092 = arith.mulf %mul3A_2091, %mul3A_2090 : vector<16xf32>
    %sub3A_2093 = arith.constant 1.500000e+00 : f32
    %sub3A_2094 = vector.broadcast %sub3A_2093 : f32 to vector<16xf32>
    %sub3A_2095 = arith.subf %sub3A_2094, %mul3A_2092 : vector<16xf32>
    %mul3A_2096 = arith.mulf %mul3A_2090, %sub3A_2095 : vector<16xf32>
    %gt3A_2097 = arith.constant 0.000000e+00 : f32
    %gt3A_2098 = vector.broadcast %gt3A_2097 : f32 to vector<16xf32>
    %gt3A_2099 = arith.cmpf ogt, %add3A_2073, %gt3A_2098 : vector<16xf32>
    %mul3A_2100 = arith.mulf %add3A_2073, %mul3A_2096 : vector<16xf32>
    %jit3A_2101 = arith.constant 0.000000e+00 : f32
    %broadcast_in_dim3A_2102 = vector.broadcast %jit3A_2101 : f32 to vector<16xf32>
    %select_n3A_2103 = arith.select %gt3A_2099, %mul3A_2100, %broadcast_in_dim3A_2102 : vector<16xi1>, vector<16xf32>
    %sub3A_2104 = arith.subf %get3A_141, %select_n3A_2103 : vector<16xf32>
    %max3A_2105 = arith.constant 0.000000e+00 : f32
    %max3A_2106 = vector.broadcast %max3A_2105 : f32 to vector<16xf32>
    %max3A_2107 = arith.maximumf %sub3A_2104, %max3A_2106 : vector<16xf32>
    %select_n3A_2108 = arith.select %gt3A_457, %broadcast_in_dim3A_219, %broadcast_in_dim3A_221 : vector<16xi1>, vector<16xf32>
    %select_n3A_2109 = arith.select %gt3A_460, %broadcast_in_dim3A_219, %broadcast_in_dim3A_221 : vector<16xi1>, vector<16xf32>
    %mul3A_2110 = arith.mulf %select_n3A_2108, %select_n3A_2109 : vector<16xf32>
    %mul3A_2111 = arith.constant 2.000000e+00 : f32
    %mul3A_2112 = vector.broadcast %mul3A_2111 : f32 to vector<16xf32>
    %mul3A_2113 = arith.mulf %mul3A_2112, %mul3A_2110 : vector<16xf32>
    %mul3A_2114 = arith.mulf %mul3A_2113, %max3A_2107 : vector<16xf32>
    %mul3A_2115 = arith.mulf %mul3A_2114, %max3A_2107 : vector<16xf32>
    %add3A_2116 = arith.addf %add3A_2061, %mul3A_2115 : vector<16xf32>
    %sub3A_2117 = arith.subf %div3A_1642, %div3A_1650 : vector<16xf32>
    %mul3A_2118 = arith.mulf %sub3A_2117, %sub3A_2117 : vector<16xf32>
    %add3A_2119 = arith.addf %broadcast_in_dim3A_221, %mul3A_2118 : vector<16xf32>
    %sub3A_2120 = arith.subf %div3A_1643, %div3A_1651 : vector<16xf32>
    %mul3A_2121 = arith.mulf %sub3A_2120, %sub3A_2120 : vector<16xf32>
    %add3A_2122 = arith.addf %add3A_2119, %mul3A_2121 : vector<16xf32>
    %sub3A_2123 = arith.subf %div3A_1644, %div3A_1652 : vector<16xf32>
    %mul3A_2124 = arith.mulf %sub3A_2123, %sub3A_2123 : vector<16xf32>
    %add3A_2125 = arith.addf %add3A_2122, %mul3A_2124 : vector<16xf32>
    %sub3A_2126 = arith.subf %div3A_1645, %div3A_1653 : vector<16xf32>
    %mul3A_2127 = arith.mulf %sub3A_2126, %sub3A_2126 : vector<16xf32>
    %add3A_2128 = arith.addf %add3A_2125, %mul3A_2127 : vector<16xf32>
    %bitcast_convert_type3A_2129 = tpu.bitcast %add3A_2128 : vector<16xf32> -> vector<16xi32>
    %shift_right_arithmetic3A_2130 = arith.constant 1 : i32
    %shift_right_arithmetic3A_2131 = vector.broadcast %shift_right_arithmetic3A_2130 : i32 to vector<16xi32>
    %shift_right_arithmetic3A_2132 = arith.shrsi %bitcast_convert_type3A_2129, %shift_right_arithmetic3A_2131 : vector<16xi32>
    %sub3A_2133 = arith.constant 1597463007 : i32
    %sub3A_2134 = vector.broadcast %sub3A_2133 : i32 to vector<16xi32>
    %sub3A_2135 = arith.subi %sub3A_2134, %shift_right_arithmetic3A_2132 : vector<16xi32>
    %bitcast_convert_type3A_2136 = tpu.bitcast %sub3A_2135 : vector<16xi32> -> vector<16xf32>
    %mul3A_2137 = arith.constant 5.000000e-01 : f32
    %mul3A_2138 = vector.broadcast %mul3A_2137 : f32 to vector<16xf32>
    %mul3A_2139 = arith.mulf %mul3A_2138, %add3A_2128 : vector<16xf32>
    %mul3A_2140 = arith.mulf %mul3A_2139, %bitcast_convert_type3A_2136 : vector<16xf32>
    %mul3A_2141 = arith.mulf %mul3A_2140, %bitcast_convert_type3A_2136 : vector<16xf32>
    %sub3A_2142 = arith.constant 1.500000e+00 : f32
    %sub3A_2143 = vector.broadcast %sub3A_2142 : f32 to vector<16xf32>
    %sub3A_2144 = arith.subf %sub3A_2143, %mul3A_2141 : vector<16xf32>
    %mul3A_2145 = arith.mulf %bitcast_convert_type3A_2136, %sub3A_2144 : vector<16xf32>
    %mul3A_2146 = arith.mulf %mul3A_2139, %mul3A_2145 : vector<16xf32>
    %mul3A_2147 = arith.mulf %mul3A_2146, %mul3A_2145 : vector<16xf32>
    %sub3A_2148 = arith.constant 1.500000e+00 : f32
    %sub3A_2149 = vector.broadcast %sub3A_2148 : f32 to vector<16xf32>
    %sub3A_2150 = arith.subf %sub3A_2149, %mul3A_2147 : vector<16xf32>
    %mul3A_2151 = arith.mulf %mul3A_2145, %sub3A_2150 : vector<16xf32>
    %gt3A_2152 = arith.constant 0.000000e+00 : f32
    %gt3A_2153 = vector.broadcast %gt3A_2152 : f32 to vector<16xf32>
    %gt3A_2154 = arith.cmpf ogt, %add3A_2128, %gt3A_2153 : vector<16xf32>
    %mul3A_2155 = arith.mulf %add3A_2128, %mul3A_2151 : vector<16xf32>
    %jit3A_2156 = arith.constant 0.000000e+00 : f32
    %broadcast_in_dim3A_2157 = vector.broadcast %jit3A_2156 : f32 to vector<16xf32>
    %select_n3A_2158 = arith.select %gt3A_2154, %mul3A_2155, %broadcast_in_dim3A_2157 : vector<16xi1>, vector<16xf32>
    %sub3A_2159 = arith.subf %get3A_141, %select_n3A_2158 : vector<16xf32>
    %max3A_2160 = arith.constant 0.000000e+00 : f32
    %max3A_2161 = vector.broadcast %max3A_2160 : f32 to vector<16xf32>
    %max3A_2162 = arith.maximumf %sub3A_2159, %max3A_2161 : vector<16xf32>
    %select_n3A_2163 = arith.select %gt3A_457, %broadcast_in_dim3A_219, %broadcast_in_dim3A_221 : vector<16xi1>, vector<16xf32>
    %select_n3A_2164 = arith.select %gt3A_463, %broadcast_in_dim3A_219, %broadcast_in_dim3A_221 : vector<16xi1>, vector<16xf32>
    %mul3A_2165 = arith.mulf %select_n3A_2163, %select_n3A_2164 : vector<16xf32>
    %mul3A_2166 = arith.constant 2.000000e+00 : f32
    %mul3A_2167 = vector.broadcast %mul3A_2166 : f32 to vector<16xf32>
    %mul3A_2168 = arith.mulf %mul3A_2167, %mul3A_2165 : vector<16xf32>
    %mul3A_2169 = arith.mulf %mul3A_2168, %max3A_2162 : vector<16xf32>
    %mul3A_2170 = arith.mulf %mul3A_2169, %max3A_2162 : vector<16xf32>
    %add3A_2171 = arith.addf %add3A_2116, %mul3A_2170 : vector<16xf32>
    %sub3A_2172 = arith.subf %div3A_1646, %div3A_1650 : vector<16xf32>
    %mul3A_2173 = arith.mulf %sub3A_2172, %sub3A_2172 : vector<16xf32>
    %add3A_2174 = arith.addf %broadcast_in_dim3A_221, %mul3A_2173 : vector<16xf32>
    %sub3A_2175 = arith.subf %div3A_1647, %div3A_1651 : vector<16xf32>
    %mul3A_2176 = arith.mulf %sub3A_2175, %sub3A_2175 : vector<16xf32>
    %add3A_2177 = arith.addf %add3A_2174, %mul3A_2176 : vector<16xf32>
    %sub3A_2178 = arith.subf %div3A_1648, %div3A_1652 : vector<16xf32>
    %mul3A_2179 = arith.mulf %sub3A_2178, %sub3A_2178 : vector<16xf32>
    %add3A_2180 = arith.addf %add3A_2177, %mul3A_2179 : vector<16xf32>
    %sub3A_2181 = arith.subf %div3A_1649, %div3A_1653 : vector<16xf32>
    %mul3A_2182 = arith.mulf %sub3A_2181, %sub3A_2181 : vector<16xf32>
    %add3A_2183 = arith.addf %add3A_2180, %mul3A_2182 : vector<16xf32>
    %bitcast_convert_type3A_2184 = tpu.bitcast %add3A_2183 : vector<16xf32> -> vector<16xi32>
    %shift_right_arithmetic3A_2185 = arith.constant 1 : i32
    %shift_right_arithmetic3A_2186 = vector.broadcast %shift_right_arithmetic3A_2185 : i32 to vector<16xi32>
    %shift_right_arithmetic3A_2187 = arith.shrsi %bitcast_convert_type3A_2184, %shift_right_arithmetic3A_2186 : vector<16xi32>
    %sub3A_2188 = arith.constant 1597463007 : i32
    %sub3A_2189 = vector.broadcast %sub3A_2188 : i32 to vector<16xi32>
    %sub3A_2190 = arith.subi %sub3A_2189, %shift_right_arithmetic3A_2187 : vector<16xi32>
    %bitcast_convert_type3A_2191 = tpu.bitcast %sub3A_2190 : vector<16xi32> -> vector<16xf32>
    %mul3A_2192 = arith.constant 5.000000e-01 : f32
    %mul3A_2193 = vector.broadcast %mul3A_2192 : f32 to vector<16xf32>
    %mul3A_2194 = arith.mulf %mul3A_2193, %add3A_2183 : vector<16xf32>
    %mul3A_2195 = arith.mulf %mul3A_2194, %bitcast_convert_type3A_2191 : vector<16xf32>
    %mul3A_2196 = arith.mulf %mul3A_2195, %bitcast_convert_type3A_2191 : vector<16xf32>
    %sub3A_2197 = arith.constant 1.500000e+00 : f32
    %sub3A_2198 = vector.broadcast %sub3A_2197 : f32 to vector<16xf32>
    %sub3A_2199 = arith.subf %sub3A_2198, %mul3A_2196 : vector<16xf32>
    %mul3A_2200 = arith.mulf %bitcast_convert_type3A_2191, %sub3A_2199 : vector<16xf32>
    %mul3A_2201 = arith.mulf %mul3A_2194, %mul3A_2200 : vector<16xf32>
    %mul3A_2202 = arith.mulf %mul3A_2201, %mul3A_2200 : vector<16xf32>
    %sub3A_2203 = arith.constant 1.500000e+00 : f32
    %sub3A_2204 = vector.broadcast %sub3A_2203 : f32 to vector<16xf32>
    %sub3A_2205 = arith.subf %sub3A_2204, %mul3A_2202 : vector<16xf32>
    %mul3A_2206 = arith.mulf %mul3A_2200, %sub3A_2205 : vector<16xf32>
    %gt3A_2207 = arith.constant 0.000000e+00 : f32
    %gt3A_2208 = vector.broadcast %gt3A_2207 : f32 to vector<16xf32>
    %gt3A_2209 = arith.cmpf ogt, %add3A_2183, %gt3A_2208 : vector<16xf32>
    %mul3A_2210 = arith.mulf %add3A_2183, %mul3A_2206 : vector<16xf32>
    %jit3A_2211 = arith.constant 0.000000e+00 : f32
    %broadcast_in_dim3A_2212 = vector.broadcast %jit3A_2211 : f32 to vector<16xf32>
    %select_n3A_2213 = arith.select %gt3A_2209, %mul3A_2210, %broadcast_in_dim3A_2212 : vector<16xi1>, vector<16xf32>
    %sub3A_2214 = arith.subf %get3A_141, %select_n3A_2213 : vector<16xf32>
    %max3A_2215 = arith.constant 0.000000e+00 : f32
    %max3A_2216 = vector.broadcast %max3A_2215 : f32 to vector<16xf32>
    %max3A_2217 = arith.maximumf %sub3A_2214, %max3A_2216 : vector<16xf32>
    %select_n3A_2218 = arith.select %gt3A_460, %broadcast_in_dim3A_219, %broadcast_in_dim3A_221 : vector<16xi1>, vector<16xf32>
    %select_n3A_2219 = arith.select %gt3A_463, %broadcast_in_dim3A_219, %broadcast_in_dim3A_221 : vector<16xi1>, vector<16xf32>
    %mul3A_2220 = arith.mulf %select_n3A_2218, %select_n3A_2219 : vector<16xf32>
    %mul3A_2221 = arith.constant 2.000000e+00 : f32
    %mul3A_2222 = vector.broadcast %mul3A_2221 : f32 to vector<16xf32>
    %mul3A_2223 = arith.mulf %mul3A_2222, %mul3A_2220 : vector<16xf32>
    %mul3A_2224 = arith.mulf %mul3A_2223, %max3A_2217 : vector<16xf32>
    %mul3A_2225 = arith.mulf %mul3A_2224, %max3A_2217 : vector<16xf32>
    %add3A_2226 = arith.addf %add3A_2171, %mul3A_2225 : vector<16xf32>
    %sub3A_2227 = arith.subf %add3A_478, %broadcast_in_dim3A_219 : vector<16xf32>
    %mul3A_2228 = arith.mulf %add3A_478, %sub3A_2227 : vector<16xf32>
    %div3A_2229 = arith.divf %add3A_2226, %mul3A_2228 : vector<16xf32>
    %mul3A_2230 = arith.constant 0.001953125 : f32
    %mul3A_2231 = vector.broadcast %mul3A_2230 : f32 to vector<16xf32>
    %mul3A_2232 = arith.mulf %div3A_2229, %mul3A_2231 : vector<16xf32>
    %add3A_2233 = arith.addf %add3A_1680, %mul3A_2232 : vector<16xf32>
    %swap3A = arith.constant 0 : index
    %swap3A_2234 = tpu.vector_load %arg13[%swap3A] {strides = array<i32>} : memref<16xf32, #tpu.memory_space<vmem>>, vector<16xf32>,
    %swap3A_2235 = vector.shape_cast %swap3A_2234 : vector<16xf32> to vector<16xf32>
    %swap3A_2236 = vector.shape_cast %add3A_2233 : vector<16xf32> to vector<16xf32>
    tpu.vector_store %arg13[%swap3A], %swap3A_2236 {strides = array<i32>} : memref<16xf32, #tpu.memory_space<vmem>>, vector<16xf32>,
    %mul3A_2237 = arith.constant 16 : i32
    %mul3A_2238 = arith.muli %add3A, %mul3A_2237 : i32
    "tpu.region"() ({
      %run_scoped3A = tpu.sem_alloc : memref<!tpu.dma_semaphore, #tpu.memory_space<semaphore_mem>>
      %dma_start3A_2239 = tpu.memref_slice %arg7[%mul3A_2238] : memref<512xf32, #tpu.memory_space<hbm>> -> memref<16xf32, #tpu.memory_space<hbm>>
      %dma_start3A_2240 = tpu.memref_slice %arg7[%mul3A_2238] : memref<512xf32, #tpu.memory_space<hbm>> -> memref<16xf32, #tpu.memory_space<hbm>>
      tpu.enqueue_dma source(%arg13 : memref<16xf32, #tpu.memory_space<vmem>>) target(%dma_start3A_2240 : memref<16xf32, #tpu.memory_space<hbm>>) target_semaphore(%run_scoped3A : memref<!tpu.dma_semaphore, #tpu.memory_space<semaphore_mem>>)
      %dma_wait3A_2241 = tpu.memref_slice %arg7[%mul3A_2238] : memref<512xf32, #tpu.memory_space<hbm>> -> memref<16xf32, #tpu.memory_space<hbm>>
      %dma_wait3A_2242 = tpu.memref_slice %arg7[%mul3A_2238] : memref<512xf32, #tpu.memory_space<hbm>> -> memref<16xf32, #tpu.memory_space<hbm>>
      tpu.wait_dma2 semaphore(%run_scoped3A : memref<!tpu.dma_semaphore, #tpu.memory_space<semaphore_mem>>) src(%arg13 : memref<16xf32, #tpu.memory_space<vmem>>) dst(%dma_wait3A_2242 : memref<16xf32, #tpu.memory_space<hbm>>)
      tpu.yield
    }) : () -> ()
    return
  }
}

#map = affine_map<(d0, d1) -> (0, 0, 0)>
#map1 = affine_map<(d0, d1) -> (0, 0)>
#map2 = affine_map<(d0, d1) -> (0)>
module attributes {stable_mosaic.version = 14 : i64} {
  func.func @_pass1_body(%arg0: i32, %arg1: i32, %arg2: memref<4x512x1024xf32, #tpu.memory_space<hbm>>, %arg3: memref<512x1024xi32, #tpu.memory_space<hbm>>, %arg4: memref<16xf32, #tpu.memory_space<hbm>>, %arg5: memref<16xf32, #tpu.memory_space<hbm>>, %arg6: memref<16384xf32, #tpu.memory_space<hbm>>, %arg7: memref<8x1024xi32, #tpu.memory_space<vmem>>, %arg8: memref<4x8x1024xf32, #tpu.memory_space<vmem>>, %arg9: memref<512xf32, #tpu.memory_space<vmem>>, %arg10: memref<!tpu.dma_semaphore, #tpu.memory_space<semaphore_mem>>) attributes {dimension_semantics = [#tpu.dimension_semantics<core_parallel>, #tpu.dimension_semantics<subcore_parallel>], iteration_bounds = array<i64: 2, 16>, scalar_prefetch = 0 : i64, scratch_operands = 4 : i64, tpu.core_type = #tpu.core_type<sc_vector_subcore>, window_params = [{transform_indices = #map}, {transform_indices = #map1}, {transform_indices = #map2}, {transform_indices = #map2}, {transform_indices = #map2}]} {
    %mul3A = arith.constant 2 : i32
    %mul3A_0 = arith.muli %arg1, %mul3A : i32
    %add3A = arith.addi %mul3A_0, %arg0 : i32
    %mul3A_1 = arith.constant 8 : i32
    %mul3A_2 = arith.muli %add3A, %mul3A_1 : i32
    %dma_start3A = arith.constant 0 : i32
    %dma_start3A_3 = tpu.memref_slice %arg3[%mul3A_2, %dma_start3A] : memref<512x1024xi32, #tpu.memory_space<hbm>> -> memref<8x1024xi32, #tpu.memory_space<hbm>>
    %dma_start3A_4 = arith.constant 0 : i32
    %dma_start3A_5 = tpu.memref_slice %arg3[%mul3A_2, %dma_start3A_4] : memref<512x1024xi32, #tpu.memory_space<hbm>> -> memref<8x1024xi32, #tpu.memory_space<hbm>>
    tpu.enqueue_dma source(%dma_start3A_5 : memref<8x1024xi32, #tpu.memory_space<hbm>>) target(%arg7 : memref<8x1024xi32, #tpu.memory_space<vmem>>) target_semaphore(%arg10 : memref<!tpu.dma_semaphore, #tpu.memory_space<semaphore_mem>>)
    %dma_start3A_6 = arith.constant 0 : i32
    %dma_start3A_7 = arith.constant 0 : i32
    %dma_start3A_8 = arith.constant 0 : i32
    %dma_start3A_9 = arith.constant 0 : i32
    %dma_start3A_10 = tpu.memref_slice %arg8[%dma_start3A_7, %dma_start3A_8, %dma_start3A_9] : memref<4x8x1024xf32, #tpu.memory_space<vmem>> -> memref<1x8x1024xf32, #tpu.memory_space<vmem>>
    %dma_start3A_11 = tpu.memref_squeeze %dma_start3A_10 : memref<1x8x1024xf32, #tpu.memory_space<vmem>> -> memref<8x1024xf32, #tpu.memory_space<vmem>>
    %dma_start3A_12 = arith.constant 0 : i32
    %dma_start3A_13 = tpu.memref_slice %arg2[%dma_start3A_6, %mul3A_2, %dma_start3A_12] : memref<4x512x1024xf32, #tpu.memory_space<hbm>> -> memref<1x8x1024xf32, #tpu.memory_space<hbm>>
    %dma_start3A_14 = tpu.memref_squeeze %dma_start3A_13 : memref<1x8x1024xf32, #tpu.memory_space<hbm>> -> memref<8x1024xf32, #tpu.memory_space<hbm>>
    %dma_start3A_15 = arith.constant 0 : i32
    %dma_start3A_16 = arith.constant 0 : i32
    %dma_start3A_17 = tpu.memref_slice %arg8[%dma_start3A_7, %dma_start3A_15, %dma_start3A_16] : memref<4x8x1024xf32, #tpu.memory_space<vmem>> -> memref<1x8x1024xf32, #tpu.memory_space<vmem>>
    %dma_start3A_18 = tpu.memref_squeeze %dma_start3A_17 : memref<1x8x1024xf32, #tpu.memory_space<vmem>> -> memref<8x1024xf32, #tpu.memory_space<vmem>>
    %dma_start3A_19 = arith.constant 0 : i32
    %dma_start3A_20 = tpu.memref_slice %arg2[%dma_start3A_6, %mul3A_2, %dma_start3A_19] : memref<4x512x1024xf32, #tpu.memory_space<hbm>> -> memref<1x8x1024xf32, #tpu.memory_space<hbm>>
    %dma_start3A_21 = tpu.memref_squeeze %dma_start3A_20 : memref<1x8x1024xf32, #tpu.memory_space<hbm>> -> memref<8x1024xf32, #tpu.memory_space<hbm>>
    tpu.enqueue_dma source(%dma_start3A_21 : memref<8x1024xf32, #tpu.memory_space<hbm>>) target(%dma_start3A_18 : memref<8x1024xf32, #tpu.memory_space<vmem>>) target_semaphore(%arg10 : memref<!tpu.dma_semaphore, #tpu.memory_space<semaphore_mem>>)
    %dma_start3A_22 = arith.constant 1 : i32
    %dma_start3A_23 = arith.constant 1 : i32
    %dma_start3A_24 = arith.constant 0 : i32
    %dma_start3A_25 = arith.constant 0 : i32
    %dma_start3A_26 = tpu.memref_slice %arg8[%dma_start3A_23, %dma_start3A_24, %dma_start3A_25] : memref<4x8x1024xf32, #tpu.memory_space<vmem>> -> memref<1x8x1024xf32, #tpu.memory_space<vmem>>
    %dma_start3A_27 = tpu.memref_squeeze %dma_start3A_26 : memref<1x8x1024xf32, #tpu.memory_space<vmem>> -> memref<8x1024xf32, #tpu.memory_space<vmem>>
    %dma_start3A_28 = arith.constant 0 : i32
    %dma_start3A_29 = tpu.memref_slice %arg2[%dma_start3A_22, %mul3A_2, %dma_start3A_28] : memref<4x512x1024xf32, #tpu.memory_space<hbm>> -> memref<1x8x1024xf32, #tpu.memory_space<hbm>>
    %dma_start3A_30 = tpu.memref_squeeze %dma_start3A_29 : memref<1x8x1024xf32, #tpu.memory_space<hbm>> -> memref<8x1024xf32, #tpu.memory_space<hbm>>
    %dma_start3A_31 = arith.constant 0 : i32
    %dma_start3A_32 = arith.constant 0 : i32
    %dma_start3A_33 = tpu.memref_slice %arg8[%dma_start3A_23, %dma_start3A_31, %dma_start3A_32] : memref<4x8x1024xf32, #tpu.memory_space<vmem>> -> memref<1x8x1024xf32, #tpu.memory_space<vmem>>
    %dma_start3A_34 = tpu.memref_squeeze %dma_start3A_33 : memref<1x8x1024xf32, #tpu.memory_space<vmem>> -> memref<8x1024xf32, #tpu.memory_space<vmem>>
    %dma_start3A_35 = arith.constant 0 : i32
    %dma_start3A_36 = tpu.memref_slice %arg2[%dma_start3A_22, %mul3A_2, %dma_start3A_35] : memref<4x512x1024xf32, #tpu.memory_space<hbm>> -> memref<1x8x1024xf32, #tpu.memory_space<hbm>>
    %dma_start3A_37 = tpu.memref_squeeze %dma_start3A_36 : memref<1x8x1024xf32, #tpu.memory_space<hbm>> -> memref<8x1024xf32, #tpu.memory_space<hbm>>
    tpu.enqueue_dma source(%dma_start3A_37 : memref<8x1024xf32, #tpu.memory_space<hbm>>) target(%dma_start3A_34 : memref<8x1024xf32, #tpu.memory_space<vmem>>) target_semaphore(%arg10 : memref<!tpu.dma_semaphore, #tpu.memory_space<semaphore_mem>>)
    %dma_start3A_38 = arith.constant 2 : i32
    %dma_start3A_39 = arith.constant 2 : i32
    %dma_start3A_40 = arith.constant 0 : i32
    %dma_start3A_41 = arith.constant 0 : i32
    %dma_start3A_42 = tpu.memref_slice %arg8[%dma_start3A_39, %dma_start3A_40, %dma_start3A_41] : memref<4x8x1024xf32, #tpu.memory_space<vmem>> -> memref<1x8x1024xf32, #tpu.memory_space<vmem>>
    %dma_start3A_43 = tpu.memref_squeeze %dma_start3A_42 : memref<1x8x1024xf32, #tpu.memory_space<vmem>> -> memref<8x1024xf32, #tpu.memory_space<vmem>>
    %dma_start3A_44 = arith.constant 0 : i32
    %dma_start3A_45 = tpu.memref_slice %arg2[%dma_start3A_38, %mul3A_2, %dma_start3A_44] : memref<4x512x1024xf32, #tpu.memory_space<hbm>> -> memref<1x8x1024xf32, #tpu.memory_space<hbm>>
    %dma_start3A_46 = tpu.memref_squeeze %dma_start3A_45 : memref<1x8x1024xf32, #tpu.memory_space<hbm>> -> memref<8x1024xf32, #tpu.memory_space<hbm>>
    %dma_start3A_47 = arith.constant 0 : i32
    %dma_start3A_48 = arith.constant 0 : i32
    %dma_start3A_49 = tpu.memref_slice %arg8[%dma_start3A_39, %dma_start3A_47, %dma_start3A_48] : memref<4x8x1024xf32, #tpu.memory_space<vmem>> -> memref<1x8x1024xf32, #tpu.memory_space<vmem>>
    %dma_start3A_50 = tpu.memref_squeeze %dma_start3A_49 : memref<1x8x1024xf32, #tpu.memory_space<vmem>> -> memref<8x1024xf32, #tpu.memory_space<vmem>>
    %dma_start3A_51 = arith.constant 0 : i32
    %dma_start3A_52 = tpu.memref_slice %arg2[%dma_start3A_38, %mul3A_2, %dma_start3A_51] : memref<4x512x1024xf32, #tpu.memory_space<hbm>> -> memref<1x8x1024xf32, #tpu.memory_space<hbm>>
    %dma_start3A_53 = tpu.memref_squeeze %dma_start3A_52 : memref<1x8x1024xf32, #tpu.memory_space<hbm>> -> memref<8x1024xf32, #tpu.memory_space<hbm>>
    tpu.enqueue_dma source(%dma_start3A_53 : memref<8x1024xf32, #tpu.memory_space<hbm>>) target(%dma_start3A_50 : memref<8x1024xf32, #tpu.memory_space<vmem>>) target_semaphore(%arg10 : memref<!tpu.dma_semaphore, #tpu.memory_space<semaphore_mem>>)
    %dma_start3A_54 = arith.constant 3 : i32
    %dma_start3A_55 = arith.constant 3 : i32
    %dma_start3A_56 = arith.constant 0 : i32
    %dma_start3A_57 = arith.constant 0 : i32
    %dma_start3A_58 = tpu.memref_slice %arg8[%dma_start3A_55, %dma_start3A_56, %dma_start3A_57] : memref<4x8x1024xf32, #tpu.memory_space<vmem>> -> memref<1x8x1024xf32, #tpu.memory_space<vmem>>
    %dma_start3A_59 = tpu.memref_squeeze %dma_start3A_58 : memref<1x8x1024xf32, #tpu.memory_space<vmem>> -> memref<8x1024xf32, #tpu.memory_space<vmem>>
    %dma_start3A_60 = arith.constant 0 : i32
    %dma_start3A_61 = tpu.memref_slice %arg2[%dma_start3A_54, %mul3A_2, %dma_start3A_60] : memref<4x512x1024xf32, #tpu.memory_space<hbm>> -> memref<1x8x1024xf32, #tpu.memory_space<hbm>>
    %dma_start3A_62 = tpu.memref_squeeze %dma_start3A_61 : memref<1x8x1024xf32, #tpu.memory_space<hbm>> -> memref<8x1024xf32, #tpu.memory_space<hbm>>
    %dma_start3A_63 = arith.constant 0 : i32
    %dma_start3A_64 = arith.constant 0 : i32
    %dma_start3A_65 = tpu.memref_slice %arg8[%dma_start3A_55, %dma_start3A_63, %dma_start3A_64] : memref<4x8x1024xf32, #tpu.memory_space<vmem>> -> memref<1x8x1024xf32, #tpu.memory_space<vmem>>
    %dma_start3A_66 = tpu.memref_squeeze %dma_start3A_65 : memref<1x8x1024xf32, #tpu.memory_space<vmem>> -> memref<8x1024xf32, #tpu.memory_space<vmem>>
    %dma_start3A_67 = arith.constant 0 : i32
    %dma_start3A_68 = tpu.memref_slice %arg2[%dma_start3A_54, %mul3A_2, %dma_start3A_67] : memref<4x512x1024xf32, #tpu.memory_space<hbm>> -> memref<1x8x1024xf32, #tpu.memory_space<hbm>>
    %dma_start3A_69 = tpu.memref_squeeze %dma_start3A_68 : memref<1x8x1024xf32, #tpu.memory_space<hbm>> -> memref<8x1024xf32, #tpu.memory_space<hbm>>
    tpu.enqueue_dma source(%dma_start3A_69 : memref<8x1024xf32, #tpu.memory_space<hbm>>) target(%dma_start3A_66 : memref<8x1024xf32, #tpu.memory_space<vmem>>) target_semaphore(%arg10 : memref<!tpu.dma_semaphore, #tpu.memory_space<semaphore_mem>>)
    %dma_wait3A = arith.constant 0 : i32
    %dma_wait3A_70 = tpu.memref_slice %arg3[%mul3A_2, %dma_wait3A] : memref<512x1024xi32, #tpu.memory_space<hbm>> -> memref<8x1024xi32, #tpu.memory_space<hbm>>
    %dma_wait3A_71 = arith.constant 0 : i32
    %dma_wait3A_72 = tpu.memref_slice %arg3[%mul3A_2, %dma_wait3A_71] : memref<512x1024xi32, #tpu.memory_space<hbm>> -> memref<8x1024xi32, #tpu.memory_space<hbm>>
    tpu.wait_dma2 semaphore(%arg10 : memref<!tpu.dma_semaphore, #tpu.memory_space<semaphore_mem>>) src(%dma_wait3A_72 : memref<8x1024xi32, #tpu.memory_space<hbm>>) dst(%arg7 : memref<8x1024xi32, #tpu.memory_space<vmem>>)
    %dma_wait3A_73 = arith.constant 0 : i32
    %dma_wait3A_74 = arith.constant 0 : i32
    %dma_wait3A_75 = arith.constant 0 : i32
    %dma_wait3A_76 = arith.constant 0 : i32
    %dma_wait3A_77 = tpu.memref_slice %arg8[%dma_wait3A_74, %dma_wait3A_75, %dma_wait3A_76] : memref<4x8x1024xf32, #tpu.memory_space<vmem>> -> memref<1x8x1024xf32, #tpu.memory_space<vmem>>
    %dma_wait3A_78 = tpu.memref_squeeze %dma_wait3A_77 : memref<1x8x1024xf32, #tpu.memory_space<vmem>> -> memref<8x1024xf32, #tpu.memory_space<vmem>>
    %dma_wait3A_79 = arith.constant 0 : i32
    %dma_wait3A_80 = tpu.memref_slice %arg2[%dma_wait3A_73, %mul3A_2, %dma_wait3A_79] : memref<4x512x1024xf32, #tpu.memory_space<hbm>> -> memref<1x8x1024xf32, #tpu.memory_space<hbm>>
    %dma_wait3A_81 = tpu.memref_squeeze %dma_wait3A_80 : memref<1x8x1024xf32, #tpu.memory_space<hbm>> -> memref<8x1024xf32, #tpu.memory_space<hbm>>
    %dma_wait3A_82 = arith.constant 0 : i32
    %dma_wait3A_83 = arith.constant 0 : i32
    %dma_wait3A_84 = tpu.memref_slice %arg8[%dma_wait3A_74, %dma_wait3A_82, %dma_wait3A_83] : memref<4x8x1024xf32, #tpu.memory_space<vmem>> -> memref<1x8x1024xf32, #tpu.memory_space<vmem>>
    %dma_wait3A_85 = tpu.memref_squeeze %dma_wait3A_84 : memref<1x8x1024xf32, #tpu.memory_space<vmem>> -> memref<8x1024xf32, #tpu.memory_space<vmem>>
    %dma_wait3A_86 = arith.constant 0 : i32
    %dma_wait3A_87 = tpu.memref_slice %arg2[%dma_wait3A_73, %mul3A_2, %dma_wait3A_86] : memref<4x512x1024xf32, #tpu.memory_space<hbm>> -> memref<1x8x1024xf32, #tpu.memory_space<hbm>>
    %dma_wait3A_88 = tpu.memref_squeeze %dma_wait3A_87 : memref<1x8x1024xf32, #tpu.memory_space<hbm>> -> memref<8x1024xf32, #tpu.memory_space<hbm>>
    tpu.wait_dma2 semaphore(%arg10 : memref<!tpu.dma_semaphore, #tpu.memory_space<semaphore_mem>>) src(%dma_wait3A_88 : memref<8x1024xf32, #tpu.memory_space<hbm>>) dst(%dma_wait3A_85 : memref<8x1024xf32, #tpu.memory_space<vmem>>)
    %dma_wait3A_89 = arith.constant 1 : i32
    %dma_wait3A_90 = arith.constant 1 : i32
    %dma_wait3A_91 = arith.constant 0 : i32
    %dma_wait3A_92 = arith.constant 0 : i32
    %dma_wait3A_93 = tpu.memref_slice %arg8[%dma_wait3A_90, %dma_wait3A_91, %dma_wait3A_92] : memref<4x8x1024xf32, #tpu.memory_space<vmem>> -> memref<1x8x1024xf32, #tpu.memory_space<vmem>>
    %dma_wait3A_94 = tpu.memref_squeeze %dma_wait3A_93 : memref<1x8x1024xf32, #tpu.memory_space<vmem>> -> memref<8x1024xf32, #tpu.memory_space<vmem>>
    %dma_wait3A_95 = arith.constant 0 : i32
    %dma_wait3A_96 = tpu.memref_slice %arg2[%dma_wait3A_89, %mul3A_2, %dma_wait3A_95] : memref<4x512x1024xf32, #tpu.memory_space<hbm>> -> memref<1x8x1024xf32, #tpu.memory_space<hbm>>
    %dma_wait3A_97 = tpu.memref_squeeze %dma_wait3A_96 : memref<1x8x1024xf32, #tpu.memory_space<hbm>> -> memref<8x1024xf32, #tpu.memory_space<hbm>>
    %dma_wait3A_98 = arith.constant 0 : i32
    %dma_wait3A_99 = arith.constant 0 : i32
    %dma_wait3A_100 = tpu.memref_slice %arg8[%dma_wait3A_90, %dma_wait3A_98, %dma_wait3A_99] : memref<4x8x1024xf32, #tpu.memory_space<vmem>> -> memref<1x8x1024xf32, #tpu.memory_space<vmem>>
    %dma_wait3A_101 = tpu.memref_squeeze %dma_wait3A_100 : memref<1x8x1024xf32, #tpu.memory_space<vmem>> -> memref<8x1024xf32, #tpu.memory_space<vmem>>
    %dma_wait3A_102 = arith.constant 0 : i32
    %dma_wait3A_103 = tpu.memref_slice %arg2[%dma_wait3A_89, %mul3A_2, %dma_wait3A_102] : memref<4x512x1024xf32, #tpu.memory_space<hbm>> -> memref<1x8x1024xf32, #tpu.memory_space<hbm>>
    %dma_wait3A_104 = tpu.memref_squeeze %dma_wait3A_103 : memref<1x8x1024xf32, #tpu.memory_space<hbm>> -> memref<8x1024xf32, #tpu.memory_space<hbm>>
    tpu.wait_dma2 semaphore(%arg10 : memref<!tpu.dma_semaphore, #tpu.memory_space<semaphore_mem>>) src(%dma_wait3A_104 : memref<8x1024xf32, #tpu.memory_space<hbm>>) dst(%dma_wait3A_101 : memref<8x1024xf32, #tpu.memory_space<vmem>>)
    %dma_wait3A_105 = arith.constant 2 : i32
    %dma_wait3A_106 = arith.constant 2 : i32
    %dma_wait3A_107 = arith.constant 0 : i32
    %dma_wait3A_108 = arith.constant 0 : i32
    %dma_wait3A_109 = tpu.memref_slice %arg8[%dma_wait3A_106, %dma_wait3A_107, %dma_wait3A_108] : memref<4x8x1024xf32, #tpu.memory_space<vmem>> -> memref<1x8x1024xf32, #tpu.memory_space<vmem>>
    %dma_wait3A_110 = tpu.memref_squeeze %dma_wait3A_109 : memref<1x8x1024xf32, #tpu.memory_space<vmem>> -> memref<8x1024xf32, #tpu.memory_space<vmem>>
    %dma_wait3A_111 = arith.constant 0 : i32
    %dma_wait3A_112 = tpu.memref_slice %arg2[%dma_wait3A_105, %mul3A_2, %dma_wait3A_111] : memref<4x512x1024xf32, #tpu.memory_space<hbm>> -> memref<1x8x1024xf32, #tpu.memory_space<hbm>>
    %dma_wait3A_113 = tpu.memref_squeeze %dma_wait3A_112 : memref<1x8x1024xf32, #tpu.memory_space<hbm>> -> memref<8x1024xf32, #tpu.memory_space<hbm>>
    %dma_wait3A_114 = arith.constant 0 : i32
    %dma_wait3A_115 = arith.constant 0 : i32
    %dma_wait3A_116 = tpu.memref_slice %arg8[%dma_wait3A_106, %dma_wait3A_114, %dma_wait3A_115] : memref<4x8x1024xf32, #tpu.memory_space<vmem>> -> memref<1x8x1024xf32, #tpu.memory_space<vmem>>
    %dma_wait3A_117 = tpu.memref_squeeze %dma_wait3A_116 : memref<1x8x1024xf32, #tpu.memory_space<vmem>> -> memref<8x1024xf32, #tpu.memory_space<vmem>>
    %dma_wait3A_118 = arith.constant 0 : i32
    %dma_wait3A_119 = tpu.memref_slice %arg2[%dma_wait3A_105, %mul3A_2, %dma_wait3A_118] : memref<4x512x1024xf32, #tpu.memory_space<hbm>> -> memref<1x8x1024xf32, #tpu.memory_space<hbm>>
    %dma_wait3A_120 = tpu.memref_squeeze %dma_wait3A_119 : memref<1x8x1024xf32, #tpu.memory_space<hbm>> -> memref<8x1024xf32, #tpu.memory_space<hbm>>
    tpu.wait_dma2 semaphore(%arg10 : memref<!tpu.dma_semaphore, #tpu.memory_space<semaphore_mem>>) src(%dma_wait3A_120 : memref<8x1024xf32, #tpu.memory_space<hbm>>) dst(%dma_wait3A_117 : memref<8x1024xf32, #tpu.memory_space<vmem>>)
    %dma_wait3A_121 = arith.constant 3 : i32
    %dma_wait3A_122 = arith.constant 3 : i32
    %dma_wait3A_123 = arith.constant 0 : i32
    %dma_wait3A_124 = arith.constant 0 : i32
    %dma_wait3A_125 = tpu.memref_slice %arg8[%dma_wait3A_122, %dma_wait3A_123, %dma_wait3A_124] : memref<4x8x1024xf32, #tpu.memory_space<vmem>> -> memref<1x8x1024xf32, #tpu.memory_space<vmem>>
    %dma_wait3A_126 = tpu.memref_squeeze %dma_wait3A_125 : memref<1x8x1024xf32, #tpu.memory_space<vmem>> -> memref<8x1024xf32, #tpu.memory_space<vmem>>
    %dma_wait3A_127 = arith.constant 0 : i32
    %dma_wait3A_128 = tpu.memref_slice %arg2[%dma_wait3A_121, %mul3A_2, %dma_wait3A_127] : memref<4x512x1024xf32, #tpu.memory_space<hbm>> -> memref<1x8x1024xf32, #tpu.memory_space<hbm>>
    %dma_wait3A_129 = tpu.memref_squeeze %dma_wait3A_128 : memref<1x8x1024xf32, #tpu.memory_space<hbm>> -> memref<8x1024xf32, #tpu.memory_space<hbm>>
    %dma_wait3A_130 = arith.constant 0 : i32
    %dma_wait3A_131 = arith.constant 0 : i32
    %dma_wait3A_132 = tpu.memref_slice %arg8[%dma_wait3A_122, %dma_wait3A_130, %dma_wait3A_131] : memref<4x8x1024xf32, #tpu.memory_space<vmem>> -> memref<1x8x1024xf32, #tpu.memory_space<vmem>>
    %dma_wait3A_133 = tpu.memref_squeeze %dma_wait3A_132 : memref<1x8x1024xf32, #tpu.memory_space<vmem>> -> memref<8x1024xf32, #tpu.memory_space<vmem>>
    %dma_wait3A_134 = arith.constant 0 : i32
    %dma_wait3A_135 = tpu.memref_slice %arg2[%dma_wait3A_121, %mul3A_2, %dma_wait3A_134] : memref<4x512x1024xf32, #tpu.memory_space<hbm>> -> memref<1x8x1024xf32, #tpu.memory_space<hbm>>
    %dma_wait3A_136 = tpu.memref_squeeze %dma_wait3A_135 : memref<1x8x1024xf32, #tpu.memory_space<hbm>> -> memref<8x1024xf32, #tpu.memory_space<hbm>>
    tpu.wait_dma2 semaphore(%arg10 : memref<!tpu.dma_semaphore, #tpu.memory_space<semaphore_mem>>) src(%dma_wait3A_136 : memref<8x1024xf32, #tpu.memory_space<hbm>>) dst(%dma_wait3A_133 : memref<8x1024xf32, #tpu.memory_space<vmem>>)
    %broadcast_in_dim3A = arith.constant 0.000000e+00 : f32
    %broadcast_in_dim3A_137 = vector.broadcast %broadcast_in_dim3A : f32 to vector<16xf32>
    %parallel_loop3A = arith.constant 0 : i32
    %parallel_loop3A_138 = arith.constant 512 : i32
    %parallel_loop3A_139 = arith.constant 1 : i32
    %parallel_loop3A_140:24 = scf.for %parallel_loop3A_238 = %parallel_loop3A to %parallel_loop3A_138 step %parallel_loop3A_139 iter_args(%parallel_loop3A_239 = %broadcast_in_dim3A_137, %parallel_loop3A_240 = %broadcast_in_dim3A_137, %parallel_loop3A_241 = %broadcast_in_dim3A_137, %parallel_loop3A_242 = %broadcast_in_dim3A_137, %parallel_loop3A_243 = %broadcast_in_dim3A_137, %parallel_loop3A_244 = %broadcast_in_dim3A_137, %parallel_loop3A_245 = %broadcast_in_dim3A_137, %parallel_loop3A_246 = %broadcast_in_dim3A_137, %parallel_loop3A_247 = %broadcast_in_dim3A_137, %parallel_loop3A_248 = %broadcast_in_dim3A_137, %parallel_loop3A_249 = %broadcast_in_dim3A_137, %parallel_loop3A_250 = %broadcast_in_dim3A_137, %parallel_loop3A_251 = %broadcast_in_dim3A_137, %parallel_loop3A_252 = %broadcast_in_dim3A_137, %parallel_loop3A_253 = %broadcast_in_dim3A_137, %parallel_loop3A_254 = %broadcast_in_dim3A_137, %parallel_loop3A_255 = %broadcast_in_dim3A_137, %parallel_loop3A_256 = %broadcast_in_dim3A_137, %parallel_loop3A_257 = %broadcast_in_dim3A_137, %parallel_loop3A_258 = %broadcast_in_dim3A_137, %parallel_loop3A_259 = %broadcast_in_dim3A_137, %parallel_loop3A_260 = %broadcast_in_dim3A_137, %parallel_loop3A_261 = %broadcast_in_dim3A_137, %parallel_loop3A_262 = %broadcast_in_dim3A_137) -> (vector<16xf32>, vector<16xf32>, vector<16xf32>, vector<16xf32>, vector<16xf32>, vector<16xf32>, vector<16xf32>, vector<16xf32>, vector<16xf32>, vector<16xf32>, vector<16xf32>, vector<16xf32>, vector<16xf32>, vector<16xf32>, vector<16xf32>, vector<16xf32>, vector<16xf32>, vector<16xf32>, vector<16xf32>, vector<16xf32>, vector<16xf32>, vector<16xf32>, vector<16xf32>, vector<16xf32>)  : i32 {
      %parallel_loop3A_263 = arith.constant 6 : i32
      %parallel_loop3A_264 = arith.shrsi %parallel_loop3A_238, %parallel_loop3A_263 : i32
      %parallel_loop3A_265 = arith.constant 63 : i32
      %parallel_loop3A_266 = arith.andi %parallel_loop3A_238, %parallel_loop3A_265 : i32
      %parallel_loop3A_267 = arith.constant 4 : i32
      %parallel_loop3A_268 = arith.shli %parallel_loop3A_266, %parallel_loop3A_267 : i32
      %parallel_loop3A_269 = tpu.assume_multiple %parallel_loop3A_268, 16 : i32
      %parallel_loop3A_270 = arith.index_cast %parallel_loop3A_264 : i32 to index
      %parallel_loop3A_271 = arith.index_cast %parallel_loop3A_269 : i32 to index
      %parallel_loop3A_272 = tpu.vector_load %arg7[%parallel_loop3A_270, %parallel_loop3A_271] {strides = array<i32>} : memref<8x1024xi32, #tpu.memory_space<vmem>>, vector<1x16xi32>,
      %parallel_loop3A_273 = vector.shape_cast %parallel_loop3A_272 : vector<1x16xi32> to vector<16xi32>
      %parallel_loop3A_274 = arith.constant 0 : i32
      %parallel_loop3A_275 = arith.index_cast %parallel_loop3A_274 : i32 to index
      %parallel_loop3A_276 = arith.index_cast %parallel_loop3A_264 : i32 to index
      %parallel_loop3A_277 = arith.index_cast %parallel_loop3A_269 : i32 to index
      %parallel_loop3A_278 = tpu.vector_load %arg8[%parallel_loop3A_275, %parallel_loop3A_276, %parallel_loop3A_277] {strides = array<i32>} : memref<4x8x1024xf32, #tpu.memory_space<vmem>>, vector<1x1x16xf32>,
      %parallel_loop3A_279 = vector.shape_cast %parallel_loop3A_278 : vector<1x1x16xf32> to vector<16xf32>
      %parallel_loop3A_280 = arith.constant 1 : i32
      %parallel_loop3A_281 = arith.index_cast %parallel_loop3A_280 : i32 to index
      %parallel_loop3A_282 = arith.index_cast %parallel_loop3A_264 : i32 to index
      %parallel_loop3A_283 = arith.index_cast %parallel_loop3A_269 : i32 to index
      %parallel_loop3A_284 = tpu.vector_load %arg8[%parallel_loop3A_281, %parallel_loop3A_282, %parallel_loop3A_283] {strides = array<i32>} : memref<4x8x1024xf32, #tpu.memory_space<vmem>>, vector<1x1x16xf32>,
      %parallel_loop3A_285 = vector.shape_cast %parallel_loop3A_284 : vector<1x1x16xf32> to vector<16xf32>
      %parallel_loop3A_286 = arith.constant 2 : i32
      %parallel_loop3A_287 = arith.index_cast %parallel_loop3A_286 : i32 to index
      %parallel_loop3A_288 = arith.index_cast %parallel_loop3A_264 : i32 to index
      %parallel_loop3A_289 = arith.index_cast %parallel_loop3A_269 : i32 to index
      %parallel_loop3A_290 = tpu.vector_load %arg8[%parallel_loop3A_287, %parallel_loop3A_288, %parallel_loop3A_289] {strides = array<i32>} : memref<4x8x1024xf32, #tpu.memory_space<vmem>>, vector<1x1x16xf32>,
      %parallel_loop3A_291 = vector.shape_cast %parallel_loop3A_290 : vector<1x1x16xf32> to vector<16xf32>
      %parallel_loop3A_292 = arith.constant 3 : i32
      %parallel_loop3A_293 = arith.index_cast %parallel_loop3A_292 : i32 to index
      %parallel_loop3A_294 = arith.index_cast %parallel_loop3A_264 : i32 to index
      %parallel_loop3A_295 = arith.index_cast %parallel_loop3A_269 : i32 to index
      %parallel_loop3A_296 = tpu.vector_load %arg8[%parallel_loop3A_293, %parallel_loop3A_294, %parallel_loop3A_295] {strides = array<i32>} : memref<4x8x1024xf32, #tpu.memory_space<vmem>>, vector<1x1x16xf32>,
      %parallel_loop3A_297 = vector.shape_cast %parallel_loop3A_296 : vector<1x1x16xf32> to vector<16xf32>
      %parallel_loop3A_298 = arith.constant 0 : i32
      %parallel_loop3A_299 = vector.broadcast %parallel_loop3A_298 : i32 to vector<16xi32>
      %parallel_loop3A_300 = arith.cmpi eq, %parallel_loop3A_273, %parallel_loop3A_299 : vector<16xi32>
      %parallel_loop3A_301 = arith.constant 1.000000e+00 : f32
      %parallel_loop3A_302 = arith.constant 0.000000e+00 : f32
      %parallel_loop3A_303 = vector.broadcast %parallel_loop3A_301 : f32 to vector<16xf32>
      %parallel_loop3A_304 = vector.broadcast %parallel_loop3A_302 : f32 to vector<16xf32>
      %parallel_loop3A_305 = arith.select %parallel_loop3A_300, %parallel_loop3A_303, %parallel_loop3A_304 : vector<16xi1>, vector<16xf32>
      %parallel_loop3A_306 = arith.addf %parallel_loop3A_239, %parallel_loop3A_305 : vector<16xf32>
      %parallel_loop3A_307 = arith.constant 0.000000e+00 : f32
      %parallel_loop3A_308 = vector.broadcast %parallel_loop3A_307 : f32 to vector<16xf32>
      %parallel_loop3A_309 = arith.select %parallel_loop3A_300, %parallel_loop3A_279, %parallel_loop3A_308 : vector<16xi1>, vector<16xf32>
      %parallel_loop3A_310 = arith.addf %parallel_loop3A_243, %parallel_loop3A_309 : vector<16xf32>
      %parallel_loop3A_311 = arith.constant 0.000000e+00 : f32
      %parallel_loop3A_312 = vector.broadcast %parallel_loop3A_311 : f32 to vector<16xf32>
      %parallel_loop3A_313 = arith.select %parallel_loop3A_300, %parallel_loop3A_285, %parallel_loop3A_312 : vector<16xi1>, vector<16xf32>
      %parallel_loop3A_314 = arith.addf %parallel_loop3A_244, %parallel_loop3A_313 : vector<16xf32>
      %parallel_loop3A_315 = arith.constant 0.000000e+00 : f32
      %parallel_loop3A_316 = vector.broadcast %parallel_loop3A_315 : f32 to vector<16xf32>
      %parallel_loop3A_317 = arith.select %parallel_loop3A_300, %parallel_loop3A_291, %parallel_loop3A_316 : vector<16xi1>, vector<16xf32>
      %parallel_loop3A_318 = arith.addf %parallel_loop3A_245, %parallel_loop3A_317 : vector<16xf32>
      %parallel_loop3A_319 = arith.constant 0.000000e+00 : f32
      %parallel_loop3A_320 = vector.broadcast %parallel_loop3A_319 : f32 to vector<16xf32>
      %parallel_loop3A_321 = arith.select %parallel_loop3A_300, %parallel_loop3A_297, %parallel_loop3A_320 : vector<16xi1>, vector<16xf32>
      %parallel_loop3A_322 = arith.addf %parallel_loop3A_246, %parallel_loop3A_321 : vector<16xf32>
      %parallel_loop3A_323 = arith.constant 1 : i32
      %parallel_loop3A_324 = vector.broadcast %parallel_loop3A_323 : i32 to vector<16xi32>
      %parallel_loop3A_325 = arith.cmpi eq, %parallel_loop3A_273, %parallel_loop3A_324 : vector<16xi32>
      %parallel_loop3A_326 = arith.constant 1.000000e+00 : f32
      %parallel_loop3A_327 = arith.constant 0.000000e+00 : f32
      %parallel_loop3A_328 = vector.broadcast %parallel_loop3A_326 : f32 to vector<16xf32>
      %parallel_loop3A_329 = vector.broadcast %parallel_loop3A_327 : f32 to vector<16xf32>
      %parallel_loop3A_330 = arith.select %parallel_loop3A_325, %parallel_loop3A_328, %parallel_loop3A_329 : vector<16xi1>, vector<16xf32>
      %parallel_loop3A_331 = arith.addf %parallel_loop3A_240, %parallel_loop3A_330 : vector<16xf32>
      %parallel_loop3A_332 = arith.constant 0.000000e+00 : f32
      %parallel_loop3A_333 = vector.broadcast %parallel_loop3A_332 : f32 to vector<16xf32>
      %parallel_loop3A_334 = arith.select %parallel_loop3A_325, %parallel_loop3A_279, %parallel_loop3A_333 : vector<16xi1>, vector<16xf32>
      %parallel_loop3A_335 = arith.addf %parallel_loop3A_247, %parallel_loop3A_334 : vector<16xf32>
      %parallel_loop3A_336 = arith.constant 0.000000e+00 : f32
      %parallel_loop3A_337 = vector.broadcast %parallel_loop3A_336 : f32 to vector<16xf32>
      %parallel_loop3A_338 = arith.select %parallel_loop3A_325, %parallel_loop3A_285, %parallel_loop3A_337 : vector<16xi1>, vector<16xf32>
      %parallel_loop3A_339 = arith.addf %parallel_loop3A_248, %parallel_loop3A_338 : vector<16xf32>
      %parallel_loop3A_340 = arith.constant 0.000000e+00 : f32
      %parallel_loop3A_341 = vector.broadcast %parallel_loop3A_340 : f32 to vector<16xf32>
      %parallel_loop3A_342 = arith.select %parallel_loop3A_325, %parallel_loop3A_291, %parallel_loop3A_341 : vector<16xi1>, vector<16xf32>
      %parallel_loop3A_343 = arith.addf %parallel_loop3A_249, %parallel_loop3A_342 : vector<16xf32>
      %parallel_loop3A_344 = arith.constant 0.000000e+00 : f32
      %parallel_loop3A_345 = vector.broadcast %parallel_loop3A_344 : f32 to vector<16xf32>
      %parallel_loop3A_346 = arith.select %parallel_loop3A_325, %parallel_loop3A_297, %parallel_loop3A_345 : vector<16xi1>, vector<16xf32>
      %parallel_loop3A_347 = arith.addf %parallel_loop3A_250, %parallel_loop3A_346 : vector<16xf32>
      %parallel_loop3A_348 = arith.constant 2 : i32
      %parallel_loop3A_349 = vector.broadcast %parallel_loop3A_348 : i32 to vector<16xi32>
      %parallel_loop3A_350 = arith.cmpi eq, %parallel_loop3A_273, %parallel_loop3A_349 : vector<16xi32>
      %parallel_loop3A_351 = arith.constant 1.000000e+00 : f32
      %parallel_loop3A_352 = arith.constant 0.000000e+00 : f32
      %parallel_loop3A_353 = vector.broadcast %parallel_loop3A_351 : f32 to vector<16xf32>
      %parallel_loop3A_354 = vector.broadcast %parallel_loop3A_352 : f32 to vector<16xf32>
      %parallel_loop3A_355 = arith.select %parallel_loop3A_350, %parallel_loop3A_353, %parallel_loop3A_354 : vector<16xi1>, vector<16xf32>
      %parallel_loop3A_356 = arith.addf %parallel_loop3A_241, %parallel_loop3A_355 : vector<16xf32>
      %parallel_loop3A_357 = arith.constant 0.000000e+00 : f32
      %parallel_loop3A_358 = vector.broadcast %parallel_loop3A_357 : f32 to vector<16xf32>
      %parallel_loop3A_359 = arith.select %parallel_loop3A_350, %parallel_loop3A_279, %parallel_loop3A_358 : vector<16xi1>, vector<16xf32>
      %parallel_loop3A_360 = arith.addf %parallel_loop3A_251, %parallel_loop3A_359 : vector<16xf32>
      %parallel_loop3A_361 = arith.constant 0.000000e+00 : f32
      %parallel_loop3A_362 = vector.broadcast %parallel_loop3A_361 : f32 to vector<16xf32>
      %parallel_loop3A_363 = arith.select %parallel_loop3A_350, %parallel_loop3A_285, %parallel_loop3A_362 : vector<16xi1>, vector<16xf32>
      %parallel_loop3A_364 = arith.addf %parallel_loop3A_252, %parallel_loop3A_363 : vector<16xf32>
      %parallel_loop3A_365 = arith.constant 0.000000e+00 : f32
      %parallel_loop3A_366 = vector.broadcast %parallel_loop3A_365 : f32 to vector<16xf32>
      %parallel_loop3A_367 = arith.select %parallel_loop3A_350, %parallel_loop3A_291, %parallel_loop3A_366 : vector<16xi1>, vector<16xf32>
      %parallel_loop3A_368 = arith.addf %parallel_loop3A_253, %parallel_loop3A_367 : vector<16xf32>
      %parallel_loop3A_369 = arith.constant 0.000000e+00 : f32
      %parallel_loop3A_370 = vector.broadcast %parallel_loop3A_369 : f32 to vector<16xf32>
      %parallel_loop3A_371 = arith.select %parallel_loop3A_350, %parallel_loop3A_297, %parallel_loop3A_370 : vector<16xi1>, vector<16xf32>
      %parallel_loop3A_372 = arith.addf %parallel_loop3A_254, %parallel_loop3A_371 : vector<16xf32>
      %parallel_loop3A_373 = arith.constant 3 : i32
      %parallel_loop3A_374 = vector.broadcast %parallel_loop3A_373 : i32 to vector<16xi32>
      %parallel_loop3A_375 = arith.cmpi eq, %parallel_loop3A_273, %parallel_loop3A_374 : vector<16xi32>
      %parallel_loop3A_376 = arith.constant 1.000000e+00 : f32
      %parallel_loop3A_377 = arith.constant 0.000000e+00 : f32
      %parallel_loop3A_378 = vector.broadcast %parallel_loop3A_376 : f32 to vector<16xf32>
      %parallel_loop3A_379 = vector.broadcast %parallel_loop3A_377 : f32 to vector<16xf32>
      %parallel_loop3A_380 = arith.select %parallel_loop3A_375, %parallel_loop3A_378, %parallel_loop3A_379 : vector<16xi1>, vector<16xf32>
      %parallel_loop3A_381 = arith.addf %parallel_loop3A_242, %parallel_loop3A_380 : vector<16xf32>
      %parallel_loop3A_382 = arith.constant 0.000000e+00 : f32
      %parallel_loop3A_383 = vector.broadcast %parallel_loop3A_382 : f32 to vector<16xf32>
      %parallel_loop3A_384 = arith.select %parallel_loop3A_375, %parallel_loop3A_279, %parallel_loop3A_383 : vector<16xi1>, vector<16xf32>
      %parallel_loop3A_385 = arith.addf %parallel_loop3A_255, %parallel_loop3A_384 : vector<16xf32>
      %parallel_loop3A_386 = arith.constant 0.000000e+00 : f32
      %parallel_loop3A_387 = vector.broadcast %parallel_loop3A_386 : f32 to vector<16xf32>
      %parallel_loop3A_388 = arith.select %parallel_loop3A_375, %parallel_loop3A_285, %parallel_loop3A_387 : vector<16xi1>, vector<16xf32>
      %parallel_loop3A_389 = arith.addf %parallel_loop3A_256, %parallel_loop3A_388 : vector<16xf32>
      %parallel_loop3A_390 = arith.constant 0.000000e+00 : f32
      %parallel_loop3A_391 = vector.broadcast %parallel_loop3A_390 : f32 to vector<16xf32>
      %parallel_loop3A_392 = arith.select %parallel_loop3A_375, %parallel_loop3A_291, %parallel_loop3A_391 : vector<16xi1>, vector<16xf32>
      %parallel_loop3A_393 = arith.addf %parallel_loop3A_257, %parallel_loop3A_392 : vector<16xf32>
      %parallel_loop3A_394 = arith.constant 0.000000e+00 : f32
      %parallel_loop3A_395 = vector.broadcast %parallel_loop3A_394 : f32 to vector<16xf32>
      %parallel_loop3A_396 = arith.select %parallel_loop3A_375, %parallel_loop3A_297, %parallel_loop3A_395 : vector<16xi1>, vector<16xf32>
      %parallel_loop3A_397 = arith.addf %parallel_loop3A_258, %parallel_loop3A_396 : vector<16xf32>
      %parallel_loop3A_398 = arith.addf %parallel_loop3A_259, %parallel_loop3A_279 : vector<16xf32>
      %parallel_loop3A_399 = arith.addf %parallel_loop3A_260, %parallel_loop3A_285 : vector<16xf32>
      %parallel_loop3A_400 = arith.addf %parallel_loop3A_261, %parallel_loop3A_291 : vector<16xf32>
      %parallel_loop3A_401 = arith.addf %parallel_loop3A_262, %parallel_loop3A_297 : vector<16xf32>
      scf.yield %parallel_loop3A_306, %parallel_loop3A_331, %parallel_loop3A_356, %parallel_loop3A_381, %parallel_loop3A_310, %parallel_loop3A_314, %parallel_loop3A_318, %parallel_loop3A_322, %parallel_loop3A_335, %parallel_loop3A_339, %parallel_loop3A_343, %parallel_loop3A_347, %parallel_loop3A_360, %parallel_loop3A_364, %parallel_loop3A_368, %parallel_loop3A_372, %parallel_loop3A_385, %parallel_loop3A_389, %parallel_loop3A_393, %parallel_loop3A_397, %parallel_loop3A_398, %parallel_loop3A_399, %parallel_loop3A_400, %parallel_loop3A_401 : vector<16xf32>, vector<16xf32>, vector<16xf32>, vector<16xf32>, vector<16xf32>, vector<16xf32>, vector<16xf32>, vector<16xf32>, vector<16xf32>, vector<16xf32>, vector<16xf32>, vector<16xf32>, vector<16xf32>, vector<16xf32>, vector<16xf32>, vector<16xf32>, vector<16xf32>, vector<16xf32>, vector<16xf32>, vector<16xf32>, vector<16xf32>, vector<16xf32>, vector<16xf32>, vector<16xf32>
    } {sc.loop_unroll_factor = 4 : i64, sc.parallel_access}
    %swap3A = arith.constant 0 : index
    %swap3A_141 = tpu.vector_load %arg9[%swap3A] {strides = array<i32>} : memref<512xf32, #tpu.memory_space<vmem>>, vector<16xf32>,
    %swap3A_142 = vector.shape_cast %swap3A_141 : vector<16xf32> to vector<16xf32>
    %swap3A_143 = vector.shape_cast %parallel_loop3A_140#0 : vector<16xf32> to vector<16xf32>
    tpu.vector_store %arg9[%swap3A], %swap3A_143 {strides = array<i32>} : memref<512xf32, #tpu.memory_space<vmem>>, vector<16xf32>,
    %swap3A_144 = arith.constant 64 : index
    %swap3A_145 = tpu.vector_load %arg9[%swap3A_144] {strides = array<i32>} : memref<512xf32, #tpu.memory_space<vmem>>, vector<16xf32>,
    %swap3A_146 = vector.shape_cast %swap3A_145 : vector<16xf32> to vector<16xf32>
    %swap3A_147 = vector.shape_cast %parallel_loop3A_140#4 : vector<16xf32> to vector<16xf32>
    tpu.vector_store %arg9[%swap3A_144], %swap3A_147 {strides = array<i32>} : memref<512xf32, #tpu.memory_space<vmem>>, vector<16xf32>,
    %swap3A_148 = arith.constant 80 : index
    %swap3A_149 = tpu.vector_load %arg9[%swap3A_148] {strides = array<i32>} : memref<512xf32, #tpu.memory_space<vmem>>, vector<16xf32>,
    %swap3A_150 = vector.shape_cast %swap3A_149 : vector<16xf32> to vector<16xf32>
    %swap3A_151 = vector.shape_cast %parallel_loop3A_140#5 : vector<16xf32> to vector<16xf32>
    tpu.vector_store %arg9[%swap3A_148], %swap3A_151 {strides = array<i32>} : memref<512xf32, #tpu.memory_space<vmem>>, vector<16xf32>,
    %swap3A_152 = arith.constant 96 : index
    %swap3A_153 = tpu.vector_load %arg9[%swap3A_152] {strides = array<i32>} : memref<512xf32, #tpu.memory_space<vmem>>, vector<16xf32>,
    %swap3A_154 = vector.shape_cast %swap3A_153 : vector<16xf32> to vector<16xf32>
    %swap3A_155 = vector.shape_cast %parallel_loop3A_140#6 : vector<16xf32> to vector<16xf32>
    tpu.vector_store %arg9[%swap3A_152], %swap3A_155 {strides = array<i32>} : memref<512xf32, #tpu.memory_space<vmem>>, vector<16xf32>,
    %swap3A_156 = arith.constant 112 : index
    %swap3A_157 = tpu.vector_load %arg9[%swap3A_156] {strides = array<i32>} : memref<512xf32, #tpu.memory_space<vmem>>, vector<16xf32>,
    %swap3A_158 = vector.shape_cast %swap3A_157 : vector<16xf32> to vector<16xf32>
    %swap3A_159 = vector.shape_cast %parallel_loop3A_140#7 : vector<16xf32> to vector<16xf32>
    tpu.vector_store %arg9[%swap3A_156], %swap3A_159 {strides = array<i32>} : memref<512xf32, #tpu.memory_space<vmem>>, vector<16xf32>,
    %swap3A_160 = arith.constant 16 : index
    %swap3A_161 = tpu.vector_load %arg9[%swap3A_160] {strides = array<i32>} : memref<512xf32, #tpu.memory_space<vmem>>, vector<16xf32>,
    %swap3A_162 = vector.shape_cast %swap3A_161 : vector<16xf32> to vector<16xf32>
    %swap3A_163 = vector.shape_cast %parallel_loop3A_140#1 : vector<16xf32> to vector<16xf32>
    tpu.vector_store %arg9[%swap3A_160], %swap3A_163 {strides = array<i32>} : memref<512xf32, #tpu.memory_space<vmem>>, vector<16xf32>,
    %swap3A_164 = arith.constant 128 : index
    %swap3A_165 = tpu.vector_load %arg9[%swap3A_164] {strides = array<i32>} : memref<512xf32, #tpu.memory_space<vmem>>, vector<16xf32>,
    %swap3A_166 = vector.shape_cast %swap3A_165 : vector<16xf32> to vector<16xf32>
    %swap3A_167 = vector.shape_cast %parallel_loop3A_140#8 : vector<16xf32> to vector<16xf32>
    tpu.vector_store %arg9[%swap3A_164], %swap3A_167 {strides = array<i32>} : memref<512xf32, #tpu.memory_space<vmem>>, vector<16xf32>,
    %swap3A_168 = arith.constant 144 : index
    %swap3A_169 = tpu.vector_load %arg9[%swap3A_168] {strides = array<i32>} : memref<512xf32, #tpu.memory_space<vmem>>, vector<16xf32>,
    %swap3A_170 = vector.shape_cast %swap3A_169 : vector<16xf32> to vector<16xf32>
    %swap3A_171 = vector.shape_cast %parallel_loop3A_140#9 : vector<16xf32> to vector<16xf32>
    tpu.vector_store %arg9[%swap3A_168], %swap3A_171 {strides = array<i32>} : memref<512xf32, #tpu.memory_space<vmem>>, vector<16xf32>,
    %swap3A_172 = arith.constant 160 : index
    %swap3A_173 = tpu.vector_load %arg9[%swap3A_172] {strides = array<i32>} : memref<512xf32, #tpu.memory_space<vmem>>, vector<16xf32>,
    %swap3A_174 = vector.shape_cast %swap3A_173 : vector<16xf32> to vector<16xf32>
    %swap3A_175 = vector.shape_cast %parallel_loop3A_140#10 : vector<16xf32> to vector<16xf32>
    tpu.vector_store %arg9[%swap3A_172], %swap3A_175 {strides = array<i32>} : memref<512xf32, #tpu.memory_space<vmem>>, vector<16xf32>,
    %swap3A_176 = arith.constant 176 : index
    %swap3A_177 = tpu.vector_load %arg9[%swap3A_176] {strides = array<i32>} : memref<512xf32, #tpu.memory_space<vmem>>, vector<16xf32>,
    %swap3A_178 = vector.shape_cast %swap3A_177 : vector<16xf32> to vector<16xf32>
    %swap3A_179 = vector.shape_cast %parallel_loop3A_140#11 : vector<16xf32> to vector<16xf32>
    tpu.vector_store %arg9[%swap3A_176], %swap3A_179 {strides = array<i32>} : memref<512xf32, #tpu.memory_space<vmem>>, vector<16xf32>,
    %swap3A_180 = arith.constant 32 : index
    %swap3A_181 = tpu.vector_load %arg9[%swap3A_180] {strides = array<i32>} : memref<512xf32, #tpu.memory_space<vmem>>, vector<16xf32>,
    %swap3A_182 = vector.shape_cast %swap3A_181 : vector<16xf32> to vector<16xf32>
    %swap3A_183 = vector.shape_cast %parallel_loop3A_140#2 : vector<16xf32> to vector<16xf32>
    tpu.vector_store %arg9[%swap3A_180], %swap3A_183 {strides = array<i32>} : memref<512xf32, #tpu.memory_space<vmem>>, vector<16xf32>,
    %swap3A_184 = arith.constant 192 : index
    %swap3A_185 = tpu.vector_load %arg9[%swap3A_184] {strides = array<i32>} : memref<512xf32, #tpu.memory_space<vmem>>, vector<16xf32>,
    %swap3A_186 = vector.shape_cast %swap3A_185 : vector<16xf32> to vector<16xf32>
    %swap3A_187 = vector.shape_cast %parallel_loop3A_140#12 : vector<16xf32> to vector<16xf32>
    tpu.vector_store %arg9[%swap3A_184], %swap3A_187 {strides = array<i32>} : memref<512xf32, #tpu.memory_space<vmem>>, vector<16xf32>,
    %swap3A_188 = arith.constant 208 : index
    %swap3A_189 = tpu.vector_load %arg9[%swap3A_188] {strides = array<i32>} : memref<512xf32, #tpu.memory_space<vmem>>, vector<16xf32>,
    %swap3A_190 = vector.shape_cast %swap3A_189 : vector<16xf32> to vector<16xf32>
    %swap3A_191 = vector.shape_cast %parallel_loop3A_140#13 : vector<16xf32> to vector<16xf32>
    tpu.vector_store %arg9[%swap3A_188], %swap3A_191 {strides = array<i32>} : memref<512xf32, #tpu.memory_space<vmem>>, vector<16xf32>,
    %swap3A_192 = arith.constant 224 : index
    %swap3A_193 = tpu.vector_load %arg9[%swap3A_192] {strides = array<i32>} : memref<512xf32, #tpu.memory_space<vmem>>, vector<16xf32>,
    %swap3A_194 = vector.shape_cast %swap3A_193 : vector<16xf32> to vector<16xf32>
    %swap3A_195 = vector.shape_cast %parallel_loop3A_140#14 : vector<16xf32> to vector<16xf32>
    tpu.vector_store %arg9[%swap3A_192], %swap3A_195 {strides = array<i32>} : memref<512xf32, #tpu.memory_space<vmem>>, vector<16xf32>,
    %swap3A_196 = arith.constant 240 : index
    %swap3A_197 = tpu.vector_load %arg9[%swap3A_196] {strides = array<i32>} : memref<512xf32, #tpu.memory_space<vmem>>, vector<16xf32>,
    %swap3A_198 = vector.shape_cast %swap3A_197 : vector<16xf32> to vector<16xf32>
    %swap3A_199 = vector.shape_cast %parallel_loop3A_140#15 : vector<16xf32> to vector<16xf32>
    tpu.vector_store %arg9[%swap3A_196], %swap3A_199 {strides = array<i32>} : memref<512xf32, #tpu.memory_space<vmem>>, vector<16xf32>,
    %swap3A_200 = arith.constant 48 : index
    %swap3A_201 = tpu.vector_load %arg9[%swap3A_200] {strides = array<i32>} : memref<512xf32, #tpu.memory_space<vmem>>, vector<16xf32>,
    %swap3A_202 = vector.shape_cast %swap3A_201 : vector<16xf32> to vector<16xf32>
    %swap3A_203 = vector.shape_cast %parallel_loop3A_140#3 : vector<16xf32> to vector<16xf32>
    tpu.vector_store %arg9[%swap3A_200], %swap3A_203 {strides = array<i32>} : memref<512xf32, #tpu.memory_space<vmem>>, vector<16xf32>,
    %swap3A_204 = arith.constant 256 : index
    %swap3A_205 = tpu.vector_load %arg9[%swap3A_204] {strides = array<i32>} : memref<512xf32, #tpu.memory_space<vmem>>, vector<16xf32>,
    %swap3A_206 = vector.shape_cast %swap3A_205 : vector<16xf32> to vector<16xf32>
    %swap3A_207 = vector.shape_cast %parallel_loop3A_140#16 : vector<16xf32> to vector<16xf32>
    tpu.vector_store %arg9[%swap3A_204], %swap3A_207 {strides = array<i32>} : memref<512xf32, #tpu.memory_space<vmem>>, vector<16xf32>,
    %swap3A_208 = arith.constant 272 : index
    %swap3A_209 = tpu.vector_load %arg9[%swap3A_208] {strides = array<i32>} : memref<512xf32, #tpu.memory_space<vmem>>, vector<16xf32>,
    %swap3A_210 = vector.shape_cast %swap3A_209 : vector<16xf32> to vector<16xf32>
    %swap3A_211 = vector.shape_cast %parallel_loop3A_140#17 : vector<16xf32> to vector<16xf32>
    tpu.vector_store %arg9[%swap3A_208], %swap3A_211 {strides = array<i32>} : memref<512xf32, #tpu.memory_space<vmem>>, vector<16xf32>,
    %swap3A_212 = arith.constant 288 : index
    %swap3A_213 = tpu.vector_load %arg9[%swap3A_212] {strides = array<i32>} : memref<512xf32, #tpu.memory_space<vmem>>, vector<16xf32>,
    %swap3A_214 = vector.shape_cast %swap3A_213 : vector<16xf32> to vector<16xf32>
    %swap3A_215 = vector.shape_cast %parallel_loop3A_140#18 : vector<16xf32> to vector<16xf32>
    tpu.vector_store %arg9[%swap3A_212], %swap3A_215 {strides = array<i32>} : memref<512xf32, #tpu.memory_space<vmem>>, vector<16xf32>,
    %swap3A_216 = arith.constant 304 : index
    %swap3A_217 = tpu.vector_load %arg9[%swap3A_216] {strides = array<i32>} : memref<512xf32, #tpu.memory_space<vmem>>, vector<16xf32>,
    %swap3A_218 = vector.shape_cast %swap3A_217 : vector<16xf32> to vector<16xf32>
    %swap3A_219 = vector.shape_cast %parallel_loop3A_140#19 : vector<16xf32> to vector<16xf32>
    tpu.vector_store %arg9[%swap3A_216], %swap3A_219 {strides = array<i32>} : memref<512xf32, #tpu.memory_space<vmem>>, vector<16xf32>,
    %swap3A_220 = arith.constant 320 : index
    %swap3A_221 = tpu.vector_load %arg9[%swap3A_220] {strides = array<i32>} : memref<512xf32, #tpu.memory_space<vmem>>, vector<16xf32>,
    %swap3A_222 = vector.shape_cast %swap3A_221 : vector<16xf32> to vector<16xf32>
    %swap3A_223 = vector.shape_cast %parallel_loop3A_140#20 : vector<16xf32> to vector<16xf32>
    tpu.vector_store %arg9[%swap3A_220], %swap3A_223 {strides = array<i32>} : memref<512xf32, #tpu.memory_space<vmem>>, vector<16xf32>,
    %swap3A_224 = arith.constant 336 : index
    %swap3A_225 = tpu.vector_load %arg9[%swap3A_224] {strides = array<i32>} : memref<512xf32, #tpu.memory_space<vmem>>, vector<16xf32>,
    %swap3A_226 = vector.shape_cast %swap3A_225 : vector<16xf32> to vector<16xf32>
    %swap3A_227 = vector.shape_cast %parallel_loop3A_140#21 : vector<16xf32> to vector<16xf32>
    tpu.vector_store %arg9[%swap3A_224], %swap3A_227 {strides = array<i32>} : memref<512xf32, #tpu.memory_space<vmem>>, vector<16xf32>,
    %swap3A_228 = arith.constant 352 : index
    %swap3A_229 = tpu.vector_load %arg9[%swap3A_228] {strides = array<i32>} : memref<512xf32, #tpu.memory_space<vmem>>, vector<16xf32>,
    %swap3A_230 = vector.shape_cast %swap3A_229 : vector<16xf32> to vector<16xf32>
    %swap3A_231 = vector.shape_cast %parallel_loop3A_140#22 : vector<16xf32> to vector<16xf32>
    tpu.vector_store %arg9[%swap3A_228], %swap3A_231 {strides = array<i32>} : memref<512xf32, #tpu.memory_space<vmem>>, vector<16xf32>,
    %swap3A_232 = arith.constant 368 : index
    %swap3A_233 = tpu.vector_load %arg9[%swap3A_232] {strides = array<i32>} : memref<512xf32, #tpu.memory_space<vmem>>, vector<16xf32>,
    %swap3A_234 = vector.shape_cast %swap3A_233 : vector<16xf32> to vector<16xf32>
    %swap3A_235 = vector.shape_cast %parallel_loop3A_140#23 : vector<16xf32> to vector<16xf32>
    tpu.vector_store %arg9[%swap3A_232], %swap3A_235 {strides = array<i32>} : memref<512xf32, #tpu.memory_space<vmem>>, vector<16xf32>,
    %mul3A_236 = arith.constant 512 : i32
    %mul3A_237 = arith.muli %add3A, %mul3A_236 : i32
    "tpu.region"() ({
      %run_scoped3A = tpu.sem_alloc : memref<!tpu.dma_semaphore, #tpu.memory_space<semaphore_mem>>
      %dma_start3A_238 = tpu.memref_slice %arg6[%mul3A_237] : memref<16384xf32, #tpu.memory_space<hbm>> -> memref<512xf32, #tpu.memory_space<hbm>>
      %dma_start3A_239 = tpu.memref_slice %arg6[%mul3A_237] : memref<16384xf32, #tpu.memory_space<hbm>> -> memref<512xf32, #tpu.memory_space<hbm>>
      tpu.enqueue_dma source(%arg9 : memref<512xf32, #tpu.memory_space<vmem>>) target(%dma_start3A_239 : memref<512xf32, #tpu.memory_space<hbm>>) target_semaphore(%run_scoped3A : memref<!tpu.dma_semaphore, #tpu.memory_space<semaphore_mem>>)
      %dma_wait3A_240 = tpu.memref_slice %arg6[%mul3A_237] : memref<16384xf32, #tpu.memory_space<hbm>> -> memref<512xf32, #tpu.memory_space<hbm>>
      %dma_wait3A_241 = tpu.memref_slice %arg6[%mul3A_237] : memref<16384xf32, #tpu.memory_space<hbm>> -> memref<512xf32, #tpu.memory_space<hbm>>
      tpu.wait_dma2 semaphore(%run_scoped3A : memref<!tpu.dma_semaphore, #tpu.memory_space<semaphore_mem>>) src(%arg9 : memref<512xf32, #tpu.memory_space<vmem>>) dst(%dma_wait3A_241 : memref<512xf32, #tpu.memory_space<hbm>>)
      tpu.yield
    }) : () -> ()
    return
  }
}

module attributes {stable_mosaic.version = 14 : i64} {
  func.func @_tc1_body(%arg0: i32, %arg1: memref<4x64x1024xf32, #tpu.memory_space<vmem>>, %arg2: memref<64x1024xi32, #tpu.memory_space<vmem>>, %arg3: memref<8x128xf32, #tpu.memory_space<vmem>>) attributes {dimension_semantics = [#tpu.dimension_semantics<arbitrary>], iteration_bounds = array<i64: 4>, scalar_prefetch = 0 : i64, scratch_operands = 0 : i64, tpu.core_type = #tpu.core_type<tc>, window_params = [{transform_indices = @transform_0, window_bounds = array<i64: 4, 64, 1024>}, {transform_indices = @transform_1, window_bounds = array<i64: 64, 1024>}, {pipeline_mode = #tpu.pipeline_mode<synchronous>, transform_indices = @transform_2, window_bounds = array<i64: 8, 128>}]} {
    %get3A = arith.constant 0 : index
    %get3A_0 = arith.constant 0 : index
    %get3A_1 = vector.load %arg2[%get3A, %get3A_0] : memref<64x1024xi32, #tpu.memory_space<vmem>>, vector<64x1024xi32>
    %eq3A = arith.constant 0 : i32
    %eq3A_2 = vector.broadcast %eq3A : i32 to vector<64x1024xi32>
    %eq3A_3 = arith.cmpi eq, %get3A_1, %eq3A_2 : vector<64x1024xi32>
    %jit3A = arith.constant 1.000000e+00 : f32
    %jit3A_4 = arith.constant 0.000000e+00 : f32
    %broadcast_in_dim3A = vector.broadcast %jit3A : f32 to vector<64x1024xf32>
    %broadcast_in_dim3A_5 = vector.broadcast %jit3A_4 : f32 to vector<64x1024xf32>
    %select_n3A = arith.select %eq3A_3, %broadcast_in_dim3A, %broadcast_in_dim3A_5 : vector<64x1024xi1>, vector<64x1024xf32>
    %reduce_sum3A = vector.shape_cast %select_n3A : vector<64x1024xf32> to vector<1x64x1024xf32>
    %reduce_sum3A_6 = arith.constant dense<0.000000e+00> : vector<1xf32>
    %reduce_sum3A_7 = vector.multi_reduction <add>, %reduce_sum3A, %reduce_sum3A_6 [1, 2] : vector<1x64x1024xf32> to vector<1xf32>
    %reduce_sum3A_8 = vector.shape_cast %reduce_sum3A_7 : vector<1xf32> to vector<1x1x1xf32>
    %reduce_sum3A_9 = vector.extract %reduce_sum3A_8[0, 0, 0] : f32 from vector<1x1x1xf32>
    %eq3A_10 = arith.constant 1 : i32
    %eq3A_11 = vector.broadcast %eq3A_10 : i32 to vector<64x1024xi32>
    %eq3A_12 = arith.cmpi eq, %get3A_1, %eq3A_11 : vector<64x1024xi32>
    %jit3A_13 = arith.constant 1.000000e+00 : f32
    %jit3A_14 = arith.constant 0.000000e+00 : f32
    %broadcast_in_dim3A_15 = vector.broadcast %jit3A_13 : f32 to vector<64x1024xf32>
    %broadcast_in_dim3A_16 = vector.broadcast %jit3A_14 : f32 to vector<64x1024xf32>
    %select_n3A_17 = arith.select %eq3A_12, %broadcast_in_dim3A_15, %broadcast_in_dim3A_16 : vector<64x1024xi1>, vector<64x1024xf32>
    %reduce_sum3A_18 = vector.shape_cast %select_n3A_17 : vector<64x1024xf32> to vector<1x64x1024xf32>
    %reduce_sum3A_19 = arith.constant dense<0.000000e+00> : vector<1xf32>
    %reduce_sum3A_20 = vector.multi_reduction <add>, %reduce_sum3A_18, %reduce_sum3A_19 [1, 2] : vector<1x64x1024xf32> to vector<1xf32>
    %reduce_sum3A_21 = vector.shape_cast %reduce_sum3A_20 : vector<1xf32> to vector<1x1x1xf32>
    %reduce_sum3A_22 = vector.extract %reduce_sum3A_21[0, 0, 0] : f32 from vector<1x1x1xf32>
    %eq3A_23 = arith.constant 2 : i32
    %eq3A_24 = vector.broadcast %eq3A_23 : i32 to vector<64x1024xi32>
    %eq3A_25 = arith.cmpi eq, %get3A_1, %eq3A_24 : vector<64x1024xi32>
    %jit3A_26 = arith.constant 1.000000e+00 : f32
    %jit3A_27 = arith.constant 0.000000e+00 : f32
    %broadcast_in_dim3A_28 = vector.broadcast %jit3A_26 : f32 to vector<64x1024xf32>
    %broadcast_in_dim3A_29 = vector.broadcast %jit3A_27 : f32 to vector<64x1024xf32>
    %select_n3A_30 = arith.select %eq3A_25, %broadcast_in_dim3A_28, %broadcast_in_dim3A_29 : vector<64x1024xi1>, vector<64x1024xf32>
    %reduce_sum3A_31 = vector.shape_cast %select_n3A_30 : vector<64x1024xf32> to vector<1x64x1024xf32>
    %reduce_sum3A_32 = arith.constant dense<0.000000e+00> : vector<1xf32>
    %reduce_sum3A_33 = vector.multi_reduction <add>, %reduce_sum3A_31, %reduce_sum3A_32 [1, 2] : vector<1x64x1024xf32> to vector<1xf32>
    %reduce_sum3A_34 = vector.shape_cast %reduce_sum3A_33 : vector<1xf32> to vector<1x1x1xf32>
    %reduce_sum3A_35 = vector.extract %reduce_sum3A_34[0, 0, 0] : f32 from vector<1x1x1xf32>
    %eq3A_36 = arith.constant 3 : i32
    %eq3A_37 = vector.broadcast %eq3A_36 : i32 to vector<64x1024xi32>
    %eq3A_38 = arith.cmpi eq, %get3A_1, %eq3A_37 : vector<64x1024xi32>
    %jit3A_39 = arith.constant 1.000000e+00 : f32
    %jit3A_40 = arith.constant 0.000000e+00 : f32
    %broadcast_in_dim3A_41 = vector.broadcast %jit3A_39 : f32 to vector<64x1024xf32>
    %broadcast_in_dim3A_42 = vector.broadcast %jit3A_40 : f32 to vector<64x1024xf32>
    %select_n3A_43 = arith.select %eq3A_38, %broadcast_in_dim3A_41, %broadcast_in_dim3A_42 : vector<64x1024xi1>, vector<64x1024xf32>
    %reduce_sum3A_44 = vector.shape_cast %select_n3A_43 : vector<64x1024xf32> to vector<1x64x1024xf32>
    %reduce_sum3A_45 = arith.constant dense<0.000000e+00> : vector<1xf32>
    %reduce_sum3A_46 = vector.multi_reduction <add>, %reduce_sum3A_44, %reduce_sum3A_45 [1, 2] : vector<1x64x1024xf32> to vector<1xf32>
    %reduce_sum3A_47 = vector.shape_cast %reduce_sum3A_46 : vector<1xf32> to vector<1x1x1xf32>
    %reduce_sum3A_48 = vector.extract %reduce_sum3A_47[0, 0, 0] : f32 from vector<1x1x1xf32>
    %eq3A_49 = arith.constant 0 : i32
    %eq3A_50 = vector.broadcast %eq3A_49 : i32 to vector<64x1024xi32>
    %eq3A_51 = arith.cmpi eq, %get3A_1, %eq3A_50 : vector<64x1024xi32>
    %get3A_52 = arith.constant 0 : index
    %get3A_53 = arith.constant 0 : index
    %get3A_54 = arith.constant 0 : index
    %get3A_55 = vector.load %arg1[%get3A_52, %get3A_53, %get3A_54] : memref<4x64x1024xf32, #tpu.memory_space<vmem>>, vector<1x64x1024xf32>
    %get3A_56 = vector.shape_cast %get3A_55 : vector<1x64x1024xf32> to vector<64x1024xf32>
    %jit3A_57 = arith.constant 0.000000e+00 : f32
    %broadcast_in_dim3A_58 = vector.broadcast %jit3A_57 : f32 to vector<64x1024xf32>
    %select_n3A_59 = arith.select %eq3A_51, %get3A_56, %broadcast_in_dim3A_58 : vector<64x1024xi1>, vector<64x1024xf32>
    %reduce_sum3A_60 = vector.shape_cast %select_n3A_59 : vector<64x1024xf32> to vector<1x64x1024xf32>
    %reduce_sum3A_61 = arith.constant dense<0.000000e+00> : vector<1xf32>
    %reduce_sum3A_62 = vector.multi_reduction <add>, %reduce_sum3A_60, %reduce_sum3A_61 [1, 2] : vector<1x64x1024xf32> to vector<1xf32>
    %reduce_sum3A_63 = vector.shape_cast %reduce_sum3A_62 : vector<1xf32> to vector<1x1x1xf32>
    %reduce_sum3A_64 = vector.extract %reduce_sum3A_63[0, 0, 0] : f32 from vector<1x1x1xf32>
    %get3A_65 = arith.constant 1 : index
    %get3A_66 = arith.constant 0 : index
    %get3A_67 = arith.constant 0 : index
    %get3A_68 = vector.load %arg1[%get3A_65, %get3A_66, %get3A_67] : memref<4x64x1024xf32, #tpu.memory_space<vmem>>, vector<1x64x1024xf32>
    %get3A_69 = vector.shape_cast %get3A_68 : vector<1x64x1024xf32> to vector<64x1024xf32>
    %jit3A_70 = arith.constant 0.000000e+00 : f32
    %broadcast_in_dim3A_71 = vector.broadcast %jit3A_70 : f32 to vector<64x1024xf32>
    %select_n3A_72 = arith.select %eq3A_51, %get3A_69, %broadcast_in_dim3A_71 : vector<64x1024xi1>, vector<64x1024xf32>
    %reduce_sum3A_73 = vector.shape_cast %select_n3A_72 : vector<64x1024xf32> to vector<1x64x1024xf32>
    %reduce_sum3A_74 = arith.constant dense<0.000000e+00> : vector<1xf32>
    %reduce_sum3A_75 = vector.multi_reduction <add>, %reduce_sum3A_73, %reduce_sum3A_74 [1, 2] : vector<1x64x1024xf32> to vector<1xf32>
    %reduce_sum3A_76 = vector.shape_cast %reduce_sum3A_75 : vector<1xf32> to vector<1x1x1xf32>
    %reduce_sum3A_77 = vector.extract %reduce_sum3A_76[0, 0, 0] : f32 from vector<1x1x1xf32>
    %get3A_78 = arith.constant 2 : index
    %get3A_79 = arith.constant 0 : index
    %get3A_80 = arith.constant 0 : index
    %get3A_81 = vector.load %arg1[%get3A_78, %get3A_79, %get3A_80] : memref<4x64x1024xf32, #tpu.memory_space<vmem>>, vector<1x64x1024xf32>
    %get3A_82 = vector.shape_cast %get3A_81 : vector<1x64x1024xf32> to vector<64x1024xf32>
    %jit3A_83 = arith.constant 0.000000e+00 : f32
    %broadcast_in_dim3A_84 = vector.broadcast %jit3A_83 : f32 to vector<64x1024xf32>
    %select_n3A_85 = arith.select %eq3A_51, %get3A_82, %broadcast_in_dim3A_84 : vector<64x1024xi1>, vector<64x1024xf32>
    %reduce_sum3A_86 = vector.shape_cast %select_n3A_85 : vector<64x1024xf32> to vector<1x64x1024xf32>
    %reduce_sum3A_87 = arith.constant dense<0.000000e+00> : vector<1xf32>
    %reduce_sum3A_88 = vector.multi_reduction <add>, %reduce_sum3A_86, %reduce_sum3A_87 [1, 2] : vector<1x64x1024xf32> to vector<1xf32>
    %reduce_sum3A_89 = vector.shape_cast %reduce_sum3A_88 : vector<1xf32> to vector<1x1x1xf32>
    %reduce_sum3A_90 = vector.extract %reduce_sum3A_89[0, 0, 0] : f32 from vector<1x1x1xf32>
    %get3A_91 = arith.constant 3 : index
    %get3A_92 = arith.constant 0 : index
    %get3A_93 = arith.constant 0 : index
    %get3A_94 = vector.load %arg1[%get3A_91, %get3A_92, %get3A_93] : memref<4x64x1024xf32, #tpu.memory_space<vmem>>, vector<1x64x1024xf32>
    %get3A_95 = vector.shape_cast %get3A_94 : vector<1x64x1024xf32> to vector<64x1024xf32>
    %jit3A_96 = arith.constant 0.000000e+00 : f32
    %broadcast_in_dim3A_97 = vector.broadcast %jit3A_96 : f32 to vector<64x1024xf32>
    %select_n3A_98 = arith.select %eq3A_51, %get3A_95, %broadcast_in_dim3A_97 : vector<64x1024xi1>, vector<64x1024xf32>
    %reduce_sum3A_99 = vector.shape_cast %select_n3A_98 : vector<64x1024xf32> to vector<1x64x1024xf32>
    %reduce_sum3A_100 = arith.constant dense<0.000000e+00> : vector<1xf32>
    %reduce_sum3A_101 = vector.multi_reduction <add>, %reduce_sum3A_99, %reduce_sum3A_100 [1, 2] : vector<1x64x1024xf32> to vector<1xf32>
    %reduce_sum3A_102 = vector.shape_cast %reduce_sum3A_101 : vector<1xf32> to vector<1x1x1xf32>
    %reduce_sum3A_103 = vector.extract %reduce_sum3A_102[0, 0, 0] : f32 from vector<1x1x1xf32>
    %eq3A_104 = arith.constant 1 : i32
    %eq3A_105 = vector.broadcast %eq3A_104 : i32 to vector<64x1024xi32>
    %eq3A_106 = arith.cmpi eq, %get3A_1, %eq3A_105 : vector<64x1024xi32>
    %get3A_107 = arith.constant 0 : index
    %get3A_108 = arith.constant 0 : index
    %get3A_109 = arith.constant 0 : index
    %get3A_110 = vector.load %arg1[%get3A_107, %get3A_108, %get3A_109] : memref<4x64x1024xf32, #tpu.memory_space<vmem>>, vector<1x64x1024xf32>
    %get3A_111 = vector.shape_cast %get3A_110 : vector<1x64x1024xf32> to vector<64x1024xf32>
    %jit3A_112 = arith.constant 0.000000e+00 : f32
    %broadcast_in_dim3A_113 = vector.broadcast %jit3A_112 : f32 to vector<64x1024xf32>
    %select_n3A_114 = arith.select %eq3A_106, %get3A_111, %broadcast_in_dim3A_113 : vector<64x1024xi1>, vector<64x1024xf32>
    %reduce_sum3A_115 = vector.shape_cast %select_n3A_114 : vector<64x1024xf32> to vector<1x64x1024xf32>
    %reduce_sum3A_116 = arith.constant dense<0.000000e+00> : vector<1xf32>
    %reduce_sum3A_117 = vector.multi_reduction <add>, %reduce_sum3A_115, %reduce_sum3A_116 [1, 2] : vector<1x64x1024xf32> to vector<1xf32>
    %reduce_sum3A_118 = vector.shape_cast %reduce_sum3A_117 : vector<1xf32> to vector<1x1x1xf32>
    %reduce_sum3A_119 = vector.extract %reduce_sum3A_118[0, 0, 0] : f32 from vector<1x1x1xf32>
    %get3A_120 = arith.constant 1 : index
    %get3A_121 = arith.constant 0 : index
    %get3A_122 = arith.constant 0 : index
    %get3A_123 = vector.load %arg1[%get3A_120, %get3A_121, %get3A_122] : memref<4x64x1024xf32, #tpu.memory_space<vmem>>, vector<1x64x1024xf32>
    %get3A_124 = vector.shape_cast %get3A_123 : vector<1x64x1024xf32> to vector<64x1024xf32>
    %jit3A_125 = arith.constant 0.000000e+00 : f32
    %broadcast_in_dim3A_126 = vector.broadcast %jit3A_125 : f32 to vector<64x1024xf32>
    %select_n3A_127 = arith.select %eq3A_106, %get3A_124, %broadcast_in_dim3A_126 : vector<64x1024xi1>, vector<64x1024xf32>
    %reduce_sum3A_128 = vector.shape_cast %select_n3A_127 : vector<64x1024xf32> to vector<1x64x1024xf32>
    %reduce_sum3A_129 = arith.constant dense<0.000000e+00> : vector<1xf32>
    %reduce_sum3A_130 = vector.multi_reduction <add>, %reduce_sum3A_128, %reduce_sum3A_129 [1, 2] : vector<1x64x1024xf32> to vector<1xf32>
    %reduce_sum3A_131 = vector.shape_cast %reduce_sum3A_130 : vector<1xf32> to vector<1x1x1xf32>
    %reduce_sum3A_132 = vector.extract %reduce_sum3A_131[0, 0, 0] : f32 from vector<1x1x1xf32>
    %get3A_133 = arith.constant 2 : index
    %get3A_134 = arith.constant 0 : index
    %get3A_135 = arith.constant 0 : index
    %get3A_136 = vector.load %arg1[%get3A_133, %get3A_134, %get3A_135] : memref<4x64x1024xf32, #tpu.memory_space<vmem>>, vector<1x64x1024xf32>
    %get3A_137 = vector.shape_cast %get3A_136 : vector<1x64x1024xf32> to vector<64x1024xf32>
    %jit3A_138 = arith.constant 0.000000e+00 : f32
    %broadcast_in_dim3A_139 = vector.broadcast %jit3A_138 : f32 to vector<64x1024xf32>
    %select_n3A_140 = arith.select %eq3A_106, %get3A_137, %broadcast_in_dim3A_139 : vector<64x1024xi1>, vector<64x1024xf32>
    %reduce_sum3A_141 = vector.shape_cast %select_n3A_140 : vector<64x1024xf32> to vector<1x64x1024xf32>
    %reduce_sum3A_142 = arith.constant dense<0.000000e+00> : vector<1xf32>
    %reduce_sum3A_143 = vector.multi_reduction <add>, %reduce_sum3A_141, %reduce_sum3A_142 [1, 2] : vector<1x64x1024xf32> to vector<1xf32>
    %reduce_sum3A_144 = vector.shape_cast %reduce_sum3A_143 : vector<1xf32> to vector<1x1x1xf32>
    %reduce_sum3A_145 = vector.extract %reduce_sum3A_144[0, 0, 0] : f32 from vector<1x1x1xf32>
    %get3A_146 = arith.constant 3 : index
    %get3A_147 = arith.constant 0 : index
    %get3A_148 = arith.constant 0 : index
    %get3A_149 = vector.load %arg1[%get3A_146, %get3A_147, %get3A_148] : memref<4x64x1024xf32, #tpu.memory_space<vmem>>, vector<1x64x1024xf32>
    %get3A_150 = vector.shape_cast %get3A_149 : vector<1x64x1024xf32> to vector<64x1024xf32>
    %jit3A_151 = arith.constant 0.000000e+00 : f32
    %broadcast_in_dim3A_152 = vector.broadcast %jit3A_151 : f32 to vector<64x1024xf32>
    %select_n3A_153 = arith.select %eq3A_106, %get3A_150, %broadcast_in_dim3A_152 : vector<64x1024xi1>, vector<64x1024xf32>
    %reduce_sum3A_154 = vector.shape_cast %select_n3A_153 : vector<64x1024xf32> to vector<1x64x1024xf32>
    %reduce_sum3A_155 = arith.constant dense<0.000000e+00> : vector<1xf32>
    %reduce_sum3A_156 = vector.multi_reduction <add>, %reduce_sum3A_154, %reduce_sum3A_155 [1, 2] : vector<1x64x1024xf32> to vector<1xf32>
    %reduce_sum3A_157 = vector.shape_cast %reduce_sum3A_156 : vector<1xf32> to vector<1x1x1xf32>
    %reduce_sum3A_158 = vector.extract %reduce_sum3A_157[0, 0, 0] : f32 from vector<1x1x1xf32>
    %eq3A_159 = arith.constant 2 : i32
    %eq3A_160 = vector.broadcast %eq3A_159 : i32 to vector<64x1024xi32>
    %eq3A_161 = arith.cmpi eq, %get3A_1, %eq3A_160 : vector<64x1024xi32>
    %get3A_162 = arith.constant 0 : index
    %get3A_163 = arith.constant 0 : index
    %get3A_164 = arith.constant 0 : index
    %get3A_165 = vector.load %arg1[%get3A_162, %get3A_163, %get3A_164] : memref<4x64x1024xf32, #tpu.memory_space<vmem>>, vector<1x64x1024xf32>
    %get3A_166 = vector.shape_cast %get3A_165 : vector<1x64x1024xf32> to vector<64x1024xf32>
    %jit3A_167 = arith.constant 0.000000e+00 : f32
    %broadcast_in_dim3A_168 = vector.broadcast %jit3A_167 : f32 to vector<64x1024xf32>
    %select_n3A_169 = arith.select %eq3A_161, %get3A_166, %broadcast_in_dim3A_168 : vector<64x1024xi1>, vector<64x1024xf32>
    %reduce_sum3A_170 = vector.shape_cast %select_n3A_169 : vector<64x1024xf32> to vector<1x64x1024xf32>
    %reduce_sum3A_171 = arith.constant dense<0.000000e+00> : vector<1xf32>
    %reduce_sum3A_172 = vector.multi_reduction <add>, %reduce_sum3A_170, %reduce_sum3A_171 [1, 2] : vector<1x64x1024xf32> to vector<1xf32>
    %reduce_sum3A_173 = vector.shape_cast %reduce_sum3A_172 : vector<1xf32> to vector<1x1x1xf32>
    %reduce_sum3A_174 = vector.extract %reduce_sum3A_173[0, 0, 0] : f32 from vector<1x1x1xf32>
    %get3A_175 = arith.constant 1 : index
    %get3A_176 = arith.constant 0 : index
    %get3A_177 = arith.constant 0 : index
    %get3A_178 = vector.load %arg1[%get3A_175, %get3A_176, %get3A_177] : memref<4x64x1024xf32, #tpu.memory_space<vmem>>, vector<1x64x1024xf32>
    %get3A_179 = vector.shape_cast %get3A_178 : vector<1x64x1024xf32> to vector<64x1024xf32>
    %jit3A_180 = arith.constant 0.000000e+00 : f32
    %broadcast_in_dim3A_181 = vector.broadcast %jit3A_180 : f32 to vector<64x1024xf32>
    %select_n3A_182 = arith.select %eq3A_161, %get3A_179, %broadcast_in_dim3A_181 : vector<64x1024xi1>, vector<64x1024xf32>
    %reduce_sum3A_183 = vector.shape_cast %select_n3A_182 : vector<64x1024xf32> to vector<1x64x1024xf32>
    %reduce_sum3A_184 = arith.constant dense<0.000000e+00> : vector<1xf32>
    %reduce_sum3A_185 = vector.multi_reduction <add>, %reduce_sum3A_183, %reduce_sum3A_184 [1, 2] : vector<1x64x1024xf32> to vector<1xf32>
    %reduce_sum3A_186 = vector.shape_cast %reduce_sum3A_185 : vector<1xf32> to vector<1x1x1xf32>
    %reduce_sum3A_187 = vector.extract %reduce_sum3A_186[0, 0, 0] : f32 from vector<1x1x1xf32>
    %get3A_188 = arith.constant 2 : index
    %get3A_189 = arith.constant 0 : index
    %get3A_190 = arith.constant 0 : index
    %get3A_191 = vector.load %arg1[%get3A_188, %get3A_189, %get3A_190] : memref<4x64x1024xf32, #tpu.memory_space<vmem>>, vector<1x64x1024xf32>
    %get3A_192 = vector.shape_cast %get3A_191 : vector<1x64x1024xf32> to vector<64x1024xf32>
    %jit3A_193 = arith.constant 0.000000e+00 : f32
    %broadcast_in_dim3A_194 = vector.broadcast %jit3A_193 : f32 to vector<64x1024xf32>
    %select_n3A_195 = arith.select %eq3A_161, %get3A_192, %broadcast_in_dim3A_194 : vector<64x1024xi1>, vector<64x1024xf32>
    %reduce_sum3A_196 = vector.shape_cast %select_n3A_195 : vector<64x1024xf32> to vector<1x64x1024xf32>
    %reduce_sum3A_197 = arith.constant dense<0.000000e+00> : vector<1xf32>
    %reduce_sum3A_198 = vector.multi_reduction <add>, %reduce_sum3A_196, %reduce_sum3A_197 [1, 2] : vector<1x64x1024xf32> to vector<1xf32>
    %reduce_sum3A_199 = vector.shape_cast %reduce_sum3A_198 : vector<1xf32> to vector<1x1x1xf32>
    %reduce_sum3A_200 = vector.extract %reduce_sum3A_199[0, 0, 0] : f32 from vector<1x1x1xf32>
    %get3A_201 = arith.constant 3 : index
    %get3A_202 = arith.constant 0 : index
    %get3A_203 = arith.constant 0 : index
    %get3A_204 = vector.load %arg1[%get3A_201, %get3A_202, %get3A_203] : memref<4x64x1024xf32, #tpu.memory_space<vmem>>, vector<1x64x1024xf32>
    %get3A_205 = vector.shape_cast %get3A_204 : vector<1x64x1024xf32> to vector<64x1024xf32>
    %jit3A_206 = arith.constant 0.000000e+00 : f32
    %broadcast_in_dim3A_207 = vector.broadcast %jit3A_206 : f32 to vector<64x1024xf32>
    %select_n3A_208 = arith.select %eq3A_161, %get3A_205, %broadcast_in_dim3A_207 : vector<64x1024xi1>, vector<64x1024xf32>
    %reduce_sum3A_209 = vector.shape_cast %select_n3A_208 : vector<64x1024xf32> to vector<1x64x1024xf32>
    %reduce_sum3A_210 = arith.constant dense<0.000000e+00> : vector<1xf32>
    %reduce_sum3A_211 = vector.multi_reduction <add>, %reduce_sum3A_209, %reduce_sum3A_210 [1, 2] : vector<1x64x1024xf32> to vector<1xf32>
    %reduce_sum3A_212 = vector.shape_cast %reduce_sum3A_211 : vector<1xf32> to vector<1x1x1xf32>
    %reduce_sum3A_213 = vector.extract %reduce_sum3A_212[0, 0, 0] : f32 from vector<1x1x1xf32>
    %eq3A_214 = arith.constant 3 : i32
    %eq3A_215 = vector.broadcast %eq3A_214 : i32 to vector<64x1024xi32>
    %eq3A_216 = arith.cmpi eq, %get3A_1, %eq3A_215 : vector<64x1024xi32>
    %get3A_217 = arith.constant 0 : index
    %get3A_218 = arith.constant 0 : index
    %get3A_219 = arith.constant 0 : index
    %get3A_220 = vector.load %arg1[%get3A_217, %get3A_218, %get3A_219] : memref<4x64x1024xf32, #tpu.memory_space<vmem>>, vector<1x64x1024xf32>
    %get3A_221 = vector.shape_cast %get3A_220 : vector<1x64x1024xf32> to vector<64x1024xf32>
    %jit3A_222 = arith.constant 0.000000e+00 : f32
    %broadcast_in_dim3A_223 = vector.broadcast %jit3A_222 : f32 to vector<64x1024xf32>
    %select_n3A_224 = arith.select %eq3A_216, %get3A_221, %broadcast_in_dim3A_223 : vector<64x1024xi1>, vector<64x1024xf32>
    %reduce_sum3A_225 = vector.shape_cast %select_n3A_224 : vector<64x1024xf32> to vector<1x64x1024xf32>
    %reduce_sum3A_226 = arith.constant dense<0.000000e+00> : vector<1xf32>
    %reduce_sum3A_227 = vector.multi_reduction <add>, %reduce_sum3A_225, %reduce_sum3A_226 [1, 2] : vector<1x64x1024xf32> to vector<1xf32>
    %reduce_sum3A_228 = vector.shape_cast %reduce_sum3A_227 : vector<1xf32> to vector<1x1x1xf32>
    %reduce_sum3A_229 = vector.extract %reduce_sum3A_228[0, 0, 0] : f32 from vector<1x1x1xf32>
    %get3A_230 = arith.constant 1 : index
    %get3A_231 = arith.constant 0 : index
    %get3A_232 = arith.constant 0 : index
    %get3A_233 = vector.load %arg1[%get3A_230, %get3A_231, %get3A_232] : memref<4x64x1024xf32, #tpu.memory_space<vmem>>, vector<1x64x1024xf32>
    %get3A_234 = vector.shape_cast %get3A_233 : vector<1x64x1024xf32> to vector<64x1024xf32>
    %jit3A_235 = arith.constant 0.000000e+00 : f32
    %broadcast_in_dim3A_236 = vector.broadcast %jit3A_235 : f32 to vector<64x1024xf32>
    %select_n3A_237 = arith.select %eq3A_216, %get3A_234, %broadcast_in_dim3A_236 : vector<64x1024xi1>, vector<64x1024xf32>
    %reduce_sum3A_238 = vector.shape_cast %select_n3A_237 : vector<64x1024xf32> to vector<1x64x1024xf32>
    %reduce_sum3A_239 = arith.constant dense<0.000000e+00> : vector<1xf32>
    %reduce_sum3A_240 = vector.multi_reduction <add>, %reduce_sum3A_238, %reduce_sum3A_239 [1, 2] : vector<1x64x1024xf32> to vector<1xf32>
    %reduce_sum3A_241 = vector.shape_cast %reduce_sum3A_240 : vector<1xf32> to vector<1x1x1xf32>
    %reduce_sum3A_242 = vector.extract %reduce_sum3A_241[0, 0, 0] : f32 from vector<1x1x1xf32>
    %get3A_243 = arith.constant 2 : index
    %get3A_244 = arith.constant 0 : index
    %get3A_245 = arith.constant 0 : index
    %get3A_246 = vector.load %arg1[%get3A_243, %get3A_244, %get3A_245] : memref<4x64x1024xf32, #tpu.memory_space<vmem>>, vector<1x64x1024xf32>
    %get3A_247 = vector.shape_cast %get3A_246 : vector<1x64x1024xf32> to vector<64x1024xf32>
    %jit3A_248 = arith.constant 0.000000e+00 : f32
    %broadcast_in_dim3A_249 = vector.broadcast %jit3A_248 : f32 to vector<64x1024xf32>
    %select_n3A_250 = arith.select %eq3A_216, %get3A_247, %broadcast_in_dim3A_249 : vector<64x1024xi1>, vector<64x1024xf32>
    %reduce_sum3A_251 = vector.shape_cast %select_n3A_250 : vector<64x1024xf32> to vector<1x64x1024xf32>
    %reduce_sum3A_252 = arith.constant dense<0.000000e+00> : vector<1xf32>
    %reduce_sum3A_253 = vector.multi_reduction <add>, %reduce_sum3A_251, %reduce_sum3A_252 [1, 2] : vector<1x64x1024xf32> to vector<1xf32>
    %reduce_sum3A_254 = vector.shape_cast %reduce_sum3A_253 : vector<1xf32> to vector<1x1x1xf32>
    %reduce_sum3A_255 = vector.extract %reduce_sum3A_254[0, 0, 0] : f32 from vector<1x1x1xf32>
    %get3A_256 = arith.constant 3 : index
    %get3A_257 = arith.constant 0 : index
    %get3A_258 = arith.constant 0 : index
    %get3A_259 = vector.load %arg1[%get3A_256, %get3A_257, %get3A_258] : memref<4x64x1024xf32, #tpu.memory_space<vmem>>, vector<1x64x1024xf32>
    %get3A_260 = vector.shape_cast %get3A_259 : vector<1x64x1024xf32> to vector<64x1024xf32>
    %jit3A_261 = arith.constant 0.000000e+00 : f32
    %broadcast_in_dim3A_262 = vector.broadcast %jit3A_261 : f32 to vector<64x1024xf32>
    %select_n3A_263 = arith.select %eq3A_216, %get3A_260, %broadcast_in_dim3A_262 : vector<64x1024xi1>, vector<64x1024xf32>
    %reduce_sum3A_264 = vector.shape_cast %select_n3A_263 : vector<64x1024xf32> to vector<1x64x1024xf32>
    %reduce_sum3A_265 = arith.constant dense<0.000000e+00> : vector<1xf32>
    %reduce_sum3A_266 = vector.multi_reduction <add>, %reduce_sum3A_264, %reduce_sum3A_265 [1, 2] : vector<1x64x1024xf32> to vector<1xf32>
    %reduce_sum3A_267 = vector.shape_cast %reduce_sum3A_266 : vector<1xf32> to vector<1x1x1xf32>
    %reduce_sum3A_268 = vector.extract %reduce_sum3A_267[0, 0, 0] : f32 from vector<1x1x1xf32>
    %get3A_269 = arith.constant 0 : index
    %get3A_270 = arith.constant 0 : index
    %get3A_271 = arith.constant 0 : index
    %get3A_272 = vector.load %arg1[%get3A_269, %get3A_270, %get3A_271] : memref<4x64x1024xf32, #tpu.memory_space<vmem>>, vector<1x64x1024xf32>
    %get3A_273 = vector.shape_cast %get3A_272 : vector<1x64x1024xf32> to vector<64x1024xf32>
    %reduce_sum3A_274 = vector.shape_cast %get3A_273 : vector<64x1024xf32> to vector<1x64x1024xf32>
    %reduce_sum3A_275 = arith.constant dense<0.000000e+00> : vector<1xf32>
    %reduce_sum3A_276 = vector.multi_reduction <add>, %reduce_sum3A_274, %reduce_sum3A_275 [1, 2] : vector<1x64x1024xf32> to vector<1xf32>
    %reduce_sum3A_277 = vector.shape_cast %reduce_sum3A_276 : vector<1xf32> to vector<1x1x1xf32>
    %reduce_sum3A_278 = vector.extract %reduce_sum3A_277[0, 0, 0] : f32 from vector<1x1x1xf32>
    %get3A_279 = arith.constant 1 : index
    %get3A_280 = arith.constant 0 : index
    %get3A_281 = arith.constant 0 : index
    %get3A_282 = vector.load %arg1[%get3A_279, %get3A_280, %get3A_281] : memref<4x64x1024xf32, #tpu.memory_space<vmem>>, vector<1x64x1024xf32>
    %get3A_283 = vector.shape_cast %get3A_282 : vector<1x64x1024xf32> to vector<64x1024xf32>
    %reduce_sum3A_284 = vector.shape_cast %get3A_283 : vector<64x1024xf32> to vector<1x64x1024xf32>
    %reduce_sum3A_285 = arith.constant dense<0.000000e+00> : vector<1xf32>
    %reduce_sum3A_286 = vector.multi_reduction <add>, %reduce_sum3A_284, %reduce_sum3A_285 [1, 2] : vector<1x64x1024xf32> to vector<1xf32>
    %reduce_sum3A_287 = vector.shape_cast %reduce_sum3A_286 : vector<1xf32> to vector<1x1x1xf32>
    %reduce_sum3A_288 = vector.extract %reduce_sum3A_287[0, 0, 0] : f32 from vector<1x1x1xf32>
    %get3A_289 = arith.constant 2 : index
    %get3A_290 = arith.constant 0 : index
    %get3A_291 = arith.constant 0 : index
    %get3A_292 = vector.load %arg1[%get3A_289, %get3A_290, %get3A_291] : memref<4x64x1024xf32, #tpu.memory_space<vmem>>, vector<1x64x1024xf32>
    %get3A_293 = vector.shape_cast %get3A_292 : vector<1x64x1024xf32> to vector<64x1024xf32>
    %reduce_sum3A_294 = vector.shape_cast %get3A_293 : vector<64x1024xf32> to vector<1x64x1024xf32>
    %reduce_sum3A_295 = arith.constant dense<0.000000e+00> : vector<1xf32>
    %reduce_sum3A_296 = vector.multi_reduction <add>, %reduce_sum3A_294, %reduce_sum3A_295 [1, 2] : vector<1x64x1024xf32> to vector<1xf32>
    %reduce_sum3A_297 = vector.shape_cast %reduce_sum3A_296 : vector<1xf32> to vector<1x1x1xf32>
    %reduce_sum3A_298 = vector.extract %reduce_sum3A_297[0, 0, 0] : f32 from vector<1x1x1xf32>
    %get3A_299 = arith.constant 3 : index
    %get3A_300 = arith.constant 0 : index
    %get3A_301 = arith.constant 0 : index
    %get3A_302 = vector.load %arg1[%get3A_299, %get3A_300, %get3A_301] : memref<4x64x1024xf32, #tpu.memory_space<vmem>>, vector<1x64x1024xf32>
    %get3A_303 = vector.shape_cast %get3A_302 : vector<1x64x1024xf32> to vector<64x1024xf32>
    %reduce_sum3A_304 = vector.shape_cast %get3A_303 : vector<64x1024xf32> to vector<1x64x1024xf32>
    %reduce_sum3A_305 = arith.constant dense<0.000000e+00> : vector<1xf32>
    %reduce_sum3A_306 = vector.multi_reduction <add>, %reduce_sum3A_304, %reduce_sum3A_305 [1, 2] : vector<1x64x1024xf32> to vector<1xf32>
    %reduce_sum3A_307 = vector.shape_cast %reduce_sum3A_306 : vector<1xf32> to vector<1x1x1xf32>
    %reduce_sum3A_308 = vector.extract %reduce_sum3A_307[0, 0, 0] : f32 from vector<1x1x1xf32>
    %iota3A = tpu.iota {dimensions = array<i32: 0>} : vector<8x128xi32>
    %iota3A_309 = tpu.iota {dimensions = array<i32: 1>} : vector<8x128xi32>
    %broadcast_in_dim3A_310 = arith.constant 0.000000e+00 : f32
    %broadcast_in_dim3A_311 = vector.broadcast %broadcast_in_dim3A_310 : f32 to vector<8x128xf32>
    %eq3A_312 = arith.constant 0 : i32
    %eq3A_313 = vector.broadcast %eq3A_312 : i32 to vector<8x128xi32>
    %eq3A_314 = arith.cmpi eq, %iota3A, %eq3A_313 : vector<8x128xi32>
    %eq3A_315 = arith.constant 0 : i32
    %eq3A_316 = vector.broadcast %eq3A_315 : i32 to vector<8x128xi32>
    %eq3A_317 = arith.cmpi eq, %iota3A_309, %eq3A_316 : vector<8x128xi32>
    %and3A = arith.andi %eq3A_314, %eq3A_317 : vector<8x128xi1>
    %broadcast_in_dim3A_318 = vector.broadcast %reduce_sum3A_9 : f32 to vector<8x128xf32>
    %select_n3A_319 = arith.select %and3A, %broadcast_in_dim3A_318, %broadcast_in_dim3A_311 : vector<8x128xi1>, vector<8x128xf32>
    %eq3A_320 = arith.constant 0 : i32
    %eq3A_321 = vector.broadcast %eq3A_320 : i32 to vector<8x128xi32>
    %eq3A_322 = arith.cmpi eq, %iota3A, %eq3A_321 : vector<8x128xi32>
    %eq3A_323 = arith.constant 1 : i32
    %eq3A_324 = vector.broadcast %eq3A_323 : i32 to vector<8x128xi32>
    %eq3A_325 = arith.cmpi eq, %iota3A_309, %eq3A_324 : vector<8x128xi32>
    %and3A_326 = arith.andi %eq3A_322, %eq3A_325 : vector<8x128xi1>
    %broadcast_in_dim3A_327 = vector.broadcast %reduce_sum3A_22 : f32 to vector<8x128xf32>
    %select_n3A_328 = arith.select %and3A_326, %broadcast_in_dim3A_327, %select_n3A_319 : vector<8x128xi1>, vector<8x128xf32>
    %eq3A_329 = arith.constant 0 : i32
    %eq3A_330 = vector.broadcast %eq3A_329 : i32 to vector<8x128xi32>
    %eq3A_331 = arith.cmpi eq, %iota3A, %eq3A_330 : vector<8x128xi32>
    %eq3A_332 = arith.constant 2 : i32
    %eq3A_333 = vector.broadcast %eq3A_332 : i32 to vector<8x128xi32>
    %eq3A_334 = arith.cmpi eq, %iota3A_309, %eq3A_333 : vector<8x128xi32>
    %and3A_335 = arith.andi %eq3A_331, %eq3A_334 : vector<8x128xi1>
    %broadcast_in_dim3A_336 = vector.broadcast %reduce_sum3A_35 : f32 to vector<8x128xf32>
    %select_n3A_337 = arith.select %and3A_335, %broadcast_in_dim3A_336, %select_n3A_328 : vector<8x128xi1>, vector<8x128xf32>
    %eq3A_338 = arith.constant 0 : i32
    %eq3A_339 = vector.broadcast %eq3A_338 : i32 to vector<8x128xi32>
    %eq3A_340 = arith.cmpi eq, %iota3A, %eq3A_339 : vector<8x128xi32>
    %eq3A_341 = arith.constant 3 : i32
    %eq3A_342 = vector.broadcast %eq3A_341 : i32 to vector<8x128xi32>
    %eq3A_343 = arith.cmpi eq, %iota3A_309, %eq3A_342 : vector<8x128xi32>
    %and3A_344 = arith.andi %eq3A_340, %eq3A_343 : vector<8x128xi1>
    %broadcast_in_dim3A_345 = vector.broadcast %reduce_sum3A_48 : f32 to vector<8x128xf32>
    %select_n3A_346 = arith.select %and3A_344, %broadcast_in_dim3A_345, %select_n3A_337 : vector<8x128xi1>, vector<8x128xf32>
    %eq3A_347 = arith.constant 0 : i32
    %eq3A_348 = vector.broadcast %eq3A_347 : i32 to vector<8x128xi32>
    %eq3A_349 = arith.cmpi eq, %iota3A, %eq3A_348 : vector<8x128xi32>
    %eq3A_350 = arith.constant 4 : i32
    %eq3A_351 = vector.broadcast %eq3A_350 : i32 to vector<8x128xi32>
    %eq3A_352 = arith.cmpi eq, %iota3A_309, %eq3A_351 : vector<8x128xi32>
    %and3A_353 = arith.andi %eq3A_349, %eq3A_352 : vector<8x128xi1>
    %broadcast_in_dim3A_354 = vector.broadcast %reduce_sum3A_64 : f32 to vector<8x128xf32>
    %select_n3A_355 = arith.select %and3A_353, %broadcast_in_dim3A_354, %select_n3A_346 : vector<8x128xi1>, vector<8x128xf32>
    %eq3A_356 = arith.constant 0 : i32
    %eq3A_357 = vector.broadcast %eq3A_356 : i32 to vector<8x128xi32>
    %eq3A_358 = arith.cmpi eq, %iota3A, %eq3A_357 : vector<8x128xi32>
    %eq3A_359 = arith.constant 5 : i32
    %eq3A_360 = vector.broadcast %eq3A_359 : i32 to vector<8x128xi32>
    %eq3A_361 = arith.cmpi eq, %iota3A_309, %eq3A_360 : vector<8x128xi32>
    %and3A_362 = arith.andi %eq3A_358, %eq3A_361 : vector<8x128xi1>
    %broadcast_in_dim3A_363 = vector.broadcast %reduce_sum3A_77 : f32 to vector<8x128xf32>
    %select_n3A_364 = arith.select %and3A_362, %broadcast_in_dim3A_363, %select_n3A_355 : vector<8x128xi1>, vector<8x128xf32>
    %eq3A_365 = arith.constant 0 : i32
    %eq3A_366 = vector.broadcast %eq3A_365 : i32 to vector<8x128xi32>
    %eq3A_367 = arith.cmpi eq, %iota3A, %eq3A_366 : vector<8x128xi32>
    %eq3A_368 = arith.constant 6 : i32
    %eq3A_369 = vector.broadcast %eq3A_368 : i32 to vector<8x128xi32>
    %eq3A_370 = arith.cmpi eq, %iota3A_309, %eq3A_369 : vector<8x128xi32>
    %and3A_371 = arith.andi %eq3A_367, %eq3A_370 : vector<8x128xi1>
    %broadcast_in_dim3A_372 = vector.broadcast %reduce_sum3A_90 : f32 to vector<8x128xf32>
    %select_n3A_373 = arith.select %and3A_371, %broadcast_in_dim3A_372, %select_n3A_364 : vector<8x128xi1>, vector<8x128xf32>
    %eq3A_374 = arith.constant 0 : i32
    %eq3A_375 = vector.broadcast %eq3A_374 : i32 to vector<8x128xi32>
    %eq3A_376 = arith.cmpi eq, %iota3A, %eq3A_375 : vector<8x128xi32>
    %eq3A_377 = arith.constant 7 : i32
    %eq3A_378 = vector.broadcast %eq3A_377 : i32 to vector<8x128xi32>
    %eq3A_379 = arith.cmpi eq, %iota3A_309, %eq3A_378 : vector<8x128xi32>
    %and3A_380 = arith.andi %eq3A_376, %eq3A_379 : vector<8x128xi1>
    %broadcast_in_dim3A_381 = vector.broadcast %reduce_sum3A_103 : f32 to vector<8x128xf32>
    %select_n3A_382 = arith.select %and3A_380, %broadcast_in_dim3A_381, %select_n3A_373 : vector<8x128xi1>, vector<8x128xf32>
    %eq3A_383 = arith.constant 0 : i32
    %eq3A_384 = vector.broadcast %eq3A_383 : i32 to vector<8x128xi32>
    %eq3A_385 = arith.cmpi eq, %iota3A, %eq3A_384 : vector<8x128xi32>
    %eq3A_386 = arith.constant 8 : i32
    %eq3A_387 = vector.broadcast %eq3A_386 : i32 to vector<8x128xi32>
    %eq3A_388 = arith.cmpi eq, %iota3A_309, %eq3A_387 : vector<8x128xi32>
    %and3A_389 = arith.andi %eq3A_385, %eq3A_388 : vector<8x128xi1>
    %broadcast_in_dim3A_390 = vector.broadcast %reduce_sum3A_119 : f32 to vector<8x128xf32>
    %select_n3A_391 = arith.select %and3A_389, %broadcast_in_dim3A_390, %select_n3A_382 : vector<8x128xi1>, vector<8x128xf32>
    %eq3A_392 = arith.constant 0 : i32
    %eq3A_393 = vector.broadcast %eq3A_392 : i32 to vector<8x128xi32>
    %eq3A_394 = arith.cmpi eq, %iota3A, %eq3A_393 : vector<8x128xi32>
    %eq3A_395 = arith.constant 9 : i32
    %eq3A_396 = vector.broadcast %eq3A_395 : i32 to vector<8x128xi32>
    %eq3A_397 = arith.cmpi eq, %iota3A_309, %eq3A_396 : vector<8x128xi32>
    %and3A_398 = arith.andi %eq3A_394, %eq3A_397 : vector<8x128xi1>
    %broadcast_in_dim3A_399 = vector.broadcast %reduce_sum3A_132 : f32 to vector<8x128xf32>
    %select_n3A_400 = arith.select %and3A_398, %broadcast_in_dim3A_399, %select_n3A_391 : vector<8x128xi1>, vector<8x128xf32>
    %eq3A_401 = arith.constant 0 : i32
    %eq3A_402 = vector.broadcast %eq3A_401 : i32 to vector<8x128xi32>
    %eq3A_403 = arith.cmpi eq, %iota3A, %eq3A_402 : vector<8x128xi32>
    %eq3A_404 = arith.constant 10 : i32
    %eq3A_405 = vector.broadcast %eq3A_404 : i32 to vector<8x128xi32>
    %eq3A_406 = arith.cmpi eq, %iota3A_309, %eq3A_405 : vector<8x128xi32>
    %and3A_407 = arith.andi %eq3A_403, %eq3A_406 : vector<8x128xi1>
    %broadcast_in_dim3A_408 = vector.broadcast %reduce_sum3A_145 : f32 to vector<8x128xf32>
    %select_n3A_409 = arith.select %and3A_407, %broadcast_in_dim3A_408, %select_n3A_400 : vector<8x128xi1>, vector<8x128xf32>
    %eq3A_410 = arith.constant 0 : i32
    %eq3A_411 = vector.broadcast %eq3A_410 : i32 to vector<8x128xi32>
    %eq3A_412 = arith.cmpi eq, %iota3A, %eq3A_411 : vector<8x128xi32>
    %eq3A_413 = arith.constant 11 : i32
    %eq3A_414 = vector.broadcast %eq3A_413 : i32 to vector<8x128xi32>
    %eq3A_415 = arith.cmpi eq, %iota3A_309, %eq3A_414 : vector<8x128xi32>
    %and3A_416 = arith.andi %eq3A_412, %eq3A_415 : vector<8x128xi1>
    %broadcast_in_dim3A_417 = vector.broadcast %reduce_sum3A_158 : f32 to vector<8x128xf32>
    %select_n3A_418 = arith.select %and3A_416, %broadcast_in_dim3A_417, %select_n3A_409 : vector<8x128xi1>, vector<8x128xf32>
    %eq3A_419 = arith.constant 0 : i32
    %eq3A_420 = vector.broadcast %eq3A_419 : i32 to vector<8x128xi32>
    %eq3A_421 = arith.cmpi eq, %iota3A, %eq3A_420 : vector<8x128xi32>
    %eq3A_422 = arith.constant 12 : i32
    %eq3A_423 = vector.broadcast %eq3A_422 : i32 to vector<8x128xi32>
    %eq3A_424 = arith.cmpi eq, %iota3A_309, %eq3A_423 : vector<8x128xi32>
    %and3A_425 = arith.andi %eq3A_421, %eq3A_424 : vector<8x128xi1>
    %broadcast_in_dim3A_426 = vector.broadcast %reduce_sum3A_174 : f32 to vector<8x128xf32>
    %select_n3A_427 = arith.select %and3A_425, %broadcast_in_dim3A_426, %select_n3A_418 : vector<8x128xi1>, vector<8x128xf32>
    %eq3A_428 = arith.constant 0 : i32
    %eq3A_429 = vector.broadcast %eq3A_428 : i32 to vector<8x128xi32>
    %eq3A_430 = arith.cmpi eq, %iota3A, %eq3A_429 : vector<8x128xi32>
    %eq3A_431 = arith.constant 13 : i32
    %eq3A_432 = vector.broadcast %eq3A_431 : i32 to vector<8x128xi32>
    %eq3A_433 = arith.cmpi eq, %iota3A_309, %eq3A_432 : vector<8x128xi32>
    %and3A_434 = arith.andi %eq3A_430, %eq3A_433 : vector<8x128xi1>
    %broadcast_in_dim3A_435 = vector.broadcast %reduce_sum3A_187 : f32 to vector<8x128xf32>
    %select_n3A_436 = arith.select %and3A_434, %broadcast_in_dim3A_435, %select_n3A_427 : vector<8x128xi1>, vector<8x128xf32>
    %eq3A_437 = arith.constant 0 : i32
    %eq3A_438 = vector.broadcast %eq3A_437 : i32 to vector<8x128xi32>
    %eq3A_439 = arith.cmpi eq, %iota3A, %eq3A_438 : vector<8x128xi32>
    %eq3A_440 = arith.constant 14 : i32
    %eq3A_441 = vector.broadcast %eq3A_440 : i32 to vector<8x128xi32>
    %eq3A_442 = arith.cmpi eq, %iota3A_309, %eq3A_441 : vector<8x128xi32>
    %and3A_443 = arith.andi %eq3A_439, %eq3A_442 : vector<8x128xi1>
    %broadcast_in_dim3A_444 = vector.broadcast %reduce_sum3A_200 : f32 to vector<8x128xf32>
    %select_n3A_445 = arith.select %and3A_443, %broadcast_in_dim3A_444, %select_n3A_436 : vector<8x128xi1>, vector<8x128xf32>
    %eq3A_446 = arith.constant 0 : i32
    %eq3A_447 = vector.broadcast %eq3A_446 : i32 to vector<8x128xi32>
    %eq3A_448 = arith.cmpi eq, %iota3A, %eq3A_447 : vector<8x128xi32>
    %eq3A_449 = arith.constant 15 : i32
    %eq3A_450 = vector.broadcast %eq3A_449 : i32 to vector<8x128xi32>
    %eq3A_451 = arith.cmpi eq, %iota3A_309, %eq3A_450 : vector<8x128xi32>
    %and3A_452 = arith.andi %eq3A_448, %eq3A_451 : vector<8x128xi1>
    %broadcast_in_dim3A_453 = vector.broadcast %reduce_sum3A_213 : f32 to vector<8x128xf32>
    %select_n3A_454 = arith.select %and3A_452, %broadcast_in_dim3A_453, %select_n3A_445 : vector<8x128xi1>, vector<8x128xf32>
    %eq3A_455 = arith.constant 0 : i32
    %eq3A_456 = vector.broadcast %eq3A_455 : i32 to vector<8x128xi32>
    %eq3A_457 = arith.cmpi eq, %iota3A, %eq3A_456 : vector<8x128xi32>
    %eq3A_458 = arith.constant 16 : i32
    %eq3A_459 = vector.broadcast %eq3A_458 : i32 to vector<8x128xi32>
    %eq3A_460 = arith.cmpi eq, %iota3A_309, %eq3A_459 : vector<8x128xi32>
    %and3A_461 = arith.andi %eq3A_457, %eq3A_460 : vector<8x128xi1>
    %broadcast_in_dim3A_462 = vector.broadcast %reduce_sum3A_229 : f32 to vector<8x128xf32>
    %select_n3A_463 = arith.select %and3A_461, %broadcast_in_dim3A_462, %select_n3A_454 : vector<8x128xi1>, vector<8x128xf32>
    %eq3A_464 = arith.constant 0 : i32
    %eq3A_465 = vector.broadcast %eq3A_464 : i32 to vector<8x128xi32>
    %eq3A_466 = arith.cmpi eq, %iota3A, %eq3A_465 : vector<8x128xi32>
    %eq3A_467 = arith.constant 17 : i32
    %eq3A_468 = vector.broadcast %eq3A_467 : i32 to vector<8x128xi32>
    %eq3A_469 = arith.cmpi eq, %iota3A_309, %eq3A_468 : vector<8x128xi32>
    %and3A_470 = arith.andi %eq3A_466, %eq3A_469 : vector<8x128xi1>
    %broadcast_in_dim3A_471 = vector.broadcast %reduce_sum3A_242 : f32 to vector<8x128xf32>
    %select_n3A_472 = arith.select %and3A_470, %broadcast_in_dim3A_471, %select_n3A_463 : vector<8x128xi1>, vector<8x128xf32>
    %eq3A_473 = arith.constant 0 : i32
    %eq3A_474 = vector.broadcast %eq3A_473 : i32 to vector<8x128xi32>
    %eq3A_475 = arith.cmpi eq, %iota3A, %eq3A_474 : vector<8x128xi32>
    %eq3A_476 = arith.constant 18 : i32
    %eq3A_477 = vector.broadcast %eq3A_476 : i32 to vector<8x128xi32>
    %eq3A_478 = arith.cmpi eq, %iota3A_309, %eq3A_477 : vector<8x128xi32>
    %and3A_479 = arith.andi %eq3A_475, %eq3A_478 : vector<8x128xi1>
    %broadcast_in_dim3A_480 = vector.broadcast %reduce_sum3A_255 : f32 to vector<8x128xf32>
    %select_n3A_481 = arith.select %and3A_479, %broadcast_in_dim3A_480, %select_n3A_472 : vector<8x128xi1>, vector<8x128xf32>
    %eq3A_482 = arith.constant 0 : i32
    %eq3A_483 = vector.broadcast %eq3A_482 : i32 to vector<8x128xi32>
    %eq3A_484 = arith.cmpi eq, %iota3A, %eq3A_483 : vector<8x128xi32>
    %eq3A_485 = arith.constant 19 : i32
    %eq3A_486 = vector.broadcast %eq3A_485 : i32 to vector<8x128xi32>
    %eq3A_487 = arith.cmpi eq, %iota3A_309, %eq3A_486 : vector<8x128xi32>
    %and3A_488 = arith.andi %eq3A_484, %eq3A_487 : vector<8x128xi1>
    %broadcast_in_dim3A_489 = vector.broadcast %reduce_sum3A_268 : f32 to vector<8x128xf32>
    %select_n3A_490 = arith.select %and3A_488, %broadcast_in_dim3A_489, %select_n3A_481 : vector<8x128xi1>, vector<8x128xf32>
    %eq3A_491 = arith.constant 0 : i32
    %eq3A_492 = vector.broadcast %eq3A_491 : i32 to vector<8x128xi32>
    %eq3A_493 = arith.cmpi eq, %iota3A, %eq3A_492 : vector<8x128xi32>
    %eq3A_494 = arith.constant 20 : i32
    %eq3A_495 = vector.broadcast %eq3A_494 : i32 to vector<8x128xi32>
    %eq3A_496 = arith.cmpi eq, %iota3A_309, %eq3A_495 : vector<8x128xi32>
    %and3A_497 = arith.andi %eq3A_493, %eq3A_496 : vector<8x128xi1>
    %broadcast_in_dim3A_498 = vector.broadcast %reduce_sum3A_278 : f32 to vector<8x128xf32>
    %select_n3A_499 = arith.select %and3A_497, %broadcast_in_dim3A_498, %select_n3A_490 : vector<8x128xi1>, vector<8x128xf32>
    %eq3A_500 = arith.constant 0 : i32
    %eq3A_501 = vector.broadcast %eq3A_500 : i32 to vector<8x128xi32>
    %eq3A_502 = arith.cmpi eq, %iota3A, %eq3A_501 : vector<8x128xi32>
    %eq3A_503 = arith.constant 21 : i32
    %eq3A_504 = vector.broadcast %eq3A_503 : i32 to vector<8x128xi32>
    %eq3A_505 = arith.cmpi eq, %iota3A_309, %eq3A_504 : vector<8x128xi32>
    %and3A_506 = arith.andi %eq3A_502, %eq3A_505 : vector<8x128xi1>
    %broadcast_in_dim3A_507 = vector.broadcast %reduce_sum3A_288 : f32 to vector<8x128xf32>
    %select_n3A_508 = arith.select %and3A_506, %broadcast_in_dim3A_507, %select_n3A_499 : vector<8x128xi1>, vector<8x128xf32>
    %eq3A_509 = arith.constant 0 : i32
    %eq3A_510 = vector.broadcast %eq3A_509 : i32 to vector<8x128xi32>
    %eq3A_511 = arith.cmpi eq, %iota3A, %eq3A_510 : vector<8x128xi32>
    %eq3A_512 = arith.constant 22 : i32
    %eq3A_513 = vector.broadcast %eq3A_512 : i32 to vector<8x128xi32>
    %eq3A_514 = arith.cmpi eq, %iota3A_309, %eq3A_513 : vector<8x128xi32>
    %and3A_515 = arith.andi %eq3A_511, %eq3A_514 : vector<8x128xi1>
    %broadcast_in_dim3A_516 = vector.broadcast %reduce_sum3A_298 : f32 to vector<8x128xf32>
    %select_n3A_517 = arith.select %and3A_515, %broadcast_in_dim3A_516, %select_n3A_508 : vector<8x128xi1>, vector<8x128xf32>
    %eq3A_518 = arith.constant 0 : i32
    %eq3A_519 = vector.broadcast %eq3A_518 : i32 to vector<8x128xi32>
    %eq3A_520 = arith.cmpi eq, %iota3A, %eq3A_519 : vector<8x128xi32>
    %eq3A_521 = arith.constant 23 : i32
    %eq3A_522 = vector.broadcast %eq3A_521 : i32 to vector<8x128xi32>
    %eq3A_523 = arith.cmpi eq, %iota3A_309, %eq3A_522 : vector<8x128xi32>
    %and3A_524 = arith.andi %eq3A_520, %eq3A_523 : vector<8x128xi1>
    %broadcast_in_dim3A_525 = vector.broadcast %reduce_sum3A_308 : f32 to vector<8x128xf32>
    %select_n3A_526 = arith.select %and3A_524, %broadcast_in_dim3A_525, %select_n3A_517 : vector<8x128xi1>, vector<8x128xf32>
    %eq3A_527 = arith.constant 0 : i32
    %eq3A_528 = arith.cmpi eq, %arg0, %eq3A_527 : i32
    %convert_element_type3A = arith.extui %eq3A_528 : i1 to i32
    %cond3A = arith.constant 0 : i32
    %cond3A_529 = arith.cmpi ne, %convert_element_type3A, %cond3A : i32
    scf.if %cond3A_529 {
      %swap3A = arith.constant 0 : index
      %swap3A_534 = arith.constant 0 : index
      %swap3A_535 = vector.load %arg3[%swap3A, %swap3A_534] : memref<8x128xf32, #tpu.memory_space<vmem>>, vector<8x128xf32>
      tpu.vector_store %arg3[%swap3A, %swap3A_534], %select_n3A_526 {strides = array<i32>} : memref<8x128xf32, #tpu.memory_space<vmem>>, vector<8x128xf32>,
    } else {
    }
    %gt3A = arith.constant 0 : i32
    %gt3A_530 = arith.cmpi sgt, %arg0, %gt3A : i32
    %convert_element_type3A_531 = arith.extui %gt3A_530 : i1 to i32
    %cond3A_532 = arith.constant 0 : i32
    %cond3A_533 = arith.cmpi ne, %convert_element_type3A_531, %cond3A_532 : i32
    scf.if %cond3A_533 {
      %get3A_534 = arith.constant 0 : index
      %get3A_535 = arith.constant 0 : index
      %get3A_536 = vector.load %arg3[%get3A_534, %get3A_535] : memref<8x128xf32, #tpu.memory_space<vmem>>, vector<8x128xf32>
      %add3A = arith.addf %get3A_536, %select_n3A_526 : vector<8x128xf32>
      %swap3A = arith.constant 0 : index
      %swap3A_537 = arith.constant 0 : index
      %swap3A_538 = vector.load %arg3[%swap3A, %swap3A_537] : memref<8x128xf32, #tpu.memory_space<vmem>>, vector<8x128xf32>
      tpu.vector_store %arg3[%swap3A, %swap3A_537], %add3A {strides = array<i32>} : memref<8x128xf32, #tpu.memory_space<vmem>>, vector<8x128xf32>,
    } else {
    }
    return
  }
  func.func @transform_0(%arg0: i32) -> (i32, i32, i32) {
    %add3A = arith.constant 4 : i32
    %add3A_0 = arith.addi %add3A, %arg0 : i32
    %c0_i32 = arith.constant 0 : i32
    %c0_i32_1 = arith.constant 0 : i32
    %c0_i32_2 = arith.constant 0 : i32
    return %c0_i32, %add3A_0, %c0_i32_1 : i32, i32, i32
  }
  func.func @transform_1(%arg0: i32) -> (i32, i32) {
    %add3A = arith.constant 4 : i32
    %add3A_0 = arith.addi %add3A, %arg0 : i32
    %c0_i32 = arith.constant 0 : i32
    %c0_i32_1 = arith.constant 0 : i32
    return %add3A_0, %c0_i32 : i32, i32
  }
  func.func @transform_2(%arg0: i32) -> (i32, i32) {
    %c0_i32 = arith.constant 0 : i32
    %c0_i32_0 = arith.constant 0 : i32
    %c0_i32_1 = arith.constant 0 : i32
    return %c0_i32, %c0_i32_0 : i32, i32
  }
}

module attributes {stable_mosaic.version = 14 : i64} {
  func.func @_tc_body(%arg0: i32, %arg1: memref<1x128xf32, #tpu.memory_space<vmem>>, %arg2: memref<1x128xf32, #tpu.memory_space<vmem>>, %arg3: memref<4x64x1024xf32, #tpu.memory_space<vmem>>, %arg4: memref<64x1024xi32, #tpu.memory_space<vmem>>, %arg5: memref<8x128xf32, #tpu.memory_space<vmem>>) attributes {dimension_semantics = [#tpu.dimension_semantics<arbitrary>], iteration_bounds = array<i64: 4>, scalar_prefetch = 0 : i64, scratch_operands = 0 : i64, tpu.core_type = #tpu.core_type<tc>, window_params = [{pipeline_mode = #tpu.pipeline_mode<synchronous>, transform_indices = @transform_0, window_bounds = array<i64: 1, 128>}, {pipeline_mode = #tpu.pipeline_mode<synchronous>, transform_indices = @transform_1, window_bounds = array<i64: 1, 128>}, {transform_indices = @transform_2, window_bounds = array<i64: 4, 64, 1024>}, {transform_indices = @transform_3, window_bounds = array<i64: 64, 1024>}, {pipeline_mode = #tpu.pipeline_mode<synchronous>, transform_indices = @transform_4, window_bounds = array<i64: 8, 128>}]} {
    %get3A = arith.constant 0 : index
    %get3A_0 = arith.constant 0 : index
    %get3A_1 = vector.load %arg1[%get3A, %get3A_0] : memref<1x128xf32, #tpu.memory_space<vmem>>, vector<1x1xf32>
    %get3A_2 = vector.extract %get3A_1[0, 0] : f32 from vector<1x1xf32>
    %get3A_3 = arith.constant 0 : index
    %get3A_4 = arith.constant 1 : index
    %get3A_5 = vector.load %arg1[%get3A_3, %get3A_4] : memref<1x128xf32, #tpu.memory_space<vmem>>, vector<1x1xf32>
    %get3A_6 = vector.extract %get3A_5[0, 0] : f32 from vector<1x1xf32>
    %get3A_7 = arith.constant 0 : index
    %get3A_8 = arith.constant 2 : index
    %get3A_9 = vector.load %arg1[%get3A_7, %get3A_8] : memref<1x128xf32, #tpu.memory_space<vmem>>, vector<1x1xf32>
    %get3A_10 = vector.extract %get3A_9[0, 0] : f32 from vector<1x1xf32>
    %get3A_11 = arith.constant 0 : index
    %get3A_12 = arith.constant 3 : index
    %get3A_13 = vector.load %arg1[%get3A_11, %get3A_12] : memref<1x128xf32, #tpu.memory_space<vmem>>, vector<1x1xf32>
    %get3A_14 = vector.extract %get3A_13[0, 0] : f32 from vector<1x1xf32>
    %get3A_15 = arith.constant 0 : index
    %get3A_16 = arith.constant 4 : index
    %get3A_17 = vector.load %arg1[%get3A_15, %get3A_16] : memref<1x128xf32, #tpu.memory_space<vmem>>, vector<1x1xf32>
    %get3A_18 = vector.extract %get3A_17[0, 0] : f32 from vector<1x1xf32>
    %get3A_19 = arith.constant 0 : index
    %get3A_20 = arith.constant 5 : index
    %get3A_21 = vector.load %arg1[%get3A_19, %get3A_20] : memref<1x128xf32, #tpu.memory_space<vmem>>, vector<1x1xf32>
    %get3A_22 = vector.extract %get3A_21[0, 0] : f32 from vector<1x1xf32>
    %get3A_23 = arith.constant 0 : index
    %get3A_24 = arith.constant 6 : index
    %get3A_25 = vector.load %arg1[%get3A_23, %get3A_24] : memref<1x128xf32, #tpu.memory_space<vmem>>, vector<1x1xf32>
    %get3A_26 = vector.extract %get3A_25[0, 0] : f32 from vector<1x1xf32>
    %get3A_27 = arith.constant 0 : index
    %get3A_28 = arith.constant 7 : index
    %get3A_29 = vector.load %arg1[%get3A_27, %get3A_28] : memref<1x128xf32, #tpu.memory_space<vmem>>, vector<1x1xf32>
    %get3A_30 = vector.extract %get3A_29[0, 0] : f32 from vector<1x1xf32>
    %get3A_31 = arith.constant 0 : index
    %get3A_32 = arith.constant 8 : index
    %get3A_33 = vector.load %arg1[%get3A_31, %get3A_32] : memref<1x128xf32, #tpu.memory_space<vmem>>, vector<1x1xf32>
    %get3A_34 = vector.extract %get3A_33[0, 0] : f32 from vector<1x1xf32>
    %get3A_35 = arith.constant 0 : index
    %get3A_36 = arith.constant 9 : index
    %get3A_37 = vector.load %arg1[%get3A_35, %get3A_36] : memref<1x128xf32, #tpu.memory_space<vmem>>, vector<1x1xf32>
    %get3A_38 = vector.extract %get3A_37[0, 0] : f32 from vector<1x1xf32>
    %get3A_39 = arith.constant 0 : index
    %get3A_40 = arith.constant 10 : index
    %get3A_41 = vector.load %arg1[%get3A_39, %get3A_40] : memref<1x128xf32, #tpu.memory_space<vmem>>, vector<1x1xf32>
    %get3A_42 = vector.extract %get3A_41[0, 0] : f32 from vector<1x1xf32>
    %get3A_43 = arith.constant 0 : index
    %get3A_44 = arith.constant 11 : index
    %get3A_45 = vector.load %arg1[%get3A_43, %get3A_44] : memref<1x128xf32, #tpu.memory_space<vmem>>, vector<1x1xf32>
    %get3A_46 = vector.extract %get3A_45[0, 0] : f32 from vector<1x1xf32>
    %get3A_47 = arith.constant 0 : index
    %get3A_48 = arith.constant 12 : index
    %get3A_49 = vector.load %arg1[%get3A_47, %get3A_48] : memref<1x128xf32, #tpu.memory_space<vmem>>, vector<1x1xf32>
    %get3A_50 = vector.extract %get3A_49[0, 0] : f32 from vector<1x1xf32>
    %get3A_51 = arith.constant 0 : index
    %get3A_52 = arith.constant 13 : index
    %get3A_53 = vector.load %arg1[%get3A_51, %get3A_52] : memref<1x128xf32, #tpu.memory_space<vmem>>, vector<1x1xf32>
    %get3A_54 = vector.extract %get3A_53[0, 0] : f32 from vector<1x1xf32>
    %get3A_55 = arith.constant 0 : index
    %get3A_56 = arith.constant 14 : index
    %get3A_57 = vector.load %arg1[%get3A_55, %get3A_56] : memref<1x128xf32, #tpu.memory_space<vmem>>, vector<1x1xf32>
    %get3A_58 = vector.extract %get3A_57[0, 0] : f32 from vector<1x1xf32>
    %get3A_59 = arith.constant 0 : index
    %get3A_60 = arith.constant 15 : index
    %get3A_61 = vector.load %arg1[%get3A_59, %get3A_60] : memref<1x128xf32, #tpu.memory_space<vmem>>, vector<1x1xf32>
    %get3A_62 = vector.extract %get3A_61[0, 0] : f32 from vector<1x1xf32>
    %get3A_63 = arith.constant 0 : index
    %get3A_64 = arith.constant 16 : index
    %get3A_65 = vector.load %arg1[%get3A_63, %get3A_64] : memref<1x128xf32, #tpu.memory_space<vmem>>, vector<1x1xf32>
    %get3A_66 = vector.extract %get3A_65[0, 0] : f32 from vector<1x1xf32>
    %get3A_67 = arith.constant 0 : index
    %get3A_68 = arith.constant 17 : index
    %get3A_69 = vector.load %arg1[%get3A_67, %get3A_68] : memref<1x128xf32, #tpu.memory_space<vmem>>, vector<1x1xf32>
    %get3A_70 = vector.extract %get3A_69[0, 0] : f32 from vector<1x1xf32>
    %get3A_71 = arith.constant 0 : index
    %get3A_72 = arith.constant 18 : index
    %get3A_73 = vector.load %arg1[%get3A_71, %get3A_72] : memref<1x128xf32, #tpu.memory_space<vmem>>, vector<1x1xf32>
    %get3A_74 = vector.extract %get3A_73[0, 0] : f32 from vector<1x1xf32>
    %get3A_75 = arith.constant 0 : index
    %get3A_76 = arith.constant 19 : index
    %get3A_77 = vector.load %arg1[%get3A_75, %get3A_76] : memref<1x128xf32, #tpu.memory_space<vmem>>, vector<1x1xf32>
    %get3A_78 = vector.extract %get3A_77[0, 0] : f32 from vector<1x1xf32>
    %get3A_79 = arith.constant 0 : index
    %get3A_80 = arith.constant 20 : index
    %get3A_81 = vector.load %arg1[%get3A_79, %get3A_80] : memref<1x128xf32, #tpu.memory_space<vmem>>, vector<1x1xf32>
    %get3A_82 = vector.extract %get3A_81[0, 0] : f32 from vector<1x1xf32>
    %get3A_83 = arith.constant 0 : index
    %get3A_84 = arith.constant 21 : index
    %get3A_85 = vector.load %arg1[%get3A_83, %get3A_84] : memref<1x128xf32, #tpu.memory_space<vmem>>, vector<1x1xf32>
    %get3A_86 = vector.extract %get3A_85[0, 0] : f32 from vector<1x1xf32>
    %get3A_87 = arith.constant 0 : index
    %get3A_88 = arith.constant 22 : index
    %get3A_89 = vector.load %arg1[%get3A_87, %get3A_88] : memref<1x128xf32, #tpu.memory_space<vmem>>, vector<1x1xf32>
    %get3A_90 = vector.extract %get3A_89[0, 0] : f32 from vector<1x1xf32>
    %get3A_91 = arith.constant 0 : index
    %get3A_92 = arith.constant 23 : index
    %get3A_93 = vector.load %arg1[%get3A_91, %get3A_92] : memref<1x128xf32, #tpu.memory_space<vmem>>, vector<1x1xf32>
    %get3A_94 = vector.extract %get3A_93[0, 0] : f32 from vector<1x1xf32>
    %sub3A = arith.constant 5.242880e+05 : f32
    %sub3A_95 = arith.subf %sub3A, %get3A_2 : f32
    %sub3A_96 = arith.subf %sub3A_95, %get3A_6 : f32
    %sub3A_97 = arith.subf %sub3A_96, %get3A_10 : f32
    %sub3A_98 = arith.subf %sub3A_97, %get3A_14 : f32
    %gt3A = arith.constant 0.000000e+00 : f32
    %gt3A_99 = arith.cmpf ogt, %get3A_2, %gt3A : f32
    %gt3A_100 = arith.constant 0.000000e+00 : f32
    %gt3A_101 = arith.cmpf ogt, %get3A_6, %gt3A_100 : f32
    %gt3A_102 = arith.constant 0.000000e+00 : f32
    %gt3A_103 = arith.cmpf ogt, %get3A_10, %gt3A_102 : f32
    %gt3A_104 = arith.constant 0.000000e+00 : f32
    %gt3A_105 = arith.cmpf ogt, %get3A_14, %gt3A_104 : f32
    %gt3A_106 = arith.constant 0.000000e+00 : f32
    %gt3A_107 = arith.cmpf ogt, %sub3A_98, %gt3A_106 : f32
    %jit3A = arith.constant 1.000000e+00 : f32
    %select_n3A = arith.select %gt3A_99, %get3A_2, %jit3A : f32
    %jit3A_108 = arith.constant 1.000000e+00 : f32
    %select_n3A_109 = arith.select %gt3A_101, %get3A_6, %jit3A_108 : f32
    %jit3A_110 = arith.constant 1.000000e+00 : f32
    %select_n3A_111 = arith.select %gt3A_103, %get3A_10, %jit3A_110 : f32
    %jit3A_112 = arith.constant 1.000000e+00 : f32
    %select_n3A_113 = arith.select %gt3A_105, %get3A_14, %jit3A_112 : f32
    %jit3A_114 = arith.constant 1.000000e+00 : f32
    %select_n3A_115 = arith.select %gt3A_107, %sub3A_98, %jit3A_114 : f32
    %jit3A_116 = arith.constant 1.000000e+00 : f32
    %jit3A_117 = arith.constant 0.000000e+00 : f32
    %select_n3A_118 = arith.select %gt3A_99, %jit3A_116, %jit3A_117 : f32
    %add3A = arith.constant 0.000000e+00 : f32
    %add3A_119 = arith.addf %add3A, %select_n3A_118 : f32
    %jit3A_120 = arith.constant 1.000000e+00 : f32
    %jit3A_121 = arith.constant 0.000000e+00 : f32
    %select_n3A_122 = arith.select %gt3A_101, %jit3A_120, %jit3A_121 : f32
    %add3A_123 = arith.addf %add3A_119, %select_n3A_122 : f32
    %jit3A_124 = arith.constant 1.000000e+00 : f32
    %jit3A_125 = arith.constant 0.000000e+00 : f32
    %select_n3A_126 = arith.select %gt3A_103, %jit3A_124, %jit3A_125 : f32
    %add3A_127 = arith.addf %add3A_123, %select_n3A_126 : f32
    %jit3A_128 = arith.constant 1.000000e+00 : f32
    %jit3A_129 = arith.constant 0.000000e+00 : f32
    %select_n3A_130 = arith.select %gt3A_105, %jit3A_128, %jit3A_129 : f32
    %add3A_131 = arith.addf %add3A_127, %select_n3A_130 : f32
    %jit3A_132 = arith.constant 1.000000e+00 : f32
    %jit3A_133 = arith.constant 0.000000e+00 : f32
    %select_n3A_134 = arith.select %gt3A_107, %jit3A_132, %jit3A_133 : f32
    %add3A_135 = arith.addf %add3A_131, %select_n3A_134 : f32
    %div3A = arith.divf %get3A_18, %select_n3A : f32
    %div3A_136 = arith.divf %get3A_22, %select_n3A : f32
    %div3A_137 = arith.divf %get3A_26, %select_n3A : f32
    %div3A_138 = arith.divf %get3A_30, %select_n3A : f32
    %div3A_139 = arith.divf %get3A_34, %select_n3A_109 : f32
    %div3A_140 = arith.divf %get3A_38, %select_n3A_109 : f32
    %div3A_141 = arith.divf %get3A_42, %select_n3A_109 : f32
    %div3A_142 = arith.divf %get3A_46, %select_n3A_109 : f32
    %div3A_143 = arith.divf %get3A_50, %select_n3A_111 : f32
    %div3A_144 = arith.divf %get3A_54, %select_n3A_111 : f32
    %div3A_145 = arith.divf %get3A_58, %select_n3A_111 : f32
    %div3A_146 = arith.divf %get3A_62, %select_n3A_111 : f32
    %div3A_147 = arith.divf %get3A_66, %select_n3A_113 : f32
    %div3A_148 = arith.divf %get3A_70, %select_n3A_113 : f32
    %div3A_149 = arith.divf %get3A_74, %select_n3A_113 : f32
    %div3A_150 = arith.divf %get3A_78, %select_n3A_113 : f32
    %sub3A_151 = arith.subf %get3A_82, %get3A_18 : f32
    %sub3A_152 = arith.subf %sub3A_151, %get3A_34 : f32
    %sub3A_153 = arith.subf %sub3A_152, %get3A_50 : f32
    %sub3A_154 = arith.subf %sub3A_153, %get3A_66 : f32
    %div3A_155 = arith.divf %sub3A_154, %select_n3A_115 : f32
    %sub3A_156 = arith.subf %get3A_86, %get3A_22 : f32
    %sub3A_157 = arith.subf %sub3A_156, %get3A_38 : f32
    %sub3A_158 = arith.subf %sub3A_157, %get3A_54 : f32
    %sub3A_159 = arith.subf %sub3A_158, %get3A_70 : f32
    %div3A_160 = arith.divf %sub3A_159, %select_n3A_115 : f32
    %sub3A_161 = arith.subf %get3A_90, %get3A_26 : f32
    %sub3A_162 = arith.subf %sub3A_161, %get3A_42 : f32
    %sub3A_163 = arith.subf %sub3A_162, %get3A_58 : f32
    %sub3A_164 = arith.subf %sub3A_163, %get3A_74 : f32
    %div3A_165 = arith.divf %sub3A_164, %select_n3A_115 : f32
    %sub3A_166 = arith.subf %get3A_94, %get3A_30 : f32
    %sub3A_167 = arith.subf %sub3A_166, %get3A_46 : f32
    %sub3A_168 = arith.subf %sub3A_167, %get3A_62 : f32
    %sub3A_169 = arith.subf %sub3A_168, %get3A_78 : f32
    %div3A_170 = arith.divf %sub3A_169, %select_n3A_115 : f32
    %get3A_171 = arith.constant 0 : index
    %get3A_172 = arith.constant 0 : index
    %get3A_173 = vector.load %arg4[%get3A_171, %get3A_172] : memref<64x1024xi32, #tpu.memory_space<vmem>>, vector<64x1024xi32>
    %broadcast_in_dim3A = arith.constant 0.000000e+00 : f32
    %broadcast_in_dim3A_174 = vector.broadcast %broadcast_in_dim3A : f32 to vector<64x1024xf32>
    %broadcast_in_dim3A_175 = vector.broadcast %div3A_155 : f32 to vector<64x1024xf32>
    %eq3A = arith.constant 3 : i32
    %eq3A_176 = vector.broadcast %eq3A : i32 to vector<64x1024xi32>
    %eq3A_177 = arith.cmpi eq, %get3A_173, %eq3A_176 : vector<64x1024xi32>
    %broadcast_in_dim3A_178 = vector.broadcast %div3A_147 : f32 to vector<64x1024xf32>
    %select_n3A_179 = arith.select %eq3A_177, %broadcast_in_dim3A_178, %broadcast_in_dim3A_175 : vector<64x1024xi1>, vector<64x1024xf32>
    %eq3A_180 = arith.constant 2 : i32
    %eq3A_181 = vector.broadcast %eq3A_180 : i32 to vector<64x1024xi32>
    %eq3A_182 = arith.cmpi eq, %get3A_173, %eq3A_181 : vector<64x1024xi32>
    %broadcast_in_dim3A_183 = vector.broadcast %div3A_143 : f32 to vector<64x1024xf32>
    %select_n3A_184 = arith.select %eq3A_182, %broadcast_in_dim3A_183, %select_n3A_179 : vector<64x1024xi1>, vector<64x1024xf32>
    %eq3A_185 = arith.constant 1 : i32
    %eq3A_186 = vector.broadcast %eq3A_185 : i32 to vector<64x1024xi32>
    %eq3A_187 = arith.cmpi eq, %get3A_173, %eq3A_186 : vector<64x1024xi32>
    %broadcast_in_dim3A_188 = vector.broadcast %div3A_139 : f32 to vector<64x1024xf32>
    %select_n3A_189 = arith.select %eq3A_187, %broadcast_in_dim3A_188, %select_n3A_184 : vector<64x1024xi1>, vector<64x1024xf32>
    %eq3A_190 = arith.constant 0 : i32
    %eq3A_191 = vector.broadcast %eq3A_190 : i32 to vector<64x1024xi32>
    %eq3A_192 = arith.cmpi eq, %get3A_173, %eq3A_191 : vector<64x1024xi32>
    %broadcast_in_dim3A_193 = vector.broadcast %div3A : f32 to vector<64x1024xf32>
    %select_n3A_194 = arith.select %eq3A_192, %broadcast_in_dim3A_193, %select_n3A_189 : vector<64x1024xi1>, vector<64x1024xf32>
    %get3A_195 = arith.constant 0 : index
    %get3A_196 = arith.constant 0 : index
    %get3A_197 = arith.constant 0 : index
    %get3A_198 = vector.load %arg3[%get3A_195, %get3A_196, %get3A_197] : memref<4x64x1024xf32, #tpu.memory_space<vmem>>, vector<1x64x1024xf32>
    %get3A_199 = vector.shape_cast %get3A_198 : vector<1x64x1024xf32> to vector<64x1024xf32>
    %sub3A_200 = arith.subf %select_n3A_194, %get3A_199 : vector<64x1024xf32>
    %mul3A = arith.mulf %sub3A_200, %sub3A_200 : vector<64x1024xf32>
    %add3A_201 = arith.addf %broadcast_in_dim3A_174, %mul3A : vector<64x1024xf32>
    %broadcast_in_dim3A_202 = vector.broadcast %div3A_160 : f32 to vector<64x1024xf32>
    %eq3A_203 = arith.constant 3 : i32
    %eq3A_204 = vector.broadcast %eq3A_203 : i32 to vector<64x1024xi32>
    %eq3A_205 = arith.cmpi eq, %get3A_173, %eq3A_204 : vector<64x1024xi32>
    %broadcast_in_dim3A_206 = vector.broadcast %div3A_148 : f32 to vector<64x1024xf32>
    %select_n3A_207 = arith.select %eq3A_205, %broadcast_in_dim3A_206, %broadcast_in_dim3A_202 : vector<64x1024xi1>, vector<64x1024xf32>
    %eq3A_208 = arith.constant 2 : i32
    %eq3A_209 = vector.broadcast %eq3A_208 : i32 to vector<64x1024xi32>
    %eq3A_210 = arith.cmpi eq, %get3A_173, %eq3A_209 : vector<64x1024xi32>
    %broadcast_in_dim3A_211 = vector.broadcast %div3A_144 : f32 to vector<64x1024xf32>
    %select_n3A_212 = arith.select %eq3A_210, %broadcast_in_dim3A_211, %select_n3A_207 : vector<64x1024xi1>, vector<64x1024xf32>
    %eq3A_213 = arith.constant 1 : i32
    %eq3A_214 = vector.broadcast %eq3A_213 : i32 to vector<64x1024xi32>
    %eq3A_215 = arith.cmpi eq, %get3A_173, %eq3A_214 : vector<64x1024xi32>
    %broadcast_in_dim3A_216 = vector.broadcast %div3A_140 : f32 to vector<64x1024xf32>
    %select_n3A_217 = arith.select %eq3A_215, %broadcast_in_dim3A_216, %select_n3A_212 : vector<64x1024xi1>, vector<64x1024xf32>
    %eq3A_218 = arith.constant 0 : i32
    %eq3A_219 = vector.broadcast %eq3A_218 : i32 to vector<64x1024xi32>
    %eq3A_220 = arith.cmpi eq, %get3A_173, %eq3A_219 : vector<64x1024xi32>
    %broadcast_in_dim3A_221 = vector.broadcast %div3A_136 : f32 to vector<64x1024xf32>
    %select_n3A_222 = arith.select %eq3A_220, %broadcast_in_dim3A_221, %select_n3A_217 : vector<64x1024xi1>, vector<64x1024xf32>
    %get3A_223 = arith.constant 1 : index
    %get3A_224 = arith.constant 0 : index
    %get3A_225 = arith.constant 0 : index
    %get3A_226 = vector.load %arg3[%get3A_223, %get3A_224, %get3A_225] : memref<4x64x1024xf32, #tpu.memory_space<vmem>>, vector<1x64x1024xf32>
    %get3A_227 = vector.shape_cast %get3A_226 : vector<1x64x1024xf32> to vector<64x1024xf32>
    %sub3A_228 = arith.subf %select_n3A_222, %get3A_227 : vector<64x1024xf32>
    %mul3A_229 = arith.mulf %sub3A_228, %sub3A_228 : vector<64x1024xf32>
    %add3A_230 = arith.addf %add3A_201, %mul3A_229 : vector<64x1024xf32>
    %broadcast_in_dim3A_231 = vector.broadcast %div3A_165 : f32 to vector<64x1024xf32>
    %eq3A_232 = arith.constant 3 : i32
    %eq3A_233 = vector.broadcast %eq3A_232 : i32 to vector<64x1024xi32>
    %eq3A_234 = arith.cmpi eq, %get3A_173, %eq3A_233 : vector<64x1024xi32>
    %broadcast_in_dim3A_235 = vector.broadcast %div3A_149 : f32 to vector<64x1024xf32>
    %select_n3A_236 = arith.select %eq3A_234, %broadcast_in_dim3A_235, %broadcast_in_dim3A_231 : vector<64x1024xi1>, vector<64x1024xf32>
    %eq3A_237 = arith.constant 2 : i32
    %eq3A_238 = vector.broadcast %eq3A_237 : i32 to vector<64x1024xi32>
    %eq3A_239 = arith.cmpi eq, %get3A_173, %eq3A_238 : vector<64x1024xi32>
    %broadcast_in_dim3A_240 = vector.broadcast %div3A_145 : f32 to vector<64x1024xf32>
    %select_n3A_241 = arith.select %eq3A_239, %broadcast_in_dim3A_240, %select_n3A_236 : vector<64x1024xi1>, vector<64x1024xf32>
    %eq3A_242 = arith.constant 1 : i32
    %eq3A_243 = vector.broadcast %eq3A_242 : i32 to vector<64x1024xi32>
    %eq3A_244 = arith.cmpi eq, %get3A_173, %eq3A_243 : vector<64x1024xi32>
    %broadcast_in_dim3A_245 = vector.broadcast %div3A_141 : f32 to vector<64x1024xf32>
    %select_n3A_246 = arith.select %eq3A_244, %broadcast_in_dim3A_245, %select_n3A_241 : vector<64x1024xi1>, vector<64x1024xf32>
    %eq3A_247 = arith.constant 0 : i32
    %eq3A_248 = vector.broadcast %eq3A_247 : i32 to vector<64x1024xi32>
    %eq3A_249 = arith.cmpi eq, %get3A_173, %eq3A_248 : vector<64x1024xi32>
    %broadcast_in_dim3A_250 = vector.broadcast %div3A_137 : f32 to vector<64x1024xf32>
    %select_n3A_251 = arith.select %eq3A_249, %broadcast_in_dim3A_250, %select_n3A_246 : vector<64x1024xi1>, vector<64x1024xf32>
    %get3A_252 = arith.constant 2 : index
    %get3A_253 = arith.constant 0 : index
    %get3A_254 = arith.constant 0 : index
    %get3A_255 = vector.load %arg3[%get3A_252, %get3A_253, %get3A_254] : memref<4x64x1024xf32, #tpu.memory_space<vmem>>, vector<1x64x1024xf32>
    %get3A_256 = vector.shape_cast %get3A_255 : vector<1x64x1024xf32> to vector<64x1024xf32>
    %sub3A_257 = arith.subf %select_n3A_251, %get3A_256 : vector<64x1024xf32>
    %mul3A_258 = arith.mulf %sub3A_257, %sub3A_257 : vector<64x1024xf32>
    %add3A_259 = arith.addf %add3A_230, %mul3A_258 : vector<64x1024xf32>
    %broadcast_in_dim3A_260 = vector.broadcast %div3A_170 : f32 to vector<64x1024xf32>
    %eq3A_261 = arith.constant 3 : i32
    %eq3A_262 = vector.broadcast %eq3A_261 : i32 to vector<64x1024xi32>
    %eq3A_263 = arith.cmpi eq, %get3A_173, %eq3A_262 : vector<64x1024xi32>
    %broadcast_in_dim3A_264 = vector.broadcast %div3A_150 : f32 to vector<64x1024xf32>
    %select_n3A_265 = arith.select %eq3A_263, %broadcast_in_dim3A_264, %broadcast_in_dim3A_260 : vector<64x1024xi1>, vector<64x1024xf32>
    %eq3A_266 = arith.constant 2 : i32
    %eq3A_267 = vector.broadcast %eq3A_266 : i32 to vector<64x1024xi32>
    %eq3A_268 = arith.cmpi eq, %get3A_173, %eq3A_267 : vector<64x1024xi32>
    %broadcast_in_dim3A_269 = vector.broadcast %div3A_146 : f32 to vector<64x1024xf32>
    %select_n3A_270 = arith.select %eq3A_268, %broadcast_in_dim3A_269, %select_n3A_265 : vector<64x1024xi1>, vector<64x1024xf32>
    %eq3A_271 = arith.constant 1 : i32
    %eq3A_272 = vector.broadcast %eq3A_271 : i32 to vector<64x1024xi32>
    %eq3A_273 = arith.cmpi eq, %get3A_173, %eq3A_272 : vector<64x1024xi32>
    %broadcast_in_dim3A_274 = vector.broadcast %div3A_142 : f32 to vector<64x1024xf32>
    %select_n3A_275 = arith.select %eq3A_273, %broadcast_in_dim3A_274, %select_n3A_270 : vector<64x1024xi1>, vector<64x1024xf32>
    %eq3A_276 = arith.constant 0 : i32
    %eq3A_277 = vector.broadcast %eq3A_276 : i32 to vector<64x1024xi32>
    %eq3A_278 = arith.cmpi eq, %get3A_173, %eq3A_277 : vector<64x1024xi32>
    %broadcast_in_dim3A_279 = vector.broadcast %div3A_138 : f32 to vector<64x1024xf32>
    %select_n3A_280 = arith.select %eq3A_278, %broadcast_in_dim3A_279, %select_n3A_275 : vector<64x1024xi1>, vector<64x1024xf32>
    %get3A_281 = arith.constant 3 : index
    %get3A_282 = arith.constant 0 : index
    %get3A_283 = arith.constant 0 : index
    %get3A_284 = vector.load %arg3[%get3A_281, %get3A_282, %get3A_283] : memref<4x64x1024xf32, #tpu.memory_space<vmem>>, vector<1x64x1024xf32>
    %get3A_285 = vector.shape_cast %get3A_284 : vector<1x64x1024xf32> to vector<64x1024xf32>
    %sub3A_286 = arith.subf %select_n3A_280, %get3A_285 : vector<64x1024xf32>
    %mul3A_287 = arith.mulf %sub3A_286, %sub3A_286 : vector<64x1024xf32>
    %add3A_288 = arith.addf %add3A_259, %mul3A_287 : vector<64x1024xf32>
    %gt3A_289 = arith.constant 0.000000e+00 : f32
    %gt3A_290 = vector.broadcast %gt3A_289 : f32 to vector<64x1024xf32>
    %gt3A_291 = arith.cmpf ogt, %add3A_288, %gt3A_290 : vector<64x1024xf32>
    %gt3A_292 = arith.constant 0.000000e+00 : f32
    %gt3A_293 = vector.broadcast %gt3A_292 : f32 to vector<64x1024xf32>
    %gt3A_294 = arith.cmpf ogt, %add3A_288, %gt3A_293 : vector<64x1024xf32>
    %jit3A_295 = arith.constant 1.000000e+00 : f32
    %broadcast_in_dim3A_296 = vector.broadcast %jit3A_295 : f32 to vector<64x1024xf32>
    %select_n3A_297 = arith.select %gt3A_294, %add3A_288, %broadcast_in_dim3A_296 : vector<64x1024xi1>, vector<64x1024xf32>
    %sqrt3A = math.sqrt %select_n3A_297 : vector<64x1024xf32>
    %jit3A_298 = arith.constant 0.000000e+00 : f32
    %broadcast_in_dim3A_299 = vector.broadcast %jit3A_298 : f32 to vector<64x1024xf32>
    %select_n3A_300 = arith.select %gt3A_291, %sqrt3A, %broadcast_in_dim3A_299 : vector<64x1024xi1>, vector<64x1024xf32>
    %get3A_301 = arith.constant 0 : index
    %get3A_302 = arith.constant 0 : index
    %get3A_303 = vector.load %arg2[%get3A_301, %get3A_302] : memref<1x128xf32, #tpu.memory_space<vmem>>, vector<1x1xf32>
    %get3A_304 = vector.extract %get3A_303[0, 0] : f32 from vector<1x1xf32>
    %sub3A_305 = vector.broadcast %get3A_304 : f32 to vector<64x1024xf32>
    %sub3A_306 = arith.subf %select_n3A_300, %sub3A_305 : vector<64x1024xf32>
    %max3A = arith.constant 0.000000e+00 : f32
    %max3A_307 = vector.broadcast %max3A : f32 to vector<64x1024xf32>
    %max3A_308 = arith.maximumf %sub3A_306, %max3A_307 : vector<64x1024xf32>
    %mul3A_309 = arith.mulf %max3A_308, %max3A_308 : vector<64x1024xf32>
    %eq3A_310 = arith.constant 0 : i32
    %eq3A_311 = vector.broadcast %eq3A_310 : i32 to vector<64x1024xi32>
    %eq3A_312 = arith.cmpi eq, %get3A_173, %eq3A_311 : vector<64x1024xi32>
    %jit3A_313 = arith.constant 0.000000e+00 : f32
    %broadcast_in_dim3A_314 = vector.broadcast %jit3A_313 : f32 to vector<64x1024xf32>
    %select_n3A_315 = arith.select %eq3A_312, %mul3A_309, %broadcast_in_dim3A_314 : vector<64x1024xi1>, vector<64x1024xf32>
    %reduce_sum3A = vector.shape_cast %select_n3A_315 : vector<64x1024xf32> to vector<1x64x1024xf32>
    %reduce_sum3A_316 = arith.constant dense<0.000000e+00> : vector<1xf32>
    %reduce_sum3A_317 = vector.multi_reduction <add>, %reduce_sum3A, %reduce_sum3A_316 [1, 2] : vector<1x64x1024xf32> to vector<1xf32>
    %reduce_sum3A_318 = vector.shape_cast %reduce_sum3A_317 : vector<1xf32> to vector<1x1x1xf32>
    %reduce_sum3A_319 = vector.extract %reduce_sum3A_318[0, 0, 0] : f32 from vector<1x1x1xf32>
    %mul3A_320 = arith.mulf %select_n3A, %add3A_135 : f32
    %div3A_321 = arith.divf %reduce_sum3A_319, %mul3A_320 : f32
    %jit3A_322 = arith.constant 0.000000e+00 : f32
    %select_n3A_323 = arith.select %gt3A_99, %div3A_321, %jit3A_322 : f32
    %add3A_324 = arith.constant 0.000000e+00 : f32
    %add3A_325 = arith.addf %add3A_324, %select_n3A_323 : f32
    %eq3A_326 = arith.constant 1 : i32
    %eq3A_327 = vector.broadcast %eq3A_326 : i32 to vector<64x1024xi32>
    %eq3A_328 = arith.cmpi eq, %get3A_173, %eq3A_327 : vector<64x1024xi32>
    %jit3A_329 = arith.constant 0.000000e+00 : f32
    %broadcast_in_dim3A_330 = vector.broadcast %jit3A_329 : f32 to vector<64x1024xf32>
    %select_n3A_331 = arith.select %eq3A_328, %mul3A_309, %broadcast_in_dim3A_330 : vector<64x1024xi1>, vector<64x1024xf32>
    %reduce_sum3A_332 = vector.shape_cast %select_n3A_331 : vector<64x1024xf32> to vector<1x64x1024xf32>
    %reduce_sum3A_333 = arith.constant dense<0.000000e+00> : vector<1xf32>
    %reduce_sum3A_334 = vector.multi_reduction <add>, %reduce_sum3A_332, %reduce_sum3A_333 [1, 2] : vector<1x64x1024xf32> to vector<1xf32>
    %reduce_sum3A_335 = vector.shape_cast %reduce_sum3A_334 : vector<1xf32> to vector<1x1x1xf32>
    %reduce_sum3A_336 = vector.extract %reduce_sum3A_335[0, 0, 0] : f32 from vector<1x1x1xf32>
    %mul3A_337 = arith.mulf %select_n3A_109, %add3A_135 : f32
    %div3A_338 = arith.divf %reduce_sum3A_336, %mul3A_337 : f32
    %jit3A_339 = arith.constant 0.000000e+00 : f32
    %select_n3A_340 = arith.select %gt3A_101, %div3A_338, %jit3A_339 : f32
    %add3A_341 = arith.addf %add3A_325, %select_n3A_340 : f32
    %eq3A_342 = arith.constant 2 : i32
    %eq3A_343 = vector.broadcast %eq3A_342 : i32 to vector<64x1024xi32>
    %eq3A_344 = arith.cmpi eq, %get3A_173, %eq3A_343 : vector<64x1024xi32>
    %jit3A_345 = arith.constant 0.000000e+00 : f32
    %broadcast_in_dim3A_346 = vector.broadcast %jit3A_345 : f32 to vector<64x1024xf32>
    %select_n3A_347 = arith.select %eq3A_344, %mul3A_309, %broadcast_in_dim3A_346 : vector<64x1024xi1>, vector<64x1024xf32>
    %reduce_sum3A_348 = vector.shape_cast %select_n3A_347 : vector<64x1024xf32> to vector<1x64x1024xf32>
    %reduce_sum3A_349 = arith.constant dense<0.000000e+00> : vector<1xf32>
    %reduce_sum3A_350 = vector.multi_reduction <add>, %reduce_sum3A_348, %reduce_sum3A_349 [1, 2] : vector<1x64x1024xf32> to vector<1xf32>
    %reduce_sum3A_351 = vector.shape_cast %reduce_sum3A_350 : vector<1xf32> to vector<1x1x1xf32>
    %reduce_sum3A_352 = vector.extract %reduce_sum3A_351[0, 0, 0] : f32 from vector<1x1x1xf32>
    %mul3A_353 = arith.mulf %select_n3A_111, %add3A_135 : f32
    %div3A_354 = arith.divf %reduce_sum3A_352, %mul3A_353 : f32
    %jit3A_355 = arith.constant 0.000000e+00 : f32
    %select_n3A_356 = arith.select %gt3A_103, %div3A_354, %jit3A_355 : f32
    %add3A_357 = arith.addf %add3A_341, %select_n3A_356 : f32
    %eq3A_358 = arith.constant 3 : i32
    %eq3A_359 = vector.broadcast %eq3A_358 : i32 to vector<64x1024xi32>
    %eq3A_360 = arith.cmpi eq, %get3A_173, %eq3A_359 : vector<64x1024xi32>
    %jit3A_361 = arith.constant 0.000000e+00 : f32
    %broadcast_in_dim3A_362 = vector.broadcast %jit3A_361 : f32 to vector<64x1024xf32>
    %select_n3A_363 = arith.select %eq3A_360, %mul3A_309, %broadcast_in_dim3A_362 : vector<64x1024xi1>, vector<64x1024xf32>
    %reduce_sum3A_364 = vector.shape_cast %select_n3A_363 : vector<64x1024xf32> to vector<1x64x1024xf32>
    %reduce_sum3A_365 = arith.constant dense<0.000000e+00> : vector<1xf32>
    %reduce_sum3A_366 = vector.multi_reduction <add>, %reduce_sum3A_364, %reduce_sum3A_365 [1, 2] : vector<1x64x1024xf32> to vector<1xf32>
    %reduce_sum3A_367 = vector.shape_cast %reduce_sum3A_366 : vector<1xf32> to vector<1x1x1xf32>
    %reduce_sum3A_368 = vector.extract %reduce_sum3A_367[0, 0, 0] : f32 from vector<1x1x1xf32>
    %mul3A_369 = arith.mulf %select_n3A_113, %add3A_135 : f32
    %div3A_370 = arith.divf %reduce_sum3A_368, %mul3A_369 : f32
    %jit3A_371 = arith.constant 0.000000e+00 : f32
    %select_n3A_372 = arith.select %gt3A_105, %div3A_370, %jit3A_371 : f32
    %add3A_373 = arith.addf %add3A_357, %select_n3A_372 : f32
    %eq3A_374 = arith.constant 4 : i32
    %eq3A_375 = vector.broadcast %eq3A_374 : i32 to vector<64x1024xi32>
    %eq3A_376 = arith.cmpi eq, %get3A_173, %eq3A_375 : vector<64x1024xi32>
    %jit3A_377 = arith.constant 0.000000e+00 : f32
    %broadcast_in_dim3A_378 = vector.broadcast %jit3A_377 : f32 to vector<64x1024xf32>
    %select_n3A_379 = arith.select %eq3A_376, %mul3A_309, %broadcast_in_dim3A_378 : vector<64x1024xi1>, vector<64x1024xf32>
    %reduce_sum3A_380 = vector.shape_cast %select_n3A_379 : vector<64x1024xf32> to vector<1x64x1024xf32>
    %reduce_sum3A_381 = arith.constant dense<0.000000e+00> : vector<1xf32>
    %reduce_sum3A_382 = vector.multi_reduction <add>, %reduce_sum3A_380, %reduce_sum3A_381 [1, 2] : vector<1x64x1024xf32> to vector<1xf32>
    %reduce_sum3A_383 = vector.shape_cast %reduce_sum3A_382 : vector<1xf32> to vector<1x1x1xf32>
    %reduce_sum3A_384 = vector.extract %reduce_sum3A_383[0, 0, 0] : f32 from vector<1x1x1xf32>
    %mul3A_385 = arith.mulf %select_n3A_115, %add3A_135 : f32
    %div3A_386 = arith.divf %reduce_sum3A_384, %mul3A_385 : f32
    %jit3A_387 = arith.constant 0.000000e+00 : f32
    %select_n3A_388 = arith.select %gt3A_107, %div3A_386, %jit3A_387 : f32
    %add3A_389 = arith.addf %add3A_373, %select_n3A_388 : f32
    %iota3A = tpu.iota {dimensions = array<i32: 0>} : vector<8x128xi32>
    %eq3A_390 = vector.broadcast %arg0 : i32 to vector<8x128xi32>
    %eq3A_391 = arith.cmpi eq, %iota3A, %eq3A_390 : vector<8x128xi32>
    %jit3A_392 = arith.constant 0.000000e+00 : f32
    %broadcast_in_dim3A_393 = vector.broadcast %add3A_389 : f32 to vector<8x128xf32>
    %broadcast_in_dim3A_394 = vector.broadcast %jit3A_392 : f32 to vector<8x128xf32>
    %select_n3A_395 = arith.select %eq3A_391, %broadcast_in_dim3A_393, %broadcast_in_dim3A_394 : vector<8x128xi1>, vector<8x128xf32>
    %eq3A_396 = arith.constant 0 : i32
    %eq3A_397 = arith.cmpi eq, %arg0, %eq3A_396 : i32
    %convert_element_type3A = arith.extui %eq3A_397 : i1 to i32
    %cond3A = arith.constant 0 : i32
    %cond3A_398 = arith.cmpi ne, %convert_element_type3A, %cond3A : i32
    scf.if %cond3A_398 {
      %swap3A = arith.constant 0 : index
      %swap3A_404 = arith.constant 0 : index
      %swap3A_405 = vector.load %arg5[%swap3A, %swap3A_404] : memref<8x128xf32, #tpu.memory_space<vmem>>, vector<8x128xf32>
      tpu.vector_store %arg5[%swap3A, %swap3A_404], %select_n3A_395 {strides = array<i32>} : memref<8x128xf32, #tpu.memory_space<vmem>>, vector<8x128xf32>,
    } else {
    }
    %gt3A_399 = arith.constant 0 : i32
    %gt3A_400 = arith.cmpi sgt, %arg0, %gt3A_399 : i32
    %convert_element_type3A_401 = arith.extui %gt3A_400 : i1 to i32
    %cond3A_402 = arith.constant 0 : i32
    %cond3A_403 = arith.cmpi ne, %convert_element_type3A_401, %cond3A_402 : i32
    scf.if %cond3A_403 {
      %get3A_404 = arith.constant 0 : index
      %get3A_405 = arith.constant 0 : index
      %get3A_406 = vector.load %arg5[%get3A_404, %get3A_405] : memref<8x128xf32, #tpu.memory_space<vmem>>, vector<8x128xf32>
      %add3A_407 = arith.addf %get3A_406, %select_n3A_395 : vector<8x128xf32>
      %swap3A = arith.constant 0 : index
      %swap3A_408 = arith.constant 0 : index
      %swap3A_409 = vector.load %arg5[%swap3A, %swap3A_408] : memref<8x128xf32, #tpu.memory_space<vmem>>, vector<8x128xf32>
      tpu.vector_store %arg5[%swap3A, %swap3A_408], %add3A_407 {strides = array<i32>} : memref<8x128xf32, #tpu.memory_space<vmem>>, vector<8x128xf32>,
    } else {
    }
    return
  }
  func.func @transform_0(%arg0: i32) -> (i32, i32) {
    %c0_i32 = arith.constant 0 : i32
    %c0_i32_0 = arith.constant 0 : i32
    %c0_i32_1 = arith.constant 0 : i32
    return %c0_i32, %c0_i32_0 : i32, i32
  }
  func.func @transform_1(%arg0: i32) -> (i32, i32) {
    %c0_i32 = arith.constant 0 : i32
    %c0_i32_0 = arith.constant 0 : i32
    %c0_i32_1 = arith.constant 0 : i32
    return %c0_i32, %c0_i32_0 : i32, i32
  }
  func.func @transform_2(%arg0: i32) -> (i32, i32, i32) {
    %add3A = arith.constant 4 : i32
    %add3A_0 = arith.addi %add3A, %arg0 : i32
    %c0_i32 = arith.constant 0 : i32
    %c0_i32_1 = arith.constant 0 : i32
    %c0_i32_2 = arith.constant 0 : i32
    return %c0_i32, %add3A_0, %c0_i32_1 : i32, i32, i32
  }
  func.func @transform_3(%arg0: i32) -> (i32, i32) {
    %add3A = arith.constant 4 : i32
    %add3A_0 = arith.addi %add3A, %arg0 : i32
    %c0_i32 = arith.constant 0 : i32
    %c0_i32_1 = arith.constant 0 : i32
    return %add3A_0, %c0_i32 : i32, i32
  }
  func.func @transform_4(%arg0: i32) -> (i32, i32) {
    %c0_i32 = arith.constant 0 : i32
    %c0_i32_0 = arith.constant 0 : i32
    %c0_i32_1 = arith.constant 0 : i32
    return %c0_i32, %c0_i32_0 : i32, i32
  }
}

</mosaic_0001>

<sc_bundles>
// kernel: kernel.6.cloned.1.call-start
scs
__scs_entry_jumppad:
0x0: {  	(pc) =	sbr.rel $0x88, $3  }
0x1: {  	(tag) =	ssettag $0x0;
	lr =	simm.s32 $0x1  }
0x2: {  	[smem:$0x3F9D] =	sst lr;
	_ =	strace $0xD0000000  }
0x3: {  	_ = 	snop  }
0x4: {  	_ = 	snop  }
0x5: {  	_ = 	snop  }
0x6: {  	_ = 	snop  }
0x7: {  	_ = 	snop  }
__scs_overlays_trampoline_lowered:
0x8: {  	[smem:$0x3FAC] =	sst s0  }
0x9: {  	[smem:$0x3FAD] =	sst s1  }
0xa: {  	[smem:$0x3FAE] =	sst s2  }
0xb: {  	[smem:$0x3FAF] =	sst s3  }
0xc: {  	[smem:$0x3FB0] =	sst s4  }
0xd: {  	[smem:$0x3FB1] =	sst s5  }
0xe: {  	[smem:$0x3FB2] =	sst s6  }
0xf: {  	[smem:$0x3FB3] =	sst s7  }
0x10: {  	[smem:$0x3FB4] =	sst s8  }
0x11: {  	[smem:$0x3FB5] =	sst s9;
	s0 =	simm.s32 @!p0 $0x0  }
0x12: {  	s1 =	sld [smem:$0x3F9B];
	s0 =	simm.s32 @p0 $0x1  }
0x13: {  	[smem:$0x3FB6] =	sst s0;
	s0 =	simm.s32 @!p1 $0x0  }
0x14: {  	s2 =	sld [smem:$0x3F9A];
	s0 =	simm.s32 @p1 $0x1  }
0x15: {  	[smem:$0x3FB7] =	sst s0;
	s0 =	simm.s32 @!p2 $0x0  }
0x16: {  	s3 =	sld [smem:$0x3FDB];
	s0 =	simm.s32 @p2 $0x1  }
0x17: {  	s4 =	simm.s32 $0x1BF5;
	[smem:$0x3FB9] =	sst s0  }
0x18: {  	s0 =	sld [smem:$0x3F9C];
	_ =	swait.ge [sflag:s4], $0x0  }
0x19: {  	s7 =	sld [smem:$0x3F9D]  }
0x1a: {  	s8 =	sadd.s32 $0xFFFFE003, lr  }
0x1b: {  	s9 =	sadd.s32 $0xFFFFFEF7, lr;
	s5 =	simm.s32 $0xFFFFFFFF;
	p2 =	slt.u32 s8, $0xFFFFF086  }
0x1c: {  	p1 =	slt.u32 s9, $0xF7A;
	s5 =	simm.s32 @!p2 $0x0  }
0x1d: {  	s5 =	simm.s32 @p1 $0x1;
	p0 =	seq.s32 s7, s2  }
0x1e: {  	s7 =	smul.u32 @!p0 $0xF7A, s2;
	p2 =	seq.s32 @!p0 s5, $0x0  }
0x1f: {  	s9 =	smul.u32 $0xF7A, s1;
	s8 =	simm.s32 @!p0 $0x1BF5;
	p2 =	por !p2, p0  }
0x20: {  	[sflag:s8] =	ssyncset.s32 @!p0 $0xFFFFF086;
	s6 =	sadd.s32 @!p0 s3, s7;
	s7 =	simm.s32 @!p0 $0x108  }
0x21: {  	s3 =	sadd.s32 s3, s9;
	s6 =	sadd.s32 @!p0 $0x88, s6;
	s7 =	simm.s32 @p2 $0x1082  }
0x22: {  	[simem:s7], [sflag:s8] =	dma.local @!p0 [hbm:s6], $0xF7A  }
0x23: {  	s9 =	sor.u32 $0xD0000000, s2;
	s6 =	simm.s32 $0x108;
	_ =	swait.ge @!p0 [sflag:s8], $0x0  }
0x24: {  	s3 =	sadd.s32 $0x88, s3;
	s6 =	simm.s32 @!p1 $0x1082;
	[sflag:s4] =	ssyncset.s32 $0xFFFFF086  }
0x25: {  	[simem:s6], [sflag:s4] =	dma.local [hbm:s3], $0xF7A  }
0x26: {  	[smem:$0x3F9D] =	sst s1;
	(tag) =	ssettag s2;
	_ =	strace s9  }
0x27: {  	s1 =	sld [smem:$0x3FAD]  }
0x28: {  	s2 =	sld [smem:$0x3FAE]  }
0x29: {  	s4 =	sld [smem:$0x3FB0]  }
0x2a: {  	p0 =	seq.s32 s5, $0x0;
	s5 =	sld [smem:$0x3FB1]  }
0x2b: {  	s6 =	sld [smem:$0x3FB2]  }
0x2c: {  	s7 =	sld [smem:$0x3FB3]  }
0x2d: {  	s3 =	simm.s32 $0x108;
	s8 =	sld [smem:$0x3FB4]  }
0x2e: {  	s3 =	simm.s32 @!p0 $0x1082;
	s9 =	sld [smem:$0x3FB5]  }
0x2f: {  	lr =	sadd.s32 s0, s3;
	s0 =	sld [smem:$0x3FAC]  }
0x30: {  	s3 =	sld [smem:$0x3FAF]  }
0x31: {  	[smem:$0x3FB8] =	sst s10  }
0x32: {  	s10 =	sld [smem:$0x3FB6];
	_ =	sdelay $0x3  }
0x33: {  	p0 =	seq.s32 s10, $0x1;
	s10 =	sld [smem:$0x3FB8];
	_ =	sdelay $0x3  }
0x34: {  	[smem:$0x3FB8] =	sst s10  }
0x35: {  	s10 =	sld [smem:$0x3FB7];
	_ =	sdelay $0x3  }
0x36: {  	p1 =	seq.s32 s10, $0x1;
	s10 =	sld [smem:$0x3FB8];
	_ =	sdelay $0x3  }
0x37: {  	[smem:$0x3FB8] =	sst s10  }
0x38: {  	s10 =	sld [smem:$0x3FB9]  }
0x39: {  	_ = 	snop;
	(pc) =	sbr.ind lr, $3  }
0x3a: {  	_ = 	snop  }
0x3b: {  	_ = 	snop  }
0x3c: {  	p2 =	seq.s32 s10, $0x1;
	s10 =	sld [smem:$0x3FB8]  }
0x3d: {  	_ =	shalt  }
0x3e: {  	_ =	shalt  }
0x3f: {  	_ =	shalt  }
0x40: {  	_ =	shalt  }
0x41: {  	_ =	shalt  }
0x42: {  	_ =	shalt  }
0x43: {  	_ =	shalt  }
0x44: {  	_ =	shalt  }
0x45: {  	_ =	shalt  }
0x46: {  	_ =	shalt  }
0x47: {  	_ =	shalt  }
0x48: {  	_ =	shalt  }
0x49: {  	_ =	shalt  }
0x4a: {  	_ =	shalt  }
0x4b: {  	_ =	shalt  }
0x4c: {  	_ =	shalt  }
0x4d: {  	_ =	shalt  }
0x4e: {  	_ =	shalt  }
0x4f: {  	_ =	shalt  }
0x50: {  	_ =	shalt  }
0x51: {  	_ =	shalt  }
0x52: {  	_ =	shalt  }
0x53: {  	_ =	shalt  }
0x54: {  	_ =	shalt  }
0x55: {  	_ =	shalt  }
0x56: {  	_ =	shalt  }
0x57: {  	_ =	shalt  }
0x58: {  	_ =	shalt  }
0x59: {  	_ =	shalt  }
0x5a: {  	_ =	shalt  }
0x5b: {  	_ =	shalt  }
0x5c: {  	_ =	shalt  }
0x5d: {  	_ =	shalt  }
0x5e: {  	_ =	shalt  }
0x5f: {  	_ =	shalt  }
0x60: {  	_ =	shalt  }
0x61: {  	_ =	shalt  }
0x62: {  	_ =	shalt  }
0x63: {  	_ =	shalt  }
0x64: {  	_ =	shalt  }
0x65: {  	_ =	shalt  }
0x66: {  	_ =	shalt  }
0x67: {  	_ =	shalt  }
0x68: {  	_ =	shalt  }
0x69: {  	_ =	shalt  }
0x6a: {  	_ =	shalt  }
0x6b: {  	_ =	shalt  }
0x6c: {  	_ =	shalt  }
0x6d: {  	_ =	shalt  }
0x6e: {  	_ =	shalt  }
0x6f: {  	_ =	shalt  }
0x70: {  	_ =	shalt  }
0x71: {  	_ =	shalt  }
0x72: {  	_ =	shalt  }
0x73: {  	_ =	shalt  }
0x74: {  	_ =	shalt  }
0x75: {  	_ =	shalt  }
0x76: {  	_ =	shalt  }
0x77: {  	_ =	shalt  }
0x78: {  	_ =	shalt  }
0x79: {  	_ =	shalt  }
0x7a: {  	_ =	shalt  }
0x7b: {  	_ =	shalt  }
0x7c: {  	_ =	shalt  }
0x7d: {  	_ =	shalt  }
0x7e: {  	_ =	shalt  }
0x7f: {  	_ =	shalt  }
0x80: {  	_ =	shalt  }
0x81: {  	_ =	shalt  }
0x82: {  	_ =	shalt  }
0x83: {  	_ =	shalt  }
0x84: {  	_ =	shalt  }
0x85: {  	_ =	shalt  }
0x86: {  	_ =	shalt  }
0x87: {  	_ =	shalt  }
.Lfunc_end0:
.L_simem_size_0:
called_computation_lowered:
.L_overlay_start_0:
0x88: {  	s2 =	sld [smem:$0x3FD9]  }
0x89: {  	s3 =	sld [smem:$0x3FFE];
	_ =	sdelay $0x1  }
0x8a: {  	s1 =	srdreg.scid  }
0x8b: {  	s0 =	sand.u32 $0x1, s1  }
0x8c: {  	s17 =	sshll.u32 s0, $0xA;
	s2 =	sadd.s32 s3, s2  }
0x8d: {  	s2 =	sadd.s32 s2, s17  }
0x8e: {  	[smem:$0x3FC4] =	sst s2  }
0x8f: {  	_ = 	snop  }
0x90: {  	s2 =	sld [smem:$0x3FC9]  }
0x91: {  	s18 =	sld [smem:$0x3FC8];
	(tm) =	ssettm $0x1  }
0x92: {  	s4 =	sld [smem:$0x3FFB];
	_ =	sdelay $0x3  }
0x93: {  	_ =	strace s4  }
0x94: {  	s4 =	sld [smem:$0x3FFC];
	_ =	sdelay $0x3  }
0x95: {  	_ =	strace s4  }
0x96: {  	s4 =	sld [smem:$0x3FFD];
	_ =	sdelay $0x3  }
0x97: {  	_ =	strace s4  }
0x98: {  	_ =	strace $0x8FFFFFFF  }
0x99: {  	s19 =	sld [smem:$0x3FDB];
	_ =	sdelay $0x1  }
0x9a: {  	s5 =	simm.s32 $_scs_section_size  }
0x9b: {  	s6 =	simm.s32 $_size__tile_overlayer_lowered;
	s7 =	simm.s32 $_tile_overlayer_lowered  }
0x9c: {  	s22 =	simm.s32 $0x1BFF;
	s21 =	sshll.u32 s7, $0x1;
	s4 =	sadd.s32 s5, s19  }
0x9d: {  	s8 =	simm.s32 $0x0;
	s20 =	sshll.u32 s6, $0x1;
	s6 =	sadd.s32 s21, s4  }
0x9e: {  	[timem:s8], [sflag:s22] =	dma.local [hbm:s6], s20  }
0x9f: {  	_ =	swait.ge [sflag:s22], s20  }
0xa0: {  	s5 =	ssub.s32 $0x0, s20;
	[sflag:s22] =	ssyncset.done $0x0  }
0xa1: {  	[sflag:s22] =	ssyncadd.s32 s5;
	_ =	sdelay $0x1  }
0xa2: {  	s23 =	simm.s32 $0x1B8B  }
0xa3: {  	_ =	swait.ge [sflag:s23], $0x1  }
0xa4: {  	[sflag:s23] =	ssyncset.done $0x0  }
0xa5: {  	s25 =	simm.s32 $0x1B8E;
	s24 =	sld [smem:$0x3FFE];
	[sflag:s23] =	ssyncadd.s32 $0xFFFFFFFF  }
0xa6: {  	s26 =	simm.s32 $execute0_lowered;
	[smem:$0x3FD2] =	sst s25  }
0xa7: {  	s6 =	sshll.u32 s26, $0x1;
	_ =	strace $0x80000046;
	[dreg:$0x1] =	wrdreg $0xFFFFFFFF  }
0xa8: {  	s28 =	simm.s32 $_size_execute0_lowered;
	s4 =	sadd.s32 s4, s6;
	[dreg:$0x0] =	wrdreg $0x0  }
0xa9: {  	s6 =	sshll.u32 s28, $0x1;
	[dreg:$0x2] =	wrdreg s4  }
0xaa: {  	[dreg:$0x3] =	wrdreg s6  }
0xab: {  	[dreg:$0x4] =	wrdreg $0xC0  }
0xac: {  	_ =	task [dreg:s8], $0x5FFFF  }
0xad: {  	[dreg:$0x1] =	wrdreg $0xFFFFFFFF  }
0xae: {  	[dreg:$0x0] =	wrdreg $0x60  }
0xaf: {  	[dreg:$0x2] =	wrdreg s2  }
0xb0: {  	[dreg:$0x3] =	wrdreg s18  }
0xb1: {  	[dreg:$0x4] =	wrdreg s24  }
0xb2: {  	[dreg:$0x5] =	wrdreg $0x9  }
0xb3: {  	_ =	task.clear_ibuf [dreg:s8], $0x6FFFF;
	_ =	strace $0x90000046  }
0xb4: {  	s29 =	simm.s32 $0x9;
	_ =	strace $0x80000048  }
0xb5: {  	_ =	swait.ge [sflag:s29], $0x1  }
0xb6: {  	[sflag:s29] =	ssyncadd.s32 $0xFFFFFFFF  }
0xb7: {  	_ =	strace $0x90000048  }
0xb8: {  	_ =	sfence  }
0xb9: {  	s30 =	sld [smem:$0x0];
	_ =	sdelay $0x2  }
0xba: {  	s31 =	sshll.u32 s1, $0xD;
	s1 =	sshrl.u32 s1, $0x2  }
0xbb: {  	s3 =	sand.u32 $0x4000, s31;
	s1 =	sadd.s32 s1, s30  }
0xbc: {  	s0 =	sor.u32 s3, s0;
	s1 =	sshll.u32 s1, $0x11  }
0xbd: {  	s0 =	sor.u32 s1, s0  }
0xbe: {  	s0 =	sadd.s32 $0x8F2B, s0  }
0xbf: {  	[sflag:s0] =	ssyncadd.remote.s32 $0x1  }
0xc0: {  	_ =	sfence.sel $0xFFFF  }
0xc1: {  	[dreg:$0x0] =	wrdreg $0xFFFFFFFF;
	(pc) =	sbr.abs _section_cstart, $3  }
0xc2: {  	[dreg:$0x1] =	wrdreg $0xFFFFFFFF  }
0xc3: {  	_ =	task.clear_ibuf [dreg:s8], $0x2FFFF;
	_ =	strace $0x9FFFFFFF  }
0xc4: {  	(tm) =	ssettm $0x7FFFFFFF  }
0xc5: {  	_ =	shalt  }
tec
execute0_lowered:
.L_overlay_start_1:
0x0: {  	(tag) =	ssettag $0x1  }
0x1: {  	s3 =	rddreg [dreg:$0x0]  }
0x2: {  	s4 =	rddreg [dreg:$0x1]  }
0x3: {  	s5 =	rddreg [dreg:$0x2]  }
0x4: {  	s0 =	rddreg [dreg:$0x3];
	s2 =	simm.s32 $0x0;
	s6 =	srdreg.scid  }
0x5: {  	s1 =	stileid.u32;
	s10 =	simm.s32 $0x2000;
	s11 =	simm.s32 $0x4000  }
0x6: {  	s12 =	simm.s32 $0x6000;
	s13 =	simm.s32 $0x8000;
	s14 =	simm.s32 $0x1  }
0x7: {  	s15 =	simm.s32 $0xA000;
	s16 =	simm.s32 $0x2;
	s17 =	simm.s32 $0x0  }
0x8: {  	[smem:$0x7FF] =	sst s2;
	s6 =	sand.u32 $0x1, s6;
	s7 =	sshll.u32 s1, $0x1  }
0x9: {  	_ =	strace $0x80000047;
	s7 =	sor.u32 s6, s7;
	s6 =	ssub.s32 $0x2, s6  }
0xa: {  	s8 =	sshll.u32 s7, $0x6;
	s7 =	sshll.u32 s7, $0xA;
	s31 =	sshrl.u32 s6, $0x1  }
0xb: {  	s8 =	sadd.s32 s8, s5;
	s3 =	sadd.s32 s3, s7;
	s9 =	ssub.s32 s6, s31  }
0xc: {  	s4 =	sadd.s32 s4, s7;
	s5 =	sadd.s32 $0x10000, s3;
	s6 =	sadd.s32 $0x20000, s3  }
0xd: {  	v0 =	vimm.f32 $0.0e+00;
	s7 =	sadd.s32 $0x30000, s3;
	s8 =	sadd.s32 $0x600, s8;
	s9 =	smax.u32 s9, $0x1  }
.LBB2_1:
0xe: {  	[tilespmem:s2], [sflag:$0x1] =	stream.linear.gather [hbm4b:s4+s2], $0x2000, $0x38;
	[tilespmem:$0xA200] =	vst v63  }
0xf: {  	_ = 	snop  }
0x10: {  	[tilespmem:s10], [sflag:$0x1] =	stream.linear.gather [hbm4b:s3+s2], $0x2000, $0x38;
	[tilespmem:$0xA200] =	vst v63  }
0x11: {  	_ = 	snop  }
0x12: {  	[tilespmem:s11], [sflag:$0x1] =	stream.linear.gather [hbm4b:s5+s2], $0x2000, $0x38;
	[tilespmem:$0xA200] =	vst v63  }
0x13: {  	_ = 	snop  }
0x14: {  	[tilespmem:s12], [sflag:$0x1] =	stream.linear.gather [hbm4b:s6+s2], $0x2000, $0x38;
	[tilespmem:$0xA200] =	vst v63  }
0x15: {  	_ = 	snop  }
0x16: {  	[tilespmem:s13], [sflag:$0x1] =	stream.linear.gather [hbm4b:s7+s2], $0x2000, $0x38;
	[tilespmem:$0xA200] =	vst v63  }
0x17: {  	_ =	swait.ge [sflag:s14], $0x2000  }
0x18: {  	[sflag:s14] =	ssyncset.done $0x0  }
0x19: {  	[sflag:s14] =	ssyncadd.s32 $0xFFFFE000  }
0x1a: {  	_ =	swait.ge [sflag:s14], $0x2000  }
0x1b: {  	[sflag:s14] =	ssyncset.done $0x0  }
0x1c: {  	[sflag:s14] =	ssyncadd.s32 $0xFFFFE000  }
0x1d: {  	_ =	swait.ge [sflag:s14], $0x2000  }
0x1e: {  	[sflag:s14] =	ssyncset.done $0x0  }
0x1f: {  	[sflag:s14] =	ssyncadd.s32 $0xFFFFE000  }
0x20: {  	_ =	swait.ge [sflag:s14], $0x2000  }
0x21: {  	[sflag:s14] =	ssyncset.done $0x0  }
0x22: {  	[sflag:s14] =	ssyncadd.s32 $0xFFFFE000  }
0x23: {  	s18 =	sand.u32 $0x1C00, s2;
	s19 =	sand.u32 $0x380, s2;
	_ =	swait.ge [sflag:s14], $0x2000  }
0x24: {  	s20 =	sand.u32 $0x70, s2;
	s18 =	sor.u32 s19, s18;
	[sflag:s14] =	ssyncset.done $0x0  }
0x25: {  	s18 =	sor.u32 s20, s18;
	[sflag:s14] =	ssyncadd.s32 $0xFFFFE000  }
0x26: {  	v7 =	vld [tilespmem:s18+$0x8000]  }
0x27: {  	v1 =	vld [tilespmem:s18+$0x0]  }
0x28: {  	v3 =	vld [tilespmem:s18+$0x2000]  }
0x29: {  	v13 =	vld [tilespmem:s18+$0x4000]  }
0x2a: {  	v4 =	vld [tilespmem:s18+$0x6000];
	_ =	sdelay $0x1  }
0x2b: {  	v14 =	vadd.f32 v7, v0;
	vm0 =	veq.s32 v1, $0x0  }
0x2c: {  	v17 =	vadd.f32 v3, v0;
	vm1 =	veq.s32 v1, $0x2;
	vm2 =	veq.s32 v1, $0x3  }
0x2d: {  	vm3 =	veq.s32 v1, $0x1;
	v1 =	vadd.f32 v13, v0;
	v2 =	vnsel vm0, $0x0, v7  }
0x2e: {  	s29 =	simm.s32 $0x2;
	s30 =	simm.s32 $0x80;
	v15 =	vsel vm1, $0x3F800000, v0;
	v5 =	vnsel vm0, $0x0, v13;
	v6 =	vnsel vm0, $0x0, v4  }
0x2f: {  	s31 =	simm.s32 $0x10;
	s19 =	sand.u32 $0x1C00, s30;
	s18 =	sand.u32 $0x380, s29;
	v8 =	vnsel vm1, $0x0, v7;
	v9 =	vsel vm2, $0x3F800000, v0;
	v10 =	vnsel vm2, $0x0, v3  }
0x30: {  	s20 =	sand.u32 $0x70, s31;
	s18 =	sor.u32 s18, s19;
	v11 =	vnsel vm1, $0x0, v4;
	v22 =	vnsel vm2, $0x0, v4;
	v27 =	vnsel vm0, $0x0, v3  }
0x31: {  	s18 =	sor.u32 s20, s18;
	v24 =	vnsel vm1, $0x0, v3;
	v20 =	vnsel vm3, $0x0, v3;
	v31 =	vnsel vm3, $0x0, v4  }
0x32: {  	v12 =	vld [tilespmem:s18+$0x2000];
	v30 =	vnsel vm3, $0x0, v13;
	v3 =	vadd.f32 v4, v0;
	v21 =	vadd.f32 v2, v0  }
0x33: {  	v23 =	vld [tilespmem:s18+$0x0];
	v26 =	vnsel vm3, $0x0, v7;
	v25 =	vadd.f32 v6, v0;
	v18 =	vadd.f32 v5, v0  }
0x34: {  	v32 =	vnsel vm1, $0x0, v13;
	v6 =	vadd.f32 v8, v0;
	v8 =	vadd.f32 v9, v0  }
0x35: {  	v13 =	vnsel vm2, $0x0, v13;
	v2 =	vld [tilespmem:s18+$0x8000];
	v11 =	vadd.f32 v11, v0;
	v9 =	vadd.f32 v10, v0  }
0x36: {  	v5 =	vsel vm3, $0x3F800000, v0;
	v10 =	vld [tilespmem:s18+$0x4000];
	v16 =	vadd.f32 v15, v0;
	v15 =	vadd.f32 v24, v0  }
0x37: {  	v33 =	vnsel vm2, $0x0, v7;
	v13 =	vadd.f32 v13, v0;
	v19 =	vadd.f32 v5, v0;
	v5 =	vld [tilespmem:s18+$0x6000]  }
0x38: {  	v29 =	vadd.f32 v27, v0;
	v7 =	vadd.f32 v12, v17;
	vm1 =	veq.s32 v23, $0x3  }
0x39: {  	vm2 =	veq.s32 v23, $0x0;
	v34 =	vsel vm1, $0x3F800000, v0;
	v35 =	vnsel vm1, $0x0, v12  }
0x3a: {  	v4 =	vadd.f32 v2, v14;
	v14 =	vsel vm0, $0x3F800000, v0;
	vm0 =	veq.s32 v23, $0x2  }
0x3b: {  	v17 =	vnsel vm2, $0x0, v2;
	v37 =	vnsel vm2, $0x0, v10;
	v28 =	vadd.f32 v14, v0  }
0x3c: {  	v24 =	vsel vm0, $0x3F800000, v0;
	v27 =	vnsel vm2, $0x0, v5;
	v14 =	vadd.f32 v22, v0  }
0x3d: {  	v22 =	vadd.f32 v17, v21;
	v21 =	vadd.f32 v30, v0;
	v36 =	vnsel vm0, $0x0, v2  }
0x3e: {  	v17 =	vadd.f32 v33, v0;
	v33 =	vimm.f32 $0.0e+00;
	v30 =	vadd.f32 v27, v25  }
0x3f: {  	s21 =	simm.s32 $0x4;
	s19 =	simm.s32 $0x20;
	s18 =	simm.s32 $0x100;
	v27 =	vadd.f32 v31, v0;
	v25 =	vimm.f32 $0.0e+00;
	v31 =	vimm.f32 $0.0e+00  }
.LBB2_2:
0x40: {  	s20 =	smov.u32 s21  }
0x41: {  	s22 =	sand.u32 $0x1C00, s18;
	s23 =	sand.u32 $0x380, s21;
	v38 =	vnsel vm0, $0x0, v5;
	v39 =	vnsel vm1, $0x0, v5;
	v25 =	vadd.f32 v32, v25;
	s20 =	sadd.s32 $0x2, s21  }
0x42: {  	s24 =	sand.u32 $0x70, s19;
	p0 =	sne.s32 s21, $0x3FE;
	v40 =	vnsel vm2, $0x0, v12;
	vm3 =	veq.s32 v23, $0x1;
	v31 =	vadd.f32 v26, v31;
	s22 =	sor.u32 s23, s22  }
0x43: {  	v18 =	vadd.f32 v37, v18;
	v32 =	vnsel vm0, $0x0, v12;
	v33 =	vadd.f32 v20, v33;
	s21 =	sor.u32 s24, s22  }
0x44: {  	v6 =	vadd.f32 v36, v6;
	v1 =	vadd.f32 v10, v1;
	v20 =	vsel vm3, $0x3F800000, v0;
	v37 =	vld [tilespmem:s21+$0x8000]  }
0x45: {  	v8 =	vadd.f32 v34, v8;
	v19 =	vadd.f32 v20, v19;
	v20 =	vnsel vm3, $0x0, v12;
	v12 =	vld [tilespmem:s21+$0x2000]  }
0x46: {  	v9 =	vadd.f32 v35, v9;
	v41 =	vnsel vm3, $0x0, v5;
	v11 =	vadd.f32 v38, v11;
	v23 =	vld [tilespmem:s21+$0x0]  }
0x47: {  	v3 =	vadd.f32 v5, v3;
	v35 =	vnsel vm3, $0x0, v10;
	v26 =	vnsel vm3, $0x0, v2;
	v34 =	vld [tilespmem:s21+$0x4000]  }
0x48: {  	v16 =	vadd.f32 v24, v16;
	v15 =	vadd.f32 v32, v15;
	v32 =	vnsel vm0, $0x0, v10;
	v5 =	vld [tilespmem:s21+$0x6000]  }
0x49: {  	v10 =	vnsel vm1, $0x0, v10;
	v38 =	vnsel vm1, $0x0, v2;
	v4 =	vadd.f32 v37, v4;
	v2 =	vmovc v37  }
0x4a: {  	v24 =	vsel vm2, $0x3F800000, v0;
	v13 =	vadd.f32 v10, v13;
	v7 =	vadd.f32 v12, v7  }
0x4b: {  	v28 =	vadd.f32 v24, v28;
	vm2 =	veq.s32 v23, $0x0;
	vm0 =	veq.s32 v23, $0x2  }
.Ltmp0:
0x4c: {  	v29 =	vadd.f32 v40, v29;
	v36 =	vnsel vm2, $0x0, v2;
	v24 =	vsel vm0, $0x3F800000, v0;
	v10 =	vmovc v34;
	(pc) =	sbr.rel @p0 .LBB2_2-.Ltmp0, $4  }
0x4d: {  	v14 =	vadd.f32 v39, v14;
	v37 =	vnsel vm2, $0x0, v10;
	v40 =	vnsel vm2, $0x0, v5  }
0x4e: {  	v21 =	vadd.f32 v35, v21;
	vm1 =	veq.s32 v23, $0x3;
	v22 =	vadd.f32 v36, v22  }
0x4f: {  	v17 =	vadd.f32 v38, v17;
	v34 =	vsel vm1, $0x3F800000, v0;
	v36 =	vnsel vm0, $0x0, v2  }
0x50: {  	s18 =	sadd.s32 $0x80, s18;
	s19 =	sadd.s32 $0x10, s19;
	v27 =	vadd.f32 v41, v27;
	s21 =	smov.u32 s20;
	v35 =	vnsel vm1, $0x0, v12;
	v30 =	vadd.f32 v40, v30  }
0x51: {  	[tilespmem:$0xA070] =	vst v22  }
0x52: {  	[tilespmem:$0xA140] =	vst v7  }
0x53: {  	v18 =	vadd.f32 v37, v18;
	[tilespmem:$0xA170] =	vst v4  }
0x54: {  	v16 =	vadd.f32 v24, v16;
	[tilespmem:$0xA060] =	vst v30  }
0x55: {  	v6 =	vadd.f32 v36, v6;
	[tilespmem:$0xA050] =	vst v18  }
0x56: {  	v8 =	vadd.f32 v34, v8;
	[tilespmem:$0xA020] =	vst v16  }
0x57: {  	v9 =	vadd.f32 v35, v9;
	[tilespmem:$0xA0F0] =	vst v6  }
0x58: {  	v38 =	vsel vm2, $0x3F800000, v0;
	v1 =	vadd.f32 v10, v1;
	[tilespmem:$0xA030] =	vst v8  }
0x59: {  	v39 =	vnsel vm2, $0x0, v12;
	v28 =	vadd.f32 v38, v28;
	[tilespmem:$0xA100] =	vst v9  }
0x5a: {  	vm15 =	veq.s32 v23, $0x1;
	v59 =	vnsel vm0, $0x0, v12;
	v29 =	vadd.f32 v39, v29;
	[tilespmem:$0xA150] =	vst v1  }
0x5b: {  	v61 =	vnsel vm0, $0x0, v5;
	v53 =	vnsel vm15, $0x0, v12;
	v12 =	vadd.f32 v59, v15;
	[tilespmem:$0xA000] =	vst v28  }
0x5c: {  	v20 =	vadd.f32 v20, v33;
	v23 =	vsel vm15, $0x3F800000, v0;
	v11 =	vadd.f32 v61, v11;
	[tilespmem:$0xA040] =	vst v29  }
0x5d: {  	v52 =	vadd.f32 v23, v19;
	[tilespmem:$0xA0C0] =	vst v12  }
0x5e: {  	v54 =	vnsel vm15, $0x0, v10;
	v19 =	vadd.f32 v53, v20;
	[tilespmem:$0xA0E0] =	vst v11  }
0x5f: {  	v55 =	vadd.f32 v26, v31;
	v56 =	vnsel vm15, $0x0, v5;
	v21 =	vadd.f32 v54, v21;
	[tilespmem:$0xA010] =	vst v52  }
0x60: {  	v58 =	vadd.f32 v32, v25;
	v57 =	vnsel vm15, $0x0, v2;
	v22 =	vadd.f32 v56, v27;
	[tilespmem:$0xA080] =	vst v19  }
0x61: {  	v60 =	vnsel vm0, $0x0, v10;
	v18 =	vadd.f32 v57, v55;
	[tilespmem:$0xA090] =	vst v21  }
0x62: {  	v63 =	vnsel vm1, $0x0, v5;
	v15 =	vadd.f32 v60, v58;
	[tilespmem:$0xA0A0] =	vst v22  }
0x63: {  	v2 =	vnsel vm1, $0x0, v2;
	v6 =	vadd.f32 v63, v14;
	[tilespmem:$0xA0B0] =	vst v18  }
0x64: {  	v62 =	vnsel vm1, $0x0, v10;
	v2 =	vadd.f32 v2, v17;
	[tilespmem:$0xA0D0] =	vst v15  }
0x65: {  	v11 =	vadd.f32 v62, v13;
	[tilespmem:$0xA120] =	vst v6  }
0x66: {  	s17 =	sadd.s32 $0x1, s17;
	[tilespmem:$0xA130] =	vst v2;
	v2 =	vadd.f32 v5, v3  }
0x67: {  	p0 =	sne.s32 s17, s9;
	[tilespmem:$0xA110] =	vst v11  }
.Ltmp1:
0x68: {  	[tilespmem:$0xA160] =	vst v2;
	(pc) =	sbr.rel @p0 .LBB2_1-.Ltmp1, $4  }
0x69: {  	[hbm4b:s8+s2] =	stream.linear.scatter [tilespmem:s15], [sflag:$0x2], $0x200, $0x38;
	[tilespmem:$0xA200] =	vst v63  }
0x6a: {  	_ =	swait.ge [sflag:s16], $0x200  }
0x6b: {  	[sflag:s16] =	ssyncset.done $0x0  }
0x6c: {  	[sflag:s16] =	ssyncadd.s32 $0xFFFFFE00  }
0x6d: {  	_ =	sfence.sel $0x180000  }
0x6e: {  	[bflag:$0x0] =	sbarrier.arrive $0xFFFF  }
0x6f: {  	p0 =	sne.s32 s1, $0x0;
	_ =	strace $0x90000047  }
0x70: {  	s0 =	sadd.s32 @!p0 $0x100000, s0;
	[bflag:$0x2] =	sbarrier.arrive $0xFFFF  }
0x71: {  	[sflag:s0] =	ssyncadd.tile.s32 @!p0 $0x1;
	_ =	shalt  }
.Lfunc_end2:
_tile_overlayer_lowered:
.L_overlay_start_2:
0x72: {  	(tag) =	ssettag $0x2  }
0x73: {  	s0 =	rddreg [dreg:$0x0];
	s2 =	stileid.u32  }
0x74: {  	s1 =	rddreg [dreg:$0x1];
	p0 =	sne.s32 s2, $0x0  }
0x75: {  	s3 =	rddreg [dreg:$0x2];
	[bflag:$0x3] =	sbarrier.arrive $0xFFFF;
	s2 =	simm.s32 @!p0 $0x1C02  }
0x76: {  	[timem:s3], [sflag:s2] =	dma.local @!p0 [hbm:s0], s1  }
0x77: {  	s0 =	simm.s32 @!p0 $0x2  }
0x78: {  	_ =	swait.ge @!p0 [sflag:s0], s1  }
0x79: {  	s1 =	ssub.s32 @!p0 $0x0, s1;
	[sflag:s0] =	ssyncset.done @!p0 $0x0  }
0x7a: {  	[sflag:s0] =	ssyncadd.s32 @!p0 s1  }
0x7b: {  	[bflag:$0x3] =	sbarrier.arrive $0xFFFF  }
0x7c: {  	_ =	shalt  }

// kernel: kernel.9.cloned.1.call-start
scs
__scs_entry_jumppad:
0x0: {  	(pc) =	sbr.rel $0x88, $3  }
0x1: {  	(tag) =	ssettag $0x0;
	lr =	simm.s32 $0x1  }
0x2: {  	[smem:$0x3F9D] =	sst lr;
	_ =	strace $0xD0000000  }
0x3: {  	_ = 	snop  }
0x4: {  	_ = 	snop  }
0x5: {  	_ = 	snop  }
0x6: {  	_ = 	snop  }
0x7: {  	_ = 	snop  }
__scs_overlays_trampoline_lowered:
0x8: {  	[smem:$0x3FAC] =	sst s0  }
0x9: {  	[smem:$0x3FAD] =	sst s1  }
0xa: {  	[smem:$0x3FAE] =	sst s2  }
0xb: {  	[smem:$0x3FAF] =	sst s3  }
0xc: {  	[smem:$0x3FB0] =	sst s4  }
0xd: {  	[smem:$0x3FB1] =	sst s5  }
0xe: {  	[smem:$0x3FB2] =	sst s6  }
0xf: {  	[smem:$0x3FB3] =	sst s7  }
0x10: {  	[smem:$0x3FB4] =	sst s8  }
0x11: {  	[smem:$0x3FB5] =	sst s9;
	s0 =	simm.s32 @!p0 $0x0  }
0x12: {  	s1 =	sld [smem:$0x3F9B];
	s0 =	simm.s32 @p0 $0x1  }
0x13: {  	[smem:$0x3FB6] =	sst s0;
	s0 =	simm.s32 @!p1 $0x0  }
0x14: {  	s2 =	sld [smem:$0x3F9A];
	s0 =	simm.s32 @p1 $0x1  }
0x15: {  	[smem:$0x3FB7] =	sst s0;
	s0 =	simm.s32 @!p2 $0x0  }
0x16: {  	s3 =	sld [smem:$0x3FDB];
	s0 =	simm.s32 @p2 $0x1  }
0x17: {  	s4 =	simm.s32 $0x1BF5;
	[smem:$0x3FB9] =	sst s0  }
0x18: {  	s0 =	sld [smem:$0x3F9C];
	_ =	swait.ge [sflag:s4], $0x0  }
0x19: {  	s7 =	sld [smem:$0x3F9D]  }
0x1a: {  	s8 =	sadd.s32 $0xFFFFE003, lr  }
0x1b: {  	s9 =	sadd.s32 $0xFFFFFEF7, lr;
	s5 =	simm.s32 $0xFFFFFFFF;
	p2 =	slt.u32 s8, $0xFFFFF086  }
0x1c: {  	p1 =	slt.u32 s9, $0xF7A;
	s5 =	simm.s32 @!p2 $0x0  }
0x1d: {  	s5 =	simm.s32 @p1 $0x1;
	p0 =	seq.s32 s7, s2  }
0x1e: {  	s7 =	smul.u32 @!p0 $0xF7A, s2;
	p2 =	seq.s32 @!p0 s5, $0x0  }
0x1f: {  	s9 =	smul.u32 $0xF7A, s1;
	s8 =	simm.s32 @!p0 $0x1BF5;
	p2 =	por !p2, p0  }
0x20: {  	[sflag:s8] =	ssyncset.s32 @!p0 $0xFFFFF086;
	s6 =	sadd.s32 @!p0 s3, s7;
	s7 =	simm.s32 @!p0 $0x108  }
0x21: {  	s3 =	sadd.s32 s3, s9;
	s6 =	sadd.s32 @!p0 $0x88, s6;
	s7 =	simm.s32 @p2 $0x1082  }
0x22: {  	[simem:s7], [sflag:s8] =	dma.local @!p0 [hbm:s6], $0xF7A  }
0x23: {  	s9 =	sor.u32 $0xD0000000, s2;
	s6 =	simm.s32 $0x108;
	_ =	swait.ge @!p0 [sflag:s8], $0x0  }
0x24: {  	s3 =	sadd.s32 $0x88, s3;
	s6 =	simm.s32 @!p1 $0x1082;
	[sflag:s4] =	ssyncset.s32 $0xFFFFF086  }
0x25: {  	[simem:s6], [sflag:s4] =	dma.local [hbm:s3], $0xF7A  }
0x26: {  	[smem:$0x3F9D] =	sst s1;
	(tag) =	ssettag s2;
	_ =	strace s9  }
0x27: {  	s1 =	sld [smem:$0x3FAD]  }
0x28: {  	s2 =	sld [smem:$0x3FAE]  }
0x29: {  	s4 =	sld [smem:$0x3FB0]  }
0x2a: {  	p0 =	seq.s32 s5, $0x0;
	s5 =	sld [smem:$0x3FB1]  }
0x2b: {  	s6 =	sld [smem:$0x3FB2]  }
0x2c: {  	s7 =	sld [smem:$0x3FB3]  }
0x2d: {  	s3 =	simm.s32 $0x108;
	s8 =	sld [smem:$0x3FB4]  }
0x2e: {  	s3 =	simm.s32 @!p0 $0x1082;
	s9 =	sld [smem:$0x3FB5]  }
0x2f: {  	lr =	sadd.s32 s0, s3;
	s0 =	sld [smem:$0x3FAC]  }
0x30: {  	s3 =	sld [smem:$0x3FAF]  }
0x31: {  	[smem:$0x3FB8] =	sst s10  }
0x32: {  	s10 =	sld [smem:$0x3FB6];
	_ =	sdelay $0x3  }
0x33: {  	p0 =	seq.s32 s10, $0x1;
	s10 =	sld [smem:$0x3FB8];
	_ =	sdelay $0x3  }
0x34: {  	[smem:$0x3FB8] =	sst s10  }
0x35: {  	s10 =	sld [smem:$0x3FB7];
	_ =	sdelay $0x3  }
0x36: {  	p1 =	seq.s32 s10, $0x1;
	s10 =	sld [smem:$0x3FB8];
	_ =	sdelay $0x3  }
0x37: {  	[smem:$0x3FB8] =	sst s10  }
0x38: {  	s10 =	sld [smem:$0x3FB9]  }
0x39: {  	_ = 	snop;
	(pc) =	sbr.ind lr, $3  }
0x3a: {  	_ = 	snop  }
0x3b: {  	_ = 	snop  }
0x3c: {  	p2 =	seq.s32 s10, $0x1;
	s10 =	sld [smem:$0x3FB8]  }
0x3d: {  	_ =	shalt  }
0x3e: {  	_ =	shalt  }
0x3f: {  	_ =	shalt  }
0x40: {  	_ =	shalt  }
0x41: {  	_ =	shalt  }
0x42: {  	_ =	shalt  }
0x43: {  	_ =	shalt  }
0x44: {  	_ =	shalt  }
0x45: {  	_ =	shalt  }
0x46: {  	_ =	shalt  }
0x47: {  	_ =	shalt  }
0x48: {  	_ =	shalt  }
0x49: {  	_ =	shalt  }
0x4a: {  	_ =	shalt  }
0x4b: {  	_ =	shalt  }
0x4c: {  	_ =	shalt  }
0x4d: {  	_ =	shalt  }
0x4e: {  	_ =	shalt  }
0x4f: {  	_ =	shalt  }
0x50: {  	_ =	shalt  }
0x51: {  	_ =	shalt  }
0x52: {  	_ =	shalt  }
0x53: {  	_ =	shalt  }
0x54: {  	_ =	shalt  }
0x55: {  	_ =	shalt  }
0x56: {  	_ =	shalt  }
0x57: {  	_ =	shalt  }
0x58: {  	_ =	shalt  }
0x59: {  	_ =	shalt  }
0x5a: {  	_ =	shalt  }
0x5b: {  	_ =	shalt  }
0x5c: {  	_ =	shalt  }
0x5d: {  	_ =	shalt  }
0x5e: {  	_ =	shalt  }
0x5f: {  	_ =	shalt  }
0x60: {  	_ =	shalt  }
0x61: {  	_ =	shalt  }
0x62: {  	_ =	shalt  }
0x63: {  	_ =	shalt  }
0x64: {  	_ =	shalt  }
0x65: {  	_ =	shalt  }
0x66: {  	_ =	shalt  }
0x67: {  	_ =	shalt  }
0x68: {  	_ =	shalt  }
0x69: {  	_ =	shalt  }
0x6a: {  	_ =	shalt  }
0x6b: {  	_ =	shalt  }
0x6c: {  	_ =	shalt  }
0x6d: {  	_ =	shalt  }
0x6e: {  	_ =	shalt  }
0x6f: {  	_ =	shalt  }
0x70: {  	_ =	shalt  }
0x71: {  	_ =	shalt  }
0x72: {  	_ =	shalt  }
0x73: {  	_ =	shalt  }
0x74: {  	_ =	shalt  }
0x75: {  	_ =	shalt  }
0x76: {  	_ =	shalt  }
0x77: {  	_ =	shalt  }
0x78: {  	_ =	shalt  }
0x79: {  	_ =	shalt  }
0x7a: {  	_ =	shalt  }
0x7b: {  	_ =	shalt  }
0x7c: {  	_ =	shalt  }
0x7d: {  	_ =	shalt  }
0x7e: {  	_ =	shalt  }
0x7f: {  	_ =	shalt  }
0x80: {  	_ =	shalt  }
0x81: {  	_ =	shalt  }
0x82: {  	_ =	shalt  }
0x83: {  	_ =	shalt  }
0x84: {  	_ =	shalt  }
0x85: {  	_ =	shalt  }
0x86: {  	_ =	shalt  }
0x87: {  	_ =	shalt  }
.Lfunc_end0:
.L_simem_size_0:
called_computation.1_lowered:
.L_overlay_start_0:
0x88: {  	s2 =	sld [smem:$0x3FD9]  }
0x89: {  	s3 =	sld [smem:$0x3FFE];
	_ =	sdelay $0x1  }
0x8a: {  	s1 =	srdreg.scid  }
0x8b: {  	s0 =	sand.u32 $0x1, s1  }
0x8c: {  	s17 =	sshll.u32 s0, $0xA;
	s2 =	sadd.s32 s3, s2  }
0x8d: {  	s2 =	sadd.s32 s2, s17  }
0x8e: {  	[smem:$0x3FC4] =	sst s2  }
0x8f: {  	_ = 	snop  }
0x90: {  	s2 =	sld [smem:$0x3FC9]  }
0x91: {  	s18 =	sld [smem:$0x3FC8]  }
0x92: {  	s4 =	sld [smem:$0x3FD0];
	(tm) =	ssettm $0x1  }
0x93: {  	s5 =	sld [smem:$0x3FFB];
	_ =	sdelay $0x3  }
0x94: {  	_ =	strace s5  }
0x95: {  	s5 =	sld [smem:$0x3FFC];
	_ =	sdelay $0x3  }
0x96: {  	_ =	strace s5  }
0x97: {  	s5 =	sld [smem:$0x3FFD];
	_ =	sdelay $0x3  }
0x98: {  	_ =	strace s5  }
0x99: {  	_ =	strace $0x8FFFFFFF  }
0x9a: {  	s19 =	sld [smem:$0x3FDB];
	_ =	sdelay $0x1  }
0x9b: {  	s6 =	simm.s32 $_scs_section_size  }
0x9c: {  	s7 =	simm.s32 $_size__tile_overlayer_lowered;
	s8 =	simm.s32 $_tile_overlayer_lowered  }
0x9d: {  	s22 =	simm.s32 $0x1BFF;
	s21 =	sshll.u32 s8, $0x1;
	s5 =	sadd.s32 s6, s19  }
0x9e: {  	s9 =	simm.s32 $0x0;
	s20 =	sshll.u32 s7, $0x1;
	s7 =	sadd.s32 s21, s5  }
0x9f: {  	[timem:s9], [sflag:s22] =	dma.local [hbm:s7], s20  }
0xa0: {  	_ =	swait.ge [sflag:s22], s20  }
0xa1: {  	s6 =	ssub.s32 $0x0, s20;
	[sflag:s22] =	ssyncset.done $0x0  }
0xa2: {  	[sflag:s22] =	ssyncadd.s32 s6;
	_ =	sdelay $0x1  }
0xa3: {  	s23 =	simm.s32 $0x1B8B  }
0xa4: {  	_ =	swait.ge [sflag:s23], $0x1  }
0xa5: {  	[sflag:s23] =	ssyncset.done $0x0  }
0xa6: {  	s25 =	simm.s32 $0x1B8E;
	s24 =	sld [smem:$0x3FFE];
	[sflag:s23] =	ssyncadd.s32 $0xFFFFFFFF  }
0xa7: {  	s26 =	simm.s32 $execute0_lowered;
	[smem:$0x3FD2] =	sst s25  }
0xa8: {  	s7 =	sshll.u32 s26, $0x1;
	_ =	strace $0x80000049;
	[dreg:$0x1] =	wrdreg $0xFFFFFFFF  }
0xa9: {  	s28 =	simm.s32 $_size_execute0_lowered;
	s5 =	sadd.s32 s5, s7;
	[dreg:$0x0] =	wrdreg $0x0  }
0xaa: {  	s7 =	sshll.u32 s28, $0x1;
	[dreg:$0x2] =	wrdreg s5  }
0xab: {  	[dreg:$0x3] =	wrdreg s7  }
0xac: {  	[dreg:$0x4] =	wrdreg $0xC0  }
0xad: {  	_ =	task [dreg:s9], $0x5FFFF  }
0xae: {  	[dreg:$0x1] =	wrdreg $0xFFFFFFFF  }
0xaf: {  	[dreg:$0x0] =	wrdreg $0x60  }
0xb0: {  	[dreg:$0x2] =	wrdreg s2  }
0xb1: {  	[dreg:$0x3] =	wrdreg s18  }
0xb2: {  	[dreg:$0x4] =	wrdreg s24  }
0xb3: {  	[dreg:$0x5] =	wrdreg s4  }
0xb4: {  	[dreg:$0x6] =	wrdreg $0x9  }
0xb5: {  	_ =	task.clear_ibuf [dreg:s9], $0x7FFFF;
	_ =	strace $0x90000049  }
0xb6: {  	s29 =	simm.s32 $0x9;
	_ =	strace $0x8000004B  }
0xb7: {  	_ =	swait.ge [sflag:s29], $0x1  }
0xb8: {  	[sflag:s29] =	ssyncadd.s32 $0xFFFFFFFF  }
0xb9: {  	_ =	strace $0x9000004B  }
0xba: {  	_ =	sfence  }
0xbb: {  	s30 =	sld [smem:$0x0];
	_ =	sdelay $0x2  }
0xbc: {  	s31 =	sshll.u32 s1, $0xD;
	s1 =	sshrl.u32 s1, $0x2  }
0xbd: {  	s3 =	sand.u32 $0x4000, s31;
	s1 =	sadd.s32 s1, s30  }
0xbe: {  	s0 =	sor.u32 s3, s0;
	s1 =	sshll.u32 s1, $0x11  }
0xbf: {  	s0 =	sor.u32 s1, s0  }
0xc0: {  	s0 =	sadd.s32 $0x8F2B, s0  }
0xc1: {  	[sflag:s0] =	ssyncadd.remote.s32 $0x1  }
0xc2: {  	_ =	sfence.sel $0xFFFF  }
0xc3: {  	[dreg:$0x0] =	wrdreg $0xFFFFFFFF;
	(pc) =	sbr.abs _section_cstart, $3  }
0xc4: {  	[dreg:$0x1] =	wrdreg $0xFFFFFFFF  }
0xc5: {  	_ =	task.clear_ibuf [dreg:s9], $0x2FFFF;
	_ =	strace $0x9FFFFFFF  }
0xc6: {  	(tm) =	ssettm $0x7FFFFFFF  }
0xc7: {  	_ =	shalt  }
tec
execute0_lowered:
.L_overlay_start_1:
0x0: {  	(tag) =	ssettag $0x1  }
0x1: {  	s6 =	rddreg [dreg:$0x0]  }
0x2: {  	s7 =	rddreg [dreg:$0x1]  }
0x3: {  	s8 =	rddreg [dreg:$0x2]  }
0x4: {  	s1 =	rddreg [dreg:$0x3];
	v0 =	vimm.s32 $0xFEDCBA98;
	v1 =	vimm.s32 $0x76543210  }
0x5: {  	s0 =	rddreg [dreg:$0x4];
	s2 =	simm.s32 $0x0;
	v2 =	vimm.s32 $0xBA98FEDC;
	v3 =	vimm.s32 $0x32107654;
	v4 =	vimm.s32 $0xDCFE98BA  }
0x6: {  	s4 =	srdreg.scid;
	s3 =	stileid.u32;
	v5 =	vimm.s32 $0x54761032;
	v6 =	vimm.s32 $0xEFCDAB89;
	s14 =	simm.s32 $0x4000  }
0x7: {  	v7 =	vimm.s32 $0x67452301;
	s15 =	simm.s32 $0x6000;
	s16 =	simm.s32 $0x8000;
	s17 =	simm.s32 $0xA000  }
0x8: {  	s18 =	simm.s32 $0xE200;
	s19 =	simm.s32 $0xE280;
	s20 =	simm.s32 $0x1;
	v0 =	vunpack.c.l.s4.s8 v0;
	v1 =	vunpack.c.l.s4.s8 v1;
	v2 =	vunpack.c.l.s4.s8 v2  }
0x9: {  	s21 =	simm.s32 $0xE300;
	s22 =	simm.s32 $0x2;
	s23 =	simm.s32 $0x0;
	v3 =	vunpack.c.l.s4.s8 v3;
	v4 =	vunpack.c.l.s4.s8 v4;
	v5 =	vunpack.c.l.s4.s8 v5  }
0xa: {  	[smem:$0x7FF] =	sst s2;
	s9 =	sand.u32 $0x1, s4;
	s30 =	sshll.u32 s3, $0x1;
	v6 =	vunpack.c.l.s4.s8 v6;
	v7 =	vunpack.c.l.s4.s8 v7;
	v0 =	vunpack.c.0.s8.s32 v0  }
0xb: {  	s4 =	sadd.s32 $0xE00, s8;
	s5 =	sadd.s32 $0x400, s8;
	s10 =	sor.u32 s9, s30;
	v2 =	vunpack.c.0.s8.s32 v2;
	v3 =	vunpack.c.0.s8.s32 v3;
	v4 =	vunpack.c.0.s8.s32 v4  }
0xc: {  	s9 =	ssub.s32 $0x2, s9;
	s11 =	sshll.u32 s10, $0xA;
	s10 =	sshll.u32 s10, $0x1;
	v5 =	vunpack.c.0.s8.s32 v5;
	v6 =	vunpack.c.0.s8.s32 v6;
	v7 =	vunpack.c.0.s8.s32 v7  }
0xd: {  	_ =	strace $0x8000004A;
	s31 =	sshrl.u32 s9, $0x1;
	v1 =	vunpack.c.0.s8.s32 v1;
	s12 =	sadd.s32 s10, s8;
	v2 =	vcombine.low v3, v2  }
0xe: {  	s6 =	sadd.s32 s6, s11;
	s13 =	ssub.s32 s9, s31;
	s7 =	sadd.s32 s7, s11;
	v3 =	vcombine.low v5, v4;
	v4 =	vcombine.low v7, v6;
	v0 =	vand.u32 $0xF, v0  }
0xf: {  	s8 =	sadd.s32 $0x10000, s6;
	s9 =	sadd.s32 $0x20000, s6;
	s10 =	sadd.s32 $0x30000, s6;
	v0 =	vcombine.low v0, v1;
	v1 =	vand.u32 $0xF, v2  }
0x10: {  	s11 =	sadd.s32 $0x600, s12;
	s12 =	smax.u32 s13, $0x1;
	s13 =	simm.s32 $0x2000;
	v2 =	vand.u32 $0xF, v3;
	v3 =	vand.u32 $0xF, v4;
	v4 =	vimm.f32 $0.0e+00  }
.LBB2_1:
0x11: {  	[tilespmem:s2], [sflag:$0x1] =	stream.linear.gather [hbm4b:s7+s2], $0x2000, $0x38;
	[tilespmem:$0xE380] =	vst v63  }
0x12: {  	_ = 	snop  }
0x13: {  	[tilespmem:s13], [sflag:$0x1] =	stream.linear.gather [hbm4b:s6+s2], $0x2000, $0x38;
	[tilespmem:$0xE380] =	vst v63  }
0x14: {  	_ = 	snop  }
0x15: {  	[tilespmem:s14], [sflag:$0x1] =	stream.linear.gather [hbm4b:s8+s2], $0x2000, $0x38;
	[tilespmem:$0xE380] =	vst v63  }
0x16: {  	_ = 	snop  }
0x17: {  	[tilespmem:s15], [sflag:$0x1] =	stream.linear.gather [hbm4b:s9+s2], $0x2000, $0x38;
	[tilespmem:$0xE380] =	vst v63  }
0x18: {  	_ = 	snop  }
0x19: {  	[tilespmem:s16], [sflag:$0x1] =	stream.linear.gather [hbm4b:s10+s2], $0x2000, $0x38;
	[tilespmem:$0xE380] =	vst v63  }
0x1a: {  	_ = 	snop  }
0x1b: {  	[tilespmem:s17], [sflag:$0x1] =	stream.linear.gather [hbm4b:s4+s2], $0x4200, $0x38;
	[tilespmem:$0xE380] =	vst v63  }
0x1c: {  	_ = 	snop  }
0x1d: {  	[tilespmem:s18], [sflag:$0x1] =	stream.linear.gather [hbm4b:s1+s2], $0x80, $0x38;
	[tilespmem:$0xE380] =	vst v63  }
0x1e: {  	_ = 	snop  }
0x1f: {  	[tilespmem:s19], [sflag:$0x1] =	stream.linear.gather [hbm4b:s5+s2], $0x80, $0x38;
	[tilespmem:$0xE380] =	vst v63  }
0x20: {  	_ =	swait.ge [sflag:s20], $0x2000  }
0x21: {  	[sflag:s20] =	ssyncset.done $0x0  }
0x22: {  	[sflag:s20] =	ssyncadd.s32 $0xFFFFE000  }
0x23: {  	_ =	swait.ge [sflag:s20], $0x2000  }
0x24: {  	[sflag:s20] =	ssyncset.done $0x0  }
0x25: {  	[sflag:s20] =	ssyncadd.s32 $0xFFFFE000  }
0x26: {  	_ =	swait.ge [sflag:s20], $0x2000  }
0x27: {  	[sflag:s20] =	ssyncset.done $0x0  }
0x28: {  	[sflag:s20] =	ssyncadd.s32 $0xFFFFE000  }
0x29: {  	_ =	swait.ge [sflag:s20], $0x2000  }
0x2a: {  	[sflag:s20] =	ssyncset.done $0x0  }
0x2b: {  	[sflag:s20] =	ssyncadd.s32 $0xFFFFE000  }
0x2c: {  	_ =	swait.ge [sflag:s20], $0x2000  }
0x2d: {  	[sflag:s20] =	ssyncset.done $0x0  }
0x2e: {  	[sflag:s20] =	ssyncadd.s32 $0xFFFFE000  }
0x2f: {  	_ =	swait.ge [sflag:s20], $0x4200  }
0x30: {  	[sflag:s20] =	ssyncset.done $0x0  }
0x31: {  	[sflag:s20] =	ssyncadd.s32 $0xFFFFBE00  }
0x32: {  	_ =	swait.ge [sflag:s20], $0x80  }
0x33: {  	[sflag:s20] =	ssyncset.done $0x0  }
0x34: {  	[sflag:s20] =	ssyncadd.s32 $0xFFFFFF80  }
0x35: {  	_ =	swait.ge [sflag:s20], $0x80  }
0x36: {  	[sflag:s20] =	ssyncset.done $0x0  }
0x37: {  	[sflag:s20] =	ssyncadd.s32 $0xFFFFFF80  }
0x38: {  	v9 =	vld [tilespmem:$0xE200]  }
0x39: {  	v5 =	vld [tilespmem:$0xE280]  }
0x3a: {  	v6 =	vld [tilespmem:$0xA000]  }
0x3b: {  	v7 =	vld [tilespmem:$0xA010]  }
0x3c: {  	v8 =	vld [tilespmem:$0xA020]  }
0x3d: {  	v10 =	vld [tilespmem:$0xA030]  }
0x3e: {  	v13 =	vld [tilespmem:$0xA040]  }
0x3f: {  	v17 =	vld [tilespmem:$0xA050]  }
0x40: {  	v18 =	vld [tilespmem:$0xA060]  }
0x41: {  	v19 =	vld [tilespmem:$0xA070]  }
0x42: {  	v20 =	vld [tilespmem:$0xA080]  }
0x43: {  	v31 =	vld [tilespmem:$0xA090]  }
0x44: {  	v32 =	vld [tilespmem:$0xA0A0]  }
0x45: {  	v33 =	vld [tilespmem:$0xA0B0]  }
0x46: {  	v34 =	vld [tilespmem:$0xA0C0]  }
0x47: {  	v35 =	vld [tilespmem:$0xA0D0]  }
0x48: {  	v36 =	vld [tilespmem:$0xA0E0]  }
0x49: {  	v37 =	vld [tilespmem:$0xA0F0]  }
0x4a: {  	v38 =	vld [tilespmem:$0xA100]  }
0x4b: {  	v39 =	vld [tilespmem:$0xA110]  }
0x4c: {  	v16 =	vld [tilespmem:$0xA120]  }
0x4d: {  	v14 =	vld [tilespmem:$0xA130]  }
0x4e: {  	v15 =	vld [tilespmem:$0xA140]  }
0x4f: {  	v11 =	vld [tilespmem:$0xA150]  }
0x50: {  	v12 =	vld [tilespmem:$0xA160]  }
0x51: {  	s26 =	simm.s32 $0x0;
	v21 =	vld [tilespmem:$0xA170]  }
0x52: {  	v22 =	vld [tilespmem:s26+$0xA370]  }
0x53: {  	v24 =	vld [tilespmem:s26+$0xA200]  }
0x54: {  	v25 =	vld [tilespmem:s26+$0xA210]  }
0x55: {  	v26 =	vld [tilespmem:s26+$0xA220]  }
0x56: {  	v27 =	vld [tilespmem:s26+$0xA230]  }
0x57: {  	v30 =	vld [tilespmem:s26+$0xA240]  }
0x58: {  	v40 =	vld [tilespmem:s26+$0xA250]  }
0x59: {  	v41 =	vld [tilespmem:s26+$0xA260]  }
0x5a: {  	v42 =	vld [tilespmem:s26+$0xA270]  }
0x5b: {  	v43 =	vld [tilespmem:s26+$0xA280]  }
0x5c: {  	v44 =	vld [tilespmem:s26+$0xA290]  }
0x5d: {  	v45 =	vld [tilespmem:s26+$0xA2A0]  }
0x5e: {  	v46 =	vld [tilespmem:s26+$0xA2B0]  }
0x5f: {  	v47 =	vld [tilespmem:s26+$0xA2C0]  }
0x60: {  	v48 =	vld [tilespmem:s26+$0xA2D0];
	v23 =	vadd.f32 v22, v21  }
0x61: {  	v62 =	vld [tilespmem:s26+$0xA300];
	v28 =	vadd.f32 v24, v6;
	v24 =	vadd.f32 v25, v7  }
0x62: {  	v6 =	vld [tilespmem:s26+$0xA2E0];
	v29 =	vadd.f32 v26, v8;
	v25 =	vadd.f32 v27, v10  }
0x63: {  	v7 =	vld [tilespmem:s26+$0xA2F0];
	v30 =	vadd.f32 v30, v13;
	v22 =	vadd.f32 v40, v17  }
0x64: {  	v63 =	vld [tilespmem:s26+$0xA310];
	v26 =	vadd.f32 v41, v18;
	v27 =	vadd.f32 v42, v19  }
0x65: {  	v21 =	vadd.f32 v43, v20;
	v20 =	vadd.f32 v44, v31;
	v31 =	vld [tilespmem:s26+$0xA320]  }
0x66: {  	v18 =	vadd.f32 v45, v32;
	v19 =	vadd.f32 v46, v33;
	v32 =	vld [tilespmem:s26+$0xA330]  }
0x67: {  	v17 =	vadd.f32 v47, v34;
	v10 =	vadd.f32 v48, v35;
	v33 =	vld [tilespmem:s26+$0xA340]  }
0x68: {  	v34 =	vld [tilespmem:s26+$0xA350];
	v13 =	vadd.f32 v6, v36;
	v8 =	vadd.f32 v7, v37  }
0x69: {  	s24 =	simm.s32 $0x200;
	s25 =	simm.s32 $0x1000;
	v35 =	vld [tilespmem:s26+$0xA360];
	v6 =	vadd.f32 v62, v38;
	v7 =	vadd.f32 v63, v39  }
.LBB2_2:
0x6a: {  	p0 =	sne.s32 s25, $0xF800;
	v36 =	vld [tilespmem:s24+$0xA370];
	v16 =	vadd.f32 v31, v16  }
0x6b: {  	v31 =	vld [tilespmem:s24+$0xA200];
	v14 =	vadd.f32 v32, v14  }
0x6c: {  	v32 =	vld [tilespmem:s24+$0xA210];
	v15 =	vadd.f32 v33, v15  }
0x6d: {  	v33 =	vld [tilespmem:s24+$0xA220];
	v11 =	vadd.f32 v34, v11  }
0x6e: {  	v34 =	vld [tilespmem:s24+$0xA230];
	v12 =	vadd.f32 v35, v12  }
0x6f: {  	v35 =	vld [tilespmem:s24+$0xA240];
	v23 =	vadd.f32 v36, v23  }
0x70: {  	v28 =	vadd.f32 v31, v28;
	v31 =	vld [tilespmem:s24+$0xA250]  }
0x71: {  	v24 =	vadd.f32 v32, v24;
	v32 =	vld [tilespmem:s24+$0xA260]  }
0x72: {  	v29 =	vadd.f32 v33, v29;
	v33 =	vld [tilespmem:s24+$0xA270]  }
0x73: {  	v25 =	vadd.f32 v34, v25;
	v34 =	vld [tilespmem:s24+$0xA280]  }
0x74: {  	v30 =	vadd.f32 v35, v30;
	v35 =	vld [tilespmem:s24+$0xA290]  }
0x75: {  	v22 =	vadd.f32 v31, v22;
	v31 =	vld [tilespmem:s24+$0xA2A0]  }
0x76: {  	v26 =	vadd.f32 v32, v26;
	v32 =	vld [tilespmem:s24+$0xA2B0]  }
0x77: {  	v27 =	vadd.f32 v33, v27;
	v33 =	vld [tilespmem:s24+$0xA2C0]  }
0x78: {  	v21 =	vadd.f32 v34, v21;
	v34 =	vld [tilespmem:s24+$0xA2D0]  }
0x79: {  	v20 =	vadd.f32 v35, v20;
	v35 =	vld [tilespmem:s24+$0xA2E0]  }
0x7a: {  	v18 =	vadd.f32 v31, v18;
	v36 =	vld [tilespmem:s24+$0xA2F0]  }
0x7b: {  	v19 =	vadd.f32 v32, v19;
	v37 =	vld [tilespmem:s24+$0xA300]  }
0x7c: {  	v17 =	vadd.f32 v33, v17;
	v38 =	vld [tilespmem:s24+$0xA310]  }
.Ltmp0:
0x7d: {  	v10 =	vadd.f32 v34, v10;
	v31 =	vld [tilespmem:s24+$0xA320];
	(pc) =	sbr.rel @p0 .LBB2_2-.Ltmp0, $4  }
0x7e: {  	v13 =	vadd.f32 v35, v13;
	v32 =	vld [tilespmem:s24+$0xA330]  }
0x7f: {  	v8 =	vadd.f32 v36, v8;
	v33 =	vld [tilespmem:s24+$0xA340]  }
0x80: {  	v6 =	vadd.f32 v37, v6;
	v34 =	vld [tilespmem:s24+$0xA350]  }
0x81: {  	v7 =	vadd.f32 v38, v7;
	v35 =	vld [tilespmem:s24+$0xA360];
	s24 =	sshra.s32 s25, $0x2;
	s25 =	sadd.s32 $0x800, s25  }
0x82: {  	v36 =	vld [tilespmem:s24+$0xA370]  }
0x83: {  	v37 =	vld [tilespmem:s24+$0xA200]  }
0x84: {  	v38 =	vld [tilespmem:s24+$0xA210]  }
0x85: {  	v39 =	vld [tilespmem:s24+$0xA220]  }
0x86: {  	v40 =	vld [tilespmem:s24+$0xA230]  }
0x87: {  	v41 =	vld [tilespmem:s24+$0xA240]  }
0x88: {  	v42 =	vld [tilespmem:s24+$0xA250]  }
0x89: {  	v16 =	vadd.f32 v31, v16;
	v53 =	vadd.f32 v33, v15;
	v15 =	vld [tilespmem:s24+$0xA270]  }
0x8a: {  	v31 =	vld [tilespmem:s24+$0xA260];
	v14 =	vadd.f32 v32, v14;
	v54 =	vadd.f32 v34, v11  }
0x8b: {  	v55 =	vld [tilespmem:s24+$0xA280];
	v12 =	vadd.f32 v35, v12;
	v11 =	vadd.f32 v36, v23  }
0x8c: {  	v23 =	vadd.f32 v37, v28;
	v28 =	vld [tilespmem:s24+$0xA290];
	v24 =	vadd.f32 v38, v24  }
0x8d: {  	v57 =	vld [tilespmem:s24+$0xA2B0];
	v29 =	vadd.f32 v39, v29;
	v25 =	vadd.f32 v40, v25  }
0x8e: {  	v30 =	vadd.f32 v41, v30;
	v37 =	vperm.xlane v23, v0;
	v27 =	vadd.f32 v15, v27;
	v15 =	vld [tilespmem:s24+$0xA2C0]  }
0x8f: {  	v22 =	vadd.f32 v42, v22;
	v26 =	vadd.f32 v31, v26;
	v31 =	vperm.xlane v24, v0  }
0x90: {  	v34 =	vadd.f32 v55, v21;
	v21 =	vld [tilespmem:s24+$0xA2D0];
	v23 =	vadd.f32 v37, v23  }
0x91: {  	v24 =	vadd.f32 v31, v24;
	v31 =	vperm.xlane v29, v0;
	v28 =	vadd.f32 v28, v20;
	v20 =	vld [tilespmem:s24+$0xA2E0]  }
0x92: {  	v59 =	vld [tilespmem:s24+$0xA2F0];
	v58 =	vadd.f32 v57, v19;
	v19 =	vperm.xlane v25, v0;
	v37 =	vperm.xlane v23, v1  }
0x93: {  	v60 =	vperm.xlane v24, v1;
	v29 =	vadd.f32 v31, v29;
	v61 =	vadd.f32 v15, v17  }
0x94: {  	v56 =	vld [tilespmem:s24+$0xA2A0];
	v15 =	vadd.f32 v19, v25;
	v23 =	vadd.f32 v37, v23  }
0x95: {  	v62 =	vadd.f32 v21, v10;
	v31 =	vld [tilespmem:s24+$0xA300];
	v24 =	vadd.f32 v60, v24;
	v25 =	vperm.xlane v29, v1  }
0x96: {  	v17 =	vld [tilespmem:s24+$0xA310];
	v10 =	vperm.xlane v15, v1;
	v19 =	vperm.xlane v23, v2;
	v63 =	vadd.f32 v20, v13  }
0x97: {  	v13 =	vld [tilespmem:s24+$0xA320];
	v20 =	vperm.xlane v24, v2;
	v21 =	vadd.f32 v25, v29;
	v25 =	vadd.f32 v59, v8  }
0x98: {  	v8 =	vadd.f32 v10, v15;
	v10 =	vld [tilespmem:s24+$0xA340];
	v19 =	vadd.f32 v19, v23  }
0x99: {  	v18 =	vadd.f32 v56, v18;
	v24 =	vadd.f32 v20, v24;
	v20 =	vperm.xlane v21, v2  }
0x9a: {  	v29 =	vadd.f32 v31, v6;
	v23 =	vld [tilespmem:s24+$0xA330];
	v6 =	vperm.xlane v8, v2;
	v15 =	vperm.xlane v19, v3  }
0x9b: {  	v40 =	vadd.f32 v17, v7;
	v7 =	vld [tilespmem:s24+$0xA350];
	v21 =	vadd.f32 v20, v21  }
0x9c: {  	v6 =	vadd.f32 v6, v8;
	v17 =	vadd.f32 v15, v19;
	v15 =	vperm.xlane v24, v3  }
0x9d: {  	v20 =	vadd.f32 v13, v16;
	v16 =	vperm.xlane v21, v3;
	v19 =	vadd.f32 v10, v53  }
0x9e: {  	v8 =	vld [tilespmem:s24+$0xA360];
	v10 =	vperm.xlane v6, v3;
	v13 =	vadd.f32 v15, v24;
	v24 =	vsub.f32 $5.242880000e+05, v17  }
0x9f: {  	v15 =	vadd.f32 v23, v14;
	v14 =	vadd.f32 v16, v21;
	v23 =	vperm.xlane v30, v0  }
0xa0: {  	v21 =	vadd.f32 v7, v54;
	v7 =	vperm.xlane v22, v0;
	v6 =	vadd.f32 v10, v6  }
0xa1: {  	vm4 =	vgt.f32 v17, $0.0e+00;
	v16 =	vsub.f32 v24, v13;
	v23 =	vadd.f32 v23, v30  }
0xa2: {  	v7 =	vadd.f32 v7, v22;
	vm3 =	vgt.f32 v13, $0.0e+00;
	vm2 =	vgt.f32 v14, $0.0e+00  }
0xa3: {  	v10 =	vsub.f32 v16, v14;
	v16 =	vadd.f32 v8, v12;
	v8 =	vperm.xlane v23, v1  }
0xa4: {  	v24 =	vperm.xlane v27, v0;
	v30 =	vperm.xlane v34, v0;
	vm1 =	vgt.f32 v6, $0.0e+00  }
0xa5: {  	v22 =	vsub.f32 v10, v6;
	v10 =	vperm.xlane v7, v1;
	v23 =	vadd.f32 v8, v23  }
0xa6: {  	v12 =	vnsel vm4, $0x3F800000, v17;
	v24 =	vadd.f32 v24, v27;
	v8 =	vperm.xlane v26, v0  }
0xa7: {  	v27 =	vadd.f32 v30, v34;
	v17 =	vadd.f32 v10, v7;
	v7 =	vperm.xlane v23, v2  }
0xa8: {  	v10 =	vnsel vm3, $0x3F800000, v13;
	v13 =	vadd.f32 v8, v26;
	v8 =	vnsel vm2, $0x3F800000, v14  }
0xa9: {  	v14 =	vperm.xlane v17, v2;
	v23 =	vadd.f32 v7, v23;
	v7 =	vimm.s32 $0x0  }
0xaa: {  	vm0 =	vgt.f32 v22, $0.0e+00;
	v26 =	vperm.xlane v13, v1;
	v7 =	vsel vm1, $0xFFFFFFFF, v7  }
0xab: {  	[tilespmem:$0x1FFE0] =	vst v7;
	v7 =	vnsel vm1, $0x3F800000, v6;
	v17 =	vadd.f32 v14, v17;
	v6 =	vimm.s32 $0x0  }
0xac: {  	v14 =	vperm.xlane v23, v3;
	v26 =	vadd.f32 v26, v13;
	v6 =	vsel vm0, $0xFFFFFFFF, v6  }
0xad: {  	[tilespmem:$0x1FFF0] =	vst v6;
	v6 =	vnsel vm0, $0x3F800000, v22;
	v13 =	vperm.xlane v17, v3;
	v22 =	vperm.xlane v24, v1  }
0xae: {  	v30 =	vperm.xlane v27, v1;
	v14 =	vadd.f32 v14, v23;
	v23 =	vperm.xlane v26, v2  }
0xaf: {  	v13 =	vadd.f32 v13, v17;
	v17 =	vadd.f32 v22, v24;
	v22 =	vperm.xlane v28, v0  }
0xb0: {  	v23 =	vadd.f32 v23, v26;
	v24 =	vadd.f32 v30, v27;
	v26 =	vperm.xlane v18, v0  }
0xb1: {  	v27 =	vperm.xlane v17, v2;
	v22 =	vadd.f32 v22, v28;
	v28 =	vperm.xlane v58, v0  }
0xb2: {  	v30 =	vperm.xlane v23, v3;
	v31 =	vperm.xlane v24, v2;
	v18 =	vadd.f32 v26, v18  }
0xb3: {  	v26 =	vadd.f32 v27, v17;
	v27 =	vperm.xlane v22, v1;
	v28 =	vadd.f32 v28, v58  }
0xb4: {  	v17 =	vadd.f32 v30, v23;
	v23 =	vadd.f32 v31, v24;
	v24 =	vperm.xlane v18, v1  }
0xb5: {  	v30 =	vperm.xlane v26, v3;
	v22 =	vadd.f32 v27, v22;
	v27 =	vperm.xlane v28, v1  }
0xb6: {  	v42 =	vperm.xlane v61, v0;
	v41 =	vperm.xlane v23, v3;
	v24 =	vadd.f32 v24, v18  }
0xb7: {  	v31 =	vadd.f32 v30, v26;
	v26 =	vperm.xlane v22, v2;
	v27 =	vadd.f32 v27, v28  }
0xb8: {  	v18 =	vadd.f32 v41, v23;
	v23 =	vperm.xlane v24, v2;
	v28 =	vadd.f32 v42, v61  }
0xb9: {  	v30 =	vperm.xlane v62, v0;
	v22 =	vadd.f32 v26, v22;
	v26 =	vperm.xlane v27, v2  }
0xba: {  	v43 =	vperm.xlane v63, v0;
	v23 =	vadd.f32 v23, v24;
	v24 =	vperm.xlane v28, v1  }
0xbb: {  	(erf) = vrcp.f32 v12;
	v26 =	vadd.f32 v26, v27;
	v27 =	vadd.f32 v30, v62  }
0xbc: {  	v30 =	vperm.xlane v23, v3;
	v24 =	vadd.f32 v24, v28;
	v28 =	vadd.f32 v43, v63  }
0xbd: {  	v45 =	vperm.xlane v26, v3;
	v46 =	vperm.xlane v27, v1  }
0xbe: {  	v23 =	vadd.f32 v30, v23;
	v30 =	vperm.xlane v24, v2;
	v47 =	vperm.xlane v28, v1  }
0xbf: {  	v32 =	vadd.f32 v45, v26;
	v26 =	vadd.f32 v46, v27;
	v27 =	vperm.xlane v25, v0  }
0xc0: {  	v24 =	vadd.f32 v30, v24;
	v28 =	vadd.f32 v47, v28;
	v30 =	vperm.xlane v29, v0  }
0xc1: {  	v33 =	vperm.xlane v26, v2;
	v25 =	vadd.f32 v27, v25;
	v27 =	vperm.xlane v40, v0  }
0xc2: {  	v48 =	vperm.xlane v24, v3;
	v49 =	vperm.xlane v28, v2;
	v29 =	vadd.f32 v30, v29  }
0xc3: {  	v26 =	vadd.f32 v33, v26;
	v30 =	vperm.xlane v25, v1;
	v27 =	vadd.f32 v27, v40  }
0xc4: {  	v50 =	vadd.f32 v48, v24;
	v24 =	vadd.f32 v49, v28;
	v28 =	vperm.xlane v29, v1  }
0xc5: {  	v51 =	vperm.xlane v26, v3;
	v25 =	vadd.f32 v30, v25;
	v30 =	vperm.xlane v27, v1  }
0xc6: {  	v35 =	vperm.xlane v24, v3;
	v28 =	vadd.f32 v28, v29;
	v29 =	vperm.xlane v20, v0  }
0xc7: {  	v34 =	vadd.f32 v51, v26;
	v26 =	vperm.xlane v25, v2;
	v27 =	vadd.f32 v30, v27  }
0xc8: {  	v35 =	vadd.f32 v35, v24;
	v24 =	vperm.xlane v28, v2;
	v20 =	vadd.f32 v29, v20  }
0xc9: {  	v29 =	vperm.xlane v19, v0;
	v25 =	vadd.f32 v26, v25;
	v26 =	vperm.xlane v27, v2  }
0xca: {  	v30 =	vperm.xlane v21, v0;
	v24 =	vadd.f32 v24, v28;
	v28 =	vperm.xlane v20, v1  }
0xcb: {  	v19 =	vadd.f32 v29, v19;
	v52 =	vperm.xlane v25, v3;
	v26 =	vadd.f32 v26, v27  }
0xcc: {  	v21 =	vadd.f32 v30, v21;
	v27 =	vperm.xlane v24, v3;
	v20 =	vadd.f32 v28, v20  }
0xcd: {  	v28 =	vperm.xlane v19, v1;
	v36 =	vadd.f32 v52, v25;
	v25 =	vperm.xlane v26, v3  }
0xce: {  	v53 =	vadd.f32 v27, v24;
	v24 =	vperm.xlane v20, v2;
	v27 =	vperm.xlane v21, v1  }
0xcf: {  	v19 =	vadd.f32 v28, v19;
	v54 =	vadd.f32 v25, v26;
	v25 =	vperm.xlane v15, v0  }
0xd0: {  	v20 =	vadd.f32 v24, v20;
	v21 =	vadd.f32 v27, v21;
	v24 =	vperm.xlane v16, v0  }
0xd1: {  	v26 =	vperm.xlane v11, v0;
	v15 =	vadd.f32 v25, v15;
	v25 =	vperm.xlane v19, v2  }
0xd2: {  	v27 =	vperm.xlane v20, v3;
	v28 =	vperm.xlane v21, v2;
	v16 =	vadd.f32 v24, v16  }
0xd3: {  	v11 =	vadd.f32 v26, v11;
	v24 =	vperm.xlane v15, v1;
	v19 =	vadd.f32 v25, v19  }
0xd4: {  	(erf) = vrcp.f32 v10;
	v55 =	vadd.f32 v27, v20;
	v20 =	vadd.f32 v28, v21  }
0xd5: {  	v21 =	vperm.xlane v16, v1;
	v25 =	vperm.xlane v11, v1;
	v15 =	vadd.f32 v24, v15  }
0xd6: {  	(erf) = vrcp.f32 v8;
	v24 =	vperm.xlane v19, v3  }
0xd7: {  	v16 =	vadd.f32 v21, v16;
	v11 =	vadd.f32 v25, v11;
	v21 =	vperm.xlane v15, v2  }
0xd8: {  	(erf) = vrcp.f32 v7;
	v44 =	vperm.xlane v22, v3;
	v19 =	vadd.f32 v24, v19  }
0xd9: {  	v24 =	vperm.xlane v16, v2;
	v15 =	vadd.f32 v21, v15;
	v21 =	vperm.xlane v11, v2  }
0xda: {  	(erf) = vrcp.f32 v6;
	v22 =	vadd.f32 v44, v22;
	v26 =	vperm.xlane v20, v3  }
0xdb: {  	v56 =	vpop (erf);
	v16 =	vadd.f32 v24, v16;
	v24 =	vperm.xlane v15, v3;
	v11 =	vadd.f32 v21, v11  }
0xdc: {  	v29 =	vmul.f32 v14, v56;
	v30 =	vmul.f32 v13, v56;
	v20 =	vadd.f32 v26, v20  }
0xdd: {  	v21 =	vperm.xlane v16, v3;
	v15 =	vadd.f32 v24, v15;
	v24 =	vperm.xlane v11, v3  }
0xde: {  	v28 =	vmul.f32 v17, v56;
	v19 =	vsub.f32 v19, v14;
	v20 =	vsub.f32 v20, v13;
	v14 =	vpop (erf)  }
0xdf: {  	s30 =	simm.s32 $0x0;
	v26 =	vmul.f32 v18, v14;
	v16 =	vadd.f32 v21, v16;
	v11 =	vadd.f32 v24, v11  }
0xe0: {  	s25 =	sand.u32 $0x1C00, s30;
	s26 =	sand.u32 $0x380, s30;
	v27 =	vmul.f32 v22, v14;
	v19 =	vsub.f32 v19, v18;
	v20 =	vsub.f32 v20, v22  }
0xe1: {  	s25 =	sor.u32 s26, s25;
	s24 =	sand.u32 $0x70, s30;
	v25 =	vmul.f32 v23, v14;
	v16 =	vsub.f32 v16, v17;
	v11 =	vsub.f32 v11, v31  }
0xe2: {  	s24 =	sor.u32 s24, s25;
	v19 =	vsub.f32 v19, v50;
	v20 =	vsub.f32 v20, v34;
	v17 =	vpop (erf);
	v24 =	vmul.f32 v32, v14  }
0xe3: {  	v58 =	vld [tilespmem:s24+$0x0];
	v21 =	vmul.f32 v50, v17;
	v13 =	vsub.f32 v16, v23;
	v11 =	vsub.f32 v11, v32  }
0xe4: {  	v57 =	vsub.f32 v20, v54;
	v18 =	vmul.f32 v34, v17;
	v22 =	vpop (erf);
	v16 =	vmul.f32 v35, v17  }
0xe5: {  	v20 =	vmul.f32 v53, v22;
	v14 =	vsub.f32 v13, v35;
	v11 =	vsub.f32 v11, v36  }
0xe6: {  	v19 =	vsub.f32 v19, v53;
	v13 =	vmul.f32 v36, v17;
	v17 =	vmul.f32 v54, v22  }
0xe7: {  	v59 =	vsub.f32 v14, v55;
	v60 =	vsub.f32 v11, v15;
	v11 =	vmul.f32 v15, v22;
	v15 =	vpop (erf)  }
0xe8: {  	vm10 =	veq.s32 v58, $0x0;
	v14 =	vmul.f32 v55, v22;
	v23 =	vmul.f32 v19, v15  }
0xe9: {  	v61 =	vld [tilespmem:s24+$0x2000];
	vm9 =	veq.s32 v58, $0x1;
	v22 =	vmul.f32 v57, v15;
	v19 =	vmul.f32 v59, v15  }
0xea: {  	vm0 =	veq.s32 v58, $0x3;
	vm11 =	veq.s32 v58, $0x2;
	v62 =	vld [tilespmem:s24+$0x4000];
	v15 =	vmul.f32 v60, v15  }
0xeb: {  	v63 =	vsel vm0, v20, v23;
	v41 =	vsel vm0, v17, v22;
	v42 =	vsel vm0, v14, v19  }
0xec: {  	v43 =	vld [tilespmem:s24+$0x6000];
	v34 =	vsel vm0, v11, v15;
	v35 =	vsel vm11, v21, v63;
	v36 =	vsel vm11, v18, v41  }
0xed: {  	v37 =	vsel vm11, v16, v42;
	v35 =	vsel vm9, v26, v35;
	v36 =	vsel vm9, v27, v36  }
0xee: {  	v44 =	vld [tilespmem:s24+$0x8000];
	v34 =	vsel vm11, v13, v34;
	v35 =	vsel vm10, v29, v35;
	v36 =	vsel vm10, v30, v36  }
0xef: {  	v45 =	vsel vm9, v25, v37;
	v33 =	vsub.f32 v35, v61;
	v32 =	vsub.f32 v36, v62  }
0xf0: {  	v31 =	vmul.f32 v31, v56;
	v34 =	vsel vm9, v24, v34;
	v35 =	vsel vm10, v28, v45  }
0xf1: {  	v35 =	vsub.f32 v35, v43;
	v33 =	vmul.f32 v33, v33;
	v32 =	vmul.f32 v32, v32  }
0xf2: {  	v34 =	vsel vm10, v31, v34  }
0xf3: {  	v34 =	vsub.f32 v34, v44;
	v46 =	vmul.f32 v35, v35;
	v32 =	vadd.f32 v32, v33  }
0xf4: {  	s31 =	simm.s32 $0x2;
	s26 =	simm.s32 $0x80  }
0xf5: {  	s29 =	simm.s32 $0x10;
	s25 =	sand.u32 $0x1C00, s26;
	s24 =	sand.u32 $0x380, s31;
	v47 =	vmul.f32 v34, v34;
	v32 =	vadd.f32 v32, v46  }
0xf6: {  	s26 =	sand.u32 $0x70, s29;
	s24 =	sor.u32 s24, s25  }
0xf7: {  	s24 =	sor.u32 s26, s24;
	v34 =	vadd.f32 v32, v47  }
0xf8: {  	v48 =	vld [tilespmem:s24+$0x0]  }
0xf9: {  	v33 =	vshra.s32 v34, $0x1;
	v49 =	vmul.f32 $5.000000000e-01, v34  }
0xfa: {  	v33 =	vsub.s32 $0x5F3759DF, v33  }
0xfb: {  	v50 =	vmul.f32 v33, v49  }
0xfc: {  	vm12 =	vmmov vm0  }
0xfd: {  	vm7 =	veq.s32 v48, $0x0;
	vm8 =	veq.s32 v48, $0x3;
	v36 =	vmul.f32 v33, v50  }
0xfe: {  	v51 =	vld [tilespmem:s24+$0x2000];
	vm6 =	veq.s32 v48, $0x1;
	vm5 =	veq.s32 v48, $0x2;
	v54 =	vsel vm8, v14, v19  }
0xff: {  	v53 =	vld [tilespmem:s24+$0x4000];
	v55 =	vsel vm8, v20, v23;
	v41 =	vsel vm8, v17, v22;
	v36 =	vsub.f32 $1.500000000e+00, v36  }
0x100: {  	v56 =	vld [tilespmem:s24+$0x6000];
	v52 =	vsel vm8, v11, v15;
	v40 =	vsel vm5, v21, v55;
	v41 =	vsel vm5, v18, v41  }
0x101: {  	v39 =	vsel vm5, v16, v54;
	v58 =	vsel vm6, v27, v41;
	v33 =	vmul.f32 v33, v36  }
0x102: {  	v42 =	vimm.f32 $0.0e+00;
	v57 =	vsel vm6, v26, v40;
	v40 =	vsel vm7, v30, v58  }
0x103: {  	v59 =	vld [tilespmem:s24+$0x8000];
	v61 =	vsel vm6, v25, v39;
	v36 =	vsel vm7, v29, v57;
	v35 =	vmul.f32 v33, v49  }
0x104: {  	v60 =	vsub.f32 v40, v53;
	v38 =	vsel vm7, v28, v61;
	v36 =	vsub.f32 v36, v51  }
0x105: {  	v38 =	vsub.f32 v38, v56;
	v32 =	vsel vm5, v13, v52;
	v35 =	vmul.f32 v35, v33  }
0x106: {  	v37 =	vmul.f32 v60, v60;
	v32 =	vsel vm6, v24, v32;
	v36 =	vmul.f32 v36, v36  }
0x107: {  	vm11 =	vmmov vm11;
	v32 =	vsel vm7, v31, v32;
	v35 =	vsub.f32 $1.500000000e+00, v35  }
0x108: {  	s30 =	simm.s32 $0x4;
	s24 =	simm.s32 $0x100;
	v62 =	vmul.f32 v38, v38;
	v32 =	vsub.f32 v32, v59;
	v36 =	vadd.f32 v37, v36  }
0x109: {  	s28 =	sand.u32 $0x380, s30;
	s25 =	simm.s32 $0x20;
	s31 =	sand.u32 $0x1C00, s24;
	vm9 =	vmmov vm9;
	v41 =	vimm.f32 $0.0e+00;
	v33 =	vmul.f32 v35, v33  }
0x10a: {  	s29 =	sand.u32 $0x70, s25;
	s26 =	sor.u32 s28, s31;
	v39 =	vimm.f32 $0.0e+00;
	v32 =	vmul.f32 v32, v32;
	v63 =	vadd.f32 v36, v62  }
0x10b: {  	s28 =	sor.u32 s29, s26;
	vm10 =	vmmov vm10;
	v44 =	vimm.f32 $0.0e+00;
	v33 =	vmul.f32 v33, v34  }
0x10c: {  	s26 =	simm.s32 $0x6;
	v40 =	vimm.f32 $0.0e+00;
	vm1 =	vgt.f32 v34, $0.0e+00;
	v32 =	vadd.f32 v63, v32;
	v34 =	vld [tilespmem:s28+$0x0]  }
.LBB2_4:
0x10d: {  	v33 =	vnsel vm1, $0x0, v33;
	vm13 =	vmmov vm10;
	vm10 =	vmmov vm7  }
0x10e: {  	p0 =	sne.s32 s26, $0x3FE;
	vm0 =	vmmov vm9;
	vm9 =	vmmov vm6;
	vm1 =	vmmov vm12  }
0x10f: {  	v35 =	vshra.s32 v32, $0x1;
	v36 =	vmul.f32 $5.000000000e-01, v32;
	v33 =	vsub.f32 v33, v9  }
0x110: {  	vm12 =	vmmov vm8;
	vm14 =	vmmov vm11;
	v35 =	vsub.s32 $0x5F3759DF, v35  }
0x111: {  	vm11 =	vmmov vm5;
	v37 =	vmul.f32 v35, v36;
	v33 =	vmax.f32 v33, $0.0e+00  }
0x112: {  	vm7 =	veq.s32 v34, $0x0;
	v38 =	vmul.f32 v33, v33  }
0x113: {  	vm6 =	veq.s32 v34, $0x1;
	vm8 =	veq.s32 v34, $0x3;
	v33 =	vmul.f32 v35, v37  }
0x114: {  	vm5 =	veq.s32 v34, $0x2;
	v34 =	vsel vm8, v11, v15;
	v37 =	vld [tilespmem:s28+$0x2000];
	v43 =	vnsel vm1, $0x0, v38  }
0x115: {  	v46 =	vsel vm8, v14, v19;
	v45 =	vld [tilespmem:s28+$0x4000];
	v33 =	vsub.f32 $1.500000000e+00, v33;
	v39 =	vadd.f32 v43, v39  }
0x116: {  	v47 =	vsel vm8, v17, v22;
	v34 =	vsel vm5, v13, v34;
	v43 =	vsel vm8, v20, v23  }
0x117: {  	v47 =	vsel vm5, v18, v47;
	v43 =	vsel vm5, v21, v43;
	v48 =	vld [tilespmem:s28+$0x6000];
	v33 =	vmul.f32 v35, v33  }
0x118: {  	v46 =	vsel vm5, v16, v46;
	v35 =	vsel vm6, v26, v43;
	v43 =	vsel vm6, v27, v47  }
0x119: {  	v35 =	vsel vm7, v29, v35;
	v43 =	vsel vm7, v30, v43;
	v47 =	vld [tilespmem:s28+$0x8000];
	v36 =	vmul.f32 v33, v36  }
0x11a: {  	v35 =	vsub.f32 v35, v37;
	v37 =	vsub.f32 v43, v45;
	v43 =	vsel vm6, v25, v46  }
0x11b: {  	v34 =	vsel vm6, v24, v34;
	v43 =	vsel vm7, v28, v43;
	v36 =	vmul.f32 v36, v33  }
0x11c: {  	v35 =	vmul.f32 v35, v35;
	v37 =	vmul.f32 v37, v37;
	v43 =	vsub.f32 v43, v48  }
0x11d: {  	v34 =	vsel vm7, v31, v34;
	v45 =	vnsel vm13, $0x0, v38;
	v36 =	vsub.f32 $1.500000000e+00, v36  }
.Ltmp1:
0x11e: {  	s24 =	sadd.s32 $0x80, s24;
	v35 =	vadd.f32 v37, v35;
	v37 =	vmul.f32 v43, v43;
	v34 =	vsub.f32 v34, v47;
	(pc) =	sbr.rel @p0 .LBB2_4-.Ltmp1, $4  }
0x11f: {  	s29 =	sand.u32 $0x380, s26;
	s25 =	sadd.s32 $0x10, s25;
	s28 =	sand.u32 $0x1C00, s24;
	v43 =	vnsel vm14, $0x0, v38;
	v33 =	vmul.f32 v36, v33;
	v36 =	vnsel vm0, $0x0, v38  }
0x120: {  	s30 =	sand.u32 $0x70, s25;
	s28 =	sor.u32 s29, s28;
	v42 =	vadd.f32 v45, v42;
	v35 =	vadd.f32 v35, v37;
	v37 =	vmul.f32 v34, v34  }
0x121: {  	s28 =	sor.u32 s30, s28;
	v40 =	vadd.f32 v43, v40;
	v44 =	vadd.f32 v36, v44;
	v33 =	vmul.f32 v33, v32  }
0x122: {  	s26 =	sadd.s32 $0x2, s26;
	vm1 =	vgt.f32 v32, $0.0e+00;
	v41 =	vadd.f32 v38, v41;
	v34 =	vld [tilespmem:s28+$0x0];
	v32 =	vadd.f32 v35, v37  }
0x123: {  	_ =	sdelay $0x1  }
0x124: {  	v35 =	vshra.s32 v32, $0x1;
	v36 =	vmul.f32 $5.000000000e-01, v32  }
0x125: {  	v33 =	vnsel vm1, $0x0, v33;
	v35 =	vsub.s32 $0x5F3759DF, v35  }
0x126: {  	v37 =	vld [tilespmem:s28+$0x2000];
	vm12 =	vmmov vm12;
	v54 =	vmul.f32 v35, v36;
	vm0 =	veq.s32 v34, $0x3  }
0x127: {  	v38 =	vld [tilespmem:s28+$0x4000];
	vm13 =	veq.s32 v34, $0x2;
	vm14 =	veq.s32 v34, $0x1;
	vm15 =	veq.s32 v34, $0x0  }
0x128: {  	v47 =	vld [tilespmem:s28+$0x6000];
	v43 =	vsel vm0, v14, v19;
	v45 =	vsel vm0, v20, v23;
	v46 =	vsel vm0, v17, v22  }
0x129: {  	v53 =	vsel vm0, v11, v15;
	v45 =	vsel vm13, v21, v45;
	v46 =	vsel vm13, v18, v46  }
0x12a: {  	v43 =	vsel vm13, v16, v43;
	v45 =	vsel vm14, v26, v45;
	v51 =	vsel vm14, v27, v46  }
0x12b: {  	v52 =	vld [tilespmem:s28+$0x8000];
	v43 =	vsel vm14, v25, v43;
	v45 =	vsel vm15, v29, v45;
	v34 =	vsel vm15, v30, v51  }
0x12c: {  	v43 =	vsel vm15, v28, v43;
	v37 =	vsub.f32 v45, v37;
	v34 =	vsub.f32 v34, v38  }
0x12d: {  	v46 =	vmul.f32 v35, v54;
	v43 =	vsub.f32 v43, v47;
	v38 =	vsel vm13, v13, v53  }
0x12e: {  	v38 =	vsel vm14, v24, v38;
	v37 =	vmul.f32 v37, v37;
	v34 =	vmul.f32 v34, v34  }
0x12f: {  	vm8 =	vmmov vm8;
	v56 =	vsub.f32 $1.500000000e+00, v46;
	v38 =	vsel vm15, v31, v38  }
0x130: {  	v55 =	vmul.f32 v43, v43;
	v38 =	vsub.f32 v38, v52;
	v34 =	vadd.f32 v34, v37  }
0x131: {  	vm5 =	vmmov vm5;
	v33 =	vsub.f32 v33, v9;
	v35 =	vmul.f32 v35, v56  }
0x132: {  	vm1 =	vgt.f32 v32, $0.0e+00;
	v57 =	vmul.f32 v38, v38;
	v34 =	vadd.f32 v34, v55  }
0x133: {  	vm5 =	vmmov vm5;
	v33 =	vmax.f32 v33, $0.0e+00;
	v36 =	vmul.f32 v35, v36  }
0x134: {  	vm0 =	vmmov vm0;
	v45 =	vmul.f32 v33, v33;
	v34 =	vadd.f32 v34, v57  }
0x135: {  	vm0 =	vmmov vm0;
	vm14 =	vmmov vm14;
	v36 =	vmul.f32 v36, v35  }
0x136: {  	v46 =	vnsel vm12, $0x0, v45;
	v56 =	vld [tilespmem:$0x1FFF0];
	v37 =	vshra.s32 v34, $0x1;
	v58 =	vmul.f32 $5.000000000e-01, v34  }
0x137: {  	vm12 =	vmmov vm11;
	v36 =	vsub.f32 $1.500000000e+00, v36;
	v37 =	vsub.s32 $0x5F3759DF, v37  }
0x138: {  	vm11 =	vmmov vm6;
	v49 =	vnsel vm12, $0x0, v45;
	v59 =	vmul.f32 v37, v58  }
0x139: {  	v52 =	vsub.f32 v30, v27;
	vm12 =	vmmov vm15;
	v35 =	vmul.f32 v36, v35  }
0x13a: {  	v46 =	vadd.f32 v46, v39;
	vm15 =	vmmov vm13;
	v43 =	vmul.f32 v37, v59  }
0x13b: {  	v55 =	vld [tilespmem:$0x1FFE0];
	vm6 =	vnez.u8 v56;
	v56 =	vsub.f32 v29, v21;
	v35 =	vmul.f32 v35, v32  }
0x13c: {  	v49 =	vadd.f32 v49, v40;
	v52 =	vmul.f32 v52, v52;
	v60 =	vsub.f32 $1.500000000e+00, v43  }
0x13d: {  	v56 =	vmul.f32 v56, v56;
	v32 =	vnsel vm1, $0x0, v35;
	vm1 =	vmmov vm10  }
0x13e: {  	v35 =	vsel vm3, $0x3F800000, v4;
	vm10 =	vgt.f32 v34, $0.0e+00;
	v36 =	vmul.f32 v37, v60  }
0x13f: {  	v47 =	vnsel vm1, $0x0, v45;
	v32 =	vsub.f32 v32, v9;
	vm1 =	vmmov vm9  }
0x140: {  	vm9 =	vmmov vm7;
	vm7 =	vnez.u8 v55;
	v61 =	vmul.f32 v36, v58  }
0x141: {  	v48 =	vnsel vm1, $0x0, v45;
	vm1 =	vmmov vm8;
	v42 =	vadd.f32 v47, v42  }
0x142: {  	v32 =	vmax.f32 v32, $0.0e+00;
	v48 =	vadd.f32 v48, v44;
	v33 =	vmul.f32 v61, v36  }
0x143: {  	v44 =	vadd.f32 v45, v41;
	v37 =	vsel vm4, $0x3F800000, v4;
	v38 =	vmul.f32 v32, v32  }
0x144: {  	v32 =	vsel vm2, $0x3F800000, v4;
	v62 =	vadd.f32 v35, v37;
	v33 =	vsub.f32 $1.500000000e+00, v33  }
0x145: {  	v50 =	vnsel vm1, $0x0, v38;
	vm1 =	vmmov vm9;
	v58 =	vsub.f32 v29, v26  }
0x146: {  	v55 =	vnsel vm5, $0x0, v38;
	v63 =	vadd.f32 v32, v62;
	v33 =	vmul.f32 v33, v36  }
0x147: {  	v51 =	vnsel vm1, $0x0, v38;
	vm1 =	vmmov vm11;
	v40 =	vadd.f32 v50, v46  }
0x148: {  	v41 =	vadd.f32 v55, v49;
	v54 =	vmul.f32 v33, v34;
	v33 =	vsel vm7, $0x3F800000, v4  }
0x149: {  	v55 =	vsub.f32 v29, v20;
	v53 =	vmul.f32 v58, v58;
	v36 =	vadd.f32 v33, v63  }
0x14a: {  	v61 =	vsub.f32 v31, v24;
	v58 =	vsub.f32 v28, v16;
	v34 =	vsel vm6, $0x3F800000, v4  }
0x14b: {  	v43 =	vnsel vm10, $0x0, v54;
	v54 =	vsub.f32 v28, v25;
	v36 =	vadd.f32 v34, v36  }
0x14c: {  	v50 =	vmul.f32 v55, v55;
	v62 =	vmul.f32 v61, v61;
	v57 =	vsub.f32 v43, v9  }
0x14d: {  	v59 =	vadd.f32 v52, v53;
	v60 =	vmul.f32 v54, v54;
	v12 =	vmul.f32 v36, v12  }
0x14e: {  	v54 =	vnsel vm1, $0x0, v38;
	vm1 =	vmmov vm14;
	v9 =	vmax.f32 v57, $0.0e+00  }
0x14f: {  	v57 =	vsub.f32 v30, v18;
	v10 =	vmul.f32 v36, v10;
	(erf) = vrcp.f32 v12  }
0x150: {  	v8 =	vmul.f32 v36, v8;
	v7 =	vmul.f32 v36, v7;
	v12 =	vadd.f32 v60, v59  }
0x151: {  	v46 =	vadd.f32 v54, v48;
	v6 =	vmul.f32 v36, v6;
	v43 =	vmul.f32 v9, v9  }
0x152: {  	v60 =	vadd.f32 v51, v42;
	v57 =	vmul.f32 v57, v57;
	v47 =	vadd.f32 v62, v12  }
0x153: {  	v9 =	vnsel vm0, $0x0, v43;
	vm0 =	vmmov vm12;
	v52 =	vnsel vm1, $0x0, v43  }
0x154: {  	v63 =	vnsel vm0, $0x0, v43;
	v61 =	vshra.s32 v47, $0x1;
	v51 =	vmul.f32 $5.000000000e-01, v47  }
0x155: {  	v56 =	vadd.f32 v57, v56;
	v57 =	vsub.f32 v28, v14;
	v53 =	vsub.s32 $0x5F3759DF, v61  }
0x156: {  	v42 =	vadd.f32 v63, v60;
	v60 =	vmul.f32 v58, v58;
	v62 =	vmul.f32 v53, v51  }
0x157: {  	(erf) = vrcp.f32 v10;
	v58 =	vsub.f32 v29, v23;
	v61 =	vsub.f32 v31, v13  }
0x158: {  	v56 =	vadd.f32 v60, v56;
	v60 =	vmul.f32 v57, v57;
	v12 =	vmul.f32 v53, v62;
	v63 =	vpop (erf)  }
0x159: {  	vm0 =	vmmov vm15;
	v62 =	vmul.f32 v61, v61;
	v59 =	vmul.f32 v42, v63  }
0x15a: {  	v29 =	vmul.f32 v58, v58;
	v61 =	vsub.f32 v31, v11;
	v12 =	vsub.f32 $1.500000000e+00, v12  }
0x15b: {  	(erf) = vrcp.f32 v8;
	v45 =	vadd.f32 v62, v56;
	v59 =	vadd.f32 $0.0e+00, v59  }
0x15c: {  	v56 =	vsub.f32 v30, v17;
	(erf) = vrcp.f32 v7;
	v53 =	vmul.f32 v53, v12  }
0x15d: {  	v62 =	vsub.f32 v28, v19;
	(erf) = vrcp.f32 v6;
	v12 =	vnsel vm4, $0x0, v59  }
0x15e: {  	v63 =	vmul.f32 v53, v51;
	v51 =	vmul.f32 v56, v56;
	v59 =	vsub.f32 v30, v22  }
0x15f: {  	v54 =	vshra.s32 v45, $0x1;
	v55 =	vmul.f32 $5.000000000e-01, v45;
	v28 =	vmul.f32 v62, v62  }
0x160: {  	v49 =	vsub.s32 $0x5F3759DF, v54;
	v50 =	vadd.f32 v51, v50;
	v30 =	vmul.f32 v59, v59  }
0x161: {  	v39 =	vnsel vm0, $0x0, v43;
	v48 =	vmul.f32 v63, v53;
	v63 =	vmul.f32 v49, v55  }
0x162: {  	v59 =	vmul.f32 v61, v61;
	v50 =	vadd.f32 v60, v50;
	v30 =	vadd.f32 v30, v29  }
0x163: {  	vm5 =	vgt.f32 v45, $0.0e+00;
	v60 =	vsub.f32 v31, v15;
	v48 =	vsub.f32 $1.500000000e+00, v48  }
0x164: {  	v10 =	vmul.f32 v49, v63;
	v63 =	vsub.f32 v26, v21;
	v29 =	vadd.f32 v59, v50  }
0x165: {  	v28 =	vadd.f32 v28, v30;
	v61 =	vmul.f32 v60, v60;
	v60 =	vsub.f32 v27, v18  }
0x166: {  	vm4 =	vgt.f32 v47, $0.0e+00;
	v50 =	vsub.f32 v24, v13;
	v59 =	vsub.f32 $1.500000000e+00, v10  }
0x167: {  	v10 =	vadd.f32 v52, v46;
	v46 =	vmul.f32 v48, v53;
	v62 =	vshra.s32 v29, $0x1  }
0x168: {  	v56 =	vmul.f32 $5.000000000e-01, v29;
	v30 =	vadd.f32 v61, v28;
	v28 =	vmul.f32 v63, v63  }
0x169: {  	v61 =	vmul.f32 v60, v60;
	v49 =	vmul.f32 v49, v59;
	v54 =	vsub.s32 $0x5F3759DF, v62  }
0x16a: {  	v59 =	vsub.f32 v26, v20;
	v62 =	vsub.f32 v25, v16;
	v63 =	vmul.f32 v54, v56  }
0x16b: {  	v60 =	vshra.s32 v30, $0x1;
	v58 =	vmul.f32 $5.000000000e-01, v30;
	v28 =	vadd.f32 v61, v28  }
0x16c: {  	v31 =	vmul.f32 v62, v62;
	v57 =	vsub.s32 $0x5F3759DF, v60;
	v51 =	vmul.f32 v54, v63  }
0x16d: {  	v46 =	vmul.f32 v46, v47;
	vm8 =	vgt.f32 v29, $0.0e+00;
	v60 =	vmul.f32 v57, v58  }
0x16e: {  	v61 =	vmul.f32 v50, v50;
	v28 =	vadd.f32 v31, v28;
	v62 =	vsub.f32 $1.500000000e+00, v51  }
0x16f: {  	vm9 =	vgt.f32 v30, $0.0e+00;
	v63 =	vmul.f32 v57, v60;
	v60 =	vsub.f32 v27, v17  }
0x170: {  	v31 =	vadd.f32 v61, v28;
	v28 =	vmul.f32 v59, v59;
	v48 =	vmul.f32 v54, v62  }
0x171: {  	v50 =	vsub.f32 $1.500000000e+00, v63;
	v51 =	vmul.f32 v60, v60;
	v63 =	vsub.f32 v25, v14  }
0x172: {  	v61 =	vshra.s32 v31, $0x1;
	v53 =	vmul.f32 $5.000000000e-01, v31;
	vm10 =	vgt.f32 v31, $0.0e+00;
	v62 =	vpop (erf)  }
0x173: {  	v50 =	vmul.f32 v57, v50;
	v52 =	vsub.s32 $0x5F3759DF, v61;
	v54 =	vmul.f32 v10, v62  }
0x174: {  	v51 =	vadd.f32 v51, v28;
	v61 =	vmul.f32 v49, v55;
	v60 =	vmul.f32 v52, v53  }
0x175: {  	v59 =	vmul.f32 v63, v63;
	v62 =	vmul.f32 v48, v56;
	v28 =	vnsel vm3, $0x0, v54  }
0x176: {  	v63 =	vmul.f32 v52, v60;
	v60 =	vsub.f32 v24, v11;
	v54 =	vmul.f32 v61, v49  }
0x177: {  	v51 =	vadd.f32 v59, v51;
	v58 =	vmul.f32 v50, v58;
	v55 =	vmul.f32 v62, v48  }
0x178: {  	v56 =	vsub.f32 $1.500000000e+00, v63;
	v57 =	vmul.f32 v60, v60;
	v61 =	vsub.f32 $1.500000000e+00, v54  }
0x179: {  	v62 =	vsub.f32 $1.500000000e+00, v55;
	v63 =	vmul.f32 v58, v50;
	v58 =	vsub.f32 v27, v22  }
0x17a: {  	v60 =	vsub.f32 v25, v19;
	v52 =	vmul.f32 v52, v56;
	v51 =	vadd.f32 v57, v51  }
0x17b: {  	v47 =	vmul.f32 v61, v49;
	v57 =	vsub.f32 v26, v23;
	v48 =	vmul.f32 v62, v48  }
0x17c: {  	v49 =	vsub.f32 $1.500000000e+00, v63;
	v27 =	vmul.f32 v58, v58;
	v61 =	vsub.f32 v24, v15  }
0x17d: {  	v25 =	vmul.f32 v60, v60;
	v62 =	vsub.f32 v21, v20;
	v53 =	vmul.f32 v52, v53  }
0x17e: {  	v63 =	vsub.f32 v18, v17;
	v26 =	vmul.f32 v57, v57;
	v55 =	vmul.f32 $5.000000000e-01, v51  }
0x17f: {  	v59 =	vshra.s32 v51, $0x1;
	v24 =	vmul.f32 v61, v61;
	v61 =	vmul.f32 v62, v62  }
0x180: {  	v62 =	vmul.f32 v63, v63;
	v49 =	vmul.f32 v49, v50;
	v63 =	vsub.f32 v16, v14  }
0x181: {  	v47 =	vmul.f32 v47, v45;
	vm11 =	vgt.f32 v51, $0.0e+00;
	v54 =	vsub.s32 $0x5F3759DF, v59  }
0x182: {  	v59 =	vsub.f32 v21, v23;
	v53 =	vmul.f32 v53, v52;
	v26 =	vadd.f32 v27, v26  }
0x183: {  	v60 =	vmul.f32 v54, v55;
	v56 =	vadd.f32 v62, v61;
	v27 =	vnsel vm4, $0x0, v46  }
0x184: {  	v58 =	vmul.f32 v63, v63;
	v61 =	vsub.f32 v13, v11;
	v62 =	vsub.f32 v16, v19  }
0x185: {  	v63 =	vsub.f32 v20, v23;
	v21 =	vmul.f32 v59, v59;
	v27 =	vsub.f32 v5, v27  }
0x186: {  	v53 =	vsub.f32 $1.500000000e+00, v53;
	v25 =	vadd.f32 v25, v26;
	v57 =	vmul.f32 v54, v60  }
0x187: {  	v60 =	vsub.f32 v18, v22;
	v46 =	vmul.f32 v61, v61;
	v16 =	vmul.f32 v62, v62  }
0x188: {  	v20 =	vmul.f32 v63, v63;
	v24 =	vadd.f32 v24, v25;
	v26 =	vsub.f32 $1.500000000e+00, v57  }
0x189: {  	v50 =	vmul.f32 v53, v52;
	v25 =	vadd.f32 v58, v56;
	v53 =	vsub.f32 v17, v22  }
0x18a: {  	v18 =	vmul.f32 v60, v60;
	v56 =	vsub.f32 v13, v15;
	v57 =	vsub.f32 v14, v19  }
0x18b: {  	v58 =	vsub.f32 v11, v15;
	v52 =	vshra.s32 v24, $0x1;
	v17 =	vmul.f32 v53, v53  }
0x18c: {  	v18 =	vadd.f32 v18, v21;
	v13 =	vmul.f32 v56, v56;
	v14 =	vmul.f32 v57, v57  }
0x18d: {  	v19 =	vadd.f32 v46, v25;
	v15 =	vmul.f32 v54, v26;
	v11 =	vmul.f32 v58, v58  }
0x18e: {  	v57 =	vmul.f32 v35, v37;
	vm12 =	vgt.f32 v24, $0.0e+00;
	v59 =	vsub.s32 $0x5F3759DF, v52  }
0x18f: {  	v16 =	vadd.f32 v16, v18;
	v17 =	vadd.f32 v17, v20;
	v60 =	vshra.s32 v19, $0x1  }
0x190: {  	v20 =	vmul.f32 $5.000000000e-01, v19;
	v58 =	vadd.f32 v57, v57;
	vm13 =	vgt.f32 v19, $0.0e+00  }
0x191: {  	v61 =	vsub.s32 $0x5F3759DF, v60;
	v13 =	vadd.f32 v13, v16;
	v14 =	vadd.f32 v14, v17  }
0x192: {  	v57 =	vadd.f32 v38, v44;
	v16 =	vmul.f32 $5.000000000e-01, v24;
	v52 =	vmul.f32 v61, v20  }
0x193: {  	v62 =	vshra.s32 v13, $0x1;
	v22 =	vmul.f32 $5.000000000e-01, v13;
	v11 =	vadd.f32 v11, v14  }
0x194: {  	v63 =	vmul.f32 v59, v16;
	v23 =	vmul.f32 v61, v52;
	v21 =	vsub.s32 $0x5F3759DF, v62  }
0x195: {  	v60 =	vnsel vm5, $0x0, v47;
	v62 =	vmul.f32 v15, v55;
	v53 =	vmul.f32 v21, v22  }
0x196: {  	v54 =	vshra.s32 v11, $0x1;
	v46 =	vmul.f32 $5.000000000e-01, v11;
	v14 =	vmul.f32 v59, v63  }
0x197: {  	v23 =	vsub.f32 $1.500000000e+00, v23;
	v63 =	vmul.f32 v32, v37;
	v26 =	vsub.s32 $0x5F3759DF, v54  }
0x198: {  	vm14 =	vgt.f32 v13, $0.0e+00;
	v25 =	vmul.f32 v21, v53;
	v56 =	vmul.f32 v26, v46  }
0x199: {  	vm15 =	vgt.f32 v11, $0.0e+00;
	v17 =	vmul.f32 v61, v23;
	v61 =	vmul.f32 v48, v29  }
0x19a: {  	v14 =	vsub.f32 $1.500000000e+00, v14;
	v48 =	vmul.f32 v49, v30;
	v29 =	vmul.f32 v62, v15  }
0x19b: {  	v23 =	vmax.f32 v27, $0.0e+00;
	v49 =	vmul.f32 v50, v31;
	v62 =	vmul.f32 v34, v37  }
0x19c: {  	v18 =	vmul.f32 v23, v58;
	v58 =	vadd.f32 v63, v63;
	v45 =	vmul.f32 v26, v56  }
0x19d: {  	v25 =	vsub.f32 $1.500000000e+00, v25;
	v14 =	vmul.f32 v59, v14;
	v20 =	vmul.f32 v17, v20  }
0x19e: {  	v29 =	vsub.f32 $1.500000000e+00, v29;
	v56 =	vsub.f32 v5, v60;
	v18 =	vmul.f32 v18, v23  }
0x19f: {  	v21 =	vmul.f32 v21, v25;
	v59 =	vsub.f32 $1.500000000e+00, v45;
	v16 =	vmul.f32 v14, v16  }
0x1a0: {  	v45 =	vnsel vm8, $0x0, v61;
	v20 =	vmul.f32 v20, v17;
	v15 =	vmul.f32 v29, v15  }
0x1a1: {  	v60 =	vsub.f32 v5, v45;
	v45 =	vmul.f32 v33, v32;
	v25 =	vmul.f32 v26, v59  }
0x1a2: {  	v30 =	vnsel vm9, $0x0, v48;
	v16 =	vmul.f32 v16, v14;
	v22 =	vmul.f32 v21, v22  }
0x1a3: {  	v52 =	vnsel vm10, $0x0, v49;
	v15 =	vmul.f32 v15, v51;
	v50 =	vmul.f32 v25, v46  }
0x1a4: {  	v18 =	vadd.f32 $0.0e+00, v18;
	v59 =	vmul.f32 v33, v37;
	v26 =	vmul.f32 v32, v35  }
0x1a5: {  	v20 =	vsub.f32 $1.500000000e+00, v20;
	v37 =	vmul.f32 v33, v35;
	v31 =	vmul.f32 v50, v25  }
0x1a6: {  	v61 =	vmax.f32 v60, $0.0e+00;
	v47 =	vadd.f32 v45, v45;
	v22 =	vmul.f32 v22, v21  }
0x1a7: {  	v16 =	vsub.f32 $1.500000000e+00, v16;
	v17 =	vmul.f32 v20, v17;
	v54 =	vsub.f32 $1.500000000e+00, v31  }
0x1a8: {  	v15 =	vnsel vm11, $0x0, v15;
	v7 =	vadd.f32 v37, v37;
	v53 =	vsub.f32 $1.500000000e+00, v22  }
0x1a9: {  	v15 =	vsub.f32 v5, v15;
	v14 =	vmul.f32 v16, v14;
	v20 =	vmul.f32 v54, v25  }
0x1aa: {  	v17 =	vmul.f32 v17, v19;
	v19 =	vmax.f32 v56, $0.0e+00;
	v16 =	vmul.f32 v53, v21  }
0x1ab: {  	v21 =	vadd.f32 v59, v59;
	v55 =	vmul.f32 v20, v11;
	v20 =	vmul.f32 v19, v58  }
0x1ac: {  	v22 =	vadd.f32 v26, v26;
	v14 =	vmul.f32 v14, v24;
	v24 =	vsub.f32 v5, v30  }
0x1ad: {  	v63 =	vmul.f32 v61, v21;
	v25 =	vadd.f32 v62, v62;
	v19 =	vmul.f32 v20, v19  }
0x1ae: {  	v15 =	vmax.f32 v15, $0.0e+00;
	v30 =	vsub.f32 v5, v52;
	v27 =	vmax.f32 v24, $0.0e+00  }
0x1af: {  	v8 =	vmul.f32 v63, v61;
	v18 =	vadd.f32 v19, v18;
	v19 =	vmul.f32 v27, v25  }
0x1b0: {  	v16 =	vmul.f32 v16, v13;
	v13 =	vadd.f32 v43, v57;
	v31 =	vmax.f32 v30, $0.0e+00  }
0x1b1: {  	v38 =	vmul.f32 v31, v22;
	v8 =	vadd.f32 v8, v18;
	v19 =	vmul.f32 v19, v27  }
0x1b2: {  	v7 =	vmul.f32 v15, v7;
	v14 =	vnsel vm12, $0x0, v14;
	v13 =	vsub.f32 v13, v42  }
0x1b3: {  	v42 =	vmul.f32 v34, v35;
	v18 =	vmul.f32 v38, v31;
	v8 =	vadd.f32 v19, v8  }
0x1b4: {  	v49 =	vmul.f32 v34, v32;
	v46 =	vadd.f32 $-1.000000000e+00, v36;
	v43 =	vsub.f32 v5, v14  }
0x1b5: {  	v7 =	vmul.f32 v7, v15;
	v44 =	vadd.f32 v42, v42;
	v6 =	vadd.f32 v8, v18  }
0x1b6: {  	v17 =	vnsel vm13, $0x0, v17;
	v52 =	vadd.f32 v49, v49;
	v8 =	vmax.f32 v43, $0.0e+00  }
0x1b7: {  	v17 =	vsub.f32 v5, v17;
	v6 =	vadd.f32 v6, v7;
	v7 =	vmul.f32 v8, v44  }
0x1b8: {  	v53 =	vmul.f32 v34, v33;
	v16 =	vnsel vm14, $0x0, v16;
	v18 =	vmul.f32 v46, v36  }
0x1b9: {  	v48 =	vmax.f32 v17, $0.0e+00;
	v51 =	vsub.f32 v5, v16;
	v7 =	vmul.f32 v7, v8  }
0x1ba: {  	v50 =	vmul.f32 v48, v47;
	v11 =	vnsel vm15, $0x0, v55;
	(erf) = vrcp.f32 v18  }
0x1bb: {  	v5 =	vsub.f32 v5, v11;
	v6 =	vadd.f32 v6, v7;
	v7 =	vmax.f32 v51, $0.0e+00  }
0x1bc: {  	v55 =	vadd.f32 v53, v53;
	v8 =	vmul.f32 v50, v48;
	v54 =	vmul.f32 v7, v52  }
0x1bd: {  	v56 =	vadd.f32 v39, v41;
	v10 =	vsub.f32 v13, v10;
	v5 =	vmax.f32 v5, $0.0e+00  }
0x1be: {  	v57 =	vpop (erf);
	v58 =	vmul.f32 v5, v55;
	v6 =	vadd.f32 v6, v8;
	v7 =	vmul.f32 v54, v7  }
0x1bf: {  	v9 =	vadd.f32 v9, v40;
	v59 =	vmul.f32 v56, v57;
	v10 =	vsub.f32 v10, v56  }
0x1c0: {  	v12 =	vadd.f32 v28, v12;
	v60 =	vpop (erf);
	v5 =	vmul.f32 v58, v5;
	v6 =	vadd.f32 v6, v7  }
0x1c1: {  	v61 =	vsub.f32 v10, v9;
	v9 =	vmul.f32 v9, v60;
	v7 =	vnsel vm2, $0x0, v59  }
0x1c2: {  	v62 =	vpop (erf);
	v7 =	vadd.f32 v7, v12;
	v5 =	vadd.f32 v6, v5  }
0x1c3: {  	v8 =	vmul.f32 v61, v62;
	v63 =	vpop (erf);
	v6 =	vnsel vm7, $0x0, v9  }
0x1c4: {  	v6 =	vadd.f32 v6, v7;
	v5 =	vmul.f32 v5, v63  }
0x1c5: {  	v7 =	vnsel vm6, $0x0, v8  }
0x1c6: {  	v6 =	vadd.f32 v7, v6;
	v5 =	vmul.f32 $1.953125000e-03, v5;
	_ =	sdelay $0x1  }
0x1c7: {  	s23 =	sadd.s32 $0x1, s23;
	v5 =	vadd.f32 v6, v5  }
0x1c8: {  	p0 =	sne.s32 s23, s12  }
.Ltmp2:
0x1c9: {  	[tilespmem:$0xE300] =	vst v5;
	(pc) =	sbr.rel @p0 .LBB2_1-.Ltmp2, $4  }
0x1ca: {  	[hbm4b:s11+s2] =	stream.linear.scatter [tilespmem:s21], [sflag:$0x2], $0x10, $0x38;
	[tilespmem:$0xE380] =	vst v63  }
0x1cb: {  	_ =	swait.ge [sflag:s22], $0x10  }
0x1cc: {  	[sflag:s22] =	ssyncset.done $0x0  }
0x1cd: {  	[sflag:s22] =	ssyncadd.s32 $0xFFFFFFF0  }
0x1ce: {  	_ =	sfence.sel $0x180000  }
0x1cf: {  	[bflag:$0x0] =	sbarrier.arrive $0xFFFF  }
0x1d0: {  	p0 =	sne.s32 s3, $0x0;
	_ =	strace $0x9000004A  }
0x1d1: {  	s0 =	sadd.s32 @!p0 $0x100000, s0;
	[bflag:$0x2] =	sbarrier.arrive $0xFFFF  }
0x1d2: {  	[sflag:s0] =	ssyncadd.tile.s32 @!p0 $0x1;
	_ =	shalt  }
.Lfunc_end2:
_tile_overlayer_lowered:
.L_overlay_start_2:
0x1d3: {  	(tag) =	ssettag $0x2  }
0x1d4: {  	s0 =	rddreg [dreg:$0x0];
	s2 =	stileid.u32  }
0x1d5: {  	s1 =	rddreg [dreg:$0x1];
	p0 =	sne.s32 s2, $0x0  }
0x1d6: {  	s3 =	rddreg [dreg:$0x2];
	[bflag:$0x3] =	sbarrier.arrive $0xFFFF;
	s2 =	simm.s32 @!p0 $0x1C02  }
0x1d7: {  	[timem:s3], [sflag:s2] =	dma.local @!p0 [hbm:s0], s1  }
0x1d8: {  	s0 =	simm.s32 @!p0 $0x2  }
0x1d9: {  	_ =	swait.ge @!p0 [sflag:s0], s1  }
0x1da: {  	s1 =	ssub.s32 @!p0 $0x0, s1;
	[sflag:s0] =	ssyncset.done @!p0 $0x0  }
0x1db: {  	[sflag:s0] =	ssyncadd.s32 @!p0 s1  }
0x1dc: {  	[bflag:$0x3] =	sbarrier.arrive $0xFFFF  }
0x1dd: {  	_ =	shalt  }

</sc_bundles>
